<compile_context>
chip_gen: v7x
topology: tpu7x:2x2x1
jax: 0.10.2.dev20260603
libtpu: 0.0.44.dev20260713+nightly
codegen_flags: <defaults>
</compile_context>

<pallas_src>
import functools

import jax
import jax.numpy as jnp
from jax import lax
from jax.experimental import pallas as pl
from jax.experimental.pallas import tpu as pltpu
from jax.experimental.pallas import tpu_sc as plsc

NUM_CLASSES = 1203
C_PAD = 1280
NC, NS, L = 2, 16, 16
NW = NC * NS
NSTREAM = 4
M_WORDS = 19456


def _sc_hist_body(cat_hbm, out_hbm, data, m0, m1, m2, m3, hist, sem,
                  *, rows_per_lane, ann):
    markers = (m0, m1, m2, m3)
    wid = lax.axis_index("s") * NC + lax.axis_index("c")
    per_tile = rows_per_lane * ann * L
    copy = pltpu.async_copy(
        cat_hbm.at[pl.ds(wid * per_tile, per_tile)], data, sem)

    iota = lax.iota(jnp.int32, 16)
    ones = jnp.ones((16,), jnp.int32)
    neg1 = jnp.full((16,), -1, jnp.int32)
    zero = jnp.zeros((16,), jnp.int32)

    def init_body(i, carry):
        for u in range(8):
            for m in markers:
                m[pl.ds(i * 128 + u * 16, 16)] = neg1
        return carry

    lax.fori_loop(0, M_WORDS // 128, init_body, 0)

    def hinit_body(i, carry):
        for u in range(8):
            hist[pl.ds(i * 128 + u * 16, 16)] = zero
        return carry

    lax.fori_loop(0, C_PAD // 128, hinit_body, 0)
    copy.wait()

    quarter = rows_per_lane // NSTREAM
    per_lane = rows_per_lane * ann
    lane_data = iota * per_lane

    def row_body(r, carry):
        rowv = (iota + r) & (quarter - 1)
        stamp = rowv
        dbase = [lane_data + (s * quarter) * ann + rowv * ann
                 for s in range(NSTREAM)]
        for j in range(ann):
            cs = [plsc.load_gather(data, [dbase[s] + j])
                  for s in range(NSTREAM)]
            midx = [(c << 4) + iota for c in cs]
            olds = [plsc.load_gather(markers[s], [midx[s]])
                    for s in range(NSTREAM)]
            fresh = [o != stamp for o in olds]
            for s in range(NSTREAM):
                plsc.addupdate_scatter(hist, [cs[s]], ones, mask=fresh[s])
                plsc.store_scatter(markers[s], [midx[s]], stamp)
        return carry

    lax.fori_loop(0, quarter, row_body, 0)
    pltpu.sync_copy(hist, out_hbm.at[wid])


def _sc_hist(cat_flat, rows_per_lane, ann):
    mesh = plsc.VectorSubcoreMesh(
        core_axis_name="c", subcore_axis_name="s",
        num_cores=NC, num_subcores=NS)
    per_tile = rows_per_lane * L * ann
    run = pl.kernel(
        functools.partial(_sc_hist_body, rows_per_lane=rows_per_lane,
                          ann=ann),
        out_type=jax.ShapeDtypeStruct((NW, C_PAD), jnp.int32),
        mesh=mesh,
        scratch_types=(
            [pltpu.VMEM((per_tile,), jnp.int32)]
            + [pltpu.VMEM((M_WORDS,), jnp.int32)
               for _ in range(NSTREAM)]
            + [pltpu.VMEM((C_PAD,), jnp.int32), pltpu.SemaphoreType.DMA]
        ),
        compiler_params=pltpu.CompilerParams(needs_layout_passes=False),
    )
    return run(cat_flat)


def _tc_idf_body(n_rows, counts_ref, out_ref):
    df = jnp.sum(counts_ref[...], axis=0, keepdims=True)
    df = df.astype(jnp.float32) + 1.0
    out_ref[...] = jnp.log((n_rows + 1) / df) + 1.0


def _tc_idf(counts, n_rows):
    return pl.pallas_call(
        functools.partial(_tc_idf_body, n_rows),
        out_shape=jax.ShapeDtypeStruct((1, C_PAD), jnp.float32),
    )(counts)


@jax.jit
def kernel(category_id):
    n_rows, ann = category_id.shape
    rows_per_lane = n_rows // (NW * L)
    counts = _sc_hist(category_id.reshape(-1), rows_per_lane, ann)
    weights = _tc_idf(counts, n_rows)
    return weights[0, :NUM_CLASSES]

# --- scband reference (transcript-rebuilt; emitter-appended) ---
"""Pipeline reference for scband-idftransformer-6425271074886 (READ-ONLY COPY).

The authoritative reference and input builder live on the scoring server;
editing this copy changes nothing except your own understanding.
"""

import jax, jax.numpy as jnp
import numpy as np

NUM_CLASSES = 1203  # self.num_classes from the LVIS annotation file
BATCH = 16384
ANN_PER_IMG = 50


def setup_inputs(seed: int = 0) -> dict:
    key = jax.random.key(seed)
    category_id = jax.random.randint(key, (BATCH, ANN_PER_IMG), 0, NUM_CLASSES, dtype=jnp.int32)
    return {"category_id": category_id}


def reference(category_id):
    # torch: torch.stack([torch.bincount(t['category_id'], minlength=num_classes) for t in targets])
    def _bincount(t):
        return jnp.zeros((NUM_CLASSES,), dtype=jnp.int32).at[t].add(1)
    counts = jax.vmap(_bincount)(category_id)  # [B, num_classes]
    # tensor[tensor > 0] = 1
    binarized = jnp.where(counts > 0, 1, 0)
    # tensor = tensor.sum(axis=0) -> per-class document frequency
    doc_freq = binarized.sum(axis=0)  # [num_classes]
    n = category_id.shape[0]  # len(targets)
    # weights = torch.log((len(targets) + 1) / (tensor + 1)) + 1
    weights = jnp.log((n + 1) / (doc_freq + 1.0)) + 1.0
    return weights

if __name__ == "__main__":
    import jax
    _d = setup_inputs()
    print(jax.jit(kernel)(*tuple(_d.values())))

</pallas_src>

<mosaic_0001>
#map = affine_map<(d0, d1) -> (0)>
#map1 = affine_map<(d0, d1) -> (0, 0)>
module attributes {stable_mosaic.version = 14 : i64} {
  func.func @_sc_hist_body(%arg0: i32, %arg1: i32, %arg2: memref<819200xi32, #tpu.memory_space<hbm>>, %arg3: memref<32x1280xi32, #tpu.memory_space<hbm>>, %arg4: memref<25600xi32, #tpu.memory_space<vmem>>, %arg5: memref<19456xi32, #tpu.memory_space<vmem>>, %arg6: memref<19456xi32, #tpu.memory_space<vmem>>, %arg7: memref<19456xi32, #tpu.memory_space<vmem>>, %arg8: memref<19456xi32, #tpu.memory_space<vmem>>, %arg9: memref<1280xi32, #tpu.memory_space<vmem>>, %arg10: memref<!tpu.dma_semaphore, #tpu.memory_space<semaphore_mem>>) attributes {dimension_semantics = [#tpu.dimension_semantics<core_parallel>, #tpu.dimension_semantics<subcore_parallel>], iteration_bounds = array<i64: 2, 16>, scalar_prefetch = 0 : i64, scratch_operands = 7 : i64, tpu.core_type = #tpu.core_type<sc_vector_subcore>, window_params = [{transform_indices = #map}, {transform_indices = #map1}]} {
    %mul3A = arith.constant 2 : i32
    %mul3A_0 = arith.muli %arg1, %mul3A : i32
    %add3A = arith.addi %mul3A_0, %arg0 : i32
    %mul3A_1 = arith.constant 25600 : i32
    %mul3A_2 = arith.muli %add3A, %mul3A_1 : i32
    %dma_start3A = tpu.memref_slice %arg2[%mul3A_2] : memref<819200xi32, #tpu.memory_space<hbm>> -> memref<25600xi32, #tpu.memory_space<hbm>>
    %dma_start3A_3 = tpu.memref_slice %arg2[%mul3A_2] : memref<819200xi32, #tpu.memory_space<hbm>> -> memref<25600xi32, #tpu.memory_space<hbm>>
    tpu.enqueue_dma source(%dma_start3A_3 : memref<25600xi32, #tpu.memory_space<hbm>>) target(%arg4 : memref<25600xi32, #tpu.memory_space<vmem>>) target_semaphore(%arg10 : memref<!tpu.dma_semaphore, #tpu.memory_space<semaphore_mem>>)
    %iota3A = tpu.iota {dimensions = array<i32: 0>} : vector<16xi32>
    %broadcast_in_dim3A = arith.constant 1 : i32
    %broadcast_in_dim3A_4 = vector.broadcast %broadcast_in_dim3A : i32 to vector<16xi32>
    %broadcast_in_dim3A_5 = arith.constant -1 : i32
    %broadcast_in_dim3A_6 = vector.broadcast %broadcast_in_dim3A_5 : i32 to vector<16xi32>
    %broadcast_in_dim3A_7 = arith.constant 0 : i32
    %broadcast_in_dim3A_8 = vector.broadcast %broadcast_in_dim3A_7 : i32 to vector<16xi32>
    %scan3A = arith.constant 0 : i32
    %scan3A_9 = arith.constant 0 : i32
    %scan3A_10 = arith.constant 152 : i32
    %scan3A_11 = arith.addi %scan3A_9, %scan3A_10 : i32
    %scan3A_12 = arith.constant 1 : i32
    scf.for %scan3A_30 = %scan3A_9 to %scan3A_11 step %scan3A_12  : i32 {
      %mul3A_31 = arith.constant 128 : i32
      %mul3A_32 = arith.muli %scan3A_30, %mul3A_31 : i32
      %add3A_33 = arith.constant 0 : i32
      %add3A_34 = arith.addi %mul3A_32, %add3A_33 : i32
      %swap3A = arith.index_cast %add3A_34 : i32 to index
      %swap3A_35 = tpu.vector_load %arg5[%swap3A] {strides = array<i32>} : memref<19456xi32, #tpu.memory_space<vmem>>, vector<16xi32>,
      tpu.vector_store %arg5[%swap3A], %broadcast_in_dim3A_6 {strides = array<i32>} : memref<19456xi32, #tpu.memory_space<vmem>>, vector<16xi32>,
      %mul3A_36 = arith.constant 128 : i32
      %mul3A_37 = arith.muli %scan3A_30, %mul3A_36 : i32
      %add3A_38 = arith.constant 0 : i32
      %add3A_39 = arith.addi %mul3A_37, %add3A_38 : i32
      %swap3A_40 = arith.index_cast %add3A_39 : i32 to index
      %swap3A_41 = tpu.vector_load %arg6[%swap3A_40] {strides = array<i32>} : memref<19456xi32, #tpu.memory_space<vmem>>, vector<16xi32>,
      tpu.vector_store %arg6[%swap3A_40], %broadcast_in_dim3A_6 {strides = array<i32>} : memref<19456xi32, #tpu.memory_space<vmem>>, vector<16xi32>,
      %mul3A_42 = arith.constant 128 : i32
      %mul3A_43 = arith.muli %scan3A_30, %mul3A_42 : i32
      %add3A_44 = arith.constant 0 : i32
      %add3A_45 = arith.addi %mul3A_43, %add3A_44 : i32
      %swap3A_46 = arith.index_cast %add3A_45 : i32 to index
      %swap3A_47 = tpu.vector_load %arg7[%swap3A_46] {strides = array<i32>} : memref<19456xi32, #tpu.memory_space<vmem>>, vector<16xi32>,
      tpu.vector_store %arg7[%swap3A_46], %broadcast_in_dim3A_6 {strides = array<i32>} : memref<19456xi32, #tpu.memory_space<vmem>>, vector<16xi32>,
      %mul3A_48 = arith.constant 128 : i32
      %mul3A_49 = arith.muli %scan3A_30, %mul3A_48 : i32
      %add3A_50 = arith.constant 0 : i32
      %add3A_51 = arith.addi %mul3A_49, %add3A_50 : i32
      %swap3A_52 = arith.index_cast %add3A_51 : i32 to index
      %swap3A_53 = tpu.vector_load %arg8[%swap3A_52] {strides = array<i32>} : memref<19456xi32, #tpu.memory_space<vmem>>, vector<16xi32>,
      tpu.vector_store %arg8[%swap3A_52], %broadcast_in_dim3A_6 {strides = array<i32>} : memref<19456xi32, #tpu.memory_space<vmem>>, vector<16xi32>,
      %mul3A_54 = arith.constant 128 : i32
      %mul3A_55 = arith.muli %scan3A_30, %mul3A_54 : i32
      %add3A_56 = arith.constant 16 : i32
      %add3A_57 = arith.addi %mul3A_55, %add3A_56 : i32
      %swap3A_58 = arith.index_cast %add3A_57 : i32 to index
      %swap3A_59 = tpu.vector_load %arg5[%swap3A_58] {strides = array<i32>} : memref<19456xi32, #tpu.memory_space<vmem>>, vector<16xi32>,
      tpu.vector_store %arg5[%swap3A_58], %broadcast_in_dim3A_6 {strides = array<i32>} : memref<19456xi32, #tpu.memory_space<vmem>>, vector<16xi32>,
      %mul3A_60 = arith.constant 128 : i32
      %mul3A_61 = arith.muli %scan3A_30, %mul3A_60 : i32
      %add3A_62 = arith.constant 16 : i32
      %add3A_63 = arith.addi %mul3A_61, %add3A_62 : i32
      %swap3A_64 = arith.index_cast %add3A_63 : i32 to index
      %swap3A_65 = tpu.vector_load %arg6[%swap3A_64] {strides = array<i32>} : memref<19456xi32, #tpu.memory_space<vmem>>, vector<16xi32>,
      tpu.vector_store %arg6[%swap3A_64], %broadcast_in_dim3A_6 {strides = array<i32>} : memref<19456xi32, #tpu.memory_space<vmem>>, vector<16xi32>,
      %mul3A_66 = arith.constant 128 : i32
      %mul3A_67 = arith.muli %scan3A_30, %mul3A_66 : i32
      %add3A_68 = arith.constant 16 : i32
      %add3A_69 = arith.addi %mul3A_67, %add3A_68 : i32
      %swap3A_70 = arith.index_cast %add3A_69 : i32 to index
      %swap3A_71 = tpu.vector_load %arg7[%swap3A_70] {strides = array<i32>} : memref<19456xi32, #tpu.memory_space<vmem>>, vector<16xi32>,
      tpu.vector_store %arg7[%swap3A_70], %broadcast_in_dim3A_6 {strides = array<i32>} : memref<19456xi32, #tpu.memory_space<vmem>>, vector<16xi32>,
      %mul3A_72 = arith.constant 128 : i32
      %mul3A_73 = arith.muli %scan3A_30, %mul3A_72 : i32
      %add3A_74 = arith.constant 16 : i32
      %add3A_75 = arith.addi %mul3A_73, %add3A_74 : i32
      %swap3A_76 = arith.index_cast %add3A_75 : i32 to index
      %swap3A_77 = tpu.vector_load %arg8[%swap3A_76] {strides = array<i32>} : memref<19456xi32, #tpu.memory_space<vmem>>, vector<16xi32>,
      tpu.vector_store %arg8[%swap3A_76], %broadcast_in_dim3A_6 {strides = array<i32>} : memref<19456xi32, #tpu.memory_space<vmem>>, vector<16xi32>,
      %mul3A_78 = arith.constant 128 : i32
      %mul3A_79 = arith.muli %scan3A_30, %mul3A_78 : i32
      %add3A_80 = arith.constant 32 : i32
      %add3A_81 = arith.addi %mul3A_79, %add3A_80 : i32
      %swap3A_82 = arith.index_cast %add3A_81 : i32 to index
      %swap3A_83 = tpu.vector_load %arg5[%swap3A_82] {strides = array<i32>} : memref<19456xi32, #tpu.memory_space<vmem>>, vector<16xi32>,
      tpu.vector_store %arg5[%swap3A_82], %broadcast_in_dim3A_6 {strides = array<i32>} : memref<19456xi32, #tpu.memory_space<vmem>>, vector<16xi32>,
      %mul3A_84 = arith.constant 128 : i32
      %mul3A_85 = arith.muli %scan3A_30, %mul3A_84 : i32
      %add3A_86 = arith.constant 32 : i32
      %add3A_87 = arith.addi %mul3A_85, %add3A_86 : i32
      %swap3A_88 = arith.index_cast %add3A_87 : i32 to index
      %swap3A_89 = tpu.vector_load %arg6[%swap3A_88] {strides = array<i32>} : memref<19456xi32, #tpu.memory_space<vmem>>, vector<16xi32>,
      tpu.vector_store %arg6[%swap3A_88], %broadcast_in_dim3A_6 {strides = array<i32>} : memref<19456xi32, #tpu.memory_space<vmem>>, vector<16xi32>,
      %mul3A_90 = arith.constant 128 : i32
      %mul3A_91 = arith.muli %scan3A_30, %mul3A_90 : i32
      %add3A_92 = arith.constant 32 : i32
      %add3A_93 = arith.addi %mul3A_91, %add3A_92 : i32
      %swap3A_94 = arith.index_cast %add3A_93 : i32 to index
      %swap3A_95 = tpu.vector_load %arg7[%swap3A_94] {strides = array<i32>} : memref<19456xi32, #tpu.memory_space<vmem>>, vector<16xi32>,
      tpu.vector_store %arg7[%swap3A_94], %broadcast_in_dim3A_6 {strides = array<i32>} : memref<19456xi32, #tpu.memory_space<vmem>>, vector<16xi32>,
      %mul3A_96 = arith.constant 128 : i32
      %mul3A_97 = arith.muli %scan3A_30, %mul3A_96 : i32
      %add3A_98 = arith.constant 32 : i32
      %add3A_99 = arith.addi %mul3A_97, %add3A_98 : i32
      %swap3A_100 = arith.index_cast %add3A_99 : i32 to index
      %swap3A_101 = tpu.vector_load %arg8[%swap3A_100] {strides = array<i32>} : memref<19456xi32, #tpu.memory_space<vmem>>, vector<16xi32>,
      tpu.vector_store %arg8[%swap3A_100], %broadcast_in_dim3A_6 {strides = array<i32>} : memref<19456xi32, #tpu.memory_space<vmem>>, vector<16xi32>,
      %mul3A_102 = arith.constant 128 : i32
      %mul3A_103 = arith.muli %scan3A_30, %mul3A_102 : i32
      %add3A_104 = arith.constant 48 : i32
      %add3A_105 = arith.addi %mul3A_103, %add3A_104 : i32
      %swap3A_106 = arith.index_cast %add3A_105 : i32 to index
      %swap3A_107 = tpu.vector_load %arg5[%swap3A_106] {strides = array<i32>} : memref<19456xi32, #tpu.memory_space<vmem>>, vector<16xi32>,
      tpu.vector_store %arg5[%swap3A_106], %broadcast_in_dim3A_6 {strides = array<i32>} : memref<19456xi32, #tpu.memory_space<vmem>>, vector<16xi32>,
      %mul3A_108 = arith.constant 128 : i32
      %mul3A_109 = arith.muli %scan3A_30, %mul3A_108 : i32
      %add3A_110 = arith.constant 48 : i32
      %add3A_111 = arith.addi %mul3A_109, %add3A_110 : i32
      %swap3A_112 = arith.index_cast %add3A_111 : i32 to index
      %swap3A_113 = tpu.vector_load %arg6[%swap3A_112] {strides = array<i32>} : memref<19456xi32, #tpu.memory_space<vmem>>, vector<16xi32>,
      tpu.vector_store %arg6[%swap3A_112], %broadcast_in_dim3A_6 {strides = array<i32>} : memref<19456xi32, #tpu.memory_space<vmem>>, vector<16xi32>,
      %mul3A_114 = arith.constant 128 : i32
      %mul3A_115 = arith.muli %scan3A_30, %mul3A_114 : i32
      %add3A_116 = arith.constant 48 : i32
      %add3A_117 = arith.addi %mul3A_115, %add3A_116 : i32
      %swap3A_118 = arith.index_cast %add3A_117 : i32 to index
      %swap3A_119 = tpu.vector_load %arg7[%swap3A_118] {strides = array<i32>} : memref<19456xi32, #tpu.memory_space<vmem>>, vector<16xi32>,
      tpu.vector_store %arg7[%swap3A_118], %broadcast_in_dim3A_6 {strides = array<i32>} : memref<19456xi32, #tpu.memory_space<vmem>>, vector<16xi32>,
      %mul3A_120 = arith.constant 128 : i32
      %mul3A_121 = arith.muli %scan3A_30, %mul3A_120 : i32
      %add3A_122 = arith.constant 48 : i32
      %add3A_123 = arith.addi %mul3A_121, %add3A_122 : i32
      %swap3A_124 = arith.index_cast %add3A_123 : i32 to index
      %swap3A_125 = tpu.vector_load %arg8[%swap3A_124] {strides = array<i32>} : memref<19456xi32, #tpu.memory_space<vmem>>, vector<16xi32>,
      tpu.vector_store %arg8[%swap3A_124], %broadcast_in_dim3A_6 {strides = array<i32>} : memref<19456xi32, #tpu.memory_space<vmem>>, vector<16xi32>,
      %mul3A_126 = arith.constant 128 : i32
      %mul3A_127 = arith.muli %scan3A_30, %mul3A_126 : i32
      %add3A_128 = arith.constant 64 : i32
      %add3A_129 = arith.addi %mul3A_127, %add3A_128 : i32
      %swap3A_130 = arith.index_cast %add3A_129 : i32 to index
      %swap3A_131 = tpu.vector_load %arg5[%swap3A_130] {strides = array<i32>} : memref<19456xi32, #tpu.memory_space<vmem>>, vector<16xi32>,
      tpu.vector_store %arg5[%swap3A_130], %broadcast_in_dim3A_6 {strides = array<i32>} : memref<19456xi32, #tpu.memory_space<vmem>>, vector<16xi32>,
      %mul3A_132 = arith.constant 128 : i32
      %mul3A_133 = arith.muli %scan3A_30, %mul3A_132 : i32
      %add3A_134 = arith.constant 64 : i32
      %add3A_135 = arith.addi %mul3A_133, %add3A_134 : i32
      %swap3A_136 = arith.index_cast %add3A_135 : i32 to index
      %swap3A_137 = tpu.vector_load %arg6[%swap3A_136] {strides = array<i32>} : memref<19456xi32, #tpu.memory_space<vmem>>, vector<16xi32>,
      tpu.vector_store %arg6[%swap3A_136], %broadcast_in_dim3A_6 {strides = array<i32>} : memref<19456xi32, #tpu.memory_space<vmem>>, vector<16xi32>,
      %mul3A_138 = arith.constant 128 : i32
      %mul3A_139 = arith.muli %scan3A_30, %mul3A_138 : i32
      %add3A_140 = arith.constant 64 : i32
      %add3A_141 = arith.addi %mul3A_139, %add3A_140 : i32
      %swap3A_142 = arith.index_cast %add3A_141 : i32 to index
      %swap3A_143 = tpu.vector_load %arg7[%swap3A_142] {strides = array<i32>} : memref<19456xi32, #tpu.memory_space<vmem>>, vector<16xi32>,
      tpu.vector_store %arg7[%swap3A_142], %broadcast_in_dim3A_6 {strides = array<i32>} : memref<19456xi32, #tpu.memory_space<vmem>>, vector<16xi32>,
      %mul3A_144 = arith.constant 128 : i32
      %mul3A_145 = arith.muli %scan3A_30, %mul3A_144 : i32
      %add3A_146 = arith.constant 64 : i32
      %add3A_147 = arith.addi %mul3A_145, %add3A_146 : i32
      %swap3A_148 = arith.index_cast %add3A_147 : i32 to index
      %swap3A_149 = tpu.vector_load %arg8[%swap3A_148] {strides = array<i32>} : memref<19456xi32, #tpu.memory_space<vmem>>, vector<16xi32>,
      tpu.vector_store %arg8[%swap3A_148], %broadcast_in_dim3A_6 {strides = array<i32>} : memref<19456xi32, #tpu.memory_space<vmem>>, vector<16xi32>,
      %mul3A_150 = arith.constant 128 : i32
      %mul3A_151 = arith.muli %scan3A_30, %mul3A_150 : i32
      %add3A_152 = arith.constant 80 : i32
      %add3A_153 = arith.addi %mul3A_151, %add3A_152 : i32
      %swap3A_154 = arith.index_cast %add3A_153 : i32 to index
      %swap3A_155 = tpu.vector_load %arg5[%swap3A_154] {strides = array<i32>} : memref<19456xi32, #tpu.memory_space<vmem>>, vector<16xi32>,
      tpu.vector_store %arg5[%swap3A_154], %broadcast_in_dim3A_6 {strides = array<i32>} : memref<19456xi32, #tpu.memory_space<vmem>>, vector<16xi32>,
      %mul3A_156 = arith.constant 128 : i32
      %mul3A_157 = arith.muli %scan3A_30, %mul3A_156 : i32
      %add3A_158 = arith.constant 80 : i32
      %add3A_159 = arith.addi %mul3A_157, %add3A_158 : i32
      %swap3A_160 = arith.index_cast %add3A_159 : i32 to index
      %swap3A_161 = tpu.vector_load %arg6[%swap3A_160] {strides = array<i32>} : memref<19456xi32, #tpu.memory_space<vmem>>, vector<16xi32>,
      tpu.vector_store %arg6[%swap3A_160], %broadcast_in_dim3A_6 {strides = array<i32>} : memref<19456xi32, #tpu.memory_space<vmem>>, vector<16xi32>,
      %mul3A_162 = arith.constant 128 : i32
      %mul3A_163 = arith.muli %scan3A_30, %mul3A_162 : i32
      %add3A_164 = arith.constant 80 : i32
      %add3A_165 = arith.addi %mul3A_163, %add3A_164 : i32
      %swap3A_166 = arith.index_cast %add3A_165 : i32 to index
      %swap3A_167 = tpu.vector_load %arg7[%swap3A_166] {strides = array<i32>} : memref<19456xi32, #tpu.memory_space<vmem>>, vector<16xi32>,
      tpu.vector_store %arg7[%swap3A_166], %broadcast_in_dim3A_6 {strides = array<i32>} : memref<19456xi32, #tpu.memory_space<vmem>>, vector<16xi32>,
      %mul3A_168 = arith.constant 128 : i32
      %mul3A_169 = arith.muli %scan3A_30, %mul3A_168 : i32
      %add3A_170 = arith.constant 80 : i32
      %add3A_171 = arith.addi %mul3A_169, %add3A_170 : i32
      %swap3A_172 = arith.index_cast %add3A_171 : i32 to index
      %swap3A_173 = tpu.vector_load %arg8[%swap3A_172] {strides = array<i32>} : memref<19456xi32, #tpu.memory_space<vmem>>, vector<16xi32>,
      tpu.vector_store %arg8[%swap3A_172], %broadcast_in_dim3A_6 {strides = array<i32>} : memref<19456xi32, #tpu.memory_space<vmem>>, vector<16xi32>,
      %mul3A_174 = arith.constant 128 : i32
      %mul3A_175 = arith.muli %scan3A_30, %mul3A_174 : i32
      %add3A_176 = arith.constant 96 : i32
      %add3A_177 = arith.addi %mul3A_175, %add3A_176 : i32
      %swap3A_178 = arith.index_cast %add3A_177 : i32 to index
      %swap3A_179 = tpu.vector_load %arg5[%swap3A_178] {strides = array<i32>} : memref<19456xi32, #tpu.memory_space<vmem>>, vector<16xi32>,
      tpu.vector_store %arg5[%swap3A_178], %broadcast_in_dim3A_6 {strides = array<i32>} : memref<19456xi32, #tpu.memory_space<vmem>>, vector<16xi32>,
      %mul3A_180 = arith.constant 128 : i32
      %mul3A_181 = arith.muli %scan3A_30, %mul3A_180 : i32
      %add3A_182 = arith.constant 96 : i32
      %add3A_183 = arith.addi %mul3A_181, %add3A_182 : i32
      %swap3A_184 = arith.index_cast %add3A_183 : i32 to index
      %swap3A_185 = tpu.vector_load %arg6[%swap3A_184] {strides = array<i32>} : memref<19456xi32, #tpu.memory_space<vmem>>, vector<16xi32>,
      tpu.vector_store %arg6[%swap3A_184], %broadcast_in_dim3A_6 {strides = array<i32>} : memref<19456xi32, #tpu.memory_space<vmem>>, vector<16xi32>,
      %mul3A_186 = arith.constant 128 : i32
      %mul3A_187 = arith.muli %scan3A_30, %mul3A_186 : i32
      %add3A_188 = arith.constant 96 : i32
      %add3A_189 = arith.addi %mul3A_187, %add3A_188 : i32
      %swap3A_190 = arith.index_cast %add3A_189 : i32 to index
      %swap3A_191 = tpu.vector_load %arg7[%swap3A_190] {strides = array<i32>} : memref<19456xi32, #tpu.memory_space<vmem>>, vector<16xi32>,
      tpu.vector_store %arg7[%swap3A_190], %broadcast_in_dim3A_6 {strides = array<i32>} : memref<19456xi32, #tpu.memory_space<vmem>>, vector<16xi32>,
      %mul3A_192 = arith.constant 128 : i32
      %mul3A_193 = arith.muli %scan3A_30, %mul3A_192 : i32
      %add3A_194 = arith.constant 96 : i32
      %add3A_195 = arith.addi %mul3A_193, %add3A_194 : i32
      %swap3A_196 = arith.index_cast %add3A_195 : i32 to index
      %swap3A_197 = tpu.vector_load %arg8[%swap3A_196] {strides = array<i32>} : memref<19456xi32, #tpu.memory_space<vmem>>, vector<16xi32>,
      tpu.vector_store %arg8[%swap3A_196], %broadcast_in_dim3A_6 {strides = array<i32>} : memref<19456xi32, #tpu.memory_space<vmem>>, vector<16xi32>,
      %mul3A_198 = arith.constant 128 : i32
      %mul3A_199 = arith.muli %scan3A_30, %mul3A_198 : i32
      %add3A_200 = arith.constant 112 : i32
      %add3A_201 = arith.addi %mul3A_199, %add3A_200 : i32
      %swap3A_202 = arith.index_cast %add3A_201 : i32 to index
      %swap3A_203 = tpu.vector_load %arg5[%swap3A_202] {strides = array<i32>} : memref<19456xi32, #tpu.memory_space<vmem>>, vector<16xi32>,
      tpu.vector_store %arg5[%swap3A_202], %broadcast_in_dim3A_6 {strides = array<i32>} : memref<19456xi32, #tpu.memory_space<vmem>>, vector<16xi32>,
      %mul3A_204 = arith.constant 128 : i32
      %mul3A_205 = arith.muli %scan3A_30, %mul3A_204 : i32
      %add3A_206 = arith.constant 112 : i32
      %add3A_207 = arith.addi %mul3A_205, %add3A_206 : i32
      %swap3A_208 = arith.index_cast %add3A_207 : i32 to index
      %swap3A_209 = tpu.vector_load %arg6[%swap3A_208] {strides = array<i32>} : memref<19456xi32, #tpu.memory_space<vmem>>, vector<16xi32>,
      tpu.vector_store %arg6[%swap3A_208], %broadcast_in_dim3A_6 {strides = array<i32>} : memref<19456xi32, #tpu.memory_space<vmem>>, vector<16xi32>,
      %mul3A_210 = arith.constant 128 : i32
      %mul3A_211 = arith.muli %scan3A_30, %mul3A_210 : i32
      %add3A_212 = arith.constant 112 : i32
      %add3A_213 = arith.addi %mul3A_211, %add3A_212 : i32
      %swap3A_214 = arith.index_cast %add3A_213 : i32 to index
      %swap3A_215 = tpu.vector_load %arg7[%swap3A_214] {strides = array<i32>} : memref<19456xi32, #tpu.memory_space<vmem>>, vector<16xi32>,
      tpu.vector_store %arg7[%swap3A_214], %broadcast_in_dim3A_6 {strides = array<i32>} : memref<19456xi32, #tpu.memory_space<vmem>>, vector<16xi32>,
      %mul3A_216 = arith.constant 128 : i32
      %mul3A_217 = arith.muli %scan3A_30, %mul3A_216 : i32
      %add3A_218 = arith.constant 112 : i32
      %add3A_219 = arith.addi %mul3A_217, %add3A_218 : i32
      %swap3A_220 = arith.index_cast %add3A_219 : i32 to index
      %swap3A_221 = tpu.vector_load %arg8[%swap3A_220] {strides = array<i32>} : memref<19456xi32, #tpu.memory_space<vmem>>, vector<16xi32>,
      tpu.vector_store %arg8[%swap3A_220], %broadcast_in_dim3A_6 {strides = array<i32>} : memref<19456xi32, #tpu.memory_space<vmem>>, vector<16xi32>,
    }
    %scan3A_13 = arith.constant 152 : i32
    %scan3A_14 = arith.constant 0 : i32
    %scan3A_15 = arith.constant 0 : i32
    %scan3A_16 = arith.constant 10 : i32
    %scan3A_17 = arith.addi %scan3A_15, %scan3A_16 : i32
    %scan3A_18 = arith.constant 1 : i32
    scf.for %scan3A_30 = %scan3A_15 to %scan3A_17 step %scan3A_18  : i32 {
      %mul3A_31 = arith.constant 128 : i32
      %mul3A_32 = arith.muli %scan3A_30, %mul3A_31 : i32
      %add3A_33 = arith.constant 0 : i32
      %add3A_34 = arith.addi %mul3A_32, %add3A_33 : i32
      %swap3A = arith.index_cast %add3A_34 : i32 to index
      %swap3A_35 = tpu.vector_load %arg9[%swap3A] {strides = array<i32>} : memref<1280xi32, #tpu.memory_space<vmem>>, vector<16xi32>,
      tpu.vector_store %arg9[%swap3A], %broadcast_in_dim3A_8 {strides = array<i32>} : memref<1280xi32, #tpu.memory_space<vmem>>, vector<16xi32>,
      %mul3A_36 = arith.constant 128 : i32
      %mul3A_37 = arith.muli %scan3A_30, %mul3A_36 : i32
      %add3A_38 = arith.constant 16 : i32
      %add3A_39 = arith.addi %mul3A_37, %add3A_38 : i32
      %swap3A_40 = arith.index_cast %add3A_39 : i32 to index
      %swap3A_41 = tpu.vector_load %arg9[%swap3A_40] {strides = array<i32>} : memref<1280xi32, #tpu.memory_space<vmem>>, vector<16xi32>,
      tpu.vector_store %arg9[%swap3A_40], %broadcast_in_dim3A_8 {strides = array<i32>} : memref<1280xi32, #tpu.memory_space<vmem>>, vector<16xi32>,
      %mul3A_42 = arith.constant 128 : i32
      %mul3A_43 = arith.muli %scan3A_30, %mul3A_42 : i32
      %add3A_44 = arith.constant 32 : i32
      %add3A_45 = arith.addi %mul3A_43, %add3A_44 : i32
      %swap3A_46 = arith.index_cast %add3A_45 : i32 to index
      %swap3A_47 = tpu.vector_load %arg9[%swap3A_46] {strides = array<i32>} : memref<1280xi32, #tpu.memory_space<vmem>>, vector<16xi32>,
      tpu.vector_store %arg9[%swap3A_46], %broadcast_in_dim3A_8 {strides = array<i32>} : memref<1280xi32, #tpu.memory_space<vmem>>, vector<16xi32>,
      %mul3A_48 = arith.constant 128 : i32
      %mul3A_49 = arith.muli %scan3A_30, %mul3A_48 : i32
      %add3A_50 = arith.constant 48 : i32
      %add3A_51 = arith.addi %mul3A_49, %add3A_50 : i32
      %swap3A_52 = arith.index_cast %add3A_51 : i32 to index
      %swap3A_53 = tpu.vector_load %arg9[%swap3A_52] {strides = array<i32>} : memref<1280xi32, #tpu.memory_space<vmem>>, vector<16xi32>,
      tpu.vector_store %arg9[%swap3A_52], %broadcast_in_dim3A_8 {strides = array<i32>} : memref<1280xi32, #tpu.memory_space<vmem>>, vector<16xi32>,
      %mul3A_54 = arith.constant 128 : i32
      %mul3A_55 = arith.muli %scan3A_30, %mul3A_54 : i32
      %add3A_56 = arith.constant 64 : i32
      %add3A_57 = arith.addi %mul3A_55, %add3A_56 : i32
      %swap3A_58 = arith.index_cast %add3A_57 : i32 to index
      %swap3A_59 = tpu.vector_load %arg9[%swap3A_58] {strides = array<i32>} : memref<1280xi32, #tpu.memory_space<vmem>>, vector<16xi32>,
      tpu.vector_store %arg9[%swap3A_58], %broadcast_in_dim3A_8 {strides = array<i32>} : memref<1280xi32, #tpu.memory_space<vmem>>, vector<16xi32>,
      %mul3A_60 = arith.constant 128 : i32
      %mul3A_61 = arith.muli %scan3A_30, %mul3A_60 : i32
      %add3A_62 = arith.constant 80 : i32
      %add3A_63 = arith.addi %mul3A_61, %add3A_62 : i32
      %swap3A_64 = arith.index_cast %add3A_63 : i32 to index
      %swap3A_65 = tpu.vector_load %arg9[%swap3A_64] {strides = array<i32>} : memref<1280xi32, #tpu.memory_space<vmem>>, vector<16xi32>,
      tpu.vector_store %arg9[%swap3A_64], %broadcast_in_dim3A_8 {strides = array<i32>} : memref<1280xi32, #tpu.memory_space<vmem>>, vector<16xi32>,
      %mul3A_66 = arith.constant 128 : i32
      %mul3A_67 = arith.muli %scan3A_30, %mul3A_66 : i32
      %add3A_68 = arith.constant 96 : i32
      %add3A_69 = arith.addi %mul3A_67, %add3A_68 : i32
      %swap3A_70 = arith.index_cast %add3A_69 : i32 to index
      %swap3A_71 = tpu.vector_load %arg9[%swap3A_70] {strides = array<i32>} : memref<1280xi32, #tpu.memory_space<vmem>>, vector<16xi32>,
      tpu.vector_store %arg9[%swap3A_70], %broadcast_in_dim3A_8 {strides = array<i32>} : memref<1280xi32, #tpu.memory_space<vmem>>, vector<16xi32>,
      %mul3A_72 = arith.constant 128 : i32
      %mul3A_73 = arith.muli %scan3A_30, %mul3A_72 : i32
      %add3A_74 = arith.constant 112 : i32
      %add3A_75 = arith.addi %mul3A_73, %add3A_74 : i32
      %swap3A_76 = arith.index_cast %add3A_75 : i32 to index
      %swap3A_77 = tpu.vector_load %arg9[%swap3A_76] {strides = array<i32>} : memref<1280xi32, #tpu.memory_space<vmem>>, vector<16xi32>,
      tpu.vector_store %arg9[%swap3A_76], %broadcast_in_dim3A_8 {strides = array<i32>} : memref<1280xi32, #tpu.memory_space<vmem>>, vector<16xi32>,
    }
    %scan3A_19 = arith.constant 10 : i32
    %dma_wait3A = tpu.memref_slice %arg2[%mul3A_2] : memref<819200xi32, #tpu.memory_space<hbm>> -> memref<25600xi32, #tpu.memory_space<hbm>>
    %dma_wait3A_20 = tpu.memref_slice %arg2[%mul3A_2] : memref<819200xi32, #tpu.memory_space<hbm>> -> memref<25600xi32, #tpu.memory_space<hbm>>
    tpu.wait_dma2 semaphore(%arg10 : memref<!tpu.dma_semaphore, #tpu.memory_space<semaphore_mem>>) src(%dma_wait3A_20 : memref<25600xi32, #tpu.memory_space<hbm>>) dst(%arg4 : memref<25600xi32, #tpu.memory_space<vmem>>)
    %mul3A_21 = arith.constant 1600 : i32
    %mul3A_22 = vector.broadcast %mul3A_21 : i32 to vector<16xi32>
    %mul3A_23 = arith.muli %iota3A, %mul3A_22 : vector<16xi32>
    %scan3A_24 = arith.constant 0 : i32
    %scan3A_25 = arith.constant 0 : i32
    %scan3A_26 = arith.constant 8 : i32
    %scan3A_27 = arith.addi %scan3A_25, %scan3A_26 : i32
    %scan3A_28 = arith.constant 1 : i32
    scf.for %scan3A_30 = %scan3A_25 to %scan3A_27 step %scan3A_28  : i32 {
      %add3A_31 = vector.broadcast %scan3A_30 : i32 to vector<16xi32>
      %add3A_32 = arith.addi %iota3A, %add3A_31 : vector<16xi32>
      %and3A = arith.constant 7 : i32
      %and3A_33 = vector.broadcast %and3A : i32 to vector<16xi32>
      %and3A_34 = arith.andi %add3A_32, %and3A_33 : vector<16xi32>
      %add3A_35 = arith.constant 0 : i32
      %add3A_36 = vector.broadcast %add3A_35 : i32 to vector<16xi32>
      %add3A_37 = arith.addi %mul3A_23, %add3A_36 : vector<16xi32>
      %mul3A_38 = arith.constant 50 : i32
      %mul3A_39 = vector.broadcast %mul3A_38 : i32 to vector<16xi32>
      %mul3A_40 = arith.muli %and3A_34, %mul3A_39 : vector<16xi32>
      %add3A_41 = arith.addi %add3A_37, %mul3A_40 : vector<16xi32>
      %add3A_42 = arith.constant 400 : i32
      %add3A_43 = vector.broadcast %add3A_42 : i32 to vector<16xi32>
      %add3A_44 = arith.addi %mul3A_23, %add3A_43 : vector<16xi32>
      %mul3A_45 = arith.constant 50 : i32
      %mul3A_46 = vector.broadcast %mul3A_45 : i32 to vector<16xi32>
      %mul3A_47 = arith.muli %and3A_34, %mul3A_46 : vector<16xi32>
      %add3A_48 = arith.addi %add3A_44, %mul3A_47 : vector<16xi32>
      %add3A_49 = arith.constant 800 : i32
      %add3A_50 = vector.broadcast %add3A_49 : i32 to vector<16xi32>
      %add3A_51 = arith.addi %mul3A_23, %add3A_50 : vector<16xi32>
      %mul3A_52 = arith.constant 50 : i32
      %mul3A_53 = vector.broadcast %mul3A_52 : i32 to vector<16xi32>
      %mul3A_54 = arith.muli %and3A_34, %mul3A_53 : vector<16xi32>
      %add3A_55 = arith.addi %add3A_51, %mul3A_54 : vector<16xi32>
      %add3A_56 = arith.constant 1200 : i32
      %add3A_57 = vector.broadcast %add3A_56 : i32 to vector<16xi32>
      %add3A_58 = arith.addi %mul3A_23, %add3A_57 : vector<16xi32>
      %mul3A_59 = arith.constant 50 : i32
      %mul3A_60 = vector.broadcast %mul3A_59 : i32 to vector<16xi32>
      %mul3A_61 = arith.muli %and3A_34, %mul3A_60 : vector<16xi32>
      %add3A_62 = arith.addi %add3A_58, %mul3A_61 : vector<16xi32>
      %add3A_63 = arith.constant 0 : i32
      %add3A_64 = vector.broadcast %add3A_63 : i32 to vector<16xi32>
      %add3A_65 = arith.addi %add3A_41, %add3A_64 : vector<16xi32>
      %gather3A = tpu.vector_load_idx %arg4[%add3A_65] : memref<25600xi32, #tpu.memory_space<vmem>>[vector<16xi32>], vector<16xi32>,
      %add3A_66 = arith.constant 0 : i32
      %add3A_67 = vector.broadcast %add3A_66 : i32 to vector<16xi32>
      %add3A_68 = arith.addi %add3A_48, %add3A_67 : vector<16xi32>
      %gather3A_69 = tpu.vector_load_idx %arg4[%add3A_68] : memref<25600xi32, #tpu.memory_space<vmem>>[vector<16xi32>], vector<16xi32>,
      %add3A_70 = arith.constant 0 : i32
      %add3A_71 = vector.broadcast %add3A_70 : i32 to vector<16xi32>
      %add3A_72 = arith.addi %add3A_55, %add3A_71 : vector<16xi32>
      %gather3A_73 = tpu.vector_load_idx %arg4[%add3A_72] : memref<25600xi32, #tpu.memory_space<vmem>>[vector<16xi32>], vector<16xi32>,
      %add3A_74 = arith.constant 0 : i32
      %add3A_75 = vector.broadcast %add3A_74 : i32 to vector<16xi32>
      %add3A_76 = arith.addi %add3A_62, %add3A_75 : vector<16xi32>
      %gather3A_77 = tpu.vector_load_idx %arg4[%add3A_76] : memref<25600xi32, #tpu.memory_space<vmem>>[vector<16xi32>], vector<16xi32>,
      %shift_left3A = arith.constant 4 : i32
      %shift_left3A_78 = vector.broadcast %shift_left3A : i32 to vector<16xi32>
      %shift_left3A_79 = arith.shli %gather3A, %shift_left3A_78 : vector<16xi32>
      %add3A_80 = arith.addi %shift_left3A_79, %iota3A : vector<16xi32>
      %shift_left3A_81 = arith.constant 4 : i32
      %shift_left3A_82 = vector.broadcast %shift_left3A_81 : i32 to vector<16xi32>
      %shift_left3A_83 = arith.shli %gather3A_69, %shift_left3A_82 : vector<16xi32>
      %add3A_84 = arith.addi %shift_left3A_83, %iota3A : vector<16xi32>
      %shift_left3A_85 = arith.constant 4 : i32
      %shift_left3A_86 = vector.broadcast %shift_left3A_85 : i32 to vector<16xi32>
      %shift_left3A_87 = arith.shli %gather3A_73, %shift_left3A_86 : vector<16xi32>
      %add3A_88 = arith.addi %shift_left3A_87, %iota3A : vector<16xi32>
      %shift_left3A_89 = arith.constant 4 : i32
      %shift_left3A_90 = vector.broadcast %shift_left3A_89 : i32 to vector<16xi32>
      %shift_left3A_91 = arith.shli %gather3A_77, %shift_left3A_90 : vector<16xi32>
      %add3A_92 = arith.addi %shift_left3A_91, %iota3A : vector<16xi32>
      %gather3A_93 = tpu.vector_load_idx %arg5[%add3A_80] : memref<19456xi32, #tpu.memory_space<vmem>>[vector<16xi32>], vector<16xi32>,
      %gather3A_94 = tpu.vector_load_idx %arg6[%add3A_84] : memref<19456xi32, #tpu.memory_space<vmem>>[vector<16xi32>], vector<16xi32>,
      %gather3A_95 = tpu.vector_load_idx %arg7[%add3A_88] : memref<19456xi32, #tpu.memory_space<vmem>>[vector<16xi32>], vector<16xi32>,
      %gather3A_96 = tpu.vector_load_idx %arg8[%add3A_92] : memref<19456xi32, #tpu.memory_space<vmem>>[vector<16xi32>], vector<16xi32>,
      %ne3A = arith.cmpi ne, %gather3A_93, %and3A_34 : vector<16xi32>
      %ne3A_97 = arith.cmpi ne, %gather3A_94, %and3A_34 : vector<16xi32>
      %ne3A_98 = arith.cmpi ne, %gather3A_95, %and3A_34 : vector<16xi32>
      %ne3A_99 = arith.cmpi ne, %gather3A_96, %and3A_34 : vector<16xi32>
      tpu.vector_store_idx %arg9[%gather3A], %broadcast_in_dim3A_4 masked %ne3A {add = true} : memref<1280xi32, #tpu.memory_space<vmem>>[vector<16xi32>], vector<16xi32>, vector<16xi1>
      tpu.vector_store_idx %arg5[%add3A_80], %and3A_34 : memref<19456xi32, #tpu.memory_space<vmem>>[vector<16xi32>], vector<16xi32>,
      tpu.vector_store_idx %arg9[%gather3A_69], %broadcast_in_dim3A_4 masked %ne3A_97 {add = true} : memref<1280xi32, #tpu.memory_space<vmem>>[vector<16xi32>], vector<16xi32>, vector<16xi1>
      tpu.vector_store_idx %arg6[%add3A_84], %and3A_34 : memref<19456xi32, #tpu.memory_space<vmem>>[vector<16xi32>], vector<16xi32>,
      tpu.vector_store_idx %arg9[%gather3A_73], %broadcast_in_dim3A_4 masked %ne3A_98 {add = true} : memref<1280xi32, #tpu.memory_space<vmem>>[vector<16xi32>], vector<16xi32>, vector<16xi1>
      tpu.vector_store_idx %arg7[%add3A_88], %and3A_34 : memref<19456xi32, #tpu.memory_space<vmem>>[vector<16xi32>], vector<16xi32>,
      tpu.vector_store_idx %arg9[%gather3A_77], %broadcast_in_dim3A_4 masked %ne3A_99 {add = true} : memref<1280xi32, #tpu.memory_space<vmem>>[vector<16xi32>], vector<16xi32>, vector<16xi1>
      tpu.vector_store_idx %arg8[%add3A_92], %and3A_34 : memref<19456xi32, #tpu.memory_space<vmem>>[vector<16xi32>], vector<16xi32>,
      %add3A_100 = arith.constant 1 : i32
      %add3A_101 = vector.broadcast %add3A_100 : i32 to vector<16xi32>
      %add3A_102 = arith.addi %add3A_41, %add3A_101 : vector<16xi32>
      %gather3A_103 = tpu.vector_load_idx %arg4[%add3A_102] : memref<25600xi32, #tpu.memory_space<vmem>>[vector<16xi32>], vector<16xi32>,
      %add3A_104 = arith.constant 1 : i32
      %add3A_105 = vector.broadcast %add3A_104 : i32 to vector<16xi32>
      %add3A_106 = arith.addi %add3A_48, %add3A_105 : vector<16xi32>
      %gather3A_107 = tpu.vector_load_idx %arg4[%add3A_106] : memref<25600xi32, #tpu.memory_space<vmem>>[vector<16xi32>], vector<16xi32>,
      %add3A_108 = arith.constant 1 : i32
      %add3A_109 = vector.broadcast %add3A_108 : i32 to vector<16xi32>
      %add3A_110 = arith.addi %add3A_55, %add3A_109 : vector<16xi32>
      %gather3A_111 = tpu.vector_load_idx %arg4[%add3A_110] : memref<25600xi32, #tpu.memory_space<vmem>>[vector<16xi32>], vector<16xi32>,
      %add3A_112 = arith.constant 1 : i32
      %add3A_113 = vector.broadcast %add3A_112 : i32 to vector<16xi32>
      %add3A_114 = arith.addi %add3A_62, %add3A_113 : vector<16xi32>
      %gather3A_115 = tpu.vector_load_idx %arg4[%add3A_114] : memref<25600xi32, #tpu.memory_space<vmem>>[vector<16xi32>], vector<16xi32>,
      %shift_left3A_116 = arith.constant 4 : i32
      %shift_left3A_117 = vector.broadcast %shift_left3A_116 : i32 to vector<16xi32>
      %shift_left3A_118 = arith.shli %gather3A_103, %shift_left3A_117 : vector<16xi32>
      %add3A_119 = arith.addi %shift_left3A_118, %iota3A : vector<16xi32>
      %shift_left3A_120 = arith.constant 4 : i32
      %shift_left3A_121 = vector.broadcast %shift_left3A_120 : i32 to vector<16xi32>
      %shift_left3A_122 = arith.shli %gather3A_107, %shift_left3A_121 : vector<16xi32>
      %add3A_123 = arith.addi %shift_left3A_122, %iota3A : vector<16xi32>
      %shift_left3A_124 = arith.constant 4 : i32
      %shift_left3A_125 = vector.broadcast %shift_left3A_124 : i32 to vector<16xi32>
      %shift_left3A_126 = arith.shli %gather3A_111, %shift_left3A_125 : vector<16xi32>
      %add3A_127 = arith.addi %shift_left3A_126, %iota3A : vector<16xi32>
      %shift_left3A_128 = arith.constant 4 : i32
      %shift_left3A_129 = vector.broadcast %shift_left3A_128 : i32 to vector<16xi32>
      %shift_left3A_130 = arith.shli %gather3A_115, %shift_left3A_129 : vector<16xi32>
      %add3A_131 = arith.addi %shift_left3A_130, %iota3A : vector<16xi32>
      %gather3A_132 = tpu.vector_load_idx %arg5[%add3A_119] : memref<19456xi32, #tpu.memory_space<vmem>>[vector<16xi32>], vector<16xi32>,
      %gather3A_133 = tpu.vector_load_idx %arg6[%add3A_123] : memref<19456xi32, #tpu.memory_space<vmem>>[vector<16xi32>], vector<16xi32>,
      %gather3A_134 = tpu.vector_load_idx %arg7[%add3A_127] : memref<19456xi32, #tpu.memory_space<vmem>>[vector<16xi32>], vector<16xi32>,
      %gather3A_135 = tpu.vector_load_idx %arg8[%add3A_131] : memref<19456xi32, #tpu.memory_space<vmem>>[vector<16xi32>], vector<16xi32>,
      %ne3A_136 = arith.cmpi ne, %gather3A_132, %and3A_34 : vector<16xi32>
      %ne3A_137 = arith.cmpi ne, %gather3A_133, %and3A_34 : vector<16xi32>
      %ne3A_138 = arith.cmpi ne, %gather3A_134, %and3A_34 : vector<16xi32>
      %ne3A_139 = arith.cmpi ne, %gather3A_135, %and3A_34 : vector<16xi32>
      tpu.vector_store_idx %arg9[%gather3A_103], %broadcast_in_dim3A_4 masked %ne3A_136 {add = true} : memref<1280xi32, #tpu.memory_space<vmem>>[vector<16xi32>], vector<16xi32>, vector<16xi1>
      tpu.vector_store_idx %arg5[%add3A_119], %and3A_34 : memref<19456xi32, #tpu.memory_space<vmem>>[vector<16xi32>], vector<16xi32>,
      tpu.vector_store_idx %arg9[%gather3A_107], %broadcast_in_dim3A_4 masked %ne3A_137 {add = true} : memref<1280xi32, #tpu.memory_space<vmem>>[vector<16xi32>], vector<16xi32>, vector<16xi1>
      tpu.vector_store_idx %arg6[%add3A_123], %and3A_34 : memref<19456xi32, #tpu.memory_space<vmem>>[vector<16xi32>], vector<16xi32>,
      tpu.vector_store_idx %arg9[%gather3A_111], %broadcast_in_dim3A_4 masked %ne3A_138 {add = true} : memref<1280xi32, #tpu.memory_space<vmem>>[vector<16xi32>], vector<16xi32>, vector<16xi1>
      tpu.vector_store_idx %arg7[%add3A_127], %and3A_34 : memref<19456xi32, #tpu.memory_space<vmem>>[vector<16xi32>], vector<16xi32>,
      tpu.vector_store_idx %arg9[%gather3A_115], %broadcast_in_dim3A_4 masked %ne3A_139 {add = true} : memref<1280xi32, #tpu.memory_space<vmem>>[vector<16xi32>], vector<16xi32>, vector<16xi1>
      tpu.vector_store_idx %arg8[%add3A_131], %and3A_34 : memref<19456xi32, #tpu.memory_space<vmem>>[vector<16xi32>], vector<16xi32>,
      %add3A_140 = arith.constant 2 : i32
      %add3A_141 = vector.broadcast %add3A_140 : i32 to vector<16xi32>
      %add3A_142 = arith.addi %add3A_41, %add3A_141 : vector<16xi32>
      %gather3A_143 = tpu.vector_load_idx %arg4[%add3A_142] : memref<25600xi32, #tpu.memory_space<vmem>>[vector<16xi32>], vector<16xi32>,
      %add3A_144 = arith.constant 2 : i32
      %add3A_145 = vector.broadcast %add3A_144 : i32 to vector<16xi32>
      %add3A_146 = arith.addi %add3A_48, %add3A_145 : vector<16xi32>
      %gather3A_147 = tpu.vector_load_idx %arg4[%add3A_146] : memref<25600xi32, #tpu.memory_space<vmem>>[vector<16xi32>], vector<16xi32>,
      %add3A_148 = arith.constant 2 : i32
      %add3A_149 = vector.broadcast %add3A_148 : i32 to vector<16xi32>
      %add3A_150 = arith.addi %add3A_55, %add3A_149 : vector<16xi32>
      %gather3A_151 = tpu.vector_load_idx %arg4[%add3A_150] : memref<25600xi32, #tpu.memory_space<vmem>>[vector<16xi32>], vector<16xi32>,
      %add3A_152 = arith.constant 2 : i32
      %add3A_153 = vector.broadcast %add3A_152 : i32 to vector<16xi32>
      %add3A_154 = arith.addi %add3A_62, %add3A_153 : vector<16xi32>
      %gather3A_155 = tpu.vector_load_idx %arg4[%add3A_154] : memref<25600xi32, #tpu.memory_space<vmem>>[vector<16xi32>], vector<16xi32>,
      %shift_left3A_156 = arith.constant 4 : i32
      %shift_left3A_157 = vector.broadcast %shift_left3A_156 : i32 to vector<16xi32>
      %shift_left3A_158 = arith.shli %gather3A_143, %shift_left3A_157 : vector<16xi32>
      %add3A_159 = arith.addi %shift_left3A_158, %iota3A : vector<16xi32>
      %shift_left3A_160 = arith.constant 4 : i32
      %shift_left3A_161 = vector.broadcast %shift_left3A_160 : i32 to vector<16xi32>
      %shift_left3A_162 = arith.shli %gather3A_147, %shift_left3A_161 : vector<16xi32>
      %add3A_163 = arith.addi %shift_left3A_162, %iota3A : vector<16xi32>
      %shift_left3A_164 = arith.constant 4 : i32
      %shift_left3A_165 = vector.broadcast %shift_left3A_164 : i32 to vector<16xi32>
      %shift_left3A_166 = arith.shli %gather3A_151, %shift_left3A_165 : vector<16xi32>
      %add3A_167 = arith.addi %shift_left3A_166, %iota3A : vector<16xi32>
      %shift_left3A_168 = arith.constant 4 : i32
      %shift_left3A_169 = vector.broadcast %shift_left3A_168 : i32 to vector<16xi32>
      %shift_left3A_170 = arith.shli %gather3A_155, %shift_left3A_169 : vector<16xi32>
      %add3A_171 = arith.addi %shift_left3A_170, %iota3A : vector<16xi32>
      %gather3A_172 = tpu.vector_load_idx %arg5[%add3A_159] : memref<19456xi32, #tpu.memory_space<vmem>>[vector<16xi32>], vector<16xi32>,
      %gather3A_173 = tpu.vector_load_idx %arg6[%add3A_163] : memref<19456xi32, #tpu.memory_space<vmem>>[vector<16xi32>], vector<16xi32>,
      %gather3A_174 = tpu.vector_load_idx %arg7[%add3A_167] : memref<19456xi32, #tpu.memory_space<vmem>>[vector<16xi32>], vector<16xi32>,
      %gather3A_175 = tpu.vector_load_idx %arg8[%add3A_171] : memref<19456xi32, #tpu.memory_space<vmem>>[vector<16xi32>], vector<16xi32>,
      %ne3A_176 = arith.cmpi ne, %gather3A_172, %and3A_34 : vector<16xi32>
      %ne3A_177 = arith.cmpi ne, %gather3A_173, %and3A_34 : vector<16xi32>
      %ne3A_178 = arith.cmpi ne, %gather3A_174, %and3A_34 : vector<16xi32>
      %ne3A_179 = arith.cmpi ne, %gather3A_175, %and3A_34 : vector<16xi32>
      tpu.vector_store_idx %arg9[%gather3A_143], %broadcast_in_dim3A_4 masked %ne3A_176 {add = true} : memref<1280xi32, #tpu.memory_space<vmem>>[vector<16xi32>], vector<16xi32>, vector<16xi1>
      tpu.vector_store_idx %arg5[%add3A_159], %and3A_34 : memref<19456xi32, #tpu.memory_space<vmem>>[vector<16xi32>], vector<16xi32>,
      tpu.vector_store_idx %arg9[%gather3A_147], %broadcast_in_dim3A_4 masked %ne3A_177 {add = true} : memref<1280xi32, #tpu.memory_space<vmem>>[vector<16xi32>], vector<16xi32>, vector<16xi1>
      tpu.vector_store_idx %arg6[%add3A_163], %and3A_34 : memref<19456xi32, #tpu.memory_space<vmem>>[vector<16xi32>], vector<16xi32>,
      tpu.vector_store_idx %arg9[%gather3A_151], %broadcast_in_dim3A_4 masked %ne3A_178 {add = true} : memref<1280xi32, #tpu.memory_space<vmem>>[vector<16xi32>], vector<16xi32>, vector<16xi1>
      tpu.vector_store_idx %arg7[%add3A_167], %and3A_34 : memref<19456xi32, #tpu.memory_space<vmem>>[vector<16xi32>], vector<16xi32>,
      tpu.vector_store_idx %arg9[%gather3A_155], %broadcast_in_dim3A_4 masked %ne3A_179 {add = true} : memref<1280xi32, #tpu.memory_space<vmem>>[vector<16xi32>], vector<16xi32>, vector<16xi1>
      tpu.vector_store_idx %arg8[%add3A_171], %and3A_34 : memref<19456xi32, #tpu.memory_space<vmem>>[vector<16xi32>], vector<16xi32>,
      %add3A_180 = arith.constant 3 : i32
      %add3A_181 = vector.broadcast %add3A_180 : i32 to vector<16xi32>
      %add3A_182 = arith.addi %add3A_41, %add3A_181 : vector<16xi32>
      %gather3A_183 = tpu.vector_load_idx %arg4[%add3A_182] : memref<25600xi32, #tpu.memory_space<vmem>>[vector<16xi32>], vector<16xi32>,
      %add3A_184 = arith.constant 3 : i32
      %add3A_185 = vector.broadcast %add3A_184 : i32 to vector<16xi32>
      %add3A_186 = arith.addi %add3A_48, %add3A_185 : vector<16xi32>
      %gather3A_187 = tpu.vector_load_idx %arg4[%add3A_186] : memref<25600xi32, #tpu.memory_space<vmem>>[vector<16xi32>], vector<16xi32>,
      %add3A_188 = arith.constant 3 : i32
      %add3A_189 = vector.broadcast %add3A_188 : i32 to vector<16xi32>
      %add3A_190 = arith.addi %add3A_55, %add3A_189 : vector<16xi32>
      %gather3A_191 = tpu.vector_load_idx %arg4[%add3A_190] : memref<25600xi32, #tpu.memory_space<vmem>>[vector<16xi32>], vector<16xi32>,
      %add3A_192 = arith.constant 3 : i32
      %add3A_193 = vector.broadcast %add3A_192 : i32 to vector<16xi32>
      %add3A_194 = arith.addi %add3A_62, %add3A_193 : vector<16xi32>
      %gather3A_195 = tpu.vector_load_idx %arg4[%add3A_194] : memref<25600xi32, #tpu.memory_space<vmem>>[vector<16xi32>], vector<16xi32>,
      %shift_left3A_196 = arith.constant 4 : i32
      %shift_left3A_197 = vector.broadcast %shift_left3A_196 : i32 to vector<16xi32>
      %shift_left3A_198 = arith.shli %gather3A_183, %shift_left3A_197 : vector<16xi32>
      %add3A_199 = arith.addi %shift_left3A_198, %iota3A : vector<16xi32>
      %shift_left3A_200 = arith.constant 4 : i32
      %shift_left3A_201 = vector.broadcast %shift_left3A_200 : i32 to vector<16xi32>
      %shift_left3A_202 = arith.shli %gather3A_187, %shift_left3A_201 : vector<16xi32>
      %add3A_203 = arith.addi %shift_left3A_202, %iota3A : vector<16xi32>
      %shift_left3A_204 = arith.constant 4 : i32
      %shift_left3A_205 = vector.broadcast %shift_left3A_204 : i32 to vector<16xi32>
      %shift_left3A_206 = arith.shli %gather3A_191, %shift_left3A_205 : vector<16xi32>
      %add3A_207 = arith.addi %shift_left3A_206, %iota3A : vector<16xi32>
      %shift_left3A_208 = arith.constant 4 : i32
      %shift_left3A_209 = vector.broadcast %shift_left3A_208 : i32 to vector<16xi32>
      %shift_left3A_210 = arith.shli %gather3A_195, %shift_left3A_209 : vector<16xi32>
      %add3A_211 = arith.addi %shift_left3A_210, %iota3A : vector<16xi32>
      %gather3A_212 = tpu.vector_load_idx %arg5[%add3A_199] : memref<19456xi32, #tpu.memory_space<vmem>>[vector<16xi32>], vector<16xi32>,
      %gather3A_213 = tpu.vector_load_idx %arg6[%add3A_203] : memref<19456xi32, #tpu.memory_space<vmem>>[vector<16xi32>], vector<16xi32>,
      %gather3A_214 = tpu.vector_load_idx %arg7[%add3A_207] : memref<19456xi32, #tpu.memory_space<vmem>>[vector<16xi32>], vector<16xi32>,
      %gather3A_215 = tpu.vector_load_idx %arg8[%add3A_211] : memref<19456xi32, #tpu.memory_space<vmem>>[vector<16xi32>], vector<16xi32>,
      %ne3A_216 = arith.cmpi ne, %gather3A_212, %and3A_34 : vector<16xi32>
      %ne3A_217 = arith.cmpi ne, %gather3A_213, %and3A_34 : vector<16xi32>
      %ne3A_218 = arith.cmpi ne, %gather3A_214, %and3A_34 : vector<16xi32>
      %ne3A_219 = arith.cmpi ne, %gather3A_215, %and3A_34 : vector<16xi32>
      tpu.vector_store_idx %arg9[%gather3A_183], %broadcast_in_dim3A_4 masked %ne3A_216 {add = true} : memref<1280xi32, #tpu.memory_space<vmem>>[vector<16xi32>], vector<16xi32>, vector<16xi1>
      tpu.vector_store_idx %arg5[%add3A_199], %and3A_34 : memref<19456xi32, #tpu.memory_space<vmem>>[vector<16xi32>], vector<16xi32>,
      tpu.vector_store_idx %arg9[%gather3A_187], %broadcast_in_dim3A_4 masked %ne3A_217 {add = true} : memref<1280xi32, #tpu.memory_space<vmem>>[vector<16xi32>], vector<16xi32>, vector<16xi1>
      tpu.vector_store_idx %arg6[%add3A_203], %and3A_34 : memref<19456xi32, #tpu.memory_space<vmem>>[vector<16xi32>], vector<16xi32>,
      tpu.vector_store_idx %arg9[%gather3A_191], %broadcast_in_dim3A_4 masked %ne3A_218 {add = true} : memref<1280xi32, #tpu.memory_space<vmem>>[vector<16xi32>], vector<16xi32>, vector<16xi1>
      tpu.vector_store_idx %arg7[%add3A_207], %and3A_34 : memref<19456xi32, #tpu.memory_space<vmem>>[vector<16xi32>], vector<16xi32>,
      tpu.vector_store_idx %arg9[%gather3A_195], %broadcast_in_dim3A_4 masked %ne3A_219 {add = true} : memref<1280xi32, #tpu.memory_space<vmem>>[vector<16xi32>], vector<16xi32>, vector<16xi1>
      tpu.vector_store_idx %arg8[%add3A_211], %and3A_34 : memref<19456xi32, #tpu.memory_space<vmem>>[vector<16xi32>], vector<16xi32>,
      %add3A_220 = arith.constant 4 : i32
      %add3A_221 = vector.broadcast %add3A_220 : i32 to vector<16xi32>
      %add3A_222 = arith.addi %add3A_41, %add3A_221 : vector<16xi32>
      %gather3A_223 = tpu.vector_load_idx %arg4[%add3A_222] : memref<25600xi32, #tpu.memory_space<vmem>>[vector<16xi32>], vector<16xi32>,
      %add3A_224 = arith.constant 4 : i32
      %add3A_225 = vector.broadcast %add3A_224 : i32 to vector<16xi32>
      %add3A_226 = arith.addi %add3A_48, %add3A_225 : vector<16xi32>
      %gather3A_227 = tpu.vector_load_idx %arg4[%add3A_226] : memref<25600xi32, #tpu.memory_space<vmem>>[vector<16xi32>], vector<16xi32>,
      %add3A_228 = arith.constant 4 : i32
      %add3A_229 = vector.broadcast %add3A_228 : i32 to vector<16xi32>
      %add3A_230 = arith.addi %add3A_55, %add3A_229 : vector<16xi32>
      %gather3A_231 = tpu.vector_load_idx %arg4[%add3A_230] : memref<25600xi32, #tpu.memory_space<vmem>>[vector<16xi32>], vector<16xi32>,
      %add3A_232 = arith.constant 4 : i32
      %add3A_233 = vector.broadcast %add3A_232 : i32 to vector<16xi32>
      %add3A_234 = arith.addi %add3A_62, %add3A_233 : vector<16xi32>
      %gather3A_235 = tpu.vector_load_idx %arg4[%add3A_234] : memref<25600xi32, #tpu.memory_space<vmem>>[vector<16xi32>], vector<16xi32>,
      %shift_left3A_236 = arith.constant 4 : i32
      %shift_left3A_237 = vector.broadcast %shift_left3A_236 : i32 to vector<16xi32>
      %shift_left3A_238 = arith.shli %gather3A_223, %shift_left3A_237 : vector<16xi32>
      %add3A_239 = arith.addi %shift_left3A_238, %iota3A : vector<16xi32>
      %shift_left3A_240 = arith.constant 4 : i32
      %shift_left3A_241 = vector.broadcast %shift_left3A_240 : i32 to vector<16xi32>
      %shift_left3A_242 = arith.shli %gather3A_227, %shift_left3A_241 : vector<16xi32>
      %add3A_243 = arith.addi %shift_left3A_242, %iota3A : vector<16xi32>
      %shift_left3A_244 = arith.constant 4 : i32
      %shift_left3A_245 = vector.broadcast %shift_left3A_244 : i32 to vector<16xi32>
      %shift_left3A_246 = arith.shli %gather3A_231, %shift_left3A_245 : vector<16xi32>
      %add3A_247 = arith.addi %shift_left3A_246, %iota3A : vector<16xi32>
      %shift_left3A_248 = arith.constant 4 : i32
      %shift_left3A_249 = vector.broadcast %shift_left3A_248 : i32 to vector<16xi32>
      %shift_left3A_250 = arith.shli %gather3A_235, %shift_left3A_249 : vector<16xi32>
      %add3A_251 = arith.addi %shift_left3A_250, %iota3A : vector<16xi32>
      %gather3A_252 = tpu.vector_load_idx %arg5[%add3A_239] : memref<19456xi32, #tpu.memory_space<vmem>>[vector<16xi32>], vector<16xi32>,
      %gather3A_253 = tpu.vector_load_idx %arg6[%add3A_243] : memref<19456xi32, #tpu.memory_space<vmem>>[vector<16xi32>], vector<16xi32>,
      %gather3A_254 = tpu.vector_load_idx %arg7[%add3A_247] : memref<19456xi32, #tpu.memory_space<vmem>>[vector<16xi32>], vector<16xi32>,
      %gather3A_255 = tpu.vector_load_idx %arg8[%add3A_251] : memref<19456xi32, #tpu.memory_space<vmem>>[vector<16xi32>], vector<16xi32>,
      %ne3A_256 = arith.cmpi ne, %gather3A_252, %and3A_34 : vector<16xi32>
      %ne3A_257 = arith.cmpi ne, %gather3A_253, %and3A_34 : vector<16xi32>
      %ne3A_258 = arith.cmpi ne, %gather3A_254, %and3A_34 : vector<16xi32>
      %ne3A_259 = arith.cmpi ne, %gather3A_255, %and3A_34 : vector<16xi32>
      tpu.vector_store_idx %arg9[%gather3A_223], %broadcast_in_dim3A_4 masked %ne3A_256 {add = true} : memref<1280xi32, #tpu.memory_space<vmem>>[vector<16xi32>], vector<16xi32>, vector<16xi1>
      tpu.vector_store_idx %arg5[%add3A_239], %and3A_34 : memref<19456xi32, #tpu.memory_space<vmem>>[vector<16xi32>], vector<16xi32>,
      tpu.vector_store_idx %arg9[%gather3A_227], %broadcast_in_dim3A_4 masked %ne3A_257 {add = true} : memref<1280xi32, #tpu.memory_space<vmem>>[vector<16xi32>], vector<16xi32>, vector<16xi1>
      tpu.vector_store_idx %arg6[%add3A_243], %and3A_34 : memref<19456xi32, #tpu.memory_space<vmem>>[vector<16xi32>], vector<16xi32>,
      tpu.vector_store_idx %arg9[%gather3A_231], %broadcast_in_dim3A_4 masked %ne3A_258 {add = true} : memref<1280xi32, #tpu.memory_space<vmem>>[vector<16xi32>], vector<16xi32>, vector<16xi1>
      tpu.vector_store_idx %arg7[%add3A_247], %and3A_34 : memref<19456xi32, #tpu.memory_space<vmem>>[vector<16xi32>], vector<16xi32>,
      tpu.vector_store_idx %arg9[%gather3A_235], %broadcast_in_dim3A_4 masked %ne3A_259 {add = true} : memref<1280xi32, #tpu.memory_space<vmem>>[vector<16xi32>], vector<16xi32>, vector<16xi1>
      tpu.vector_store_idx %arg8[%add3A_251], %and3A_34 : memref<19456xi32, #tpu.memory_space<vmem>>[vector<16xi32>], vector<16xi32>,
      %add3A_260 = arith.constant 5 : i32
      %add3A_261 = vector.broadcast %add3A_260 : i32 to vector<16xi32>
      %add3A_262 = arith.addi %add3A_41, %add3A_261 : vector<16xi32>
      %gather3A_263 = tpu.vector_load_idx %arg4[%add3A_262] : memref<25600xi32, #tpu.memory_space<vmem>>[vector<16xi32>], vector<16xi32>,
      %add3A_264 = arith.constant 5 : i32
      %add3A_265 = vector.broadcast %add3A_264 : i32 to vector<16xi32>
      %add3A_266 = arith.addi %add3A_48, %add3A_265 : vector<16xi32>
      %gather3A_267 = tpu.vector_load_idx %arg4[%add3A_266] : memref<25600xi32, #tpu.memory_space<vmem>>[vector<16xi32>], vector<16xi32>,
      %add3A_268 = arith.constant 5 : i32
      %add3A_269 = vector.broadcast %add3A_268 : i32 to vector<16xi32>
      %add3A_270 = arith.addi %add3A_55, %add3A_269 : vector<16xi32>
      %gather3A_271 = tpu.vector_load_idx %arg4[%add3A_270] : memref<25600xi32, #tpu.memory_space<vmem>>[vector<16xi32>], vector<16xi32>,
      %add3A_272 = arith.constant 5 : i32
      %add3A_273 = vector.broadcast %add3A_272 : i32 to vector<16xi32>
      %add3A_274 = arith.addi %add3A_62, %add3A_273 : vector<16xi32>
      %gather3A_275 = tpu.vector_load_idx %arg4[%add3A_274] : memref<25600xi32, #tpu.memory_space<vmem>>[vector<16xi32>], vector<16xi32>,
      %shift_left3A_276 = arith.constant 4 : i32
      %shift_left3A_277 = vector.broadcast %shift_left3A_276 : i32 to vector<16xi32>
      %shift_left3A_278 = arith.shli %gather3A_263, %shift_left3A_277 : vector<16xi32>
      %add3A_279 = arith.addi %shift_left3A_278, %iota3A : vector<16xi32>
      %shift_left3A_280 = arith.constant 4 : i32
      %shift_left3A_281 = vector.broadcast %shift_left3A_280 : i32 to vector<16xi32>
      %shift_left3A_282 = arith.shli %gather3A_267, %shift_left3A_281 : vector<16xi32>
      %add3A_283 = arith.addi %shift_left3A_282, %iota3A : vector<16xi32>
      %shift_left3A_284 = arith.constant 4 : i32
      %shift_left3A_285 = vector.broadcast %shift_left3A_284 : i32 to vector<16xi32>
      %shift_left3A_286 = arith.shli %gather3A_271, %shift_left3A_285 : vector<16xi32>
      %add3A_287 = arith.addi %shift_left3A_286, %iota3A : vector<16xi32>
      %shift_left3A_288 = arith.constant 4 : i32
      %shift_left3A_289 = vector.broadcast %shift_left3A_288 : i32 to vector<16xi32>
      %shift_left3A_290 = arith.shli %gather3A_275, %shift_left3A_289 : vector<16xi32>
      %add3A_291 = arith.addi %shift_left3A_290, %iota3A : vector<16xi32>
      %gather3A_292 = tpu.vector_load_idx %arg5[%add3A_279] : memref<19456xi32, #tpu.memory_space<vmem>>[vector<16xi32>], vector<16xi32>,
      %gather3A_293 = tpu.vector_load_idx %arg6[%add3A_283] : memref<19456xi32, #tpu.memory_space<vmem>>[vector<16xi32>], vector<16xi32>,
      %gather3A_294 = tpu.vector_load_idx %arg7[%add3A_287] : memref<19456xi32, #tpu.memory_space<vmem>>[vector<16xi32>], vector<16xi32>,
      %gather3A_295 = tpu.vector_load_idx %arg8[%add3A_291] : memref<19456xi32, #tpu.memory_space<vmem>>[vector<16xi32>], vector<16xi32>,
      %ne3A_296 = arith.cmpi ne, %gather3A_292, %and3A_34 : vector<16xi32>
      %ne3A_297 = arith.cmpi ne, %gather3A_293, %and3A_34 : vector<16xi32>
      %ne3A_298 = arith.cmpi ne, %gather3A_294, %and3A_34 : vector<16xi32>
      %ne3A_299 = arith.cmpi ne, %gather3A_295, %and3A_34 : vector<16xi32>
      tpu.vector_store_idx %arg9[%gather3A_263], %broadcast_in_dim3A_4 masked %ne3A_296 {add = true} : memref<1280xi32, #tpu.memory_space<vmem>>[vector<16xi32>], vector<16xi32>, vector<16xi1>
      tpu.vector_store_idx %arg5[%add3A_279], %and3A_34 : memref<19456xi32, #tpu.memory_space<vmem>>[vector<16xi32>], vector<16xi32>,
      tpu.vector_store_idx %arg9[%gather3A_267], %broadcast_in_dim3A_4 masked %ne3A_297 {add = true} : memref<1280xi32, #tpu.memory_space<vmem>>[vector<16xi32>], vector<16xi32>, vector<16xi1>
      tpu.vector_store_idx %arg6[%add3A_283], %and3A_34 : memref<19456xi32, #tpu.memory_space<vmem>>[vector<16xi32>], vector<16xi32>,
      tpu.vector_store_idx %arg9[%gather3A_271], %broadcast_in_dim3A_4 masked %ne3A_298 {add = true} : memref<1280xi32, #tpu.memory_space<vmem>>[vector<16xi32>], vector<16xi32>, vector<16xi1>
      tpu.vector_store_idx %arg7[%add3A_287], %and3A_34 : memref<19456xi32, #tpu.memory_space<vmem>>[vector<16xi32>], vector<16xi32>,
      tpu.vector_store_idx %arg9[%gather3A_275], %broadcast_in_dim3A_4 masked %ne3A_299 {add = true} : memref<1280xi32, #tpu.memory_space<vmem>>[vector<16xi32>], vector<16xi32>, vector<16xi1>
      tpu.vector_store_idx %arg8[%add3A_291], %and3A_34 : memref<19456xi32, #tpu.memory_space<vmem>>[vector<16xi32>], vector<16xi32>,
      %add3A_300 = arith.constant 6 : i32
      %add3A_301 = vector.broadcast %add3A_300 : i32 to vector<16xi32>
      %add3A_302 = arith.addi %add3A_41, %add3A_301 : vector<16xi32>
      %gather3A_303 = tpu.vector_load_idx %arg4[%add3A_302] : memref<25600xi32, #tpu.memory_space<vmem>>[vector<16xi32>], vector<16xi32>,
      %add3A_304 = arith.constant 6 : i32
      %add3A_305 = vector.broadcast %add3A_304 : i32 to vector<16xi32>
      %add3A_306 = arith.addi %add3A_48, %add3A_305 : vector<16xi32>
      %gather3A_307 = tpu.vector_load_idx %arg4[%add3A_306] : memref<25600xi32, #tpu.memory_space<vmem>>[vector<16xi32>], vector<16xi32>,
      %add3A_308 = arith.constant 6 : i32
      %add3A_309 = vector.broadcast %add3A_308 : i32 to vector<16xi32>
      %add3A_310 = arith.addi %add3A_55, %add3A_309 : vector<16xi32>
      %gather3A_311 = tpu.vector_load_idx %arg4[%add3A_310] : memref<25600xi32, #tpu.memory_space<vmem>>[vector<16xi32>], vector<16xi32>,
      %add3A_312 = arith.constant 6 : i32
      %add3A_313 = vector.broadcast %add3A_312 : i32 to vector<16xi32>
      %add3A_314 = arith.addi %add3A_62, %add3A_313 : vector<16xi32>
      %gather3A_315 = tpu.vector_load_idx %arg4[%add3A_314] : memref<25600xi32, #tpu.memory_space<vmem>>[vector<16xi32>], vector<16xi32>,
      %shift_left3A_316 = arith.constant 4 : i32
      %shift_left3A_317 = vector.broadcast %shift_left3A_316 : i32 to vector<16xi32>
      %shift_left3A_318 = arith.shli %gather3A_303, %shift_left3A_317 : vector<16xi32>
      %add3A_319 = arith.addi %shift_left3A_318, %iota3A : vector<16xi32>
      %shift_left3A_320 = arith.constant 4 : i32
      %shift_left3A_321 = vector.broadcast %shift_left3A_320 : i32 to vector<16xi32>
      %shift_left3A_322 = arith.shli %gather3A_307, %shift_left3A_321 : vector<16xi32>
      %add3A_323 = arith.addi %shift_left3A_322, %iota3A : vector<16xi32>
      %shift_left3A_324 = arith.constant 4 : i32
      %shift_left3A_325 = vector.broadcast %shift_left3A_324 : i32 to vector<16xi32>
      %shift_left3A_326 = arith.shli %gather3A_311, %shift_left3A_325 : vector<16xi32>
      %add3A_327 = arith.addi %shift_left3A_326, %iota3A : vector<16xi32>
      %shift_left3A_328 = arith.constant 4 : i32
      %shift_left3A_329 = vector.broadcast %shift_left3A_328 : i32 to vector<16xi32>
      %shift_left3A_330 = arith.shli %gather3A_315, %shift_left3A_329 : vector<16xi32>
      %add3A_331 = arith.addi %shift_left3A_330, %iota3A : vector<16xi32>
      %gather3A_332 = tpu.vector_load_idx %arg5[%add3A_319] : memref<19456xi32, #tpu.memory_space<vmem>>[vector<16xi32>], vector<16xi32>,
      %gather3A_333 = tpu.vector_load_idx %arg6[%add3A_323] : memref<19456xi32, #tpu.memory_space<vmem>>[vector<16xi32>], vector<16xi32>,
      %gather3A_334 = tpu.vector_load_idx %arg7[%add3A_327] : memref<19456xi32, #tpu.memory_space<vmem>>[vector<16xi32>], vector<16xi32>,
      %gather3A_335 = tpu.vector_load_idx %arg8[%add3A_331] : memref<19456xi32, #tpu.memory_space<vmem>>[vector<16xi32>], vector<16xi32>,
      %ne3A_336 = arith.cmpi ne, %gather3A_332, %and3A_34 : vector<16xi32>
      %ne3A_337 = arith.cmpi ne, %gather3A_333, %and3A_34 : vector<16xi32>
      %ne3A_338 = arith.cmpi ne, %gather3A_334, %and3A_34 : vector<16xi32>
      %ne3A_339 = arith.cmpi ne, %gather3A_335, %and3A_34 : vector<16xi32>
      tpu.vector_store_idx %arg9[%gather3A_303], %broadcast_in_dim3A_4 masked %ne3A_336 {add = true} : memref<1280xi32, #tpu.memory_space<vmem>>[vector<16xi32>], vector<16xi32>, vector<16xi1>
      tpu.vector_store_idx %arg5[%add3A_319], %and3A_34 : memref<19456xi32, #tpu.memory_space<vmem>>[vector<16xi32>], vector<16xi32>,
      tpu.vector_store_idx %arg9[%gather3A_307], %broadcast_in_dim3A_4 masked %ne3A_337 {add = true} : memref<1280xi32, #tpu.memory_space<vmem>>[vector<16xi32>], vector<16xi32>, vector<16xi1>
      tpu.vector_store_idx %arg6[%add3A_323], %and3A_34 : memref<19456xi32, #tpu.memory_space<vmem>>[vector<16xi32>], vector<16xi32>,
      tpu.vector_store_idx %arg9[%gather3A_311], %broadcast_in_dim3A_4 masked %ne3A_338 {add = true} : memref<1280xi32, #tpu.memory_space<vmem>>[vector<16xi32>], vector<16xi32>, vector<16xi1>
      tpu.vector_store_idx %arg7[%add3A_327], %and3A_34 : memref<19456xi32, #tpu.memory_space<vmem>>[vector<16xi32>], vector<16xi32>,
      tpu.vector_store_idx %arg9[%gather3A_315], %broadcast_in_dim3A_4 masked %ne3A_339 {add = true} : memref<1280xi32, #tpu.memory_space<vmem>>[vector<16xi32>], vector<16xi32>, vector<16xi1>
      tpu.vector_store_idx %arg8[%add3A_331], %and3A_34 : memref<19456xi32, #tpu.memory_space<vmem>>[vector<16xi32>], vector<16xi32>,
      %add3A_340 = arith.constant 7 : i32
      %add3A_341 = vector.broadcast %add3A_340 : i32 to vector<16xi32>
      %add3A_342 = arith.addi %add3A_41, %add3A_341 : vector<16xi32>
      %gather3A_343 = tpu.vector_load_idx %arg4[%add3A_342] : memref<25600xi32, #tpu.memory_space<vmem>>[vector<16xi32>], vector<16xi32>,
      %add3A_344 = arith.constant 7 : i32
      %add3A_345 = vector.broadcast %add3A_344 : i32 to vector<16xi32>
      %add3A_346 = arith.addi %add3A_48, %add3A_345 : vector<16xi32>
      %gather3A_347 = tpu.vector_load_idx %arg4[%add3A_346] : memref<25600xi32, #tpu.memory_space<vmem>>[vector<16xi32>], vector<16xi32>,
      %add3A_348 = arith.constant 7 : i32
      %add3A_349 = vector.broadcast %add3A_348 : i32 to vector<16xi32>
      %add3A_350 = arith.addi %add3A_55, %add3A_349 : vector<16xi32>
      %gather3A_351 = tpu.vector_load_idx %arg4[%add3A_350] : memref<25600xi32, #tpu.memory_space<vmem>>[vector<16xi32>], vector<16xi32>,
      %add3A_352 = arith.constant 7 : i32
      %add3A_353 = vector.broadcast %add3A_352 : i32 to vector<16xi32>
      %add3A_354 = arith.addi %add3A_62, %add3A_353 : vector<16xi32>
      %gather3A_355 = tpu.vector_load_idx %arg4[%add3A_354] : memref<25600xi32, #tpu.memory_space<vmem>>[vector<16xi32>], vector<16xi32>,
      %shift_left3A_356 = arith.constant 4 : i32
      %shift_left3A_357 = vector.broadcast %shift_left3A_356 : i32 to vector<16xi32>
      %shift_left3A_358 = arith.shli %gather3A_343, %shift_left3A_357 : vector<16xi32>
      %add3A_359 = arith.addi %shift_left3A_358, %iota3A : vector<16xi32>
      %shift_left3A_360 = arith.constant 4 : i32
      %shift_left3A_361 = vector.broadcast %shift_left3A_360 : i32 to vector<16xi32>
      %shift_left3A_362 = arith.shli %gather3A_347, %shift_left3A_361 : vector<16xi32>
      %add3A_363 = arith.addi %shift_left3A_362, %iota3A : vector<16xi32>
      %shift_left3A_364 = arith.constant 4 : i32
      %shift_left3A_365 = vector.broadcast %shift_left3A_364 : i32 to vector<16xi32>
      %shift_left3A_366 = arith.shli %gather3A_351, %shift_left3A_365 : vector<16xi32>
      %add3A_367 = arith.addi %shift_left3A_366, %iota3A : vector<16xi32>
      %shift_left3A_368 = arith.constant 4 : i32
      %shift_left3A_369 = vector.broadcast %shift_left3A_368 : i32 to vector<16xi32>
      %shift_left3A_370 = arith.shli %gather3A_355, %shift_left3A_369 : vector<16xi32>
      %add3A_371 = arith.addi %shift_left3A_370, %iota3A : vector<16xi32>
      %gather3A_372 = tpu.vector_load_idx %arg5[%add3A_359] : memref<19456xi32, #tpu.memory_space<vmem>>[vector<16xi32>], vector<16xi32>,
      %gather3A_373 = tpu.vector_load_idx %arg6[%add3A_363] : memref<19456xi32, #tpu.memory_space<vmem>>[vector<16xi32>], vector<16xi32>,
      %gather3A_374 = tpu.vector_load_idx %arg7[%add3A_367] : memref<19456xi32, #tpu.memory_space<vmem>>[vector<16xi32>], vector<16xi32>,
      %gather3A_375 = tpu.vector_load_idx %arg8[%add3A_371] : memref<19456xi32, #tpu.memory_space<vmem>>[vector<16xi32>], vector<16xi32>,
      %ne3A_376 = arith.cmpi ne, %gather3A_372, %and3A_34 : vector<16xi32>
      %ne3A_377 = arith.cmpi ne, %gather3A_373, %and3A_34 : vector<16xi32>
      %ne3A_378 = arith.cmpi ne, %gather3A_374, %and3A_34 : vector<16xi32>
      %ne3A_379 = arith.cmpi ne, %gather3A_375, %and3A_34 : vector<16xi32>
      tpu.vector_store_idx %arg9[%gather3A_343], %broadcast_in_dim3A_4 masked %ne3A_376 {add = true} : memref<1280xi32, #tpu.memory_space<vmem>>[vector<16xi32>], vector<16xi32>, vector<16xi1>
      tpu.vector_store_idx %arg5[%add3A_359], %and3A_34 : memref<19456xi32, #tpu.memory_space<vmem>>[vector<16xi32>], vector<16xi32>,
      tpu.vector_store_idx %arg9[%gather3A_347], %broadcast_in_dim3A_4 masked %ne3A_377 {add = true} : memref<1280xi32, #tpu.memory_space<vmem>>[vector<16xi32>], vector<16xi32>, vector<16xi1>
      tpu.vector_store_idx %arg6[%add3A_363], %and3A_34 : memref<19456xi32, #tpu.memory_space<vmem>>[vector<16xi32>], vector<16xi32>,
      tpu.vector_store_idx %arg9[%gather3A_351], %broadcast_in_dim3A_4 masked %ne3A_378 {add = true} : memref<1280xi32, #tpu.memory_space<vmem>>[vector<16xi32>], vector<16xi32>, vector<16xi1>
      tpu.vector_store_idx %arg7[%add3A_367], %and3A_34 : memref<19456xi32, #tpu.memory_space<vmem>>[vector<16xi32>], vector<16xi32>,
      tpu.vector_store_idx %arg9[%gather3A_355], %broadcast_in_dim3A_4 masked %ne3A_379 {add = true} : memref<1280xi32, #tpu.memory_space<vmem>>[vector<16xi32>], vector<16xi32>, vector<16xi1>
      tpu.vector_store_idx %arg8[%add3A_371], %and3A_34 : memref<19456xi32, #tpu.memory_space<vmem>>[vector<16xi32>], vector<16xi32>,
      %add3A_380 = arith.constant 8 : i32
      %add3A_381 = vector.broadcast %add3A_380 : i32 to vector<16xi32>
      %add3A_382 = arith.addi %add3A_41, %add3A_381 : vector<16xi32>
      %gather3A_383 = tpu.vector_load_idx %arg4[%add3A_382] : memref<25600xi32, #tpu.memory_space<vmem>>[vector<16xi32>], vector<16xi32>,
      %add3A_384 = arith.constant 8 : i32
      %add3A_385 = vector.broadcast %add3A_384 : i32 to vector<16xi32>
      %add3A_386 = arith.addi %add3A_48, %add3A_385 : vector<16xi32>
      %gather3A_387 = tpu.vector_load_idx %arg4[%add3A_386] : memref<25600xi32, #tpu.memory_space<vmem>>[vector<16xi32>], vector<16xi32>,
      %add3A_388 = arith.constant 8 : i32
      %add3A_389 = vector.broadcast %add3A_388 : i32 to vector<16xi32>
      %add3A_390 = arith.addi %add3A_55, %add3A_389 : vector<16xi32>
      %gather3A_391 = tpu.vector_load_idx %arg4[%add3A_390] : memref<25600xi32, #tpu.memory_space<vmem>>[vector<16xi32>], vector<16xi32>,
      %add3A_392 = arith.constant 8 : i32
      %add3A_393 = vector.broadcast %add3A_392 : i32 to vector<16xi32>
      %add3A_394 = arith.addi %add3A_62, %add3A_393 : vector<16xi32>
      %gather3A_395 = tpu.vector_load_idx %arg4[%add3A_394] : memref<25600xi32, #tpu.memory_space<vmem>>[vector<16xi32>], vector<16xi32>,
      %shift_left3A_396 = arith.constant 4 : i32
      %shift_left3A_397 = vector.broadcast %shift_left3A_396 : i32 to vector<16xi32>
      %shift_left3A_398 = arith.shli %gather3A_383, %shift_left3A_397 : vector<16xi32>
      %add3A_399 = arith.addi %shift_left3A_398, %iota3A : vector<16xi32>
      %shift_left3A_400 = arith.constant 4 : i32
      %shift_left3A_401 = vector.broadcast %shift_left3A_400 : i32 to vector<16xi32>
      %shift_left3A_402 = arith.shli %gather3A_387, %shift_left3A_401 : vector<16xi32>
      %add3A_403 = arith.addi %shift_left3A_402, %iota3A : vector<16xi32>
      %shift_left3A_404 = arith.constant 4 : i32
      %shift_left3A_405 = vector.broadcast %shift_left3A_404 : i32 to vector<16xi32>
      %shift_left3A_406 = arith.shli %gather3A_391, %shift_left3A_405 : vector<16xi32>
      %add3A_407 = arith.addi %shift_left3A_406, %iota3A : vector<16xi32>
      %shift_left3A_408 = arith.constant 4 : i32
      %shift_left3A_409 = vector.broadcast %shift_left3A_408 : i32 to vector<16xi32>
      %shift_left3A_410 = arith.shli %gather3A_395, %shift_left3A_409 : vector<16xi32>
      %add3A_411 = arith.addi %shift_left3A_410, %iota3A : vector<16xi32>
      %gather3A_412 = tpu.vector_load_idx %arg5[%add3A_399] : memref<19456xi32, #tpu.memory_space<vmem>>[vector<16xi32>], vector<16xi32>,
      %gather3A_413 = tpu.vector_load_idx %arg6[%add3A_403] : memref<19456xi32, #tpu.memory_space<vmem>>[vector<16xi32>], vector<16xi32>,
      %gather3A_414 = tpu.vector_load_idx %arg7[%add3A_407] : memref<19456xi32, #tpu.memory_space<vmem>>[vector<16xi32>], vector<16xi32>,
      %gather3A_415 = tpu.vector_load_idx %arg8[%add3A_411] : memref<19456xi32, #tpu.memory_space<vmem>>[vector<16xi32>], vector<16xi32>,
      %ne3A_416 = arith.cmpi ne, %gather3A_412, %and3A_34 : vector<16xi32>
      %ne3A_417 = arith.cmpi ne, %gather3A_413, %and3A_34 : vector<16xi32>
      %ne3A_418 = arith.cmpi ne, %gather3A_414, %and3A_34 : vector<16xi32>
      %ne3A_419 = arith.cmpi ne, %gather3A_415, %and3A_34 : vector<16xi32>
      tpu.vector_store_idx %arg9[%gather3A_383], %broadcast_in_dim3A_4 masked %ne3A_416 {add = true} : memref<1280xi32, #tpu.memory_space<vmem>>[vector<16xi32>], vector<16xi32>, vector<16xi1>
      tpu.vector_store_idx %arg5[%add3A_399], %and3A_34 : memref<19456xi32, #tpu.memory_space<vmem>>[vector<16xi32>], vector<16xi32>,
      tpu.vector_store_idx %arg9[%gather3A_387], %broadcast_in_dim3A_4 masked %ne3A_417 {add = true} : memref<1280xi32, #tpu.memory_space<vmem>>[vector<16xi32>], vector<16xi32>, vector<16xi1>
      tpu.vector_store_idx %arg6[%add3A_403], %and3A_34 : memref<19456xi32, #tpu.memory_space<vmem>>[vector<16xi32>], vector<16xi32>,
      tpu.vector_store_idx %arg9[%gather3A_391], %broadcast_in_dim3A_4 masked %ne3A_418 {add = true} : memref<1280xi32, #tpu.memory_space<vmem>>[vector<16xi32>], vector<16xi32>, vector<16xi1>
      tpu.vector_store_idx %arg7[%add3A_407], %and3A_34 : memref<19456xi32, #tpu.memory_space<vmem>>[vector<16xi32>], vector<16xi32>,
      tpu.vector_store_idx %arg9[%gather3A_395], %broadcast_in_dim3A_4 masked %ne3A_419 {add = true} : memref<1280xi32, #tpu.memory_space<vmem>>[vector<16xi32>], vector<16xi32>, vector<16xi1>
      tpu.vector_store_idx %arg8[%add3A_411], %and3A_34 : memref<19456xi32, #tpu.memory_space<vmem>>[vector<16xi32>], vector<16xi32>,
      %add3A_420 = arith.constant 9 : i32
      %add3A_421 = vector.broadcast %add3A_420 : i32 to vector<16xi32>
      %add3A_422 = arith.addi %add3A_41, %add3A_421 : vector<16xi32>
      %gather3A_423 = tpu.vector_load_idx %arg4[%add3A_422] : memref<25600xi32, #tpu.memory_space<vmem>>[vector<16xi32>], vector<16xi32>,
      %add3A_424 = arith.constant 9 : i32
      %add3A_425 = vector.broadcast %add3A_424 : i32 to vector<16xi32>
      %add3A_426 = arith.addi %add3A_48, %add3A_425 : vector<16xi32>
      %gather3A_427 = tpu.vector_load_idx %arg4[%add3A_426] : memref<25600xi32, #tpu.memory_space<vmem>>[vector<16xi32>], vector<16xi32>,
      %add3A_428 = arith.constant 9 : i32
      %add3A_429 = vector.broadcast %add3A_428 : i32 to vector<16xi32>
      %add3A_430 = arith.addi %add3A_55, %add3A_429 : vector<16xi32>
      %gather3A_431 = tpu.vector_load_idx %arg4[%add3A_430] : memref<25600xi32, #tpu.memory_space<vmem>>[vector<16xi32>], vector<16xi32>,
      %add3A_432 = arith.constant 9 : i32
      %add3A_433 = vector.broadcast %add3A_432 : i32 to vector<16xi32>
      %add3A_434 = arith.addi %add3A_62, %add3A_433 : vector<16xi32>
      %gather3A_435 = tpu.vector_load_idx %arg4[%add3A_434] : memref<25600xi32, #tpu.memory_space<vmem>>[vector<16xi32>], vector<16xi32>,
      %shift_left3A_436 = arith.constant 4 : i32
      %shift_left3A_437 = vector.broadcast %shift_left3A_436 : i32 to vector<16xi32>
      %shift_left3A_438 = arith.shli %gather3A_423, %shift_left3A_437 : vector<16xi32>
      %add3A_439 = arith.addi %shift_left3A_438, %iota3A : vector<16xi32>
      %shift_left3A_440 = arith.constant 4 : i32
      %shift_left3A_441 = vector.broadcast %shift_left3A_440 : i32 to vector<16xi32>
      %shift_left3A_442 = arith.shli %gather3A_427, %shift_left3A_441 : vector<16xi32>
      %add3A_443 = arith.addi %shift_left3A_442, %iota3A : vector<16xi32>
      %shift_left3A_444 = arith.constant 4 : i32
      %shift_left3A_445 = vector.broadcast %shift_left3A_444 : i32 to vector<16xi32>
      %shift_left3A_446 = arith.shli %gather3A_431, %shift_left3A_445 : vector<16xi32>
      %add3A_447 = arith.addi %shift_left3A_446, %iota3A : vector<16xi32>
      %shift_left3A_448 = arith.constant 4 : i32
      %shift_left3A_449 = vector.broadcast %shift_left3A_448 : i32 to vector<16xi32>
      %shift_left3A_450 = arith.shli %gather3A_435, %shift_left3A_449 : vector<16xi32>
      %add3A_451 = arith.addi %shift_left3A_450, %iota3A : vector<16xi32>
      %gather3A_452 = tpu.vector_load_idx %arg5[%add3A_439] : memref<19456xi32, #tpu.memory_space<vmem>>[vector<16xi32>], vector<16xi32>,
      %gather3A_453 = tpu.vector_load_idx %arg6[%add3A_443] : memref<19456xi32, #tpu.memory_space<vmem>>[vector<16xi32>], vector<16xi32>,
      %gather3A_454 = tpu.vector_load_idx %arg7[%add3A_447] : memref<19456xi32, #tpu.memory_space<vmem>>[vector<16xi32>], vector<16xi32>,
      %gather3A_455 = tpu.vector_load_idx %arg8[%add3A_451] : memref<19456xi32, #tpu.memory_space<vmem>>[vector<16xi32>], vector<16xi32>,
      %ne3A_456 = arith.cmpi ne, %gather3A_452, %and3A_34 : vector<16xi32>
      %ne3A_457 = arith.cmpi ne, %gather3A_453, %and3A_34 : vector<16xi32>
      %ne3A_458 = arith.cmpi ne, %gather3A_454, %and3A_34 : vector<16xi32>
      %ne3A_459 = arith.cmpi ne, %gather3A_455, %and3A_34 : vector<16xi32>
      tpu.vector_store_idx %arg9[%gather3A_423], %broadcast_in_dim3A_4 masked %ne3A_456 {add = true} : memref<1280xi32, #tpu.memory_space<vmem>>[vector<16xi32>], vector<16xi32>, vector<16xi1>
      tpu.vector_store_idx %arg5[%add3A_439], %and3A_34 : memref<19456xi32, #tpu.memory_space<vmem>>[vector<16xi32>], vector<16xi32>,
      tpu.vector_store_idx %arg9[%gather3A_427], %broadcast_in_dim3A_4 masked %ne3A_457 {add = true} : memref<1280xi32, #tpu.memory_space<vmem>>[vector<16xi32>], vector<16xi32>, vector<16xi1>
      tpu.vector_store_idx %arg6[%add3A_443], %and3A_34 : memref<19456xi32, #tpu.memory_space<vmem>>[vector<16xi32>], vector<16xi32>,
      tpu.vector_store_idx %arg9[%gather3A_431], %broadcast_in_dim3A_4 masked %ne3A_458 {add = true} : memref<1280xi32, #tpu.memory_space<vmem>>[vector<16xi32>], vector<16xi32>, vector<16xi1>
      tpu.vector_store_idx %arg7[%add3A_447], %and3A_34 : memref<19456xi32, #tpu.memory_space<vmem>>[vector<16xi32>], vector<16xi32>,
      tpu.vector_store_idx %arg9[%gather3A_435], %broadcast_in_dim3A_4 masked %ne3A_459 {add = true} : memref<1280xi32, #tpu.memory_space<vmem>>[vector<16xi32>], vector<16xi32>, vector<16xi1>
      tpu.vector_store_idx %arg8[%add3A_451], %and3A_34 : memref<19456xi32, #tpu.memory_space<vmem>>[vector<16xi32>], vector<16xi32>,
      %add3A_460 = arith.constant 10 : i32
      %add3A_461 = vector.broadcast %add3A_460 : i32 to vector<16xi32>
      %add3A_462 = arith.addi %add3A_41, %add3A_461 : vector<16xi32>
      %gather3A_463 = tpu.vector_load_idx %arg4[%add3A_462] : memref<25600xi32, #tpu.memory_space<vmem>>[vector<16xi32>], vector<16xi32>,
      %add3A_464 = arith.constant 10 : i32
      %add3A_465 = vector.broadcast %add3A_464 : i32 to vector<16xi32>
      %add3A_466 = arith.addi %add3A_48, %add3A_465 : vector<16xi32>
      %gather3A_467 = tpu.vector_load_idx %arg4[%add3A_466] : memref<25600xi32, #tpu.memory_space<vmem>>[vector<16xi32>], vector<16xi32>,
      %add3A_468 = arith.constant 10 : i32
      %add3A_469 = vector.broadcast %add3A_468 : i32 to vector<16xi32>
      %add3A_470 = arith.addi %add3A_55, %add3A_469 : vector<16xi32>
      %gather3A_471 = tpu.vector_load_idx %arg4[%add3A_470] : memref<25600xi32, #tpu.memory_space<vmem>>[vector<16xi32>], vector<16xi32>,
      %add3A_472 = arith.constant 10 : i32
      %add3A_473 = vector.broadcast %add3A_472 : i32 to vector<16xi32>
      %add3A_474 = arith.addi %add3A_62, %add3A_473 : vector<16xi32>
      %gather3A_475 = tpu.vector_load_idx %arg4[%add3A_474] : memref<25600xi32, #tpu.memory_space<vmem>>[vector<16xi32>], vector<16xi32>,
      %shift_left3A_476 = arith.constant 4 : i32
      %shift_left3A_477 = vector.broadcast %shift_left3A_476 : i32 to vector<16xi32>
      %shift_left3A_478 = arith.shli %gather3A_463, %shift_left3A_477 : vector<16xi32>
      %add3A_479 = arith.addi %shift_left3A_478, %iota3A : vector<16xi32>
      %shift_left3A_480 = arith.constant 4 : i32
      %shift_left3A_481 = vector.broadcast %shift_left3A_480 : i32 to vector<16xi32>
      %shift_left3A_482 = arith.shli %gather3A_467, %shift_left3A_481 : vector<16xi32>
      %add3A_483 = arith.addi %shift_left3A_482, %iota3A : vector<16xi32>
      %shift_left3A_484 = arith.constant 4 : i32
      %shift_left3A_485 = vector.broadcast %shift_left3A_484 : i32 to vector<16xi32>
      %shift_left3A_486 = arith.shli %gather3A_471, %shift_left3A_485 : vector<16xi32>
      %add3A_487 = arith.addi %shift_left3A_486, %iota3A : vector<16xi32>
      %shift_left3A_488 = arith.constant 4 : i32
      %shift_left3A_489 = vector.broadcast %shift_left3A_488 : i32 to vector<16xi32>
      %shift_left3A_490 = arith.shli %gather3A_475, %shift_left3A_489 : vector<16xi32>
      %add3A_491 = arith.addi %shift_left3A_490, %iota3A : vector<16xi32>
      %gather3A_492 = tpu.vector_load_idx %arg5[%add3A_479] : memref<19456xi32, #tpu.memory_space<vmem>>[vector<16xi32>], vector<16xi32>,
      %gather3A_493 = tpu.vector_load_idx %arg6[%add3A_483] : memref<19456xi32, #tpu.memory_space<vmem>>[vector<16xi32>], vector<16xi32>,
      %gather3A_494 = tpu.vector_load_idx %arg7[%add3A_487] : memref<19456xi32, #tpu.memory_space<vmem>>[vector<16xi32>], vector<16xi32>,
      %gather3A_495 = tpu.vector_load_idx %arg8[%add3A_491] : memref<19456xi32, #tpu.memory_space<vmem>>[vector<16xi32>], vector<16xi32>,
      %ne3A_496 = arith.cmpi ne, %gather3A_492, %and3A_34 : vector<16xi32>
      %ne3A_497 = arith.cmpi ne, %gather3A_493, %and3A_34 : vector<16xi32>
      %ne3A_498 = arith.cmpi ne, %gather3A_494, %and3A_34 : vector<16xi32>
      %ne3A_499 = arith.cmpi ne, %gather3A_495, %and3A_34 : vector<16xi32>
      tpu.vector_store_idx %arg9[%gather3A_463], %broadcast_in_dim3A_4 masked %ne3A_496 {add = true} : memref<1280xi32, #tpu.memory_space<vmem>>[vector<16xi32>], vector<16xi32>, vector<16xi1>
      tpu.vector_store_idx %arg5[%add3A_479], %and3A_34 : memref<19456xi32, #tpu.memory_space<vmem>>[vector<16xi32>], vector<16xi32>,
      tpu.vector_store_idx %arg9[%gather3A_467], %broadcast_in_dim3A_4 masked %ne3A_497 {add = true} : memref<1280xi32, #tpu.memory_space<vmem>>[vector<16xi32>], vector<16xi32>, vector<16xi1>
      tpu.vector_store_idx %arg6[%add3A_483], %and3A_34 : memref<19456xi32, #tpu.memory_space<vmem>>[vector<16xi32>], vector<16xi32>,
      tpu.vector_store_idx %arg9[%gather3A_471], %broadcast_in_dim3A_4 masked %ne3A_498 {add = true} : memref<1280xi32, #tpu.memory_space<vmem>>[vector<16xi32>], vector<16xi32>, vector<16xi1>
      tpu.vector_store_idx %arg7[%add3A_487], %and3A_34 : memref<19456xi32, #tpu.memory_space<vmem>>[vector<16xi32>], vector<16xi32>,
      tpu.vector_store_idx %arg9[%gather3A_475], %broadcast_in_dim3A_4 masked %ne3A_499 {add = true} : memref<1280xi32, #tpu.memory_space<vmem>>[vector<16xi32>], vector<16xi32>, vector<16xi1>
      tpu.vector_store_idx %arg8[%add3A_491], %and3A_34 : memref<19456xi32, #tpu.memory_space<vmem>>[vector<16xi32>], vector<16xi32>,
      %add3A_500 = arith.constant 11 : i32
      %add3A_501 = vector.broadcast %add3A_500 : i32 to vector<16xi32>
      %add3A_502 = arith.addi %add3A_41, %add3A_501 : vector<16xi32>
      %gather3A_503 = tpu.vector_load_idx %arg4[%add3A_502] : memref<25600xi32, #tpu.memory_space<vmem>>[vector<16xi32>], vector<16xi32>,
      %add3A_504 = arith.constant 11 : i32
      %add3A_505 = vector.broadcast %add3A_504 : i32 to vector<16xi32>
      %add3A_506 = arith.addi %add3A_48, %add3A_505 : vector<16xi32>
      %gather3A_507 = tpu.vector_load_idx %arg4[%add3A_506] : memref<25600xi32, #tpu.memory_space<vmem>>[vector<16xi32>], vector<16xi32>,
      %add3A_508 = arith.constant 11 : i32
      %add3A_509 = vector.broadcast %add3A_508 : i32 to vector<16xi32>
      %add3A_510 = arith.addi %add3A_55, %add3A_509 : vector<16xi32>
      %gather3A_511 = tpu.vector_load_idx %arg4[%add3A_510] : memref<25600xi32, #tpu.memory_space<vmem>>[vector<16xi32>], vector<16xi32>,
      %add3A_512 = arith.constant 11 : i32
      %add3A_513 = vector.broadcast %add3A_512 : i32 to vector<16xi32>
      %add3A_514 = arith.addi %add3A_62, %add3A_513 : vector<16xi32>
      %gather3A_515 = tpu.vector_load_idx %arg4[%add3A_514] : memref<25600xi32, #tpu.memory_space<vmem>>[vector<16xi32>], vector<16xi32>,
      %shift_left3A_516 = arith.constant 4 : i32
      %shift_left3A_517 = vector.broadcast %shift_left3A_516 : i32 to vector<16xi32>
      %shift_left3A_518 = arith.shli %gather3A_503, %shift_left3A_517 : vector<16xi32>
      %add3A_519 = arith.addi %shift_left3A_518, %iota3A : vector<16xi32>
      %shift_left3A_520 = arith.constant 4 : i32
      %shift_left3A_521 = vector.broadcast %shift_left3A_520 : i32 to vector<16xi32>
      %shift_left3A_522 = arith.shli %gather3A_507, %shift_left3A_521 : vector<16xi32>
      %add3A_523 = arith.addi %shift_left3A_522, %iota3A : vector<16xi32>
      %shift_left3A_524 = arith.constant 4 : i32
      %shift_left3A_525 = vector.broadcast %shift_left3A_524 : i32 to vector<16xi32>
      %shift_left3A_526 = arith.shli %gather3A_511, %shift_left3A_525 : vector<16xi32>
      %add3A_527 = arith.addi %shift_left3A_526, %iota3A : vector<16xi32>
      %shift_left3A_528 = arith.constant 4 : i32
      %shift_left3A_529 = vector.broadcast %shift_left3A_528 : i32 to vector<16xi32>
      %shift_left3A_530 = arith.shli %gather3A_515, %shift_left3A_529 : vector<16xi32>
      %add3A_531 = arith.addi %shift_left3A_530, %iota3A : vector<16xi32>
      %gather3A_532 = tpu.vector_load_idx %arg5[%add3A_519] : memref<19456xi32, #tpu.memory_space<vmem>>[vector<16xi32>], vector<16xi32>,
      %gather3A_533 = tpu.vector_load_idx %arg6[%add3A_523] : memref<19456xi32, #tpu.memory_space<vmem>>[vector<16xi32>], vector<16xi32>,
      %gather3A_534 = tpu.vector_load_idx %arg7[%add3A_527] : memref<19456xi32, #tpu.memory_space<vmem>>[vector<16xi32>], vector<16xi32>,
      %gather3A_535 = tpu.vector_load_idx %arg8[%add3A_531] : memref<19456xi32, #tpu.memory_space<vmem>>[vector<16xi32>], vector<16xi32>,
      %ne3A_536 = arith.cmpi ne, %gather3A_532, %and3A_34 : vector<16xi32>
      %ne3A_537 = arith.cmpi ne, %gather3A_533, %and3A_34 : vector<16xi32>
      %ne3A_538 = arith.cmpi ne, %gather3A_534, %and3A_34 : vector<16xi32>
      %ne3A_539 = arith.cmpi ne, %gather3A_535, %and3A_34 : vector<16xi32>
      tpu.vector_store_idx %arg9[%gather3A_503], %broadcast_in_dim3A_4 masked %ne3A_536 {add = true} : memref<1280xi32, #tpu.memory_space<vmem>>[vector<16xi32>], vector<16xi32>, vector<16xi1>
      tpu.vector_store_idx %arg5[%add3A_519], %and3A_34 : memref<19456xi32, #tpu.memory_space<vmem>>[vector<16xi32>], vector<16xi32>,
      tpu.vector_store_idx %arg9[%gather3A_507], %broadcast_in_dim3A_4 masked %ne3A_537 {add = true} : memref<1280xi32, #tpu.memory_space<vmem>>[vector<16xi32>], vector<16xi32>, vector<16xi1>
      tpu.vector_store_idx %arg6[%add3A_523], %and3A_34 : memref<19456xi32, #tpu.memory_space<vmem>>[vector<16xi32>], vector<16xi32>,
      tpu.vector_store_idx %arg9[%gather3A_511], %broadcast_in_dim3A_4 masked %ne3A_538 {add = true} : memref<1280xi32, #tpu.memory_space<vmem>>[vector<16xi32>], vector<16xi32>, vector<16xi1>
      tpu.vector_store_idx %arg7[%add3A_527], %and3A_34 : memref<19456xi32, #tpu.memory_space<vmem>>[vector<16xi32>], vector<16xi32>,
      tpu.vector_store_idx %arg9[%gather3A_515], %broadcast_in_dim3A_4 masked %ne3A_539 {add = true} : memref<1280xi32, #tpu.memory_space<vmem>>[vector<16xi32>], vector<16xi32>, vector<16xi1>
      tpu.vector_store_idx %arg8[%add3A_531], %and3A_34 : memref<19456xi32, #tpu.memory_space<vmem>>[vector<16xi32>], vector<16xi32>,
      %add3A_540 = arith.constant 12 : i32
      %add3A_541 = vector.broadcast %add3A_540 : i32 to vector<16xi32>
      %add3A_542 = arith.addi %add3A_41, %add3A_541 : vector<16xi32>
      %gather3A_543 = tpu.vector_load_idx %arg4[%add3A_542] : memref<25600xi32, #tpu.memory_space<vmem>>[vector<16xi32>], vector<16xi32>,
      %add3A_544 = arith.constant 12 : i32
      %add3A_545 = vector.broadcast %add3A_544 : i32 to vector<16xi32>
      %add3A_546 = arith.addi %add3A_48, %add3A_545 : vector<16xi32>
      %gather3A_547 = tpu.vector_load_idx %arg4[%add3A_546] : memref<25600xi32, #tpu.memory_space<vmem>>[vector<16xi32>], vector<16xi32>,
      %add3A_548 = arith.constant 12 : i32
      %add3A_549 = vector.broadcast %add3A_548 : i32 to vector<16xi32>
      %add3A_550 = arith.addi %add3A_55, %add3A_549 : vector<16xi32>
      %gather3A_551 = tpu.vector_load_idx %arg4[%add3A_550] : memref<25600xi32, #tpu.memory_space<vmem>>[vector<16xi32>], vector<16xi32>,
      %add3A_552 = arith.constant 12 : i32
      %add3A_553 = vector.broadcast %add3A_552 : i32 to vector<16xi32>
      %add3A_554 = arith.addi %add3A_62, %add3A_553 : vector<16xi32>
      %gather3A_555 = tpu.vector_load_idx %arg4[%add3A_554] : memref<25600xi32, #tpu.memory_space<vmem>>[vector<16xi32>], vector<16xi32>,
      %shift_left3A_556 = arith.constant 4 : i32
      %shift_left3A_557 = vector.broadcast %shift_left3A_556 : i32 to vector<16xi32>
      %shift_left3A_558 = arith.shli %gather3A_543, %shift_left3A_557 : vector<16xi32>
      %add3A_559 = arith.addi %shift_left3A_558, %iota3A : vector<16xi32>
      %shift_left3A_560 = arith.constant 4 : i32
      %shift_left3A_561 = vector.broadcast %shift_left3A_560 : i32 to vector<16xi32>
      %shift_left3A_562 = arith.shli %gather3A_547, %shift_left3A_561 : vector<16xi32>
      %add3A_563 = arith.addi %shift_left3A_562, %iota3A : vector<16xi32>
      %shift_left3A_564 = arith.constant 4 : i32
      %shift_left3A_565 = vector.broadcast %shift_left3A_564 : i32 to vector<16xi32>
      %shift_left3A_566 = arith.shli %gather3A_551, %shift_left3A_565 : vector<16xi32>
      %add3A_567 = arith.addi %shift_left3A_566, %iota3A : vector<16xi32>
      %shift_left3A_568 = arith.constant 4 : i32
      %shift_left3A_569 = vector.broadcast %shift_left3A_568 : i32 to vector<16xi32>
      %shift_left3A_570 = arith.shli %gather3A_555, %shift_left3A_569 : vector<16xi32>
      %add3A_571 = arith.addi %shift_left3A_570, %iota3A : vector<16xi32>
      %gather3A_572 = tpu.vector_load_idx %arg5[%add3A_559] : memref<19456xi32, #tpu.memory_space<vmem>>[vector<16xi32>], vector<16xi32>,
      %gather3A_573 = tpu.vector_load_idx %arg6[%add3A_563] : memref<19456xi32, #tpu.memory_space<vmem>>[vector<16xi32>], vector<16xi32>,
      %gather3A_574 = tpu.vector_load_idx %arg7[%add3A_567] : memref<19456xi32, #tpu.memory_space<vmem>>[vector<16xi32>], vector<16xi32>,
      %gather3A_575 = tpu.vector_load_idx %arg8[%add3A_571] : memref<19456xi32, #tpu.memory_space<vmem>>[vector<16xi32>], vector<16xi32>,
      %ne3A_576 = arith.cmpi ne, %gather3A_572, %and3A_34 : vector<16xi32>
      %ne3A_577 = arith.cmpi ne, %gather3A_573, %and3A_34 : vector<16xi32>
      %ne3A_578 = arith.cmpi ne, %gather3A_574, %and3A_34 : vector<16xi32>
      %ne3A_579 = arith.cmpi ne, %gather3A_575, %and3A_34 : vector<16xi32>
      tpu.vector_store_idx %arg9[%gather3A_543], %broadcast_in_dim3A_4 masked %ne3A_576 {add = true} : memref<1280xi32, #tpu.memory_space<vmem>>[vector<16xi32>], vector<16xi32>, vector<16xi1>
      tpu.vector_store_idx %arg5[%add3A_559], %and3A_34 : memref<19456xi32, #tpu.memory_space<vmem>>[vector<16xi32>], vector<16xi32>,
      tpu.vector_store_idx %arg9[%gather3A_547], %broadcast_in_dim3A_4 masked %ne3A_577 {add = true} : memref<1280xi32, #tpu.memory_space<vmem>>[vector<16xi32>], vector<16xi32>, vector<16xi1>
      tpu.vector_store_idx %arg6[%add3A_563], %and3A_34 : memref<19456xi32, #tpu.memory_space<vmem>>[vector<16xi32>], vector<16xi32>,
      tpu.vector_store_idx %arg9[%gather3A_551], %broadcast_in_dim3A_4 masked %ne3A_578 {add = true} : memref<1280xi32, #tpu.memory_space<vmem>>[vector<16xi32>], vector<16xi32>, vector<16xi1>
      tpu.vector_store_idx %arg7[%add3A_567], %and3A_34 : memref<19456xi32, #tpu.memory_space<vmem>>[vector<16xi32>], vector<16xi32>,
      tpu.vector_store_idx %arg9[%gather3A_555], %broadcast_in_dim3A_4 masked %ne3A_579 {add = true} : memref<1280xi32, #tpu.memory_space<vmem>>[vector<16xi32>], vector<16xi32>, vector<16xi1>
      tpu.vector_store_idx %arg8[%add3A_571], %and3A_34 : memref<19456xi32, #tpu.memory_space<vmem>>[vector<16xi32>], vector<16xi32>,
      %add3A_580 = arith.constant 13 : i32
      %add3A_581 = vector.broadcast %add3A_580 : i32 to vector<16xi32>
      %add3A_582 = arith.addi %add3A_41, %add3A_581 : vector<16xi32>
      %gather3A_583 = tpu.vector_load_idx %arg4[%add3A_582] : memref<25600xi32, #tpu.memory_space<vmem>>[vector<16xi32>], vector<16xi32>,
      %add3A_584 = arith.constant 13 : i32
      %add3A_585 = vector.broadcast %add3A_584 : i32 to vector<16xi32>
      %add3A_586 = arith.addi %add3A_48, %add3A_585 : vector<16xi32>
      %gather3A_587 = tpu.vector_load_idx %arg4[%add3A_586] : memref<25600xi32, #tpu.memory_space<vmem>>[vector<16xi32>], vector<16xi32>,
      %add3A_588 = arith.constant 13 : i32
      %add3A_589 = vector.broadcast %add3A_588 : i32 to vector<16xi32>
      %add3A_590 = arith.addi %add3A_55, %add3A_589 : vector<16xi32>
      %gather3A_591 = tpu.vector_load_idx %arg4[%add3A_590] : memref<25600xi32, #tpu.memory_space<vmem>>[vector<16xi32>], vector<16xi32>,
      %add3A_592 = arith.constant 13 : i32
      %add3A_593 = vector.broadcast %add3A_592 : i32 to vector<16xi32>
      %add3A_594 = arith.addi %add3A_62, %add3A_593 : vector<16xi32>
      %gather3A_595 = tpu.vector_load_idx %arg4[%add3A_594] : memref<25600xi32, #tpu.memory_space<vmem>>[vector<16xi32>], vector<16xi32>,
      %shift_left3A_596 = arith.constant 4 : i32
      %shift_left3A_597 = vector.broadcast %shift_left3A_596 : i32 to vector<16xi32>
      %shift_left3A_598 = arith.shli %gather3A_583, %shift_left3A_597 : vector<16xi32>
      %add3A_599 = arith.addi %shift_left3A_598, %iota3A : vector<16xi32>
      %shift_left3A_600 = arith.constant 4 : i32
      %shift_left3A_601 = vector.broadcast %shift_left3A_600 : i32 to vector<16xi32>
      %shift_left3A_602 = arith.shli %gather3A_587, %shift_left3A_601 : vector<16xi32>
      %add3A_603 = arith.addi %shift_left3A_602, %iota3A : vector<16xi32>
      %shift_left3A_604 = arith.constant 4 : i32
      %shift_left3A_605 = vector.broadcast %shift_left3A_604 : i32 to vector<16xi32>
      %shift_left3A_606 = arith.shli %gather3A_591, %shift_left3A_605 : vector<16xi32>
      %add3A_607 = arith.addi %shift_left3A_606, %iota3A : vector<16xi32>
      %shift_left3A_608 = arith.constant 4 : i32
      %shift_left3A_609 = vector.broadcast %shift_left3A_608 : i32 to vector<16xi32>
      %shift_left3A_610 = arith.shli %gather3A_595, %shift_left3A_609 : vector<16xi32>
      %add3A_611 = arith.addi %shift_left3A_610, %iota3A : vector<16xi32>
      %gather3A_612 = tpu.vector_load_idx %arg5[%add3A_599] : memref<19456xi32, #tpu.memory_space<vmem>>[vector<16xi32>], vector<16xi32>,
      %gather3A_613 = tpu.vector_load_idx %arg6[%add3A_603] : memref<19456xi32, #tpu.memory_space<vmem>>[vector<16xi32>], vector<16xi32>,
      %gather3A_614 = tpu.vector_load_idx %arg7[%add3A_607] : memref<19456xi32, #tpu.memory_space<vmem>>[vector<16xi32>], vector<16xi32>,
      %gather3A_615 = tpu.vector_load_idx %arg8[%add3A_611] : memref<19456xi32, #tpu.memory_space<vmem>>[vector<16xi32>], vector<16xi32>,
      %ne3A_616 = arith.cmpi ne, %gather3A_612, %and3A_34 : vector<16xi32>
      %ne3A_617 = arith.cmpi ne, %gather3A_613, %and3A_34 : vector<16xi32>
      %ne3A_618 = arith.cmpi ne, %gather3A_614, %and3A_34 : vector<16xi32>
      %ne3A_619 = arith.cmpi ne, %gather3A_615, %and3A_34 : vector<16xi32>
      tpu.vector_store_idx %arg9[%gather3A_583], %broadcast_in_dim3A_4 masked %ne3A_616 {add = true} : memref<1280xi32, #tpu.memory_space<vmem>>[vector<16xi32>], vector<16xi32>, vector<16xi1>
      tpu.vector_store_idx %arg5[%add3A_599], %and3A_34 : memref<19456xi32, #tpu.memory_space<vmem>>[vector<16xi32>], vector<16xi32>,
      tpu.vector_store_idx %arg9[%gather3A_587], %broadcast_in_dim3A_4 masked %ne3A_617 {add = true} : memref<1280xi32, #tpu.memory_space<vmem>>[vector<16xi32>], vector<16xi32>, vector<16xi1>
      tpu.vector_store_idx %arg6[%add3A_603], %and3A_34 : memref<19456xi32, #tpu.memory_space<vmem>>[vector<16xi32>], vector<16xi32>,
      tpu.vector_store_idx %arg9[%gather3A_591], %broadcast_in_dim3A_4 masked %ne3A_618 {add = true} : memref<1280xi32, #tpu.memory_space<vmem>>[vector<16xi32>], vector<16xi32>, vector<16xi1>
      tpu.vector_store_idx %arg7[%add3A_607], %and3A_34 : memref<19456xi32, #tpu.memory_space<vmem>>[vector<16xi32>], vector<16xi32>,
      tpu.vector_store_idx %arg9[%gather3A_595], %broadcast_in_dim3A_4 masked %ne3A_619 {add = true} : memref<1280xi32, #tpu.memory_space<vmem>>[vector<16xi32>], vector<16xi32>, vector<16xi1>
      tpu.vector_store_idx %arg8[%add3A_611], %and3A_34 : memref<19456xi32, #tpu.memory_space<vmem>>[vector<16xi32>], vector<16xi32>,
      %add3A_620 = arith.constant 14 : i32
      %add3A_621 = vector.broadcast %add3A_620 : i32 to vector<16xi32>
      %add3A_622 = arith.addi %add3A_41, %add3A_621 : vector<16xi32>
      %gather3A_623 = tpu.vector_load_idx %arg4[%add3A_622] : memref<25600xi32, #tpu.memory_space<vmem>>[vector<16xi32>], vector<16xi32>,
      %add3A_624 = arith.constant 14 : i32
      %add3A_625 = vector.broadcast %add3A_624 : i32 to vector<16xi32>
      %add3A_626 = arith.addi %add3A_48, %add3A_625 : vector<16xi32>
      %gather3A_627 = tpu.vector_load_idx %arg4[%add3A_626] : memref<25600xi32, #tpu.memory_space<vmem>>[vector<16xi32>], vector<16xi32>,
      %add3A_628 = arith.constant 14 : i32
      %add3A_629 = vector.broadcast %add3A_628 : i32 to vector<16xi32>
      %add3A_630 = arith.addi %add3A_55, %add3A_629 : vector<16xi32>
      %gather3A_631 = tpu.vector_load_idx %arg4[%add3A_630] : memref<25600xi32, #tpu.memory_space<vmem>>[vector<16xi32>], vector<16xi32>,
      %add3A_632 = arith.constant 14 : i32
      %add3A_633 = vector.broadcast %add3A_632 : i32 to vector<16xi32>
      %add3A_634 = arith.addi %add3A_62, %add3A_633 : vector<16xi32>
      %gather3A_635 = tpu.vector_load_idx %arg4[%add3A_634] : memref<25600xi32, #tpu.memory_space<vmem>>[vector<16xi32>], vector<16xi32>,
      %shift_left3A_636 = arith.constant 4 : i32
      %shift_left3A_637 = vector.broadcast %shift_left3A_636 : i32 to vector<16xi32>
      %shift_left3A_638 = arith.shli %gather3A_623, %shift_left3A_637 : vector<16xi32>
      %add3A_639 = arith.addi %shift_left3A_638, %iota3A : vector<16xi32>
      %shift_left3A_640 = arith.constant 4 : i32
      %shift_left3A_641 = vector.broadcast %shift_left3A_640 : i32 to vector<16xi32>
      %shift_left3A_642 = arith.shli %gather3A_627, %shift_left3A_641 : vector<16xi32>
      %add3A_643 = arith.addi %shift_left3A_642, %iota3A : vector<16xi32>
      %shift_left3A_644 = arith.constant 4 : i32
      %shift_left3A_645 = vector.broadcast %shift_left3A_644 : i32 to vector<16xi32>
      %shift_left3A_646 = arith.shli %gather3A_631, %shift_left3A_645 : vector<16xi32>
      %add3A_647 = arith.addi %shift_left3A_646, %iota3A : vector<16xi32>
      %shift_left3A_648 = arith.constant 4 : i32
      %shift_left3A_649 = vector.broadcast %shift_left3A_648 : i32 to vector<16xi32>
      %shift_left3A_650 = arith.shli %gather3A_635, %shift_left3A_649 : vector<16xi32>
      %add3A_651 = arith.addi %shift_left3A_650, %iota3A : vector<16xi32>
      %gather3A_652 = tpu.vector_load_idx %arg5[%add3A_639] : memref<19456xi32, #tpu.memory_space<vmem>>[vector<16xi32>], vector<16xi32>,
      %gather3A_653 = tpu.vector_load_idx %arg6[%add3A_643] : memref<19456xi32, #tpu.memory_space<vmem>>[vector<16xi32>], vector<16xi32>,
      %gather3A_654 = tpu.vector_load_idx %arg7[%add3A_647] : memref<19456xi32, #tpu.memory_space<vmem>>[vector<16xi32>], vector<16xi32>,
      %gather3A_655 = tpu.vector_load_idx %arg8[%add3A_651] : memref<19456xi32, #tpu.memory_space<vmem>>[vector<16xi32>], vector<16xi32>,
      %ne3A_656 = arith.cmpi ne, %gather3A_652, %and3A_34 : vector<16xi32>
      %ne3A_657 = arith.cmpi ne, %gather3A_653, %and3A_34 : vector<16xi32>
      %ne3A_658 = arith.cmpi ne, %gather3A_654, %and3A_34 : vector<16xi32>
      %ne3A_659 = arith.cmpi ne, %gather3A_655, %and3A_34 : vector<16xi32>
      tpu.vector_store_idx %arg9[%gather3A_623], %broadcast_in_dim3A_4 masked %ne3A_656 {add = true} : memref<1280xi32, #tpu.memory_space<vmem>>[vector<16xi32>], vector<16xi32>, vector<16xi1>
      tpu.vector_store_idx %arg5[%add3A_639], %and3A_34 : memref<19456xi32, #tpu.memory_space<vmem>>[vector<16xi32>], vector<16xi32>,
      tpu.vector_store_idx %arg9[%gather3A_627], %broadcast_in_dim3A_4 masked %ne3A_657 {add = true} : memref<1280xi32, #tpu.memory_space<vmem>>[vector<16xi32>], vector<16xi32>, vector<16xi1>
      tpu.vector_store_idx %arg6[%add3A_643], %and3A_34 : memref<19456xi32, #tpu.memory_space<vmem>>[vector<16xi32>], vector<16xi32>,
      tpu.vector_store_idx %arg9[%gather3A_631], %broadcast_in_dim3A_4 masked %ne3A_658 {add = true} : memref<1280xi32, #tpu.memory_space<vmem>>[vector<16xi32>], vector<16xi32>, vector<16xi1>
      tpu.vector_store_idx %arg7[%add3A_647], %and3A_34 : memref<19456xi32, #tpu.memory_space<vmem>>[vector<16xi32>], vector<16xi32>,
      tpu.vector_store_idx %arg9[%gather3A_635], %broadcast_in_dim3A_4 masked %ne3A_659 {add = true} : memref<1280xi32, #tpu.memory_space<vmem>>[vector<16xi32>], vector<16xi32>, vector<16xi1>
      tpu.vector_store_idx %arg8[%add3A_651], %and3A_34 : memref<19456xi32, #tpu.memory_space<vmem>>[vector<16xi32>], vector<16xi32>,
      %add3A_660 = arith.constant 15 : i32
      %add3A_661 = vector.broadcast %add3A_660 : i32 to vector<16xi32>
      %add3A_662 = arith.addi %add3A_41, %add3A_661 : vector<16xi32>
      %gather3A_663 = tpu.vector_load_idx %arg4[%add3A_662] : memref<25600xi32, #tpu.memory_space<vmem>>[vector<16xi32>], vector<16xi32>,
      %add3A_664 = arith.constant 15 : i32
      %add3A_665 = vector.broadcast %add3A_664 : i32 to vector<16xi32>
      %add3A_666 = arith.addi %add3A_48, %add3A_665 : vector<16xi32>
      %gather3A_667 = tpu.vector_load_idx %arg4[%add3A_666] : memref<25600xi32, #tpu.memory_space<vmem>>[vector<16xi32>], vector<16xi32>,
      %add3A_668 = arith.constant 15 : i32
      %add3A_669 = vector.broadcast %add3A_668 : i32 to vector<16xi32>
      %add3A_670 = arith.addi %add3A_55, %add3A_669 : vector<16xi32>
      %gather3A_671 = tpu.vector_load_idx %arg4[%add3A_670] : memref<25600xi32, #tpu.memory_space<vmem>>[vector<16xi32>], vector<16xi32>,
      %add3A_672 = arith.constant 15 : i32
      %add3A_673 = vector.broadcast %add3A_672 : i32 to vector<16xi32>
      %add3A_674 = arith.addi %add3A_62, %add3A_673 : vector<16xi32>
      %gather3A_675 = tpu.vector_load_idx %arg4[%add3A_674] : memref<25600xi32, #tpu.memory_space<vmem>>[vector<16xi32>], vector<16xi32>,
      %shift_left3A_676 = arith.constant 4 : i32
      %shift_left3A_677 = vector.broadcast %shift_left3A_676 : i32 to vector<16xi32>
      %shift_left3A_678 = arith.shli %gather3A_663, %shift_left3A_677 : vector<16xi32>
      %add3A_679 = arith.addi %shift_left3A_678, %iota3A : vector<16xi32>
      %shift_left3A_680 = arith.constant 4 : i32
      %shift_left3A_681 = vector.broadcast %shift_left3A_680 : i32 to vector<16xi32>
      %shift_left3A_682 = arith.shli %gather3A_667, %shift_left3A_681 : vector<16xi32>
      %add3A_683 = arith.addi %shift_left3A_682, %iota3A : vector<16xi32>
      %shift_left3A_684 = arith.constant 4 : i32
      %shift_left3A_685 = vector.broadcast %shift_left3A_684 : i32 to vector<16xi32>
      %shift_left3A_686 = arith.shli %gather3A_671, %shift_left3A_685 : vector<16xi32>
      %add3A_687 = arith.addi %shift_left3A_686, %iota3A : vector<16xi32>
      %shift_left3A_688 = arith.constant 4 : i32
      %shift_left3A_689 = vector.broadcast %shift_left3A_688 : i32 to vector<16xi32>
      %shift_left3A_690 = arith.shli %gather3A_675, %shift_left3A_689 : vector<16xi32>
      %add3A_691 = arith.addi %shift_left3A_690, %iota3A : vector<16xi32>
      %gather3A_692 = tpu.vector_load_idx %arg5[%add3A_679] : memref<19456xi32, #tpu.memory_space<vmem>>[vector<16xi32>], vector<16xi32>,
      %gather3A_693 = tpu.vector_load_idx %arg6[%add3A_683] : memref<19456xi32, #tpu.memory_space<vmem>>[vector<16xi32>], vector<16xi32>,
      %gather3A_694 = tpu.vector_load_idx %arg7[%add3A_687] : memref<19456xi32, #tpu.memory_space<vmem>>[vector<16xi32>], vector<16xi32>,
      %gather3A_695 = tpu.vector_load_idx %arg8[%add3A_691] : memref<19456xi32, #tpu.memory_space<vmem>>[vector<16xi32>], vector<16xi32>,
      %ne3A_696 = arith.cmpi ne, %gather3A_692, %and3A_34 : vector<16xi32>
      %ne3A_697 = arith.cmpi ne, %gather3A_693, %and3A_34 : vector<16xi32>
      %ne3A_698 = arith.cmpi ne, %gather3A_694, %and3A_34 : vector<16xi32>
      %ne3A_699 = arith.cmpi ne, %gather3A_695, %and3A_34 : vector<16xi32>
      tpu.vector_store_idx %arg9[%gather3A_663], %broadcast_in_dim3A_4 masked %ne3A_696 {add = true} : memref<1280xi32, #tpu.memory_space<vmem>>[vector<16xi32>], vector<16xi32>, vector<16xi1>
      tpu.vector_store_idx %arg5[%add3A_679], %and3A_34 : memref<19456xi32, #tpu.memory_space<vmem>>[vector<16xi32>], vector<16xi32>,
      tpu.vector_store_idx %arg9[%gather3A_667], %broadcast_in_dim3A_4 masked %ne3A_697 {add = true} : memref<1280xi32, #tpu.memory_space<vmem>>[vector<16xi32>], vector<16xi32>, vector<16xi1>
      tpu.vector_store_idx %arg6[%add3A_683], %and3A_34 : memref<19456xi32, #tpu.memory_space<vmem>>[vector<16xi32>], vector<16xi32>,
      tpu.vector_store_idx %arg9[%gather3A_671], %broadcast_in_dim3A_4 masked %ne3A_698 {add = true} : memref<1280xi32, #tpu.memory_space<vmem>>[vector<16xi32>], vector<16xi32>, vector<16xi1>
      tpu.vector_store_idx %arg7[%add3A_687], %and3A_34 : memref<19456xi32, #tpu.memory_space<vmem>>[vector<16xi32>], vector<16xi32>,
      tpu.vector_store_idx %arg9[%gather3A_675], %broadcast_in_dim3A_4 masked %ne3A_699 {add = true} : memref<1280xi32, #tpu.memory_space<vmem>>[vector<16xi32>], vector<16xi32>, vector<16xi1>
      tpu.vector_store_idx %arg8[%add3A_691], %and3A_34 : memref<19456xi32, #tpu.memory_space<vmem>>[vector<16xi32>], vector<16xi32>,
      %add3A_700 = arith.constant 16 : i32
      %add3A_701 = vector.broadcast %add3A_700 : i32 to vector<16xi32>
      %add3A_702 = arith.addi %add3A_41, %add3A_701 : vector<16xi32>
      %gather3A_703 = tpu.vector_load_idx %arg4[%add3A_702] : memref<25600xi32, #tpu.memory_space<vmem>>[vector<16xi32>], vector<16xi32>,
      %add3A_704 = arith.constant 16 : i32
      %add3A_705 = vector.broadcast %add3A_704 : i32 to vector<16xi32>
      %add3A_706 = arith.addi %add3A_48, %add3A_705 : vector<16xi32>
      %gather3A_707 = tpu.vector_load_idx %arg4[%add3A_706] : memref<25600xi32, #tpu.memory_space<vmem>>[vector<16xi32>], vector<16xi32>,
      %add3A_708 = arith.constant 16 : i32
      %add3A_709 = vector.broadcast %add3A_708 : i32 to vector<16xi32>
      %add3A_710 = arith.addi %add3A_55, %add3A_709 : vector<16xi32>
      %gather3A_711 = tpu.vector_load_idx %arg4[%add3A_710] : memref<25600xi32, #tpu.memory_space<vmem>>[vector<16xi32>], vector<16xi32>,
      %add3A_712 = arith.constant 16 : i32
      %add3A_713 = vector.broadcast %add3A_712 : i32 to vector<16xi32>
      %add3A_714 = arith.addi %add3A_62, %add3A_713 : vector<16xi32>
      %gather3A_715 = tpu.vector_load_idx %arg4[%add3A_714] : memref<25600xi32, #tpu.memory_space<vmem>>[vector<16xi32>], vector<16xi32>,
      %shift_left3A_716 = arith.constant 4 : i32
      %shift_left3A_717 = vector.broadcast %shift_left3A_716 : i32 to vector<16xi32>
      %shift_left3A_718 = arith.shli %gather3A_703, %shift_left3A_717 : vector<16xi32>
      %add3A_719 = arith.addi %shift_left3A_718, %iota3A : vector<16xi32>
      %shift_left3A_720 = arith.constant 4 : i32
      %shift_left3A_721 = vector.broadcast %shift_left3A_720 : i32 to vector<16xi32>
      %shift_left3A_722 = arith.shli %gather3A_707, %shift_left3A_721 : vector<16xi32>
      %add3A_723 = arith.addi %shift_left3A_722, %iota3A : vector<16xi32>
      %shift_left3A_724 = arith.constant 4 : i32
      %shift_left3A_725 = vector.broadcast %shift_left3A_724 : i32 to vector<16xi32>
      %shift_left3A_726 = arith.shli %gather3A_711, %shift_left3A_725 : vector<16xi32>
      %add3A_727 = arith.addi %shift_left3A_726, %iota3A : vector<16xi32>
      %shift_left3A_728 = arith.constant 4 : i32
      %shift_left3A_729 = vector.broadcast %shift_left3A_728 : i32 to vector<16xi32>
      %shift_left3A_730 = arith.shli %gather3A_715, %shift_left3A_729 : vector<16xi32>
      %add3A_731 = arith.addi %shift_left3A_730, %iota3A : vector<16xi32>
      %gather3A_732 = tpu.vector_load_idx %arg5[%add3A_719] : memref<19456xi32, #tpu.memory_space<vmem>>[vector<16xi32>], vector<16xi32>,
      %gather3A_733 = tpu.vector_load_idx %arg6[%add3A_723] : memref<19456xi32, #tpu.memory_space<vmem>>[vector<16xi32>], vector<16xi32>,
      %gather3A_734 = tpu.vector_load_idx %arg7[%add3A_727] : memref<19456xi32, #tpu.memory_space<vmem>>[vector<16xi32>], vector<16xi32>,
      %gather3A_735 = tpu.vector_load_idx %arg8[%add3A_731] : memref<19456xi32, #tpu.memory_space<vmem>>[vector<16xi32>], vector<16xi32>,
      %ne3A_736 = arith.cmpi ne, %gather3A_732, %and3A_34 : vector<16xi32>
      %ne3A_737 = arith.cmpi ne, %gather3A_733, %and3A_34 : vector<16xi32>
      %ne3A_738 = arith.cmpi ne, %gather3A_734, %and3A_34 : vector<16xi32>
      %ne3A_739 = arith.cmpi ne, %gather3A_735, %and3A_34 : vector<16xi32>
      tpu.vector_store_idx %arg9[%gather3A_703], %broadcast_in_dim3A_4 masked %ne3A_736 {add = true} : memref<1280xi32, #tpu.memory_space<vmem>>[vector<16xi32>], vector<16xi32>, vector<16xi1>
      tpu.vector_store_idx %arg5[%add3A_719], %and3A_34 : memref<19456xi32, #tpu.memory_space<vmem>>[vector<16xi32>], vector<16xi32>,
      tpu.vector_store_idx %arg9[%gather3A_707], %broadcast_in_dim3A_4 masked %ne3A_737 {add = true} : memref<1280xi32, #tpu.memory_space<vmem>>[vector<16xi32>], vector<16xi32>, vector<16xi1>
      tpu.vector_store_idx %arg6[%add3A_723], %and3A_34 : memref<19456xi32, #tpu.memory_space<vmem>>[vector<16xi32>], vector<16xi32>,
      tpu.vector_store_idx %arg9[%gather3A_711], %broadcast_in_dim3A_4 masked %ne3A_738 {add = true} : memref<1280xi32, #tpu.memory_space<vmem>>[vector<16xi32>], vector<16xi32>, vector<16xi1>
      tpu.vector_store_idx %arg7[%add3A_727], %and3A_34 : memref<19456xi32, #tpu.memory_space<vmem>>[vector<16xi32>], vector<16xi32>,
      tpu.vector_store_idx %arg9[%gather3A_715], %broadcast_in_dim3A_4 masked %ne3A_739 {add = true} : memref<1280xi32, #tpu.memory_space<vmem>>[vector<16xi32>], vector<16xi32>, vector<16xi1>
      tpu.vector_store_idx %arg8[%add3A_731], %and3A_34 : memref<19456xi32, #tpu.memory_space<vmem>>[vector<16xi32>], vector<16xi32>,
      %add3A_740 = arith.constant 17 : i32
      %add3A_741 = vector.broadcast %add3A_740 : i32 to vector<16xi32>
      %add3A_742 = arith.addi %add3A_41, %add3A_741 : vector<16xi32>
      %gather3A_743 = tpu.vector_load_idx %arg4[%add3A_742] : memref<25600xi32, #tpu.memory_space<vmem>>[vector<16xi32>], vector<16xi32>,
      %add3A_744 = arith.constant 17 : i32
      %add3A_745 = vector.broadcast %add3A_744 : i32 to vector<16xi32>
      %add3A_746 = arith.addi %add3A_48, %add3A_745 : vector<16xi32>
      %gather3A_747 = tpu.vector_load_idx %arg4[%add3A_746] : memref<25600xi32, #tpu.memory_space<vmem>>[vector<16xi32>], vector<16xi32>,
      %add3A_748 = arith.constant 17 : i32
      %add3A_749 = vector.broadcast %add3A_748 : i32 to vector<16xi32>
      %add3A_750 = arith.addi %add3A_55, %add3A_749 : vector<16xi32>
      %gather3A_751 = tpu.vector_load_idx %arg4[%add3A_750] : memref<25600xi32, #tpu.memory_space<vmem>>[vector<16xi32>], vector<16xi32>,
      %add3A_752 = arith.constant 17 : i32
      %add3A_753 = vector.broadcast %add3A_752 : i32 to vector<16xi32>
      %add3A_754 = arith.addi %add3A_62, %add3A_753 : vector<16xi32>
      %gather3A_755 = tpu.vector_load_idx %arg4[%add3A_754] : memref<25600xi32, #tpu.memory_space<vmem>>[vector<16xi32>], vector<16xi32>,
      %shift_left3A_756 = arith.constant 4 : i32
      %shift_left3A_757 = vector.broadcast %shift_left3A_756 : i32 to vector<16xi32>
      %shift_left3A_758 = arith.shli %gather3A_743, %shift_left3A_757 : vector<16xi32>
      %add3A_759 = arith.addi %shift_left3A_758, %iota3A : vector<16xi32>
      %shift_left3A_760 = arith.constant 4 : i32
      %shift_left3A_761 = vector.broadcast %shift_left3A_760 : i32 to vector<16xi32>
      %shift_left3A_762 = arith.shli %gather3A_747, %shift_left3A_761 : vector<16xi32>
      %add3A_763 = arith.addi %shift_left3A_762, %iota3A : vector<16xi32>
      %shift_left3A_764 = arith.constant 4 : i32
      %shift_left3A_765 = vector.broadcast %shift_left3A_764 : i32 to vector<16xi32>
      %shift_left3A_766 = arith.shli %gather3A_751, %shift_left3A_765 : vector<16xi32>
      %add3A_767 = arith.addi %shift_left3A_766, %iota3A : vector<16xi32>
      %shift_left3A_768 = arith.constant 4 : i32
      %shift_left3A_769 = vector.broadcast %shift_left3A_768 : i32 to vector<16xi32>
      %shift_left3A_770 = arith.shli %gather3A_755, %shift_left3A_769 : vector<16xi32>
      %add3A_771 = arith.addi %shift_left3A_770, %iota3A : vector<16xi32>
      %gather3A_772 = tpu.vector_load_idx %arg5[%add3A_759] : memref<19456xi32, #tpu.memory_space<vmem>>[vector<16xi32>], vector<16xi32>,
      %gather3A_773 = tpu.vector_load_idx %arg6[%add3A_763] : memref<19456xi32, #tpu.memory_space<vmem>>[vector<16xi32>], vector<16xi32>,
      %gather3A_774 = tpu.vector_load_idx %arg7[%add3A_767] : memref<19456xi32, #tpu.memory_space<vmem>>[vector<16xi32>], vector<16xi32>,
      %gather3A_775 = tpu.vector_load_idx %arg8[%add3A_771] : memref<19456xi32, #tpu.memory_space<vmem>>[vector<16xi32>], vector<16xi32>,
      %ne3A_776 = arith.cmpi ne, %gather3A_772, %and3A_34 : vector<16xi32>
      %ne3A_777 = arith.cmpi ne, %gather3A_773, %and3A_34 : vector<16xi32>
      %ne3A_778 = arith.cmpi ne, %gather3A_774, %and3A_34 : vector<16xi32>
      %ne3A_779 = arith.cmpi ne, %gather3A_775, %and3A_34 : vector<16xi32>
      tpu.vector_store_idx %arg9[%gather3A_743], %broadcast_in_dim3A_4 masked %ne3A_776 {add = true} : memref<1280xi32, #tpu.memory_space<vmem>>[vector<16xi32>], vector<16xi32>, vector<16xi1>
      tpu.vector_store_idx %arg5[%add3A_759], %and3A_34 : memref<19456xi32, #tpu.memory_space<vmem>>[vector<16xi32>], vector<16xi32>,
      tpu.vector_store_idx %arg9[%gather3A_747], %broadcast_in_dim3A_4 masked %ne3A_777 {add = true} : memref<1280xi32, #tpu.memory_space<vmem>>[vector<16xi32>], vector<16xi32>, vector<16xi1>
      tpu.vector_store_idx %arg6[%add3A_763], %and3A_34 : memref<19456xi32, #tpu.memory_space<vmem>>[vector<16xi32>], vector<16xi32>,
      tpu.vector_store_idx %arg9[%gather3A_751], %broadcast_in_dim3A_4 masked %ne3A_778 {add = true} : memref<1280xi32, #tpu.memory_space<vmem>>[vector<16xi32>], vector<16xi32>, vector<16xi1>
      tpu.vector_store_idx %arg7[%add3A_767], %and3A_34 : memref<19456xi32, #tpu.memory_space<vmem>>[vector<16xi32>], vector<16xi32>,
      tpu.vector_store_idx %arg9[%gather3A_755], %broadcast_in_dim3A_4 masked %ne3A_779 {add = true} : memref<1280xi32, #tpu.memory_space<vmem>>[vector<16xi32>], vector<16xi32>, vector<16xi1>
      tpu.vector_store_idx %arg8[%add3A_771], %and3A_34 : memref<19456xi32, #tpu.memory_space<vmem>>[vector<16xi32>], vector<16xi32>,
      %add3A_780 = arith.constant 18 : i32
      %add3A_781 = vector.broadcast %add3A_780 : i32 to vector<16xi32>
      %add3A_782 = arith.addi %add3A_41, %add3A_781 : vector<16xi32>
      %gather3A_783 = tpu.vector_load_idx %arg4[%add3A_782] : memref<25600xi32, #tpu.memory_space<vmem>>[vector<16xi32>], vector<16xi32>,
      %add3A_784 = arith.constant 18 : i32
      %add3A_785 = vector.broadcast %add3A_784 : i32 to vector<16xi32>
      %add3A_786 = arith.addi %add3A_48, %add3A_785 : vector<16xi32>
      %gather3A_787 = tpu.vector_load_idx %arg4[%add3A_786] : memref<25600xi32, #tpu.memory_space<vmem>>[vector<16xi32>], vector<16xi32>,
      %add3A_788 = arith.constant 18 : i32
      %add3A_789 = vector.broadcast %add3A_788 : i32 to vector<16xi32>
      %add3A_790 = arith.addi %add3A_55, %add3A_789 : vector<16xi32>
      %gather3A_791 = tpu.vector_load_idx %arg4[%add3A_790] : memref<25600xi32, #tpu.memory_space<vmem>>[vector<16xi32>], vector<16xi32>,
      %add3A_792 = arith.constant 18 : i32
      %add3A_793 = vector.broadcast %add3A_792 : i32 to vector<16xi32>
      %add3A_794 = arith.addi %add3A_62, %add3A_793 : vector<16xi32>
      %gather3A_795 = tpu.vector_load_idx %arg4[%add3A_794] : memref<25600xi32, #tpu.memory_space<vmem>>[vector<16xi32>], vector<16xi32>,
      %shift_left3A_796 = arith.constant 4 : i32
      %shift_left3A_797 = vector.broadcast %shift_left3A_796 : i32 to vector<16xi32>
      %shift_left3A_798 = arith.shli %gather3A_783, %shift_left3A_797 : vector<16xi32>
      %add3A_799 = arith.addi %shift_left3A_798, %iota3A : vector<16xi32>
      %shift_left3A_800 = arith.constant 4 : i32
      %shift_left3A_801 = vector.broadcast %shift_left3A_800 : i32 to vector<16xi32>
      %shift_left3A_802 = arith.shli %gather3A_787, %shift_left3A_801 : vector<16xi32>
      %add3A_803 = arith.addi %shift_left3A_802, %iota3A : vector<16xi32>
      %shift_left3A_804 = arith.constant 4 : i32
      %shift_left3A_805 = vector.broadcast %shift_left3A_804 : i32 to vector<16xi32>
      %shift_left3A_806 = arith.shli %gather3A_791, %shift_left3A_805 : vector<16xi32>
      %add3A_807 = arith.addi %shift_left3A_806, %iota3A : vector<16xi32>
      %shift_left3A_808 = arith.constant 4 : i32
      %shift_left3A_809 = vector.broadcast %shift_left3A_808 : i32 to vector<16xi32>
      %shift_left3A_810 = arith.shli %gather3A_795, %shift_left3A_809 : vector<16xi32>
      %add3A_811 = arith.addi %shift_left3A_810, %iota3A : vector<16xi32>
      %gather3A_812 = tpu.vector_load_idx %arg5[%add3A_799] : memref<19456xi32, #tpu.memory_space<vmem>>[vector<16xi32>], vector<16xi32>,
      %gather3A_813 = tpu.vector_load_idx %arg6[%add3A_803] : memref<19456xi32, #tpu.memory_space<vmem>>[vector<16xi32>], vector<16xi32>,
      %gather3A_814 = tpu.vector_load_idx %arg7[%add3A_807] : memref<19456xi32, #tpu.memory_space<vmem>>[vector<16xi32>], vector<16xi32>,
      %gather3A_815 = tpu.vector_load_idx %arg8[%add3A_811] : memref<19456xi32, #tpu.memory_space<vmem>>[vector<16xi32>], vector<16xi32>,
      %ne3A_816 = arith.cmpi ne, %gather3A_812, %and3A_34 : vector<16xi32>
      %ne3A_817 = arith.cmpi ne, %gather3A_813, %and3A_34 : vector<16xi32>
      %ne3A_818 = arith.cmpi ne, %gather3A_814, %and3A_34 : vector<16xi32>
      %ne3A_819 = arith.cmpi ne, %gather3A_815, %and3A_34 : vector<16xi32>
      tpu.vector_store_idx %arg9[%gather3A_783], %broadcast_in_dim3A_4 masked %ne3A_816 {add = true} : memref<1280xi32, #tpu.memory_space<vmem>>[vector<16xi32>], vector<16xi32>, vector<16xi1>
      tpu.vector_store_idx %arg5[%add3A_799], %and3A_34 : memref<19456xi32, #tpu.memory_space<vmem>>[vector<16xi32>], vector<16xi32>,
      tpu.vector_store_idx %arg9[%gather3A_787], %broadcast_in_dim3A_4 masked %ne3A_817 {add = true} : memref<1280xi32, #tpu.memory_space<vmem>>[vector<16xi32>], vector<16xi32>, vector<16xi1>
      tpu.vector_store_idx %arg6[%add3A_803], %and3A_34 : memref<19456xi32, #tpu.memory_space<vmem>>[vector<16xi32>], vector<16xi32>,
      tpu.vector_store_idx %arg9[%gather3A_791], %broadcast_in_dim3A_4 masked %ne3A_818 {add = true} : memref<1280xi32, #tpu.memory_space<vmem>>[vector<16xi32>], vector<16xi32>, vector<16xi1>
      tpu.vector_store_idx %arg7[%add3A_807], %and3A_34 : memref<19456xi32, #tpu.memory_space<vmem>>[vector<16xi32>], vector<16xi32>,
      tpu.vector_store_idx %arg9[%gather3A_795], %broadcast_in_dim3A_4 masked %ne3A_819 {add = true} : memref<1280xi32, #tpu.memory_space<vmem>>[vector<16xi32>], vector<16xi32>, vector<16xi1>
      tpu.vector_store_idx %arg8[%add3A_811], %and3A_34 : memref<19456xi32, #tpu.memory_space<vmem>>[vector<16xi32>], vector<16xi32>,
      %add3A_820 = arith.constant 19 : i32
      %add3A_821 = vector.broadcast %add3A_820 : i32 to vector<16xi32>
      %add3A_822 = arith.addi %add3A_41, %add3A_821 : vector<16xi32>
      %gather3A_823 = tpu.vector_load_idx %arg4[%add3A_822] : memref<25600xi32, #tpu.memory_space<vmem>>[vector<16xi32>], vector<16xi32>,
      %add3A_824 = arith.constant 19 : i32
      %add3A_825 = vector.broadcast %add3A_824 : i32 to vector<16xi32>
      %add3A_826 = arith.addi %add3A_48, %add3A_825 : vector<16xi32>
      %gather3A_827 = tpu.vector_load_idx %arg4[%add3A_826] : memref<25600xi32, #tpu.memory_space<vmem>>[vector<16xi32>], vector<16xi32>,
      %add3A_828 = arith.constant 19 : i32
      %add3A_829 = vector.broadcast %add3A_828 : i32 to vector<16xi32>
      %add3A_830 = arith.addi %add3A_55, %add3A_829 : vector<16xi32>
      %gather3A_831 = tpu.vector_load_idx %arg4[%add3A_830] : memref<25600xi32, #tpu.memory_space<vmem>>[vector<16xi32>], vector<16xi32>,
      %add3A_832 = arith.constant 19 : i32
      %add3A_833 = vector.broadcast %add3A_832 : i32 to vector<16xi32>
      %add3A_834 = arith.addi %add3A_62, %add3A_833 : vector<16xi32>
      %gather3A_835 = tpu.vector_load_idx %arg4[%add3A_834] : memref<25600xi32, #tpu.memory_space<vmem>>[vector<16xi32>], vector<16xi32>,
      %shift_left3A_836 = arith.constant 4 : i32
      %shift_left3A_837 = vector.broadcast %shift_left3A_836 : i32 to vector<16xi32>
      %shift_left3A_838 = arith.shli %gather3A_823, %shift_left3A_837 : vector<16xi32>
      %add3A_839 = arith.addi %shift_left3A_838, %iota3A : vector<16xi32>
      %shift_left3A_840 = arith.constant 4 : i32
      %shift_left3A_841 = vector.broadcast %shift_left3A_840 : i32 to vector<16xi32>
      %shift_left3A_842 = arith.shli %gather3A_827, %shift_left3A_841 : vector<16xi32>
      %add3A_843 = arith.addi %shift_left3A_842, %iota3A : vector<16xi32>
      %shift_left3A_844 = arith.constant 4 : i32
      %shift_left3A_845 = vector.broadcast %shift_left3A_844 : i32 to vector<16xi32>
      %shift_left3A_846 = arith.shli %gather3A_831, %shift_left3A_845 : vector<16xi32>
      %add3A_847 = arith.addi %shift_left3A_846, %iota3A : vector<16xi32>
      %shift_left3A_848 = arith.constant 4 : i32
      %shift_left3A_849 = vector.broadcast %shift_left3A_848 : i32 to vector<16xi32>
      %shift_left3A_850 = arith.shli %gather3A_835, %shift_left3A_849 : vector<16xi32>
      %add3A_851 = arith.addi %shift_left3A_850, %iota3A : vector<16xi32>
      %gather3A_852 = tpu.vector_load_idx %arg5[%add3A_839] : memref<19456xi32, #tpu.memory_space<vmem>>[vector<16xi32>], vector<16xi32>,
      %gather3A_853 = tpu.vector_load_idx %arg6[%add3A_843] : memref<19456xi32, #tpu.memory_space<vmem>>[vector<16xi32>], vector<16xi32>,
      %gather3A_854 = tpu.vector_load_idx %arg7[%add3A_847] : memref<19456xi32, #tpu.memory_space<vmem>>[vector<16xi32>], vector<16xi32>,
      %gather3A_855 = tpu.vector_load_idx %arg8[%add3A_851] : memref<19456xi32, #tpu.memory_space<vmem>>[vector<16xi32>], vector<16xi32>,
      %ne3A_856 = arith.cmpi ne, %gather3A_852, %and3A_34 : vector<16xi32>
      %ne3A_857 = arith.cmpi ne, %gather3A_853, %and3A_34 : vector<16xi32>
      %ne3A_858 = arith.cmpi ne, %gather3A_854, %and3A_34 : vector<16xi32>
      %ne3A_859 = arith.cmpi ne, %gather3A_855, %and3A_34 : vector<16xi32>
      tpu.vector_store_idx %arg9[%gather3A_823], %broadcast_in_dim3A_4 masked %ne3A_856 {add = true} : memref<1280xi32, #tpu.memory_space<vmem>>[vector<16xi32>], vector<16xi32>, vector<16xi1>
      tpu.vector_store_idx %arg5[%add3A_839], %and3A_34 : memref<19456xi32, #tpu.memory_space<vmem>>[vector<16xi32>], vector<16xi32>,
      tpu.vector_store_idx %arg9[%gather3A_827], %broadcast_in_dim3A_4 masked %ne3A_857 {add = true} : memref<1280xi32, #tpu.memory_space<vmem>>[vector<16xi32>], vector<16xi32>, vector<16xi1>
      tpu.vector_store_idx %arg6[%add3A_843], %and3A_34 : memref<19456xi32, #tpu.memory_space<vmem>>[vector<16xi32>], vector<16xi32>,
      tpu.vector_store_idx %arg9[%gather3A_831], %broadcast_in_dim3A_4 masked %ne3A_858 {add = true} : memref<1280xi32, #tpu.memory_space<vmem>>[vector<16xi32>], vector<16xi32>, vector<16xi1>
      tpu.vector_store_idx %arg7[%add3A_847], %and3A_34 : memref<19456xi32, #tpu.memory_space<vmem>>[vector<16xi32>], vector<16xi32>,
      tpu.vector_store_idx %arg9[%gather3A_835], %broadcast_in_dim3A_4 masked %ne3A_859 {add = true} : memref<1280xi32, #tpu.memory_space<vmem>>[vector<16xi32>], vector<16xi32>, vector<16xi1>
      tpu.vector_store_idx %arg8[%add3A_851], %and3A_34 : memref<19456xi32, #tpu.memory_space<vmem>>[vector<16xi32>], vector<16xi32>,
      %add3A_860 = arith.constant 20 : i32
      %add3A_861 = vector.broadcast %add3A_860 : i32 to vector<16xi32>
      %add3A_862 = arith.addi %add3A_41, %add3A_861 : vector<16xi32>
      %gather3A_863 = tpu.vector_load_idx %arg4[%add3A_862] : memref<25600xi32, #tpu.memory_space<vmem>>[vector<16xi32>], vector<16xi32>,
      %add3A_864 = arith.constant 20 : i32
      %add3A_865 = vector.broadcast %add3A_864 : i32 to vector<16xi32>
      %add3A_866 = arith.addi %add3A_48, %add3A_865 : vector<16xi32>
      %gather3A_867 = tpu.vector_load_idx %arg4[%add3A_866] : memref<25600xi32, #tpu.memory_space<vmem>>[vector<16xi32>], vector<16xi32>,
      %add3A_868 = arith.constant 20 : i32
      %add3A_869 = vector.broadcast %add3A_868 : i32 to vector<16xi32>
      %add3A_870 = arith.addi %add3A_55, %add3A_869 : vector<16xi32>
      %gather3A_871 = tpu.vector_load_idx %arg4[%add3A_870] : memref<25600xi32, #tpu.memory_space<vmem>>[vector<16xi32>], vector<16xi32>,
      %add3A_872 = arith.constant 20 : i32
      %add3A_873 = vector.broadcast %add3A_872 : i32 to vector<16xi32>
      %add3A_874 = arith.addi %add3A_62, %add3A_873 : vector<16xi32>
      %gather3A_875 = tpu.vector_load_idx %arg4[%add3A_874] : memref<25600xi32, #tpu.memory_space<vmem>>[vector<16xi32>], vector<16xi32>,
      %shift_left3A_876 = arith.constant 4 : i32
      %shift_left3A_877 = vector.broadcast %shift_left3A_876 : i32 to vector<16xi32>
      %shift_left3A_878 = arith.shli %gather3A_863, %shift_left3A_877 : vector<16xi32>
      %add3A_879 = arith.addi %shift_left3A_878, %iota3A : vector<16xi32>
      %shift_left3A_880 = arith.constant 4 : i32
      %shift_left3A_881 = vector.broadcast %shift_left3A_880 : i32 to vector<16xi32>
      %shift_left3A_882 = arith.shli %gather3A_867, %shift_left3A_881 : vector<16xi32>
      %add3A_883 = arith.addi %shift_left3A_882, %iota3A : vector<16xi32>
      %shift_left3A_884 = arith.constant 4 : i32
      %shift_left3A_885 = vector.broadcast %shift_left3A_884 : i32 to vector<16xi32>
      %shift_left3A_886 = arith.shli %gather3A_871, %shift_left3A_885 : vector<16xi32>
      %add3A_887 = arith.addi %shift_left3A_886, %iota3A : vector<16xi32>
      %shift_left3A_888 = arith.constant 4 : i32
      %shift_left3A_889 = vector.broadcast %shift_left3A_888 : i32 to vector<16xi32>
      %shift_left3A_890 = arith.shli %gather3A_875, %shift_left3A_889 : vector<16xi32>
      %add3A_891 = arith.addi %shift_left3A_890, %iota3A : vector<16xi32>
      %gather3A_892 = tpu.vector_load_idx %arg5[%add3A_879] : memref<19456xi32, #tpu.memory_space<vmem>>[vector<16xi32>], vector<16xi32>,
      %gather3A_893 = tpu.vector_load_idx %arg6[%add3A_883] : memref<19456xi32, #tpu.memory_space<vmem>>[vector<16xi32>], vector<16xi32>,
      %gather3A_894 = tpu.vector_load_idx %arg7[%add3A_887] : memref<19456xi32, #tpu.memory_space<vmem>>[vector<16xi32>], vector<16xi32>,
      %gather3A_895 = tpu.vector_load_idx %arg8[%add3A_891] : memref<19456xi32, #tpu.memory_space<vmem>>[vector<16xi32>], vector<16xi32>,
      %ne3A_896 = arith.cmpi ne, %gather3A_892, %and3A_34 : vector<16xi32>
      %ne3A_897 = arith.cmpi ne, %gather3A_893, %and3A_34 : vector<16xi32>
      %ne3A_898 = arith.cmpi ne, %gather3A_894, %and3A_34 : vector<16xi32>
      %ne3A_899 = arith.cmpi ne, %gather3A_895, %and3A_34 : vector<16xi32>
      tpu.vector_store_idx %arg9[%gather3A_863], %broadcast_in_dim3A_4 masked %ne3A_896 {add = true} : memref<1280xi32, #tpu.memory_space<vmem>>[vector<16xi32>], vector<16xi32>, vector<16xi1>
      tpu.vector_store_idx %arg5[%add3A_879], %and3A_34 : memref<19456xi32, #tpu.memory_space<vmem>>[vector<16xi32>], vector<16xi32>,
      tpu.vector_store_idx %arg9[%gather3A_867], %broadcast_in_dim3A_4 masked %ne3A_897 {add = true} : memref<1280xi32, #tpu.memory_space<vmem>>[vector<16xi32>], vector<16xi32>, vector<16xi1>
      tpu.vector_store_idx %arg6[%add3A_883], %and3A_34 : memref<19456xi32, #tpu.memory_space<vmem>>[vector<16xi32>], vector<16xi32>,
      tpu.vector_store_idx %arg9[%gather3A_871], %broadcast_in_dim3A_4 masked %ne3A_898 {add = true} : memref<1280xi32, #tpu.memory_space<vmem>>[vector<16xi32>], vector<16xi32>, vector<16xi1>
      tpu.vector_store_idx %arg7[%add3A_887], %and3A_34 : memref<19456xi32, #tpu.memory_space<vmem>>[vector<16xi32>], vector<16xi32>,
      tpu.vector_store_idx %arg9[%gather3A_875], %broadcast_in_dim3A_4 masked %ne3A_899 {add = true} : memref<1280xi32, #tpu.memory_space<vmem>>[vector<16xi32>], vector<16xi32>, vector<16xi1>
      tpu.vector_store_idx %arg8[%add3A_891], %and3A_34 : memref<19456xi32, #tpu.memory_space<vmem>>[vector<16xi32>], vector<16xi32>,
      %add3A_900 = arith.constant 21 : i32
      %add3A_901 = vector.broadcast %add3A_900 : i32 to vector<16xi32>
      %add3A_902 = arith.addi %add3A_41, %add3A_901 : vector<16xi32>
      %gather3A_903 = tpu.vector_load_idx %arg4[%add3A_902] : memref<25600xi32, #tpu.memory_space<vmem>>[vector<16xi32>], vector<16xi32>,
      %add3A_904 = arith.constant 21 : i32
      %add3A_905 = vector.broadcast %add3A_904 : i32 to vector<16xi32>
      %add3A_906 = arith.addi %add3A_48, %add3A_905 : vector<16xi32>
      %gather3A_907 = tpu.vector_load_idx %arg4[%add3A_906] : memref<25600xi32, #tpu.memory_space<vmem>>[vector<16xi32>], vector<16xi32>,
      %add3A_908 = arith.constant 21 : i32
      %add3A_909 = vector.broadcast %add3A_908 : i32 to vector<16xi32>
      %add3A_910 = arith.addi %add3A_55, %add3A_909 : vector<16xi32>
      %gather3A_911 = tpu.vector_load_idx %arg4[%add3A_910] : memref<25600xi32, #tpu.memory_space<vmem>>[vector<16xi32>], vector<16xi32>,
      %add3A_912 = arith.constant 21 : i32
      %add3A_913 = vector.broadcast %add3A_912 : i32 to vector<16xi32>
      %add3A_914 = arith.addi %add3A_62, %add3A_913 : vector<16xi32>
      %gather3A_915 = tpu.vector_load_idx %arg4[%add3A_914] : memref<25600xi32, #tpu.memory_space<vmem>>[vector<16xi32>], vector<16xi32>,
      %shift_left3A_916 = arith.constant 4 : i32
      %shift_left3A_917 = vector.broadcast %shift_left3A_916 : i32 to vector<16xi32>
      %shift_left3A_918 = arith.shli %gather3A_903, %shift_left3A_917 : vector<16xi32>
      %add3A_919 = arith.addi %shift_left3A_918, %iota3A : vector<16xi32>
      %shift_left3A_920 = arith.constant 4 : i32
      %shift_left3A_921 = vector.broadcast %shift_left3A_920 : i32 to vector<16xi32>
      %shift_left3A_922 = arith.shli %gather3A_907, %shift_left3A_921 : vector<16xi32>
      %add3A_923 = arith.addi %shift_left3A_922, %iota3A : vector<16xi32>
      %shift_left3A_924 = arith.constant 4 : i32
      %shift_left3A_925 = vector.broadcast %shift_left3A_924 : i32 to vector<16xi32>
      %shift_left3A_926 = arith.shli %gather3A_911, %shift_left3A_925 : vector<16xi32>
      %add3A_927 = arith.addi %shift_left3A_926, %iota3A : vector<16xi32>
      %shift_left3A_928 = arith.constant 4 : i32
      %shift_left3A_929 = vector.broadcast %shift_left3A_928 : i32 to vector<16xi32>
      %shift_left3A_930 = arith.shli %gather3A_915, %shift_left3A_929 : vector<16xi32>
      %add3A_931 = arith.addi %shift_left3A_930, %iota3A : vector<16xi32>
      %gather3A_932 = tpu.vector_load_idx %arg5[%add3A_919] : memref<19456xi32, #tpu.memory_space<vmem>>[vector<16xi32>], vector<16xi32>,
      %gather3A_933 = tpu.vector_load_idx %arg6[%add3A_923] : memref<19456xi32, #tpu.memory_space<vmem>>[vector<16xi32>], vector<16xi32>,
      %gather3A_934 = tpu.vector_load_idx %arg7[%add3A_927] : memref<19456xi32, #tpu.memory_space<vmem>>[vector<16xi32>], vector<16xi32>,
      %gather3A_935 = tpu.vector_load_idx %arg8[%add3A_931] : memref<19456xi32, #tpu.memory_space<vmem>>[vector<16xi32>], vector<16xi32>,
      %ne3A_936 = arith.cmpi ne, %gather3A_932, %and3A_34 : vector<16xi32>
      %ne3A_937 = arith.cmpi ne, %gather3A_933, %and3A_34 : vector<16xi32>
      %ne3A_938 = arith.cmpi ne, %gather3A_934, %and3A_34 : vector<16xi32>
      %ne3A_939 = arith.cmpi ne, %gather3A_935, %and3A_34 : vector<16xi32>
      tpu.vector_store_idx %arg9[%gather3A_903], %broadcast_in_dim3A_4 masked %ne3A_936 {add = true} : memref<1280xi32, #tpu.memory_space<vmem>>[vector<16xi32>], vector<16xi32>, vector<16xi1>
      tpu.vector_store_idx %arg5[%add3A_919], %and3A_34 : memref<19456xi32, #tpu.memory_space<vmem>>[vector<16xi32>], vector<16xi32>,
      tpu.vector_store_idx %arg9[%gather3A_907], %broadcast_in_dim3A_4 masked %ne3A_937 {add = true} : memref<1280xi32, #tpu.memory_space<vmem>>[vector<16xi32>], vector<16xi32>, vector<16xi1>
      tpu.vector_store_idx %arg6[%add3A_923], %and3A_34 : memref<19456xi32, #tpu.memory_space<vmem>>[vector<16xi32>], vector<16xi32>,
      tpu.vector_store_idx %arg9[%gather3A_911], %broadcast_in_dim3A_4 masked %ne3A_938 {add = true} : memref<1280xi32, #tpu.memory_space<vmem>>[vector<16xi32>], vector<16xi32>, vector<16xi1>
      tpu.vector_store_idx %arg7[%add3A_927], %and3A_34 : memref<19456xi32, #tpu.memory_space<vmem>>[vector<16xi32>], vector<16xi32>,
      tpu.vector_store_idx %arg9[%gather3A_915], %broadcast_in_dim3A_4 masked %ne3A_939 {add = true} : memref<1280xi32, #tpu.memory_space<vmem>>[vector<16xi32>], vector<16xi32>, vector<16xi1>
      tpu.vector_store_idx %arg8[%add3A_931], %and3A_34 : memref<19456xi32, #tpu.memory_space<vmem>>[vector<16xi32>], vector<16xi32>,
      %add3A_940 = arith.constant 22 : i32
      %add3A_941 = vector.broadcast %add3A_940 : i32 to vector<16xi32>
      %add3A_942 = arith.addi %add3A_41, %add3A_941 : vector<16xi32>
      %gather3A_943 = tpu.vector_load_idx %arg4[%add3A_942] : memref<25600xi32, #tpu.memory_space<vmem>>[vector<16xi32>], vector<16xi32>,
      %add3A_944 = arith.constant 22 : i32
      %add3A_945 = vector.broadcast %add3A_944 : i32 to vector<16xi32>
      %add3A_946 = arith.addi %add3A_48, %add3A_945 : vector<16xi32>
      %gather3A_947 = tpu.vector_load_idx %arg4[%add3A_946] : memref<25600xi32, #tpu.memory_space<vmem>>[vector<16xi32>], vector<16xi32>,
      %add3A_948 = arith.constant 22 : i32
      %add3A_949 = vector.broadcast %add3A_948 : i32 to vector<16xi32>
      %add3A_950 = arith.addi %add3A_55, %add3A_949 : vector<16xi32>
      %gather3A_951 = tpu.vector_load_idx %arg4[%add3A_950] : memref<25600xi32, #tpu.memory_space<vmem>>[vector<16xi32>], vector<16xi32>,
      %add3A_952 = arith.constant 22 : i32
      %add3A_953 = vector.broadcast %add3A_952 : i32 to vector<16xi32>
      %add3A_954 = arith.addi %add3A_62, %add3A_953 : vector<16xi32>
      %gather3A_955 = tpu.vector_load_idx %arg4[%add3A_954] : memref<25600xi32, #tpu.memory_space<vmem>>[vector<16xi32>], vector<16xi32>,
      %shift_left3A_956 = arith.constant 4 : i32
      %shift_left3A_957 = vector.broadcast %shift_left3A_956 : i32 to vector<16xi32>
      %shift_left3A_958 = arith.shli %gather3A_943, %shift_left3A_957 : vector<16xi32>
      %add3A_959 = arith.addi %shift_left3A_958, %iota3A : vector<16xi32>
      %shift_left3A_960 = arith.constant 4 : i32
      %shift_left3A_961 = vector.broadcast %shift_left3A_960 : i32 to vector<16xi32>
      %shift_left3A_962 = arith.shli %gather3A_947, %shift_left3A_961 : vector<16xi32>
      %add3A_963 = arith.addi %shift_left3A_962, %iota3A : vector<16xi32>
      %shift_left3A_964 = arith.constant 4 : i32
      %shift_left3A_965 = vector.broadcast %shift_left3A_964 : i32 to vector<16xi32>
      %shift_left3A_966 = arith.shli %gather3A_951, %shift_left3A_965 : vector<16xi32>
      %add3A_967 = arith.addi %shift_left3A_966, %iota3A : vector<16xi32>
      %shift_left3A_968 = arith.constant 4 : i32
      %shift_left3A_969 = vector.broadcast %shift_left3A_968 : i32 to vector<16xi32>
      %shift_left3A_970 = arith.shli %gather3A_955, %shift_left3A_969 : vector<16xi32>
      %add3A_971 = arith.addi %shift_left3A_970, %iota3A : vector<16xi32>
      %gather3A_972 = tpu.vector_load_idx %arg5[%add3A_959] : memref<19456xi32, #tpu.memory_space<vmem>>[vector<16xi32>], vector<16xi32>,
      %gather3A_973 = tpu.vector_load_idx %arg6[%add3A_963] : memref<19456xi32, #tpu.memory_space<vmem>>[vector<16xi32>], vector<16xi32>,
      %gather3A_974 = tpu.vector_load_idx %arg7[%add3A_967] : memref<19456xi32, #tpu.memory_space<vmem>>[vector<16xi32>], vector<16xi32>,
      %gather3A_975 = tpu.vector_load_idx %arg8[%add3A_971] : memref<19456xi32, #tpu.memory_space<vmem>>[vector<16xi32>], vector<16xi32>,
      %ne3A_976 = arith.cmpi ne, %gather3A_972, %and3A_34 : vector<16xi32>
      %ne3A_977 = arith.cmpi ne, %gather3A_973, %and3A_34 : vector<16xi32>
      %ne3A_978 = arith.cmpi ne, %gather3A_974, %and3A_34 : vector<16xi32>
      %ne3A_979 = arith.cmpi ne, %gather3A_975, %and3A_34 : vector<16xi32>
      tpu.vector_store_idx %arg9[%gather3A_943], %broadcast_in_dim3A_4 masked %ne3A_976 {add = true} : memref<1280xi32, #tpu.memory_space<vmem>>[vector<16xi32>], vector<16xi32>, vector<16xi1>
      tpu.vector_store_idx %arg5[%add3A_959], %and3A_34 : memref<19456xi32, #tpu.memory_space<vmem>>[vector<16xi32>], vector<16xi32>,
      tpu.vector_store_idx %arg9[%gather3A_947], %broadcast_in_dim3A_4 masked %ne3A_977 {add = true} : memref<1280xi32, #tpu.memory_space<vmem>>[vector<16xi32>], vector<16xi32>, vector<16xi1>
      tpu.vector_store_idx %arg6[%add3A_963], %and3A_34 : memref<19456xi32, #tpu.memory_space<vmem>>[vector<16xi32>], vector<16xi32>,
      tpu.vector_store_idx %arg9[%gather3A_951], %broadcast_in_dim3A_4 masked %ne3A_978 {add = true} : memref<1280xi32, #tpu.memory_space<vmem>>[vector<16xi32>], vector<16xi32>, vector<16xi1>
      tpu.vector_store_idx %arg7[%add3A_967], %and3A_34 : memref<19456xi32, #tpu.memory_space<vmem>>[vector<16xi32>], vector<16xi32>,
      tpu.vector_store_idx %arg9[%gather3A_955], %broadcast_in_dim3A_4 masked %ne3A_979 {add = true} : memref<1280xi32, #tpu.memory_space<vmem>>[vector<16xi32>], vector<16xi32>, vector<16xi1>
      tpu.vector_store_idx %arg8[%add3A_971], %and3A_34 : memref<19456xi32, #tpu.memory_space<vmem>>[vector<16xi32>], vector<16xi32>,
      %add3A_980 = arith.constant 23 : i32
      %add3A_981 = vector.broadcast %add3A_980 : i32 to vector<16xi32>
      %add3A_982 = arith.addi %add3A_41, %add3A_981 : vector<16xi32>
      %gather3A_983 = tpu.vector_load_idx %arg4[%add3A_982] : memref<25600xi32, #tpu.memory_space<vmem>>[vector<16xi32>], vector<16xi32>,
      %add3A_984 = arith.constant 23 : i32
      %add3A_985 = vector.broadcast %add3A_984 : i32 to vector<16xi32>
      %add3A_986 = arith.addi %add3A_48, %add3A_985 : vector<16xi32>
      %gather3A_987 = tpu.vector_load_idx %arg4[%add3A_986] : memref<25600xi32, #tpu.memory_space<vmem>>[vector<16xi32>], vector<16xi32>,
      %add3A_988 = arith.constant 23 : i32
      %add3A_989 = vector.broadcast %add3A_988 : i32 to vector<16xi32>
      %add3A_990 = arith.addi %add3A_55, %add3A_989 : vector<16xi32>
      %gather3A_991 = tpu.vector_load_idx %arg4[%add3A_990] : memref<25600xi32, #tpu.memory_space<vmem>>[vector<16xi32>], vector<16xi32>,
      %add3A_992 = arith.constant 23 : i32
      %add3A_993 = vector.broadcast %add3A_992 : i32 to vector<16xi32>
      %add3A_994 = arith.addi %add3A_62, %add3A_993 : vector<16xi32>
      %gather3A_995 = tpu.vector_load_idx %arg4[%add3A_994] : memref<25600xi32, #tpu.memory_space<vmem>>[vector<16xi32>], vector<16xi32>,
      %shift_left3A_996 = arith.constant 4 : i32
      %shift_left3A_997 = vector.broadcast %shift_left3A_996 : i32 to vector<16xi32>
      %shift_left3A_998 = arith.shli %gather3A_983, %shift_left3A_997 : vector<16xi32>
      %add3A_999 = arith.addi %shift_left3A_998, %iota3A : vector<16xi32>
      %shift_left3A_1000 = arith.constant 4 : i32
      %shift_left3A_1001 = vector.broadcast %shift_left3A_1000 : i32 to vector<16xi32>
      %shift_left3A_1002 = arith.shli %gather3A_987, %shift_left3A_1001 : vector<16xi32>
      %add3A_1003 = arith.addi %shift_left3A_1002, %iota3A : vector<16xi32>
      %shift_left3A_1004 = arith.constant 4 : i32
      %shift_left3A_1005 = vector.broadcast %shift_left3A_1004 : i32 to vector<16xi32>
      %shift_left3A_1006 = arith.shli %gather3A_991, %shift_left3A_1005 : vector<16xi32>
      %add3A_1007 = arith.addi %shift_left3A_1006, %iota3A : vector<16xi32>
      %shift_left3A_1008 = arith.constant 4 : i32
      %shift_left3A_1009 = vector.broadcast %shift_left3A_1008 : i32 to vector<16xi32>
      %shift_left3A_1010 = arith.shli %gather3A_995, %shift_left3A_1009 : vector<16xi32>
      %add3A_1011 = arith.addi %shift_left3A_1010, %iota3A : vector<16xi32>
      %gather3A_1012 = tpu.vector_load_idx %arg5[%add3A_999] : memref<19456xi32, #tpu.memory_space<vmem>>[vector<16xi32>], vector<16xi32>,
      %gather3A_1013 = tpu.vector_load_idx %arg6[%add3A_1003] : memref<19456xi32, #tpu.memory_space<vmem>>[vector<16xi32>], vector<16xi32>,
      %gather3A_1014 = tpu.vector_load_idx %arg7[%add3A_1007] : memref<19456xi32, #tpu.memory_space<vmem>>[vector<16xi32>], vector<16xi32>,
      %gather3A_1015 = tpu.vector_load_idx %arg8[%add3A_1011] : memref<19456xi32, #tpu.memory_space<vmem>>[vector<16xi32>], vector<16xi32>,
      %ne3A_1016 = arith.cmpi ne, %gather3A_1012, %and3A_34 : vector<16xi32>
      %ne3A_1017 = arith.cmpi ne, %gather3A_1013, %and3A_34 : vector<16xi32>
      %ne3A_1018 = arith.cmpi ne, %gather3A_1014, %and3A_34 : vector<16xi32>
      %ne3A_1019 = arith.cmpi ne, %gather3A_1015, %and3A_34 : vector<16xi32>
      tpu.vector_store_idx %arg9[%gather3A_983], %broadcast_in_dim3A_4 masked %ne3A_1016 {add = true} : memref<1280xi32, #tpu.memory_space<vmem>>[vector<16xi32>], vector<16xi32>, vector<16xi1>
      tpu.vector_store_idx %arg5[%add3A_999], %and3A_34 : memref<19456xi32, #tpu.memory_space<vmem>>[vector<16xi32>], vector<16xi32>,
      tpu.vector_store_idx %arg9[%gather3A_987], %broadcast_in_dim3A_4 masked %ne3A_1017 {add = true} : memref<1280xi32, #tpu.memory_space<vmem>>[vector<16xi32>], vector<16xi32>, vector<16xi1>
      tpu.vector_store_idx %arg6[%add3A_1003], %and3A_34 : memref<19456xi32, #tpu.memory_space<vmem>>[vector<16xi32>], vector<16xi32>,
      tpu.vector_store_idx %arg9[%gather3A_991], %broadcast_in_dim3A_4 masked %ne3A_1018 {add = true} : memref<1280xi32, #tpu.memory_space<vmem>>[vector<16xi32>], vector<16xi32>, vector<16xi1>
      tpu.vector_store_idx %arg7[%add3A_1007], %and3A_34 : memref<19456xi32, #tpu.memory_space<vmem>>[vector<16xi32>], vector<16xi32>,
      tpu.vector_store_idx %arg9[%gather3A_995], %broadcast_in_dim3A_4 masked %ne3A_1019 {add = true} : memref<1280xi32, #tpu.memory_space<vmem>>[vector<16xi32>], vector<16xi32>, vector<16xi1>
      tpu.vector_store_idx %arg8[%add3A_1011], %and3A_34 : memref<19456xi32, #tpu.memory_space<vmem>>[vector<16xi32>], vector<16xi32>,
      %add3A_1020 = arith.constant 24 : i32
      %add3A_1021 = vector.broadcast %add3A_1020 : i32 to vector<16xi32>
      %add3A_1022 = arith.addi %add3A_41, %add3A_1021 : vector<16xi32>
      %gather3A_1023 = tpu.vector_load_idx %arg4[%add3A_1022] : memref<25600xi32, #tpu.memory_space<vmem>>[vector<16xi32>], vector<16xi32>,
      %add3A_1024 = arith.constant 24 : i32
      %add3A_1025 = vector.broadcast %add3A_1024 : i32 to vector<16xi32>
      %add3A_1026 = arith.addi %add3A_48, %add3A_1025 : vector<16xi32>
      %gather3A_1027 = tpu.vector_load_idx %arg4[%add3A_1026] : memref<25600xi32, #tpu.memory_space<vmem>>[vector<16xi32>], vector<16xi32>,
      %add3A_1028 = arith.constant 24 : i32
      %add3A_1029 = vector.broadcast %add3A_1028 : i32 to vector<16xi32>
      %add3A_1030 = arith.addi %add3A_55, %add3A_1029 : vector<16xi32>
      %gather3A_1031 = tpu.vector_load_idx %arg4[%add3A_1030] : memref<25600xi32, #tpu.memory_space<vmem>>[vector<16xi32>], vector<16xi32>,
      %add3A_1032 = arith.constant 24 : i32
      %add3A_1033 = vector.broadcast %add3A_1032 : i32 to vector<16xi32>
      %add3A_1034 = arith.addi %add3A_62, %add3A_1033 : vector<16xi32>
      %gather3A_1035 = tpu.vector_load_idx %arg4[%add3A_1034] : memref<25600xi32, #tpu.memory_space<vmem>>[vector<16xi32>], vector<16xi32>,
      %shift_left3A_1036 = arith.constant 4 : i32
      %shift_left3A_1037 = vector.broadcast %shift_left3A_1036 : i32 to vector<16xi32>
      %shift_left3A_1038 = arith.shli %gather3A_1023, %shift_left3A_1037 : vector<16xi32>
      %add3A_1039 = arith.addi %shift_left3A_1038, %iota3A : vector<16xi32>
      %shift_left3A_1040 = arith.constant 4 : i32
      %shift_left3A_1041 = vector.broadcast %shift_left3A_1040 : i32 to vector<16xi32>
      %shift_left3A_1042 = arith.shli %gather3A_1027, %shift_left3A_1041 : vector<16xi32>
      %add3A_1043 = arith.addi %shift_left3A_1042, %iota3A : vector<16xi32>
      %shift_left3A_1044 = arith.constant 4 : i32
      %shift_left3A_1045 = vector.broadcast %shift_left3A_1044 : i32 to vector<16xi32>
      %shift_left3A_1046 = arith.shli %gather3A_1031, %shift_left3A_1045 : vector<16xi32>
      %add3A_1047 = arith.addi %shift_left3A_1046, %iota3A : vector<16xi32>
      %shift_left3A_1048 = arith.constant 4 : i32
      %shift_left3A_1049 = vector.broadcast %shift_left3A_1048 : i32 to vector<16xi32>
      %shift_left3A_1050 = arith.shli %gather3A_1035, %shift_left3A_1049 : vector<16xi32>
      %add3A_1051 = arith.addi %shift_left3A_1050, %iota3A : vector<16xi32>
      %gather3A_1052 = tpu.vector_load_idx %arg5[%add3A_1039] : memref<19456xi32, #tpu.memory_space<vmem>>[vector<16xi32>], vector<16xi32>,
      %gather3A_1053 = tpu.vector_load_idx %arg6[%add3A_1043] : memref<19456xi32, #tpu.memory_space<vmem>>[vector<16xi32>], vector<16xi32>,
      %gather3A_1054 = tpu.vector_load_idx %arg7[%add3A_1047] : memref<19456xi32, #tpu.memory_space<vmem>>[vector<16xi32>], vector<16xi32>,
      %gather3A_1055 = tpu.vector_load_idx %arg8[%add3A_1051] : memref<19456xi32, #tpu.memory_space<vmem>>[vector<16xi32>], vector<16xi32>,
      %ne3A_1056 = arith.cmpi ne, %gather3A_1052, %and3A_34 : vector<16xi32>
      %ne3A_1057 = arith.cmpi ne, %gather3A_1053, %and3A_34 : vector<16xi32>
      %ne3A_1058 = arith.cmpi ne, %gather3A_1054, %and3A_34 : vector<16xi32>
      %ne3A_1059 = arith.cmpi ne, %gather3A_1055, %and3A_34 : vector<16xi32>
      tpu.vector_store_idx %arg9[%gather3A_1023], %broadcast_in_dim3A_4 masked %ne3A_1056 {add = true} : memref<1280xi32, #tpu.memory_space<vmem>>[vector<16xi32>], vector<16xi32>, vector<16xi1>
      tpu.vector_store_idx %arg5[%add3A_1039], %and3A_34 : memref<19456xi32, #tpu.memory_space<vmem>>[vector<16xi32>], vector<16xi32>,
      tpu.vector_store_idx %arg9[%gather3A_1027], %broadcast_in_dim3A_4 masked %ne3A_1057 {add = true} : memref<1280xi32, #tpu.memory_space<vmem>>[vector<16xi32>], vector<16xi32>, vector<16xi1>
      tpu.vector_store_idx %arg6[%add3A_1043], %and3A_34 : memref<19456xi32, #tpu.memory_space<vmem>>[vector<16xi32>], vector<16xi32>,
      tpu.vector_store_idx %arg9[%gather3A_1031], %broadcast_in_dim3A_4 masked %ne3A_1058 {add = true} : memref<1280xi32, #tpu.memory_space<vmem>>[vector<16xi32>], vector<16xi32>, vector<16xi1>
      tpu.vector_store_idx %arg7[%add3A_1047], %and3A_34 : memref<19456xi32, #tpu.memory_space<vmem>>[vector<16xi32>], vector<16xi32>,
      tpu.vector_store_idx %arg9[%gather3A_1035], %broadcast_in_dim3A_4 masked %ne3A_1059 {add = true} : memref<1280xi32, #tpu.memory_space<vmem>>[vector<16xi32>], vector<16xi32>, vector<16xi1>
      tpu.vector_store_idx %arg8[%add3A_1051], %and3A_34 : memref<19456xi32, #tpu.memory_space<vmem>>[vector<16xi32>], vector<16xi32>,
      %add3A_1060 = arith.constant 25 : i32
      %add3A_1061 = vector.broadcast %add3A_1060 : i32 to vector<16xi32>
      %add3A_1062 = arith.addi %add3A_41, %add3A_1061 : vector<16xi32>
      %gather3A_1063 = tpu.vector_load_idx %arg4[%add3A_1062] : memref<25600xi32, #tpu.memory_space<vmem>>[vector<16xi32>], vector<16xi32>,
      %add3A_1064 = arith.constant 25 : i32
      %add3A_1065 = vector.broadcast %add3A_1064 : i32 to vector<16xi32>
      %add3A_1066 = arith.addi %add3A_48, %add3A_1065 : vector<16xi32>
      %gather3A_1067 = tpu.vector_load_idx %arg4[%add3A_1066] : memref<25600xi32, #tpu.memory_space<vmem>>[vector<16xi32>], vector<16xi32>,
      %add3A_1068 = arith.constant 25 : i32
      %add3A_1069 = vector.broadcast %add3A_1068 : i32 to vector<16xi32>
      %add3A_1070 = arith.addi %add3A_55, %add3A_1069 : vector<16xi32>
      %gather3A_1071 = tpu.vector_load_idx %arg4[%add3A_1070] : memref<25600xi32, #tpu.memory_space<vmem>>[vector<16xi32>], vector<16xi32>,
      %add3A_1072 = arith.constant 25 : i32
      %add3A_1073 = vector.broadcast %add3A_1072 : i32 to vector<16xi32>
      %add3A_1074 = arith.addi %add3A_62, %add3A_1073 : vector<16xi32>
      %gather3A_1075 = tpu.vector_load_idx %arg4[%add3A_1074] : memref<25600xi32, #tpu.memory_space<vmem>>[vector<16xi32>], vector<16xi32>,
      %shift_left3A_1076 = arith.constant 4 : i32
      %shift_left3A_1077 = vector.broadcast %shift_left3A_1076 : i32 to vector<16xi32>
      %shift_left3A_1078 = arith.shli %gather3A_1063, %shift_left3A_1077 : vector<16xi32>
      %add3A_1079 = arith.addi %shift_left3A_1078, %iota3A : vector<16xi32>
      %shift_left3A_1080 = arith.constant 4 : i32
      %shift_left3A_1081 = vector.broadcast %shift_left3A_1080 : i32 to vector<16xi32>
      %shift_left3A_1082 = arith.shli %gather3A_1067, %shift_left3A_1081 : vector<16xi32>
      %add3A_1083 = arith.addi %shift_left3A_1082, %iota3A : vector<16xi32>
      %shift_left3A_1084 = arith.constant 4 : i32
      %shift_left3A_1085 = vector.broadcast %shift_left3A_1084 : i32 to vector<16xi32>
      %shift_left3A_1086 = arith.shli %gather3A_1071, %shift_left3A_1085 : vector<16xi32>
      %add3A_1087 = arith.addi %shift_left3A_1086, %iota3A : vector<16xi32>
      %shift_left3A_1088 = arith.constant 4 : i32
      %shift_left3A_1089 = vector.broadcast %shift_left3A_1088 : i32 to vector<16xi32>
      %shift_left3A_1090 = arith.shli %gather3A_1075, %shift_left3A_1089 : vector<16xi32>
      %add3A_1091 = arith.addi %shift_left3A_1090, %iota3A : vector<16xi32>
      %gather3A_1092 = tpu.vector_load_idx %arg5[%add3A_1079] : memref<19456xi32, #tpu.memory_space<vmem>>[vector<16xi32>], vector<16xi32>,
      %gather3A_1093 = tpu.vector_load_idx %arg6[%add3A_1083] : memref<19456xi32, #tpu.memory_space<vmem>>[vector<16xi32>], vector<16xi32>,
      %gather3A_1094 = tpu.vector_load_idx %arg7[%add3A_1087] : memref<19456xi32, #tpu.memory_space<vmem>>[vector<16xi32>], vector<16xi32>,
      %gather3A_1095 = tpu.vector_load_idx %arg8[%add3A_1091] : memref<19456xi32, #tpu.memory_space<vmem>>[vector<16xi32>], vector<16xi32>,
      %ne3A_1096 = arith.cmpi ne, %gather3A_1092, %and3A_34 : vector<16xi32>
      %ne3A_1097 = arith.cmpi ne, %gather3A_1093, %and3A_34 : vector<16xi32>
      %ne3A_1098 = arith.cmpi ne, %gather3A_1094, %and3A_34 : vector<16xi32>
      %ne3A_1099 = arith.cmpi ne, %gather3A_1095, %and3A_34 : vector<16xi32>
      tpu.vector_store_idx %arg9[%gather3A_1063], %broadcast_in_dim3A_4 masked %ne3A_1096 {add = true} : memref<1280xi32, #tpu.memory_space<vmem>>[vector<16xi32>], vector<16xi32>, vector<16xi1>
      tpu.vector_store_idx %arg5[%add3A_1079], %and3A_34 : memref<19456xi32, #tpu.memory_space<vmem>>[vector<16xi32>], vector<16xi32>,
      tpu.vector_store_idx %arg9[%gather3A_1067], %broadcast_in_dim3A_4 masked %ne3A_1097 {add = true} : memref<1280xi32, #tpu.memory_space<vmem>>[vector<16xi32>], vector<16xi32>, vector<16xi1>
      tpu.vector_store_idx %arg6[%add3A_1083], %and3A_34 : memref<19456xi32, #tpu.memory_space<vmem>>[vector<16xi32>], vector<16xi32>,
      tpu.vector_store_idx %arg9[%gather3A_1071], %broadcast_in_dim3A_4 masked %ne3A_1098 {add = true} : memref<1280xi32, #tpu.memory_space<vmem>>[vector<16xi32>], vector<16xi32>, vector<16xi1>
      tpu.vector_store_idx %arg7[%add3A_1087], %and3A_34 : memref<19456xi32, #tpu.memory_space<vmem>>[vector<16xi32>], vector<16xi32>,
      tpu.vector_store_idx %arg9[%gather3A_1075], %broadcast_in_dim3A_4 masked %ne3A_1099 {add = true} : memref<1280xi32, #tpu.memory_space<vmem>>[vector<16xi32>], vector<16xi32>, vector<16xi1>
      tpu.vector_store_idx %arg8[%add3A_1091], %and3A_34 : memref<19456xi32, #tpu.memory_space<vmem>>[vector<16xi32>], vector<16xi32>,
      %add3A_1100 = arith.constant 26 : i32
      %add3A_1101 = vector.broadcast %add3A_1100 : i32 to vector<16xi32>
      %add3A_1102 = arith.addi %add3A_41, %add3A_1101 : vector<16xi32>
      %gather3A_1103 = tpu.vector_load_idx %arg4[%add3A_1102] : memref<25600xi32, #tpu.memory_space<vmem>>[vector<16xi32>], vector<16xi32>,
      %add3A_1104 = arith.constant 26 : i32
      %add3A_1105 = vector.broadcast %add3A_1104 : i32 to vector<16xi32>
      %add3A_1106 = arith.addi %add3A_48, %add3A_1105 : vector<16xi32>
      %gather3A_1107 = tpu.vector_load_idx %arg4[%add3A_1106] : memref<25600xi32, #tpu.memory_space<vmem>>[vector<16xi32>], vector<16xi32>,
      %add3A_1108 = arith.constant 26 : i32
      %add3A_1109 = vector.broadcast %add3A_1108 : i32 to vector<16xi32>
      %add3A_1110 = arith.addi %add3A_55, %add3A_1109 : vector<16xi32>
      %gather3A_1111 = tpu.vector_load_idx %arg4[%add3A_1110] : memref<25600xi32, #tpu.memory_space<vmem>>[vector<16xi32>], vector<16xi32>,
      %add3A_1112 = arith.constant 26 : i32
      %add3A_1113 = vector.broadcast %add3A_1112 : i32 to vector<16xi32>
      %add3A_1114 = arith.addi %add3A_62, %add3A_1113 : vector<16xi32>
      %gather3A_1115 = tpu.vector_load_idx %arg4[%add3A_1114] : memref<25600xi32, #tpu.memory_space<vmem>>[vector<16xi32>], vector<16xi32>,
      %shift_left3A_1116 = arith.constant 4 : i32
      %shift_left3A_1117 = vector.broadcast %shift_left3A_1116 : i32 to vector<16xi32>
      %shift_left3A_1118 = arith.shli %gather3A_1103, %shift_left3A_1117 : vector<16xi32>
      %add3A_1119 = arith.addi %shift_left3A_1118, %iota3A : vector<16xi32>
      %shift_left3A_1120 = arith.constant 4 : i32
      %shift_left3A_1121 = vector.broadcast %shift_left3A_1120 : i32 to vector<16xi32>
      %shift_left3A_1122 = arith.shli %gather3A_1107, %shift_left3A_1121 : vector<16xi32>
      %add3A_1123 = arith.addi %shift_left3A_1122, %iota3A : vector<16xi32>
      %shift_left3A_1124 = arith.constant 4 : i32
      %shift_left3A_1125 = vector.broadcast %shift_left3A_1124 : i32 to vector<16xi32>
      %shift_left3A_1126 = arith.shli %gather3A_1111, %shift_left3A_1125 : vector<16xi32>
      %add3A_1127 = arith.addi %shift_left3A_1126, %iota3A : vector<16xi32>
      %shift_left3A_1128 = arith.constant 4 : i32
      %shift_left3A_1129 = vector.broadcast %shift_left3A_1128 : i32 to vector<16xi32>
      %shift_left3A_1130 = arith.shli %gather3A_1115, %shift_left3A_1129 : vector<16xi32>
      %add3A_1131 = arith.addi %shift_left3A_1130, %iota3A : vector<16xi32>
      %gather3A_1132 = tpu.vector_load_idx %arg5[%add3A_1119] : memref<19456xi32, #tpu.memory_space<vmem>>[vector<16xi32>], vector<16xi32>,
      %gather3A_1133 = tpu.vector_load_idx %arg6[%add3A_1123] : memref<19456xi32, #tpu.memory_space<vmem>>[vector<16xi32>], vector<16xi32>,
      %gather3A_1134 = tpu.vector_load_idx %arg7[%add3A_1127] : memref<19456xi32, #tpu.memory_space<vmem>>[vector<16xi32>], vector<16xi32>,
      %gather3A_1135 = tpu.vector_load_idx %arg8[%add3A_1131] : memref<19456xi32, #tpu.memory_space<vmem>>[vector<16xi32>], vector<16xi32>,
      %ne3A_1136 = arith.cmpi ne, %gather3A_1132, %and3A_34 : vector<16xi32>
      %ne3A_1137 = arith.cmpi ne, %gather3A_1133, %and3A_34 : vector<16xi32>
      %ne3A_1138 = arith.cmpi ne, %gather3A_1134, %and3A_34 : vector<16xi32>
      %ne3A_1139 = arith.cmpi ne, %gather3A_1135, %and3A_34 : vector<16xi32>
      tpu.vector_store_idx %arg9[%gather3A_1103], %broadcast_in_dim3A_4 masked %ne3A_1136 {add = true} : memref<1280xi32, #tpu.memory_space<vmem>>[vector<16xi32>], vector<16xi32>, vector<16xi1>
      tpu.vector_store_idx %arg5[%add3A_1119], %and3A_34 : memref<19456xi32, #tpu.memory_space<vmem>>[vector<16xi32>], vector<16xi32>,
      tpu.vector_store_idx %arg9[%gather3A_1107], %broadcast_in_dim3A_4 masked %ne3A_1137 {add = true} : memref<1280xi32, #tpu.memory_space<vmem>>[vector<16xi32>], vector<16xi32>, vector<16xi1>
      tpu.vector_store_idx %arg6[%add3A_1123], %and3A_34 : memref<19456xi32, #tpu.memory_space<vmem>>[vector<16xi32>], vector<16xi32>,
      tpu.vector_store_idx %arg9[%gather3A_1111], %broadcast_in_dim3A_4 masked %ne3A_1138 {add = true} : memref<1280xi32, #tpu.memory_space<vmem>>[vector<16xi32>], vector<16xi32>, vector<16xi1>
      tpu.vector_store_idx %arg7[%add3A_1127], %and3A_34 : memref<19456xi32, #tpu.memory_space<vmem>>[vector<16xi32>], vector<16xi32>,
      tpu.vector_store_idx %arg9[%gather3A_1115], %broadcast_in_dim3A_4 masked %ne3A_1139 {add = true} : memref<1280xi32, #tpu.memory_space<vmem>>[vector<16xi32>], vector<16xi32>, vector<16xi1>
      tpu.vector_store_idx %arg8[%add3A_1131], %and3A_34 : memref<19456xi32, #tpu.memory_space<vmem>>[vector<16xi32>], vector<16xi32>,
      %add3A_1140 = arith.constant 27 : i32
      %add3A_1141 = vector.broadcast %add3A_1140 : i32 to vector<16xi32>
      %add3A_1142 = arith.addi %add3A_41, %add3A_1141 : vector<16xi32>
      %gather3A_1143 = tpu.vector_load_idx %arg4[%add3A_1142] : memref<25600xi32, #tpu.memory_space<vmem>>[vector<16xi32>], vector<16xi32>,
      %add3A_1144 = arith.constant 27 : i32
      %add3A_1145 = vector.broadcast %add3A_1144 : i32 to vector<16xi32>
      %add3A_1146 = arith.addi %add3A_48, %add3A_1145 : vector<16xi32>
      %gather3A_1147 = tpu.vector_load_idx %arg4[%add3A_1146] : memref<25600xi32, #tpu.memory_space<vmem>>[vector<16xi32>], vector<16xi32>,
      %add3A_1148 = arith.constant 27 : i32
      %add3A_1149 = vector.broadcast %add3A_1148 : i32 to vector<16xi32>
      %add3A_1150 = arith.addi %add3A_55, %add3A_1149 : vector<16xi32>
      %gather3A_1151 = tpu.vector_load_idx %arg4[%add3A_1150] : memref<25600xi32, #tpu.memory_space<vmem>>[vector<16xi32>], vector<16xi32>,
      %add3A_1152 = arith.constant 27 : i32
      %add3A_1153 = vector.broadcast %add3A_1152 : i32 to vector<16xi32>
      %add3A_1154 = arith.addi %add3A_62, %add3A_1153 : vector<16xi32>
      %gather3A_1155 = tpu.vector_load_idx %arg4[%add3A_1154] : memref<25600xi32, #tpu.memory_space<vmem>>[vector<16xi32>], vector<16xi32>,
      %shift_left3A_1156 = arith.constant 4 : i32
      %shift_left3A_1157 = vector.broadcast %shift_left3A_1156 : i32 to vector<16xi32>
      %shift_left3A_1158 = arith.shli %gather3A_1143, %shift_left3A_1157 : vector<16xi32>
      %add3A_1159 = arith.addi %shift_left3A_1158, %iota3A : vector<16xi32>
      %shift_left3A_1160 = arith.constant 4 : i32
      %shift_left3A_1161 = vector.broadcast %shift_left3A_1160 : i32 to vector<16xi32>
      %shift_left3A_1162 = arith.shli %gather3A_1147, %shift_left3A_1161 : vector<16xi32>
      %add3A_1163 = arith.addi %shift_left3A_1162, %iota3A : vector<16xi32>
      %shift_left3A_1164 = arith.constant 4 : i32
      %shift_left3A_1165 = vector.broadcast %shift_left3A_1164 : i32 to vector<16xi32>
      %shift_left3A_1166 = arith.shli %gather3A_1151, %shift_left3A_1165 : vector<16xi32>
      %add3A_1167 = arith.addi %shift_left3A_1166, %iota3A : vector<16xi32>
      %shift_left3A_1168 = arith.constant 4 : i32
      %shift_left3A_1169 = vector.broadcast %shift_left3A_1168 : i32 to vector<16xi32>
      %shift_left3A_1170 = arith.shli %gather3A_1155, %shift_left3A_1169 : vector<16xi32>
      %add3A_1171 = arith.addi %shift_left3A_1170, %iota3A : vector<16xi32>
      %gather3A_1172 = tpu.vector_load_idx %arg5[%add3A_1159] : memref<19456xi32, #tpu.memory_space<vmem>>[vector<16xi32>], vector<16xi32>,
      %gather3A_1173 = tpu.vector_load_idx %arg6[%add3A_1163] : memref<19456xi32, #tpu.memory_space<vmem>>[vector<16xi32>], vector<16xi32>,
      %gather3A_1174 = tpu.vector_load_idx %arg7[%add3A_1167] : memref<19456xi32, #tpu.memory_space<vmem>>[vector<16xi32>], vector<16xi32>,
      %gather3A_1175 = tpu.vector_load_idx %arg8[%add3A_1171] : memref<19456xi32, #tpu.memory_space<vmem>>[vector<16xi32>], vector<16xi32>,
      %ne3A_1176 = arith.cmpi ne, %gather3A_1172, %and3A_34 : vector<16xi32>
      %ne3A_1177 = arith.cmpi ne, %gather3A_1173, %and3A_34 : vector<16xi32>
      %ne3A_1178 = arith.cmpi ne, %gather3A_1174, %and3A_34 : vector<16xi32>
      %ne3A_1179 = arith.cmpi ne, %gather3A_1175, %and3A_34 : vector<16xi32>
      tpu.vector_store_idx %arg9[%gather3A_1143], %broadcast_in_dim3A_4 masked %ne3A_1176 {add = true} : memref<1280xi32, #tpu.memory_space<vmem>>[vector<16xi32>], vector<16xi32>, vector<16xi1>
      tpu.vector_store_idx %arg5[%add3A_1159], %and3A_34 : memref<19456xi32, #tpu.memory_space<vmem>>[vector<16xi32>], vector<16xi32>,
      tpu.vector_store_idx %arg9[%gather3A_1147], %broadcast_in_dim3A_4 masked %ne3A_1177 {add = true} : memref<1280xi32, #tpu.memory_space<vmem>>[vector<16xi32>], vector<16xi32>, vector<16xi1>
      tpu.vector_store_idx %arg6[%add3A_1163], %and3A_34 : memref<19456xi32, #tpu.memory_space<vmem>>[vector<16xi32>], vector<16xi32>,
      tpu.vector_store_idx %arg9[%gather3A_1151], %broadcast_in_dim3A_4 masked %ne3A_1178 {add = true} : memref<1280xi32, #tpu.memory_space<vmem>>[vector<16xi32>], vector<16xi32>, vector<16xi1>
      tpu.vector_store_idx %arg7[%add3A_1167], %and3A_34 : memref<19456xi32, #tpu.memory_space<vmem>>[vector<16xi32>], vector<16xi32>,
      tpu.vector_store_idx %arg9[%gather3A_1155], %broadcast_in_dim3A_4 masked %ne3A_1179 {add = true} : memref<1280xi32, #tpu.memory_space<vmem>>[vector<16xi32>], vector<16xi32>, vector<16xi1>
      tpu.vector_store_idx %arg8[%add3A_1171], %and3A_34 : memref<19456xi32, #tpu.memory_space<vmem>>[vector<16xi32>], vector<16xi32>,
      %add3A_1180 = arith.constant 28 : i32
      %add3A_1181 = vector.broadcast %add3A_1180 : i32 to vector<16xi32>
      %add3A_1182 = arith.addi %add3A_41, %add3A_1181 : vector<16xi32>
      %gather3A_1183 = tpu.vector_load_idx %arg4[%add3A_1182] : memref<25600xi32, #tpu.memory_space<vmem>>[vector<16xi32>], vector<16xi32>,
      %add3A_1184 = arith.constant 28 : i32
      %add3A_1185 = vector.broadcast %add3A_1184 : i32 to vector<16xi32>
      %add3A_1186 = arith.addi %add3A_48, %add3A_1185 : vector<16xi32>
      %gather3A_1187 = tpu.vector_load_idx %arg4[%add3A_1186] : memref<25600xi32, #tpu.memory_space<vmem>>[vector<16xi32>], vector<16xi32>,
      %add3A_1188 = arith.constant 28 : i32
      %add3A_1189 = vector.broadcast %add3A_1188 : i32 to vector<16xi32>
      %add3A_1190 = arith.addi %add3A_55, %add3A_1189 : vector<16xi32>
      %gather3A_1191 = tpu.vector_load_idx %arg4[%add3A_1190] : memref<25600xi32, #tpu.memory_space<vmem>>[vector<16xi32>], vector<16xi32>,
      %add3A_1192 = arith.constant 28 : i32
      %add3A_1193 = vector.broadcast %add3A_1192 : i32 to vector<16xi32>
      %add3A_1194 = arith.addi %add3A_62, %add3A_1193 : vector<16xi32>
      %gather3A_1195 = tpu.vector_load_idx %arg4[%add3A_1194] : memref<25600xi32, #tpu.memory_space<vmem>>[vector<16xi32>], vector<16xi32>,
      %shift_left3A_1196 = arith.constant 4 : i32
      %shift_left3A_1197 = vector.broadcast %shift_left3A_1196 : i32 to vector<16xi32>
      %shift_left3A_1198 = arith.shli %gather3A_1183, %shift_left3A_1197 : vector<16xi32>
      %add3A_1199 = arith.addi %shift_left3A_1198, %iota3A : vector<16xi32>
      %shift_left3A_1200 = arith.constant 4 : i32
      %shift_left3A_1201 = vector.broadcast %shift_left3A_1200 : i32 to vector<16xi32>
      %shift_left3A_1202 = arith.shli %gather3A_1187, %shift_left3A_1201 : vector<16xi32>
      %add3A_1203 = arith.addi %shift_left3A_1202, %iota3A : vector<16xi32>
      %shift_left3A_1204 = arith.constant 4 : i32
      %shift_left3A_1205 = vector.broadcast %shift_left3A_1204 : i32 to vector<16xi32>
      %shift_left3A_1206 = arith.shli %gather3A_1191, %shift_left3A_1205 : vector<16xi32>
      %add3A_1207 = arith.addi %shift_left3A_1206, %iota3A : vector<16xi32>
      %shift_left3A_1208 = arith.constant 4 : i32
      %shift_left3A_1209 = vector.broadcast %shift_left3A_1208 : i32 to vector<16xi32>
      %shift_left3A_1210 = arith.shli %gather3A_1195, %shift_left3A_1209 : vector<16xi32>
      %add3A_1211 = arith.addi %shift_left3A_1210, %iota3A : vector<16xi32>
      %gather3A_1212 = tpu.vector_load_idx %arg5[%add3A_1199] : memref<19456xi32, #tpu.memory_space<vmem>>[vector<16xi32>], vector<16xi32>,
      %gather3A_1213 = tpu.vector_load_idx %arg6[%add3A_1203] : memref<19456xi32, #tpu.memory_space<vmem>>[vector<16xi32>], vector<16xi32>,
      %gather3A_1214 = tpu.vector_load_idx %arg7[%add3A_1207] : memref<19456xi32, #tpu.memory_space<vmem>>[vector<16xi32>], vector<16xi32>,
      %gather3A_1215 = tpu.vector_load_idx %arg8[%add3A_1211] : memref<19456xi32, #tpu.memory_space<vmem>>[vector<16xi32>], vector<16xi32>,
      %ne3A_1216 = arith.cmpi ne, %gather3A_1212, %and3A_34 : vector<16xi32>
      %ne3A_1217 = arith.cmpi ne, %gather3A_1213, %and3A_34 : vector<16xi32>
      %ne3A_1218 = arith.cmpi ne, %gather3A_1214, %and3A_34 : vector<16xi32>
      %ne3A_1219 = arith.cmpi ne, %gather3A_1215, %and3A_34 : vector<16xi32>
      tpu.vector_store_idx %arg9[%gather3A_1183], %broadcast_in_dim3A_4 masked %ne3A_1216 {add = true} : memref<1280xi32, #tpu.memory_space<vmem>>[vector<16xi32>], vector<16xi32>, vector<16xi1>
      tpu.vector_store_idx %arg5[%add3A_1199], %and3A_34 : memref<19456xi32, #tpu.memory_space<vmem>>[vector<16xi32>], vector<16xi32>,
      tpu.vector_store_idx %arg9[%gather3A_1187], %broadcast_in_dim3A_4 masked %ne3A_1217 {add = true} : memref<1280xi32, #tpu.memory_space<vmem>>[vector<16xi32>], vector<16xi32>, vector<16xi1>
      tpu.vector_store_idx %arg6[%add3A_1203], %and3A_34 : memref<19456xi32, #tpu.memory_space<vmem>>[vector<16xi32>], vector<16xi32>,
      tpu.vector_store_idx %arg9[%gather3A_1191], %broadcast_in_dim3A_4 masked %ne3A_1218 {add = true} : memref<1280xi32, #tpu.memory_space<vmem>>[vector<16xi32>], vector<16xi32>, vector<16xi1>
      tpu.vector_store_idx %arg7[%add3A_1207], %and3A_34 : memref<19456xi32, #tpu.memory_space<vmem>>[vector<16xi32>], vector<16xi32>,
      tpu.vector_store_idx %arg9[%gather3A_1195], %broadcast_in_dim3A_4 masked %ne3A_1219 {add = true} : memref<1280xi32, #tpu.memory_space<vmem>>[vector<16xi32>], vector<16xi32>, vector<16xi1>
      tpu.vector_store_idx %arg8[%add3A_1211], %and3A_34 : memref<19456xi32, #tpu.memory_space<vmem>>[vector<16xi32>], vector<16xi32>,
      %add3A_1220 = arith.constant 29 : i32
      %add3A_1221 = vector.broadcast %add3A_1220 : i32 to vector<16xi32>
      %add3A_1222 = arith.addi %add3A_41, %add3A_1221 : vector<16xi32>
      %gather3A_1223 = tpu.vector_load_idx %arg4[%add3A_1222] : memref<25600xi32, #tpu.memory_space<vmem>>[vector<16xi32>], vector<16xi32>,
      %add3A_1224 = arith.constant 29 : i32
      %add3A_1225 = vector.broadcast %add3A_1224 : i32 to vector<16xi32>
      %add3A_1226 = arith.addi %add3A_48, %add3A_1225 : vector<16xi32>
      %gather3A_1227 = tpu.vector_load_idx %arg4[%add3A_1226] : memref<25600xi32, #tpu.memory_space<vmem>>[vector<16xi32>], vector<16xi32>,
      %add3A_1228 = arith.constant 29 : i32
      %add3A_1229 = vector.broadcast %add3A_1228 : i32 to vector<16xi32>
      %add3A_1230 = arith.addi %add3A_55, %add3A_1229 : vector<16xi32>
      %gather3A_1231 = tpu.vector_load_idx %arg4[%add3A_1230] : memref<25600xi32, #tpu.memory_space<vmem>>[vector<16xi32>], vector<16xi32>,
      %add3A_1232 = arith.constant 29 : i32
      %add3A_1233 = vector.broadcast %add3A_1232 : i32 to vector<16xi32>
      %add3A_1234 = arith.addi %add3A_62, %add3A_1233 : vector<16xi32>
      %gather3A_1235 = tpu.vector_load_idx %arg4[%add3A_1234] : memref<25600xi32, #tpu.memory_space<vmem>>[vector<16xi32>], vector<16xi32>,
      %shift_left3A_1236 = arith.constant 4 : i32
      %shift_left3A_1237 = vector.broadcast %shift_left3A_1236 : i32 to vector<16xi32>
      %shift_left3A_1238 = arith.shli %gather3A_1223, %shift_left3A_1237 : vector<16xi32>
      %add3A_1239 = arith.addi %shift_left3A_1238, %iota3A : vector<16xi32>
      %shift_left3A_1240 = arith.constant 4 : i32
      %shift_left3A_1241 = vector.broadcast %shift_left3A_1240 : i32 to vector<16xi32>
      %shift_left3A_1242 = arith.shli %gather3A_1227, %shift_left3A_1241 : vector<16xi32>
      %add3A_1243 = arith.addi %shift_left3A_1242, %iota3A : vector<16xi32>
      %shift_left3A_1244 = arith.constant 4 : i32
      %shift_left3A_1245 = vector.broadcast %shift_left3A_1244 : i32 to vector<16xi32>
      %shift_left3A_1246 = arith.shli %gather3A_1231, %shift_left3A_1245 : vector<16xi32>
      %add3A_1247 = arith.addi %shift_left3A_1246, %iota3A : vector<16xi32>
      %shift_left3A_1248 = arith.constant 4 : i32
      %shift_left3A_1249 = vector.broadcast %shift_left3A_1248 : i32 to vector<16xi32>
      %shift_left3A_1250 = arith.shli %gather3A_1235, %shift_left3A_1249 : vector<16xi32>
      %add3A_1251 = arith.addi %shift_left3A_1250, %iota3A : vector<16xi32>
      %gather3A_1252 = tpu.vector_load_idx %arg5[%add3A_1239] : memref<19456xi32, #tpu.memory_space<vmem>>[vector<16xi32>], vector<16xi32>,
      %gather3A_1253 = tpu.vector_load_idx %arg6[%add3A_1243] : memref<19456xi32, #tpu.memory_space<vmem>>[vector<16xi32>], vector<16xi32>,
      %gather3A_1254 = tpu.vector_load_idx %arg7[%add3A_1247] : memref<19456xi32, #tpu.memory_space<vmem>>[vector<16xi32>], vector<16xi32>,
      %gather3A_1255 = tpu.vector_load_idx %arg8[%add3A_1251] : memref<19456xi32, #tpu.memory_space<vmem>>[vector<16xi32>], vector<16xi32>,
      %ne3A_1256 = arith.cmpi ne, %gather3A_1252, %and3A_34 : vector<16xi32>
      %ne3A_1257 = arith.cmpi ne, %gather3A_1253, %and3A_34 : vector<16xi32>
      %ne3A_1258 = arith.cmpi ne, %gather3A_1254, %and3A_34 : vector<16xi32>
      %ne3A_1259 = arith.cmpi ne, %gather3A_1255, %and3A_34 : vector<16xi32>
      tpu.vector_store_idx %arg9[%gather3A_1223], %broadcast_in_dim3A_4 masked %ne3A_1256 {add = true} : memref<1280xi32, #tpu.memory_space<vmem>>[vector<16xi32>], vector<16xi32>, vector<16xi1>
      tpu.vector_store_idx %arg5[%add3A_1239], %and3A_34 : memref<19456xi32, #tpu.memory_space<vmem>>[vector<16xi32>], vector<16xi32>,
      tpu.vector_store_idx %arg9[%gather3A_1227], %broadcast_in_dim3A_4 masked %ne3A_1257 {add = true} : memref<1280xi32, #tpu.memory_space<vmem>>[vector<16xi32>], vector<16xi32>, vector<16xi1>
      tpu.vector_store_idx %arg6[%add3A_1243], %and3A_34 : memref<19456xi32, #tpu.memory_space<vmem>>[vector<16xi32>], vector<16xi32>,
      tpu.vector_store_idx %arg9[%gather3A_1231], %broadcast_in_dim3A_4 masked %ne3A_1258 {add = true} : memref<1280xi32, #tpu.memory_space<vmem>>[vector<16xi32>], vector<16xi32>, vector<16xi1>
      tpu.vector_store_idx %arg7[%add3A_1247], %and3A_34 : memref<19456xi32, #tpu.memory_space<vmem>>[vector<16xi32>], vector<16xi32>,
      tpu.vector_store_idx %arg9[%gather3A_1235], %broadcast_in_dim3A_4 masked %ne3A_1259 {add = true} : memref<1280xi32, #tpu.memory_space<vmem>>[vector<16xi32>], vector<16xi32>, vector<16xi1>
      tpu.vector_store_idx %arg8[%add3A_1251], %and3A_34 : memref<19456xi32, #tpu.memory_space<vmem>>[vector<16xi32>], vector<16xi32>,
      %add3A_1260 = arith.constant 30 : i32
      %add3A_1261 = vector.broadcast %add3A_1260 : i32 to vector<16xi32>
      %add3A_1262 = arith.addi %add3A_41, %add3A_1261 : vector<16xi32>
      %gather3A_1263 = tpu.vector_load_idx %arg4[%add3A_1262] : memref<25600xi32, #tpu.memory_space<vmem>>[vector<16xi32>], vector<16xi32>,
      %add3A_1264 = arith.constant 30 : i32
      %add3A_1265 = vector.broadcast %add3A_1264 : i32 to vector<16xi32>
      %add3A_1266 = arith.addi %add3A_48, %add3A_1265 : vector<16xi32>
      %gather3A_1267 = tpu.vector_load_idx %arg4[%add3A_1266] : memref<25600xi32, #tpu.memory_space<vmem>>[vector<16xi32>], vector<16xi32>,
      %add3A_1268 = arith.constant 30 : i32
      %add3A_1269 = vector.broadcast %add3A_1268 : i32 to vector<16xi32>
      %add3A_1270 = arith.addi %add3A_55, %add3A_1269 : vector<16xi32>
      %gather3A_1271 = tpu.vector_load_idx %arg4[%add3A_1270] : memref<25600xi32, #tpu.memory_space<vmem>>[vector<16xi32>], vector<16xi32>,
      %add3A_1272 = arith.constant 30 : i32
      %add3A_1273 = vector.broadcast %add3A_1272 : i32 to vector<16xi32>
      %add3A_1274 = arith.addi %add3A_62, %add3A_1273 : vector<16xi32>
      %gather3A_1275 = tpu.vector_load_idx %arg4[%add3A_1274] : memref<25600xi32, #tpu.memory_space<vmem>>[vector<16xi32>], vector<16xi32>,
      %shift_left3A_1276 = arith.constant 4 : i32
      %shift_left3A_1277 = vector.broadcast %shift_left3A_1276 : i32 to vector<16xi32>
      %shift_left3A_1278 = arith.shli %gather3A_1263, %shift_left3A_1277 : vector<16xi32>
      %add3A_1279 = arith.addi %shift_left3A_1278, %iota3A : vector<16xi32>
      %shift_left3A_1280 = arith.constant 4 : i32
      %shift_left3A_1281 = vector.broadcast %shift_left3A_1280 : i32 to vector<16xi32>
      %shift_left3A_1282 = arith.shli %gather3A_1267, %shift_left3A_1281 : vector<16xi32>
      %add3A_1283 = arith.addi %shift_left3A_1282, %iota3A : vector<16xi32>
      %shift_left3A_1284 = arith.constant 4 : i32
      %shift_left3A_1285 = vector.broadcast %shift_left3A_1284 : i32 to vector<16xi32>
      %shift_left3A_1286 = arith.shli %gather3A_1271, %shift_left3A_1285 : vector<16xi32>
      %add3A_1287 = arith.addi %shift_left3A_1286, %iota3A : vector<16xi32>
      %shift_left3A_1288 = arith.constant 4 : i32
      %shift_left3A_1289 = vector.broadcast %shift_left3A_1288 : i32 to vector<16xi32>
      %shift_left3A_1290 = arith.shli %gather3A_1275, %shift_left3A_1289 : vector<16xi32>
      %add3A_1291 = arith.addi %shift_left3A_1290, %iota3A : vector<16xi32>
      %gather3A_1292 = tpu.vector_load_idx %arg5[%add3A_1279] : memref<19456xi32, #tpu.memory_space<vmem>>[vector<16xi32>], vector<16xi32>,
      %gather3A_1293 = tpu.vector_load_idx %arg6[%add3A_1283] : memref<19456xi32, #tpu.memory_space<vmem>>[vector<16xi32>], vector<16xi32>,
      %gather3A_1294 = tpu.vector_load_idx %arg7[%add3A_1287] : memref<19456xi32, #tpu.memory_space<vmem>>[vector<16xi32>], vector<16xi32>,
      %gather3A_1295 = tpu.vector_load_idx %arg8[%add3A_1291] : memref<19456xi32, #tpu.memory_space<vmem>>[vector<16xi32>], vector<16xi32>,
      %ne3A_1296 = arith.cmpi ne, %gather3A_1292, %and3A_34 : vector<16xi32>
      %ne3A_1297 = arith.cmpi ne, %gather3A_1293, %and3A_34 : vector<16xi32>
      %ne3A_1298 = arith.cmpi ne, %gather3A_1294, %and3A_34 : vector<16xi32>
      %ne3A_1299 = arith.cmpi ne, %gather3A_1295, %and3A_34 : vector<16xi32>
      tpu.vector_store_idx %arg9[%gather3A_1263], %broadcast_in_dim3A_4 masked %ne3A_1296 {add = true} : memref<1280xi32, #tpu.memory_space<vmem>>[vector<16xi32>], vector<16xi32>, vector<16xi1>
      tpu.vector_store_idx %arg5[%add3A_1279], %and3A_34 : memref<19456xi32, #tpu.memory_space<vmem>>[vector<16xi32>], vector<16xi32>,
      tpu.vector_store_idx %arg9[%gather3A_1267], %broadcast_in_dim3A_4 masked %ne3A_1297 {add = true} : memref<1280xi32, #tpu.memory_space<vmem>>[vector<16xi32>], vector<16xi32>, vector<16xi1>
      tpu.vector_store_idx %arg6[%add3A_1283], %and3A_34 : memref<19456xi32, #tpu.memory_space<vmem>>[vector<16xi32>], vector<16xi32>,
      tpu.vector_store_idx %arg9[%gather3A_1271], %broadcast_in_dim3A_4 masked %ne3A_1298 {add = true} : memref<1280xi32, #tpu.memory_space<vmem>>[vector<16xi32>], vector<16xi32>, vector<16xi1>
      tpu.vector_store_idx %arg7[%add3A_1287], %and3A_34 : memref<19456xi32, #tpu.memory_space<vmem>>[vector<16xi32>], vector<16xi32>,
      tpu.vector_store_idx %arg9[%gather3A_1275], %broadcast_in_dim3A_4 masked %ne3A_1299 {add = true} : memref<1280xi32, #tpu.memory_space<vmem>>[vector<16xi32>], vector<16xi32>, vector<16xi1>
      tpu.vector_store_idx %arg8[%add3A_1291], %and3A_34 : memref<19456xi32, #tpu.memory_space<vmem>>[vector<16xi32>], vector<16xi32>,
      %add3A_1300 = arith.constant 31 : i32
      %add3A_1301 = vector.broadcast %add3A_1300 : i32 to vector<16xi32>
      %add3A_1302 = arith.addi %add3A_41, %add3A_1301 : vector<16xi32>
      %gather3A_1303 = tpu.vector_load_idx %arg4[%add3A_1302] : memref<25600xi32, #tpu.memory_space<vmem>>[vector<16xi32>], vector<16xi32>,
      %add3A_1304 = arith.constant 31 : i32
      %add3A_1305 = vector.broadcast %add3A_1304 : i32 to vector<16xi32>
      %add3A_1306 = arith.addi %add3A_48, %add3A_1305 : vector<16xi32>
      %gather3A_1307 = tpu.vector_load_idx %arg4[%add3A_1306] : memref<25600xi32, #tpu.memory_space<vmem>>[vector<16xi32>], vector<16xi32>,
      %add3A_1308 = arith.constant 31 : i32
      %add3A_1309 = vector.broadcast %add3A_1308 : i32 to vector<16xi32>
      %add3A_1310 = arith.addi %add3A_55, %add3A_1309 : vector<16xi32>
      %gather3A_1311 = tpu.vector_load_idx %arg4[%add3A_1310] : memref<25600xi32, #tpu.memory_space<vmem>>[vector<16xi32>], vector<16xi32>,
      %add3A_1312 = arith.constant 31 : i32
      %add3A_1313 = vector.broadcast %add3A_1312 : i32 to vector<16xi32>
      %add3A_1314 = arith.addi %add3A_62, %add3A_1313 : vector<16xi32>
      %gather3A_1315 = tpu.vector_load_idx %arg4[%add3A_1314] : memref<25600xi32, #tpu.memory_space<vmem>>[vector<16xi32>], vector<16xi32>,
      %shift_left3A_1316 = arith.constant 4 : i32
      %shift_left3A_1317 = vector.broadcast %shift_left3A_1316 : i32 to vector<16xi32>
      %shift_left3A_1318 = arith.shli %gather3A_1303, %shift_left3A_1317 : vector<16xi32>
      %add3A_1319 = arith.addi %shift_left3A_1318, %iota3A : vector<16xi32>
      %shift_left3A_1320 = arith.constant 4 : i32
      %shift_left3A_1321 = vector.broadcast %shift_left3A_1320 : i32 to vector<16xi32>
      %shift_left3A_1322 = arith.shli %gather3A_1307, %shift_left3A_1321 : vector<16xi32>
      %add3A_1323 = arith.addi %shift_left3A_1322, %iota3A : vector<16xi32>
      %shift_left3A_1324 = arith.constant 4 : i32
      %shift_left3A_1325 = vector.broadcast %shift_left3A_1324 : i32 to vector<16xi32>
      %shift_left3A_1326 = arith.shli %gather3A_1311, %shift_left3A_1325 : vector<16xi32>
      %add3A_1327 = arith.addi %shift_left3A_1326, %iota3A : vector<16xi32>
      %shift_left3A_1328 = arith.constant 4 : i32
      %shift_left3A_1329 = vector.broadcast %shift_left3A_1328 : i32 to vector<16xi32>
      %shift_left3A_1330 = arith.shli %gather3A_1315, %shift_left3A_1329 : vector<16xi32>
      %add3A_1331 = arith.addi %shift_left3A_1330, %iota3A : vector<16xi32>
      %gather3A_1332 = tpu.vector_load_idx %arg5[%add3A_1319] : memref<19456xi32, #tpu.memory_space<vmem>>[vector<16xi32>], vector<16xi32>,
      %gather3A_1333 = tpu.vector_load_idx %arg6[%add3A_1323] : memref<19456xi32, #tpu.memory_space<vmem>>[vector<16xi32>], vector<16xi32>,
      %gather3A_1334 = tpu.vector_load_idx %arg7[%add3A_1327] : memref<19456xi32, #tpu.memory_space<vmem>>[vector<16xi32>], vector<16xi32>,
      %gather3A_1335 = tpu.vector_load_idx %arg8[%add3A_1331] : memref<19456xi32, #tpu.memory_space<vmem>>[vector<16xi32>], vector<16xi32>,
      %ne3A_1336 = arith.cmpi ne, %gather3A_1332, %and3A_34 : vector<16xi32>
      %ne3A_1337 = arith.cmpi ne, %gather3A_1333, %and3A_34 : vector<16xi32>
      %ne3A_1338 = arith.cmpi ne, %gather3A_1334, %and3A_34 : vector<16xi32>
      %ne3A_1339 = arith.cmpi ne, %gather3A_1335, %and3A_34 : vector<16xi32>
      tpu.vector_store_idx %arg9[%gather3A_1303], %broadcast_in_dim3A_4 masked %ne3A_1336 {add = true} : memref<1280xi32, #tpu.memory_space<vmem>>[vector<16xi32>], vector<16xi32>, vector<16xi1>
      tpu.vector_store_idx %arg5[%add3A_1319], %and3A_34 : memref<19456xi32, #tpu.memory_space<vmem>>[vector<16xi32>], vector<16xi32>,
      tpu.vector_store_idx %arg9[%gather3A_1307], %broadcast_in_dim3A_4 masked %ne3A_1337 {add = true} : memref<1280xi32, #tpu.memory_space<vmem>>[vector<16xi32>], vector<16xi32>, vector<16xi1>
      tpu.vector_store_idx %arg6[%add3A_1323], %and3A_34 : memref<19456xi32, #tpu.memory_space<vmem>>[vector<16xi32>], vector<16xi32>,
      tpu.vector_store_idx %arg9[%gather3A_1311], %broadcast_in_dim3A_4 masked %ne3A_1338 {add = true} : memref<1280xi32, #tpu.memory_space<vmem>>[vector<16xi32>], vector<16xi32>, vector<16xi1>
      tpu.vector_store_idx %arg7[%add3A_1327], %and3A_34 : memref<19456xi32, #tpu.memory_space<vmem>>[vector<16xi32>], vector<16xi32>,
      tpu.vector_store_idx %arg9[%gather3A_1315], %broadcast_in_dim3A_4 masked %ne3A_1339 {add = true} : memref<1280xi32, #tpu.memory_space<vmem>>[vector<16xi32>], vector<16xi32>, vector<16xi1>
      tpu.vector_store_idx %arg8[%add3A_1331], %and3A_34 : memref<19456xi32, #tpu.memory_space<vmem>>[vector<16xi32>], vector<16xi32>,
      %add3A_1340 = arith.constant 32 : i32
      %add3A_1341 = vector.broadcast %add3A_1340 : i32 to vector<16xi32>
      %add3A_1342 = arith.addi %add3A_41, %add3A_1341 : vector<16xi32>
      %gather3A_1343 = tpu.vector_load_idx %arg4[%add3A_1342] : memref<25600xi32, #tpu.memory_space<vmem>>[vector<16xi32>], vector<16xi32>,
      %add3A_1344 = arith.constant 32 : i32
      %add3A_1345 = vector.broadcast %add3A_1344 : i32 to vector<16xi32>
      %add3A_1346 = arith.addi %add3A_48, %add3A_1345 : vector<16xi32>
      %gather3A_1347 = tpu.vector_load_idx %arg4[%add3A_1346] : memref<25600xi32, #tpu.memory_space<vmem>>[vector<16xi32>], vector<16xi32>,
      %add3A_1348 = arith.constant 32 : i32
      %add3A_1349 = vector.broadcast %add3A_1348 : i32 to vector<16xi32>
      %add3A_1350 = arith.addi %add3A_55, %add3A_1349 : vector<16xi32>
      %gather3A_1351 = tpu.vector_load_idx %arg4[%add3A_1350] : memref<25600xi32, #tpu.memory_space<vmem>>[vector<16xi32>], vector<16xi32>,
      %add3A_1352 = arith.constant 32 : i32
      %add3A_1353 = vector.broadcast %add3A_1352 : i32 to vector<16xi32>
      %add3A_1354 = arith.addi %add3A_62, %add3A_1353 : vector<16xi32>
      %gather3A_1355 = tpu.vector_load_idx %arg4[%add3A_1354] : memref<25600xi32, #tpu.memory_space<vmem>>[vector<16xi32>], vector<16xi32>,
      %shift_left3A_1356 = arith.constant 4 : i32
      %shift_left3A_1357 = vector.broadcast %shift_left3A_1356 : i32 to vector<16xi32>
      %shift_left3A_1358 = arith.shli %gather3A_1343, %shift_left3A_1357 : vector<16xi32>
      %add3A_1359 = arith.addi %shift_left3A_1358, %iota3A : vector<16xi32>
      %shift_left3A_1360 = arith.constant 4 : i32
      %shift_left3A_1361 = vector.broadcast %shift_left3A_1360 : i32 to vector<16xi32>
      %shift_left3A_1362 = arith.shli %gather3A_1347, %shift_left3A_1361 : vector<16xi32>
      %add3A_1363 = arith.addi %shift_left3A_1362, %iota3A : vector<16xi32>
      %shift_left3A_1364 = arith.constant 4 : i32
      %shift_left3A_1365 = vector.broadcast %shift_left3A_1364 : i32 to vector<16xi32>
      %shift_left3A_1366 = arith.shli %gather3A_1351, %shift_left3A_1365 : vector<16xi32>
      %add3A_1367 = arith.addi %shift_left3A_1366, %iota3A : vector<16xi32>
      %shift_left3A_1368 = arith.constant 4 : i32
      %shift_left3A_1369 = vector.broadcast %shift_left3A_1368 : i32 to vector<16xi32>
      %shift_left3A_1370 = arith.shli %gather3A_1355, %shift_left3A_1369 : vector<16xi32>
      %add3A_1371 = arith.addi %shift_left3A_1370, %iota3A : vector<16xi32>
      %gather3A_1372 = tpu.vector_load_idx %arg5[%add3A_1359] : memref<19456xi32, #tpu.memory_space<vmem>>[vector<16xi32>], vector<16xi32>,
      %gather3A_1373 = tpu.vector_load_idx %arg6[%add3A_1363] : memref<19456xi32, #tpu.memory_space<vmem>>[vector<16xi32>], vector<16xi32>,
      %gather3A_1374 = tpu.vector_load_idx %arg7[%add3A_1367] : memref<19456xi32, #tpu.memory_space<vmem>>[vector<16xi32>], vector<16xi32>,
      %gather3A_1375 = tpu.vector_load_idx %arg8[%add3A_1371] : memref<19456xi32, #tpu.memory_space<vmem>>[vector<16xi32>], vector<16xi32>,
      %ne3A_1376 = arith.cmpi ne, %gather3A_1372, %and3A_34 : vector<16xi32>
      %ne3A_1377 = arith.cmpi ne, %gather3A_1373, %and3A_34 : vector<16xi32>
      %ne3A_1378 = arith.cmpi ne, %gather3A_1374, %and3A_34 : vector<16xi32>
      %ne3A_1379 = arith.cmpi ne, %gather3A_1375, %and3A_34 : vector<16xi32>
      tpu.vector_store_idx %arg9[%gather3A_1343], %broadcast_in_dim3A_4 masked %ne3A_1376 {add = true} : memref<1280xi32, #tpu.memory_space<vmem>>[vector<16xi32>], vector<16xi32>, vector<16xi1>
      tpu.vector_store_idx %arg5[%add3A_1359], %and3A_34 : memref<19456xi32, #tpu.memory_space<vmem>>[vector<16xi32>], vector<16xi32>,
      tpu.vector_store_idx %arg9[%gather3A_1347], %broadcast_in_dim3A_4 masked %ne3A_1377 {add = true} : memref<1280xi32, #tpu.memory_space<vmem>>[vector<16xi32>], vector<16xi32>, vector<16xi1>
      tpu.vector_store_idx %arg6[%add3A_1363], %and3A_34 : memref<19456xi32, #tpu.memory_space<vmem>>[vector<16xi32>], vector<16xi32>,
      tpu.vector_store_idx %arg9[%gather3A_1351], %broadcast_in_dim3A_4 masked %ne3A_1378 {add = true} : memref<1280xi32, #tpu.memory_space<vmem>>[vector<16xi32>], vector<16xi32>, vector<16xi1>
      tpu.vector_store_idx %arg7[%add3A_1367], %and3A_34 : memref<19456xi32, #tpu.memory_space<vmem>>[vector<16xi32>], vector<16xi32>,
      tpu.vector_store_idx %arg9[%gather3A_1355], %broadcast_in_dim3A_4 masked %ne3A_1379 {add = true} : memref<1280xi32, #tpu.memory_space<vmem>>[vector<16xi32>], vector<16xi32>, vector<16xi1>
      tpu.vector_store_idx %arg8[%add3A_1371], %and3A_34 : memref<19456xi32, #tpu.memory_space<vmem>>[vector<16xi32>], vector<16xi32>,
      %add3A_1380 = arith.constant 33 : i32
      %add3A_1381 = vector.broadcast %add3A_1380 : i32 to vector<16xi32>
      %add3A_1382 = arith.addi %add3A_41, %add3A_1381 : vector<16xi32>
      %gather3A_1383 = tpu.vector_load_idx %arg4[%add3A_1382] : memref<25600xi32, #tpu.memory_space<vmem>>[vector<16xi32>], vector<16xi32>,
      %add3A_1384 = arith.constant 33 : i32
      %add3A_1385 = vector.broadcast %add3A_1384 : i32 to vector<16xi32>
      %add3A_1386 = arith.addi %add3A_48, %add3A_1385 : vector<16xi32>
      %gather3A_1387 = tpu.vector_load_idx %arg4[%add3A_1386] : memref<25600xi32, #tpu.memory_space<vmem>>[vector<16xi32>], vector<16xi32>,
      %add3A_1388 = arith.constant 33 : i32
      %add3A_1389 = vector.broadcast %add3A_1388 : i32 to vector<16xi32>
      %add3A_1390 = arith.addi %add3A_55, %add3A_1389 : vector<16xi32>
      %gather3A_1391 = tpu.vector_load_idx %arg4[%add3A_1390] : memref<25600xi32, #tpu.memory_space<vmem>>[vector<16xi32>], vector<16xi32>,
      %add3A_1392 = arith.constant 33 : i32
      %add3A_1393 = vector.broadcast %add3A_1392 : i32 to vector<16xi32>
      %add3A_1394 = arith.addi %add3A_62, %add3A_1393 : vector<16xi32>
      %gather3A_1395 = tpu.vector_load_idx %arg4[%add3A_1394] : memref<25600xi32, #tpu.memory_space<vmem>>[vector<16xi32>], vector<16xi32>,
      %shift_left3A_1396 = arith.constant 4 : i32
      %shift_left3A_1397 = vector.broadcast %shift_left3A_1396 : i32 to vector<16xi32>
      %shift_left3A_1398 = arith.shli %gather3A_1383, %shift_left3A_1397 : vector<16xi32>
      %add3A_1399 = arith.addi %shift_left3A_1398, %iota3A : vector<16xi32>
      %shift_left3A_1400 = arith.constant 4 : i32
      %shift_left3A_1401 = vector.broadcast %shift_left3A_1400 : i32 to vector<16xi32>
      %shift_left3A_1402 = arith.shli %gather3A_1387, %shift_left3A_1401 : vector<16xi32>
      %add3A_1403 = arith.addi %shift_left3A_1402, %iota3A : vector<16xi32>
      %shift_left3A_1404 = arith.constant 4 : i32
      %shift_left3A_1405 = vector.broadcast %shift_left3A_1404 : i32 to vector<16xi32>
      %shift_left3A_1406 = arith.shli %gather3A_1391, %shift_left3A_1405 : vector<16xi32>
      %add3A_1407 = arith.addi %shift_left3A_1406, %iota3A : vector<16xi32>
      %shift_left3A_1408 = arith.constant 4 : i32
      %shift_left3A_1409 = vector.broadcast %shift_left3A_1408 : i32 to vector<16xi32>
      %shift_left3A_1410 = arith.shli %gather3A_1395, %shift_left3A_1409 : vector<16xi32>
      %add3A_1411 = arith.addi %shift_left3A_1410, %iota3A : vector<16xi32>
      %gather3A_1412 = tpu.vector_load_idx %arg5[%add3A_1399] : memref<19456xi32, #tpu.memory_space<vmem>>[vector<16xi32>], vector<16xi32>,
      %gather3A_1413 = tpu.vector_load_idx %arg6[%add3A_1403] : memref<19456xi32, #tpu.memory_space<vmem>>[vector<16xi32>], vector<16xi32>,
      %gather3A_1414 = tpu.vector_load_idx %arg7[%add3A_1407] : memref<19456xi32, #tpu.memory_space<vmem>>[vector<16xi32>], vector<16xi32>,
      %gather3A_1415 = tpu.vector_load_idx %arg8[%add3A_1411] : memref<19456xi32, #tpu.memory_space<vmem>>[vector<16xi32>], vector<16xi32>,
      %ne3A_1416 = arith.cmpi ne, %gather3A_1412, %and3A_34 : vector<16xi32>
      %ne3A_1417 = arith.cmpi ne, %gather3A_1413, %and3A_34 : vector<16xi32>
      %ne3A_1418 = arith.cmpi ne, %gather3A_1414, %and3A_34 : vector<16xi32>
      %ne3A_1419 = arith.cmpi ne, %gather3A_1415, %and3A_34 : vector<16xi32>
      tpu.vector_store_idx %arg9[%gather3A_1383], %broadcast_in_dim3A_4 masked %ne3A_1416 {add = true} : memref<1280xi32, #tpu.memory_space<vmem>>[vector<16xi32>], vector<16xi32>, vector<16xi1>
      tpu.vector_store_idx %arg5[%add3A_1399], %and3A_34 : memref<19456xi32, #tpu.memory_space<vmem>>[vector<16xi32>], vector<16xi32>,
      tpu.vector_store_idx %arg9[%gather3A_1387], %broadcast_in_dim3A_4 masked %ne3A_1417 {add = true} : memref<1280xi32, #tpu.memory_space<vmem>>[vector<16xi32>], vector<16xi32>, vector<16xi1>
      tpu.vector_store_idx %arg6[%add3A_1403], %and3A_34 : memref<19456xi32, #tpu.memory_space<vmem>>[vector<16xi32>], vector<16xi32>,
      tpu.vector_store_idx %arg9[%gather3A_1391], %broadcast_in_dim3A_4 masked %ne3A_1418 {add = true} : memref<1280xi32, #tpu.memory_space<vmem>>[vector<16xi32>], vector<16xi32>, vector<16xi1>
      tpu.vector_store_idx %arg7[%add3A_1407], %and3A_34 : memref<19456xi32, #tpu.memory_space<vmem>>[vector<16xi32>], vector<16xi32>,
      tpu.vector_store_idx %arg9[%gather3A_1395], %broadcast_in_dim3A_4 masked %ne3A_1419 {add = true} : memref<1280xi32, #tpu.memory_space<vmem>>[vector<16xi32>], vector<16xi32>, vector<16xi1>
      tpu.vector_store_idx %arg8[%add3A_1411], %and3A_34 : memref<19456xi32, #tpu.memory_space<vmem>>[vector<16xi32>], vector<16xi32>,
      %add3A_1420 = arith.constant 34 : i32
      %add3A_1421 = vector.broadcast %add3A_1420 : i32 to vector<16xi32>
      %add3A_1422 = arith.addi %add3A_41, %add3A_1421 : vector<16xi32>
      %gather3A_1423 = tpu.vector_load_idx %arg4[%add3A_1422] : memref<25600xi32, #tpu.memory_space<vmem>>[vector<16xi32>], vector<16xi32>,
      %add3A_1424 = arith.constant 34 : i32
      %add3A_1425 = vector.broadcast %add3A_1424 : i32 to vector<16xi32>
      %add3A_1426 = arith.addi %add3A_48, %add3A_1425 : vector<16xi32>
      %gather3A_1427 = tpu.vector_load_idx %arg4[%add3A_1426] : memref<25600xi32, #tpu.memory_space<vmem>>[vector<16xi32>], vector<16xi32>,
      %add3A_1428 = arith.constant 34 : i32
      %add3A_1429 = vector.broadcast %add3A_1428 : i32 to vector<16xi32>
      %add3A_1430 = arith.addi %add3A_55, %add3A_1429 : vector<16xi32>
      %gather3A_1431 = tpu.vector_load_idx %arg4[%add3A_1430] : memref<25600xi32, #tpu.memory_space<vmem>>[vector<16xi32>], vector<16xi32>,
      %add3A_1432 = arith.constant 34 : i32
      %add3A_1433 = vector.broadcast %add3A_1432 : i32 to vector<16xi32>
      %add3A_1434 = arith.addi %add3A_62, %add3A_1433 : vector<16xi32>
      %gather3A_1435 = tpu.vector_load_idx %arg4[%add3A_1434] : memref<25600xi32, #tpu.memory_space<vmem>>[vector<16xi32>], vector<16xi32>,
      %shift_left3A_1436 = arith.constant 4 : i32
      %shift_left3A_1437 = vector.broadcast %shift_left3A_1436 : i32 to vector<16xi32>
      %shift_left3A_1438 = arith.shli %gather3A_1423, %shift_left3A_1437 : vector<16xi32>
      %add3A_1439 = arith.addi %shift_left3A_1438, %iota3A : vector<16xi32>
      %shift_left3A_1440 = arith.constant 4 : i32
      %shift_left3A_1441 = vector.broadcast %shift_left3A_1440 : i32 to vector<16xi32>
      %shift_left3A_1442 = arith.shli %gather3A_1427, %shift_left3A_1441 : vector<16xi32>
      %add3A_1443 = arith.addi %shift_left3A_1442, %iota3A : vector<16xi32>
      %shift_left3A_1444 = arith.constant 4 : i32
      %shift_left3A_1445 = vector.broadcast %shift_left3A_1444 : i32 to vector<16xi32>
      %shift_left3A_1446 = arith.shli %gather3A_1431, %shift_left3A_1445 : vector<16xi32>
      %add3A_1447 = arith.addi %shift_left3A_1446, %iota3A : vector<16xi32>
      %shift_left3A_1448 = arith.constant 4 : i32
      %shift_left3A_1449 = vector.broadcast %shift_left3A_1448 : i32 to vector<16xi32>
      %shift_left3A_1450 = arith.shli %gather3A_1435, %shift_left3A_1449 : vector<16xi32>
      %add3A_1451 = arith.addi %shift_left3A_1450, %iota3A : vector<16xi32>
      %gather3A_1452 = tpu.vector_load_idx %arg5[%add3A_1439] : memref<19456xi32, #tpu.memory_space<vmem>>[vector<16xi32>], vector<16xi32>,
      %gather3A_1453 = tpu.vector_load_idx %arg6[%add3A_1443] : memref<19456xi32, #tpu.memory_space<vmem>>[vector<16xi32>], vector<16xi32>,
      %gather3A_1454 = tpu.vector_load_idx %arg7[%add3A_1447] : memref<19456xi32, #tpu.memory_space<vmem>>[vector<16xi32>], vector<16xi32>,
      %gather3A_1455 = tpu.vector_load_idx %arg8[%add3A_1451] : memref<19456xi32, #tpu.memory_space<vmem>>[vector<16xi32>], vector<16xi32>,
      %ne3A_1456 = arith.cmpi ne, %gather3A_1452, %and3A_34 : vector<16xi32>
      %ne3A_1457 = arith.cmpi ne, %gather3A_1453, %and3A_34 : vector<16xi32>
      %ne3A_1458 = arith.cmpi ne, %gather3A_1454, %and3A_34 : vector<16xi32>
      %ne3A_1459 = arith.cmpi ne, %gather3A_1455, %and3A_34 : vector<16xi32>
      tpu.vector_store_idx %arg9[%gather3A_1423], %broadcast_in_dim3A_4 masked %ne3A_1456 {add = true} : memref<1280xi32, #tpu.memory_space<vmem>>[vector<16xi32>], vector<16xi32>, vector<16xi1>
      tpu.vector_store_idx %arg5[%add3A_1439], %and3A_34 : memref<19456xi32, #tpu.memory_space<vmem>>[vector<16xi32>], vector<16xi32>,
      tpu.vector_store_idx %arg9[%gather3A_1427], %broadcast_in_dim3A_4 masked %ne3A_1457 {add = true} : memref<1280xi32, #tpu.memory_space<vmem>>[vector<16xi32>], vector<16xi32>, vector<16xi1>
      tpu.vector_store_idx %arg6[%add3A_1443], %and3A_34 : memref<19456xi32, #tpu.memory_space<vmem>>[vector<16xi32>], vector<16xi32>,
      tpu.vector_store_idx %arg9[%gather3A_1431], %broadcast_in_dim3A_4 masked %ne3A_1458 {add = true} : memref<1280xi32, #tpu.memory_space<vmem>>[vector<16xi32>], vector<16xi32>, vector<16xi1>
      tpu.vector_store_idx %arg7[%add3A_1447], %and3A_34 : memref<19456xi32, #tpu.memory_space<vmem>>[vector<16xi32>], vector<16xi32>,
      tpu.vector_store_idx %arg9[%gather3A_1435], %broadcast_in_dim3A_4 masked %ne3A_1459 {add = true} : memref<1280xi32, #tpu.memory_space<vmem>>[vector<16xi32>], vector<16xi32>, vector<16xi1>
      tpu.vector_store_idx %arg8[%add3A_1451], %and3A_34 : memref<19456xi32, #tpu.memory_space<vmem>>[vector<16xi32>], vector<16xi32>,
      %add3A_1460 = arith.constant 35 : i32
      %add3A_1461 = vector.broadcast %add3A_1460 : i32 to vector<16xi32>
      %add3A_1462 = arith.addi %add3A_41, %add3A_1461 : vector<16xi32>
      %gather3A_1463 = tpu.vector_load_idx %arg4[%add3A_1462] : memref<25600xi32, #tpu.memory_space<vmem>>[vector<16xi32>], vector<16xi32>,
      %add3A_1464 = arith.constant 35 : i32
      %add3A_1465 = vector.broadcast %add3A_1464 : i32 to vector<16xi32>
      %add3A_1466 = arith.addi %add3A_48, %add3A_1465 : vector<16xi32>
      %gather3A_1467 = tpu.vector_load_idx %arg4[%add3A_1466] : memref<25600xi32, #tpu.memory_space<vmem>>[vector<16xi32>], vector<16xi32>,
      %add3A_1468 = arith.constant 35 : i32
      %add3A_1469 = vector.broadcast %add3A_1468 : i32 to vector<16xi32>
      %add3A_1470 = arith.addi %add3A_55, %add3A_1469 : vector<16xi32>
      %gather3A_1471 = tpu.vector_load_idx %arg4[%add3A_1470] : memref<25600xi32, #tpu.memory_space<vmem>>[vector<16xi32>], vector<16xi32>,
      %add3A_1472 = arith.constant 35 : i32
      %add3A_1473 = vector.broadcast %add3A_1472 : i32 to vector<16xi32>
      %add3A_1474 = arith.addi %add3A_62, %add3A_1473 : vector<16xi32>
      %gather3A_1475 = tpu.vector_load_idx %arg4[%add3A_1474] : memref<25600xi32, #tpu.memory_space<vmem>>[vector<16xi32>], vector<16xi32>,
      %shift_left3A_1476 = arith.constant 4 : i32
      %shift_left3A_1477 = vector.broadcast %shift_left3A_1476 : i32 to vector<16xi32>
      %shift_left3A_1478 = arith.shli %gather3A_1463, %shift_left3A_1477 : vector<16xi32>
      %add3A_1479 = arith.addi %shift_left3A_1478, %iota3A : vector<16xi32>
      %shift_left3A_1480 = arith.constant 4 : i32
      %shift_left3A_1481 = vector.broadcast %shift_left3A_1480 : i32 to vector<16xi32>
      %shift_left3A_1482 = arith.shli %gather3A_1467, %shift_left3A_1481 : vector<16xi32>
      %add3A_1483 = arith.addi %shift_left3A_1482, %iota3A : vector<16xi32>
      %shift_left3A_1484 = arith.constant 4 : i32
      %shift_left3A_1485 = vector.broadcast %shift_left3A_1484 : i32 to vector<16xi32>
      %shift_left3A_1486 = arith.shli %gather3A_1471, %shift_left3A_1485 : vector<16xi32>
      %add3A_1487 = arith.addi %shift_left3A_1486, %iota3A : vector<16xi32>
      %shift_left3A_1488 = arith.constant 4 : i32
      %shift_left3A_1489 = vector.broadcast %shift_left3A_1488 : i32 to vector<16xi32>
      %shift_left3A_1490 = arith.shli %gather3A_1475, %shift_left3A_1489 : vector<16xi32>
      %add3A_1491 = arith.addi %shift_left3A_1490, %iota3A : vector<16xi32>
      %gather3A_1492 = tpu.vector_load_idx %arg5[%add3A_1479] : memref<19456xi32, #tpu.memory_space<vmem>>[vector<16xi32>], vector<16xi32>,
      %gather3A_1493 = tpu.vector_load_idx %arg6[%add3A_1483] : memref<19456xi32, #tpu.memory_space<vmem>>[vector<16xi32>], vector<16xi32>,
      %gather3A_1494 = tpu.vector_load_idx %arg7[%add3A_1487] : memref<19456xi32, #tpu.memory_space<vmem>>[vector<16xi32>], vector<16xi32>,
      %gather3A_1495 = tpu.vector_load_idx %arg8[%add3A_1491] : memref<19456xi32, #tpu.memory_space<vmem>>[vector<16xi32>], vector<16xi32>,
      %ne3A_1496 = arith.cmpi ne, %gather3A_1492, %and3A_34 : vector<16xi32>
      %ne3A_1497 = arith.cmpi ne, %gather3A_1493, %and3A_34 : vector<16xi32>
      %ne3A_1498 = arith.cmpi ne, %gather3A_1494, %and3A_34 : vector<16xi32>
      %ne3A_1499 = arith.cmpi ne, %gather3A_1495, %and3A_34 : vector<16xi32>
      tpu.vector_store_idx %arg9[%gather3A_1463], %broadcast_in_dim3A_4 masked %ne3A_1496 {add = true} : memref<1280xi32, #tpu.memory_space<vmem>>[vector<16xi32>], vector<16xi32>, vector<16xi1>
      tpu.vector_store_idx %arg5[%add3A_1479], %and3A_34 : memref<19456xi32, #tpu.memory_space<vmem>>[vector<16xi32>], vector<16xi32>,
      tpu.vector_store_idx %arg9[%gather3A_1467], %broadcast_in_dim3A_4 masked %ne3A_1497 {add = true} : memref<1280xi32, #tpu.memory_space<vmem>>[vector<16xi32>], vector<16xi32>, vector<16xi1>
      tpu.vector_store_idx %arg6[%add3A_1483], %and3A_34 : memref<19456xi32, #tpu.memory_space<vmem>>[vector<16xi32>], vector<16xi32>,
      tpu.vector_store_idx %arg9[%gather3A_1471], %broadcast_in_dim3A_4 masked %ne3A_1498 {add = true} : memref<1280xi32, #tpu.memory_space<vmem>>[vector<16xi32>], vector<16xi32>, vector<16xi1>
      tpu.vector_store_idx %arg7[%add3A_1487], %and3A_34 : memref<19456xi32, #tpu.memory_space<vmem>>[vector<16xi32>], vector<16xi32>,
      tpu.vector_store_idx %arg9[%gather3A_1475], %broadcast_in_dim3A_4 masked %ne3A_1499 {add = true} : memref<1280xi32, #tpu.memory_space<vmem>>[vector<16xi32>], vector<16xi32>, vector<16xi1>
      tpu.vector_store_idx %arg8[%add3A_1491], %and3A_34 : memref<19456xi32, #tpu.memory_space<vmem>>[vector<16xi32>], vector<16xi32>,
      %add3A_1500 = arith.constant 36 : i32
      %add3A_1501 = vector.broadcast %add3A_1500 : i32 to vector<16xi32>
      %add3A_1502 = arith.addi %add3A_41, %add3A_1501 : vector<16xi32>
      %gather3A_1503 = tpu.vector_load_idx %arg4[%add3A_1502] : memref<25600xi32, #tpu.memory_space<vmem>>[vector<16xi32>], vector<16xi32>,
      %add3A_1504 = arith.constant 36 : i32
      %add3A_1505 = vector.broadcast %add3A_1504 : i32 to vector<16xi32>
      %add3A_1506 = arith.addi %add3A_48, %add3A_1505 : vector<16xi32>
      %gather3A_1507 = tpu.vector_load_idx %arg4[%add3A_1506] : memref<25600xi32, #tpu.memory_space<vmem>>[vector<16xi32>], vector<16xi32>,
      %add3A_1508 = arith.constant 36 : i32
      %add3A_1509 = vector.broadcast %add3A_1508 : i32 to vector<16xi32>
      %add3A_1510 = arith.addi %add3A_55, %add3A_1509 : vector<16xi32>
      %gather3A_1511 = tpu.vector_load_idx %arg4[%add3A_1510] : memref<25600xi32, #tpu.memory_space<vmem>>[vector<16xi32>], vector<16xi32>,
      %add3A_1512 = arith.constant 36 : i32
      %add3A_1513 = vector.broadcast %add3A_1512 : i32 to vector<16xi32>
      %add3A_1514 = arith.addi %add3A_62, %add3A_1513 : vector<16xi32>
      %gather3A_1515 = tpu.vector_load_idx %arg4[%add3A_1514] : memref<25600xi32, #tpu.memory_space<vmem>>[vector<16xi32>], vector<16xi32>,
      %shift_left3A_1516 = arith.constant 4 : i32
      %shift_left3A_1517 = vector.broadcast %shift_left3A_1516 : i32 to vector<16xi32>
      %shift_left3A_1518 = arith.shli %gather3A_1503, %shift_left3A_1517 : vector<16xi32>
      %add3A_1519 = arith.addi %shift_left3A_1518, %iota3A : vector<16xi32>
      %shift_left3A_1520 = arith.constant 4 : i32
      %shift_left3A_1521 = vector.broadcast %shift_left3A_1520 : i32 to vector<16xi32>
      %shift_left3A_1522 = arith.shli %gather3A_1507, %shift_left3A_1521 : vector<16xi32>
      %add3A_1523 = arith.addi %shift_left3A_1522, %iota3A : vector<16xi32>
      %shift_left3A_1524 = arith.constant 4 : i32
      %shift_left3A_1525 = vector.broadcast %shift_left3A_1524 : i32 to vector<16xi32>
      %shift_left3A_1526 = arith.shli %gather3A_1511, %shift_left3A_1525 : vector<16xi32>
      %add3A_1527 = arith.addi %shift_left3A_1526, %iota3A : vector<16xi32>
      %shift_left3A_1528 = arith.constant 4 : i32
      %shift_left3A_1529 = vector.broadcast %shift_left3A_1528 : i32 to vector<16xi32>
      %shift_left3A_1530 = arith.shli %gather3A_1515, %shift_left3A_1529 : vector<16xi32>
      %add3A_1531 = arith.addi %shift_left3A_1530, %iota3A : vector<16xi32>
      %gather3A_1532 = tpu.vector_load_idx %arg5[%add3A_1519] : memref<19456xi32, #tpu.memory_space<vmem>>[vector<16xi32>], vector<16xi32>,
      %gather3A_1533 = tpu.vector_load_idx %arg6[%add3A_1523] : memref<19456xi32, #tpu.memory_space<vmem>>[vector<16xi32>], vector<16xi32>,
      %gather3A_1534 = tpu.vector_load_idx %arg7[%add3A_1527] : memref<19456xi32, #tpu.memory_space<vmem>>[vector<16xi32>], vector<16xi32>,
      %gather3A_1535 = tpu.vector_load_idx %arg8[%add3A_1531] : memref<19456xi32, #tpu.memory_space<vmem>>[vector<16xi32>], vector<16xi32>,
      %ne3A_1536 = arith.cmpi ne, %gather3A_1532, %and3A_34 : vector<16xi32>
      %ne3A_1537 = arith.cmpi ne, %gather3A_1533, %and3A_34 : vector<16xi32>
      %ne3A_1538 = arith.cmpi ne, %gather3A_1534, %and3A_34 : vector<16xi32>
      %ne3A_1539 = arith.cmpi ne, %gather3A_1535, %and3A_34 : vector<16xi32>
      tpu.vector_store_idx %arg9[%gather3A_1503], %broadcast_in_dim3A_4 masked %ne3A_1536 {add = true} : memref<1280xi32, #tpu.memory_space<vmem>>[vector<16xi32>], vector<16xi32>, vector<16xi1>
      tpu.vector_store_idx %arg5[%add3A_1519], %and3A_34 : memref<19456xi32, #tpu.memory_space<vmem>>[vector<16xi32>], vector<16xi32>,
      tpu.vector_store_idx %arg9[%gather3A_1507], %broadcast_in_dim3A_4 masked %ne3A_1537 {add = true} : memref<1280xi32, #tpu.memory_space<vmem>>[vector<16xi32>], vector<16xi32>, vector<16xi1>
      tpu.vector_store_idx %arg6[%add3A_1523], %and3A_34 : memref<19456xi32, #tpu.memory_space<vmem>>[vector<16xi32>], vector<16xi32>,
      tpu.vector_store_idx %arg9[%gather3A_1511], %broadcast_in_dim3A_4 masked %ne3A_1538 {add = true} : memref<1280xi32, #tpu.memory_space<vmem>>[vector<16xi32>], vector<16xi32>, vector<16xi1>
      tpu.vector_store_idx %arg7[%add3A_1527], %and3A_34 : memref<19456xi32, #tpu.memory_space<vmem>>[vector<16xi32>], vector<16xi32>,
      tpu.vector_store_idx %arg9[%gather3A_1515], %broadcast_in_dim3A_4 masked %ne3A_1539 {add = true} : memref<1280xi32, #tpu.memory_space<vmem>>[vector<16xi32>], vector<16xi32>, vector<16xi1>
      tpu.vector_store_idx %arg8[%add3A_1531], %and3A_34 : memref<19456xi32, #tpu.memory_space<vmem>>[vector<16xi32>], vector<16xi32>,
      %add3A_1540 = arith.constant 37 : i32
      %add3A_1541 = vector.broadcast %add3A_1540 : i32 to vector<16xi32>
      %add3A_1542 = arith.addi %add3A_41, %add3A_1541 : vector<16xi32>
      %gather3A_1543 = tpu.vector_load_idx %arg4[%add3A_1542] : memref<25600xi32, #tpu.memory_space<vmem>>[vector<16xi32>], vector<16xi32>,
      %add3A_1544 = arith.constant 37 : i32
      %add3A_1545 = vector.broadcast %add3A_1544 : i32 to vector<16xi32>
      %add3A_1546 = arith.addi %add3A_48, %add3A_1545 : vector<16xi32>
      %gather3A_1547 = tpu.vector_load_idx %arg4[%add3A_1546] : memref<25600xi32, #tpu.memory_space<vmem>>[vector<16xi32>], vector<16xi32>,
      %add3A_1548 = arith.constant 37 : i32
      %add3A_1549 = vector.broadcast %add3A_1548 : i32 to vector<16xi32>
      %add3A_1550 = arith.addi %add3A_55, %add3A_1549 : vector<16xi32>
      %gather3A_1551 = tpu.vector_load_idx %arg4[%add3A_1550] : memref<25600xi32, #tpu.memory_space<vmem>>[vector<16xi32>], vector<16xi32>,
      %add3A_1552 = arith.constant 37 : i32
      %add3A_1553 = vector.broadcast %add3A_1552 : i32 to vector<16xi32>
      %add3A_1554 = arith.addi %add3A_62, %add3A_1553 : vector<16xi32>
      %gather3A_1555 = tpu.vector_load_idx %arg4[%add3A_1554] : memref<25600xi32, #tpu.memory_space<vmem>>[vector<16xi32>], vector<16xi32>,
      %shift_left3A_1556 = arith.constant 4 : i32
      %shift_left3A_1557 = vector.broadcast %shift_left3A_1556 : i32 to vector<16xi32>
      %shift_left3A_1558 = arith.shli %gather3A_1543, %shift_left3A_1557 : vector<16xi32>
      %add3A_1559 = arith.addi %shift_left3A_1558, %iota3A : vector<16xi32>
      %shift_left3A_1560 = arith.constant 4 : i32
      %shift_left3A_1561 = vector.broadcast %shift_left3A_1560 : i32 to vector<16xi32>
      %shift_left3A_1562 = arith.shli %gather3A_1547, %shift_left3A_1561 : vector<16xi32>
      %add3A_1563 = arith.addi %shift_left3A_1562, %iota3A : vector<16xi32>
      %shift_left3A_1564 = arith.constant 4 : i32
      %shift_left3A_1565 = vector.broadcast %shift_left3A_1564 : i32 to vector<16xi32>
      %shift_left3A_1566 = arith.shli %gather3A_1551, %shift_left3A_1565 : vector<16xi32>
      %add3A_1567 = arith.addi %shift_left3A_1566, %iota3A : vector<16xi32>
      %shift_left3A_1568 = arith.constant 4 : i32
      %shift_left3A_1569 = vector.broadcast %shift_left3A_1568 : i32 to vector<16xi32>
      %shift_left3A_1570 = arith.shli %gather3A_1555, %shift_left3A_1569 : vector<16xi32>
      %add3A_1571 = arith.addi %shift_left3A_1570, %iota3A : vector<16xi32>
      %gather3A_1572 = tpu.vector_load_idx %arg5[%add3A_1559] : memref<19456xi32, #tpu.memory_space<vmem>>[vector<16xi32>], vector<16xi32>,
      %gather3A_1573 = tpu.vector_load_idx %arg6[%add3A_1563] : memref<19456xi32, #tpu.memory_space<vmem>>[vector<16xi32>], vector<16xi32>,
      %gather3A_1574 = tpu.vector_load_idx %arg7[%add3A_1567] : memref<19456xi32, #tpu.memory_space<vmem>>[vector<16xi32>], vector<16xi32>,
      %gather3A_1575 = tpu.vector_load_idx %arg8[%add3A_1571] : memref<19456xi32, #tpu.memory_space<vmem>>[vector<16xi32>], vector<16xi32>,
      %ne3A_1576 = arith.cmpi ne, %gather3A_1572, %and3A_34 : vector<16xi32>
      %ne3A_1577 = arith.cmpi ne, %gather3A_1573, %and3A_34 : vector<16xi32>
      %ne3A_1578 = arith.cmpi ne, %gather3A_1574, %and3A_34 : vector<16xi32>
      %ne3A_1579 = arith.cmpi ne, %gather3A_1575, %and3A_34 : vector<16xi32>
      tpu.vector_store_idx %arg9[%gather3A_1543], %broadcast_in_dim3A_4 masked %ne3A_1576 {add = true} : memref<1280xi32, #tpu.memory_space<vmem>>[vector<16xi32>], vector<16xi32>, vector<16xi1>
      tpu.vector_store_idx %arg5[%add3A_1559], %and3A_34 : memref<19456xi32, #tpu.memory_space<vmem>>[vector<16xi32>], vector<16xi32>,
      tpu.vector_store_idx %arg9[%gather3A_1547], %broadcast_in_dim3A_4 masked %ne3A_1577 {add = true} : memref<1280xi32, #tpu.memory_space<vmem>>[vector<16xi32>], vector<16xi32>, vector<16xi1>
      tpu.vector_store_idx %arg6[%add3A_1563], %and3A_34 : memref<19456xi32, #tpu.memory_space<vmem>>[vector<16xi32>], vector<16xi32>,
      tpu.vector_store_idx %arg9[%gather3A_1551], %broadcast_in_dim3A_4 masked %ne3A_1578 {add = true} : memref<1280xi32, #tpu.memory_space<vmem>>[vector<16xi32>], vector<16xi32>, vector<16xi1>
      tpu.vector_store_idx %arg7[%add3A_1567], %and3A_34 : memref<19456xi32, #tpu.memory_space<vmem>>[vector<16xi32>], vector<16xi32>,
      tpu.vector_store_idx %arg9[%gather3A_1555], %broadcast_in_dim3A_4 masked %ne3A_1579 {add = true} : memref<1280xi32, #tpu.memory_space<vmem>>[vector<16xi32>], vector<16xi32>, vector<16xi1>
      tpu.vector_store_idx %arg8[%add3A_1571], %and3A_34 : memref<19456xi32, #tpu.memory_space<vmem>>[vector<16xi32>], vector<16xi32>,
      %add3A_1580 = arith.constant 38 : i32
      %add3A_1581 = vector.broadcast %add3A_1580 : i32 to vector<16xi32>
      %add3A_1582 = arith.addi %add3A_41, %add3A_1581 : vector<16xi32>
      %gather3A_1583 = tpu.vector_load_idx %arg4[%add3A_1582] : memref<25600xi32, #tpu.memory_space<vmem>>[vector<16xi32>], vector<16xi32>,
      %add3A_1584 = arith.constant 38 : i32
      %add3A_1585 = vector.broadcast %add3A_1584 : i32 to vector<16xi32>
      %add3A_1586 = arith.addi %add3A_48, %add3A_1585 : vector<16xi32>
      %gather3A_1587 = tpu.vector_load_idx %arg4[%add3A_1586] : memref<25600xi32, #tpu.memory_space<vmem>>[vector<16xi32>], vector<16xi32>,
      %add3A_1588 = arith.constant 38 : i32
      %add3A_1589 = vector.broadcast %add3A_1588 : i32 to vector<16xi32>
      %add3A_1590 = arith.addi %add3A_55, %add3A_1589 : vector<16xi32>
      %gather3A_1591 = tpu.vector_load_idx %arg4[%add3A_1590] : memref<25600xi32, #tpu.memory_space<vmem>>[vector<16xi32>], vector<16xi32>,
      %add3A_1592 = arith.constant 38 : i32
      %add3A_1593 = vector.broadcast %add3A_1592 : i32 to vector<16xi32>
      %add3A_1594 = arith.addi %add3A_62, %add3A_1593 : vector<16xi32>
      %gather3A_1595 = tpu.vector_load_idx %arg4[%add3A_1594] : memref<25600xi32, #tpu.memory_space<vmem>>[vector<16xi32>], vector<16xi32>,
      %shift_left3A_1596 = arith.constant 4 : i32
      %shift_left3A_1597 = vector.broadcast %shift_left3A_1596 : i32 to vector<16xi32>
      %shift_left3A_1598 = arith.shli %gather3A_1583, %shift_left3A_1597 : vector<16xi32>
      %add3A_1599 = arith.addi %shift_left3A_1598, %iota3A : vector<16xi32>
      %shift_left3A_1600 = arith.constant 4 : i32
      %shift_left3A_1601 = vector.broadcast %shift_left3A_1600 : i32 to vector<16xi32>
      %shift_left3A_1602 = arith.shli %gather3A_1587, %shift_left3A_1601 : vector<16xi32>
      %add3A_1603 = arith.addi %shift_left3A_1602, %iota3A : vector<16xi32>
      %shift_left3A_1604 = arith.constant 4 : i32
      %shift_left3A_1605 = vector.broadcast %shift_left3A_1604 : i32 to vector<16xi32>
      %shift_left3A_1606 = arith.shli %gather3A_1591, %shift_left3A_1605 : vector<16xi32>
      %add3A_1607 = arith.addi %shift_left3A_1606, %iota3A : vector<16xi32>
      %shift_left3A_1608 = arith.constant 4 : i32
      %shift_left3A_1609 = vector.broadcast %shift_left3A_1608 : i32 to vector<16xi32>
      %shift_left3A_1610 = arith.shli %gather3A_1595, %shift_left3A_1609 : vector<16xi32>
      %add3A_1611 = arith.addi %shift_left3A_1610, %iota3A : vector<16xi32>
      %gather3A_1612 = tpu.vector_load_idx %arg5[%add3A_1599] : memref<19456xi32, #tpu.memory_space<vmem>>[vector<16xi32>], vector<16xi32>,
      %gather3A_1613 = tpu.vector_load_idx %arg6[%add3A_1603] : memref<19456xi32, #tpu.memory_space<vmem>>[vector<16xi32>], vector<16xi32>,
      %gather3A_1614 = tpu.vector_load_idx %arg7[%add3A_1607] : memref<19456xi32, #tpu.memory_space<vmem>>[vector<16xi32>], vector<16xi32>,
      %gather3A_1615 = tpu.vector_load_idx %arg8[%add3A_1611] : memref<19456xi32, #tpu.memory_space<vmem>>[vector<16xi32>], vector<16xi32>,
      %ne3A_1616 = arith.cmpi ne, %gather3A_1612, %and3A_34 : vector<16xi32>
      %ne3A_1617 = arith.cmpi ne, %gather3A_1613, %and3A_34 : vector<16xi32>
      %ne3A_1618 = arith.cmpi ne, %gather3A_1614, %and3A_34 : vector<16xi32>
      %ne3A_1619 = arith.cmpi ne, %gather3A_1615, %and3A_34 : vector<16xi32>
      tpu.vector_store_idx %arg9[%gather3A_1583], %broadcast_in_dim3A_4 masked %ne3A_1616 {add = true} : memref<1280xi32, #tpu.memory_space<vmem>>[vector<16xi32>], vector<16xi32>, vector<16xi1>
      tpu.vector_store_idx %arg5[%add3A_1599], %and3A_34 : memref<19456xi32, #tpu.memory_space<vmem>>[vector<16xi32>], vector<16xi32>,
      tpu.vector_store_idx %arg9[%gather3A_1587], %broadcast_in_dim3A_4 masked %ne3A_1617 {add = true} : memref<1280xi32, #tpu.memory_space<vmem>>[vector<16xi32>], vector<16xi32>, vector<16xi1>
      tpu.vector_store_idx %arg6[%add3A_1603], %and3A_34 : memref<19456xi32, #tpu.memory_space<vmem>>[vector<16xi32>], vector<16xi32>,
      tpu.vector_store_idx %arg9[%gather3A_1591], %broadcast_in_dim3A_4 masked %ne3A_1618 {add = true} : memref<1280xi32, #tpu.memory_space<vmem>>[vector<16xi32>], vector<16xi32>, vector<16xi1>
      tpu.vector_store_idx %arg7[%add3A_1607], %and3A_34 : memref<19456xi32, #tpu.memory_space<vmem>>[vector<16xi32>], vector<16xi32>,
      tpu.vector_store_idx %arg9[%gather3A_1595], %broadcast_in_dim3A_4 masked %ne3A_1619 {add = true} : memref<1280xi32, #tpu.memory_space<vmem>>[vector<16xi32>], vector<16xi32>, vector<16xi1>
      tpu.vector_store_idx %arg8[%add3A_1611], %and3A_34 : memref<19456xi32, #tpu.memory_space<vmem>>[vector<16xi32>], vector<16xi32>,
      %add3A_1620 = arith.constant 39 : i32
      %add3A_1621 = vector.broadcast %add3A_1620 : i32 to vector<16xi32>
      %add3A_1622 = arith.addi %add3A_41, %add3A_1621 : vector<16xi32>
      %gather3A_1623 = tpu.vector_load_idx %arg4[%add3A_1622] : memref<25600xi32, #tpu.memory_space<vmem>>[vector<16xi32>], vector<16xi32>,
      %add3A_1624 = arith.constant 39 : i32
      %add3A_1625 = vector.broadcast %add3A_1624 : i32 to vector<16xi32>
      %add3A_1626 = arith.addi %add3A_48, %add3A_1625 : vector<16xi32>
      %gather3A_1627 = tpu.vector_load_idx %arg4[%add3A_1626] : memref<25600xi32, #tpu.memory_space<vmem>>[vector<16xi32>], vector<16xi32>,
      %add3A_1628 = arith.constant 39 : i32
      %add3A_1629 = vector.broadcast %add3A_1628 : i32 to vector<16xi32>
      %add3A_1630 = arith.addi %add3A_55, %add3A_1629 : vector<16xi32>
      %gather3A_1631 = tpu.vector_load_idx %arg4[%add3A_1630] : memref<25600xi32, #tpu.memory_space<vmem>>[vector<16xi32>], vector<16xi32>,
      %add3A_1632 = arith.constant 39 : i32
      %add3A_1633 = vector.broadcast %add3A_1632 : i32 to vector<16xi32>
      %add3A_1634 = arith.addi %add3A_62, %add3A_1633 : vector<16xi32>
      %gather3A_1635 = tpu.vector_load_idx %arg4[%add3A_1634] : memref<25600xi32, #tpu.memory_space<vmem>>[vector<16xi32>], vector<16xi32>,
      %shift_left3A_1636 = arith.constant 4 : i32
      %shift_left3A_1637 = vector.broadcast %shift_left3A_1636 : i32 to vector<16xi32>
      %shift_left3A_1638 = arith.shli %gather3A_1623, %shift_left3A_1637 : vector<16xi32>
      %add3A_1639 = arith.addi %shift_left3A_1638, %iota3A : vector<16xi32>
      %shift_left3A_1640 = arith.constant 4 : i32
      %shift_left3A_1641 = vector.broadcast %shift_left3A_1640 : i32 to vector<16xi32>
      %shift_left3A_1642 = arith.shli %gather3A_1627, %shift_left3A_1641 : vector<16xi32>
      %add3A_1643 = arith.addi %shift_left3A_1642, %iota3A : vector<16xi32>
      %shift_left3A_1644 = arith.constant 4 : i32
      %shift_left3A_1645 = vector.broadcast %shift_left3A_1644 : i32 to vector<16xi32>
      %shift_left3A_1646 = arith.shli %gather3A_1631, %shift_left3A_1645 : vector<16xi32>
      %add3A_1647 = arith.addi %shift_left3A_1646, %iota3A : vector<16xi32>
      %shift_left3A_1648 = arith.constant 4 : i32
      %shift_left3A_1649 = vector.broadcast %shift_left3A_1648 : i32 to vector<16xi32>
      %shift_left3A_1650 = arith.shli %gather3A_1635, %shift_left3A_1649 : vector<16xi32>
      %add3A_1651 = arith.addi %shift_left3A_1650, %iota3A : vector<16xi32>
      %gather3A_1652 = tpu.vector_load_idx %arg5[%add3A_1639] : memref<19456xi32, #tpu.memory_space<vmem>>[vector<16xi32>], vector<16xi32>,
      %gather3A_1653 = tpu.vector_load_idx %arg6[%add3A_1643] : memref<19456xi32, #tpu.memory_space<vmem>>[vector<16xi32>], vector<16xi32>,
      %gather3A_1654 = tpu.vector_load_idx %arg7[%add3A_1647] : memref<19456xi32, #tpu.memory_space<vmem>>[vector<16xi32>], vector<16xi32>,
      %gather3A_1655 = tpu.vector_load_idx %arg8[%add3A_1651] : memref<19456xi32, #tpu.memory_space<vmem>>[vector<16xi32>], vector<16xi32>,
      %ne3A_1656 = arith.cmpi ne, %gather3A_1652, %and3A_34 : vector<16xi32>
      %ne3A_1657 = arith.cmpi ne, %gather3A_1653, %and3A_34 : vector<16xi32>
      %ne3A_1658 = arith.cmpi ne, %gather3A_1654, %and3A_34 : vector<16xi32>
      %ne3A_1659 = arith.cmpi ne, %gather3A_1655, %and3A_34 : vector<16xi32>
      tpu.vector_store_idx %arg9[%gather3A_1623], %broadcast_in_dim3A_4 masked %ne3A_1656 {add = true} : memref<1280xi32, #tpu.memory_space<vmem>>[vector<16xi32>], vector<16xi32>, vector<16xi1>
      tpu.vector_store_idx %arg5[%add3A_1639], %and3A_34 : memref<19456xi32, #tpu.memory_space<vmem>>[vector<16xi32>], vector<16xi32>,
      tpu.vector_store_idx %arg9[%gather3A_1627], %broadcast_in_dim3A_4 masked %ne3A_1657 {add = true} : memref<1280xi32, #tpu.memory_space<vmem>>[vector<16xi32>], vector<16xi32>, vector<16xi1>
      tpu.vector_store_idx %arg6[%add3A_1643], %and3A_34 : memref<19456xi32, #tpu.memory_space<vmem>>[vector<16xi32>], vector<16xi32>,
      tpu.vector_store_idx %arg9[%gather3A_1631], %broadcast_in_dim3A_4 masked %ne3A_1658 {add = true} : memref<1280xi32, #tpu.memory_space<vmem>>[vector<16xi32>], vector<16xi32>, vector<16xi1>
      tpu.vector_store_idx %arg7[%add3A_1647], %and3A_34 : memref<19456xi32, #tpu.memory_space<vmem>>[vector<16xi32>], vector<16xi32>,
      tpu.vector_store_idx %arg9[%gather3A_1635], %broadcast_in_dim3A_4 masked %ne3A_1659 {add = true} : memref<1280xi32, #tpu.memory_space<vmem>>[vector<16xi32>], vector<16xi32>, vector<16xi1>
      tpu.vector_store_idx %arg8[%add3A_1651], %and3A_34 : memref<19456xi32, #tpu.memory_space<vmem>>[vector<16xi32>], vector<16xi32>,
      %add3A_1660 = arith.constant 40 : i32
      %add3A_1661 = vector.broadcast %add3A_1660 : i32 to vector<16xi32>
      %add3A_1662 = arith.addi %add3A_41, %add3A_1661 : vector<16xi32>
      %gather3A_1663 = tpu.vector_load_idx %arg4[%add3A_1662] : memref<25600xi32, #tpu.memory_space<vmem>>[vector<16xi32>], vector<16xi32>,
      %add3A_1664 = arith.constant 40 : i32
      %add3A_1665 = vector.broadcast %add3A_1664 : i32 to vector<16xi32>
      %add3A_1666 = arith.addi %add3A_48, %add3A_1665 : vector<16xi32>
      %gather3A_1667 = tpu.vector_load_idx %arg4[%add3A_1666] : memref<25600xi32, #tpu.memory_space<vmem>>[vector<16xi32>], vector<16xi32>,
      %add3A_1668 = arith.constant 40 : i32
      %add3A_1669 = vector.broadcast %add3A_1668 : i32 to vector<16xi32>
      %add3A_1670 = arith.addi %add3A_55, %add3A_1669 : vector<16xi32>
      %gather3A_1671 = tpu.vector_load_idx %arg4[%add3A_1670] : memref<25600xi32, #tpu.memory_space<vmem>>[vector<16xi32>], vector<16xi32>,
      %add3A_1672 = arith.constant 40 : i32
      %add3A_1673 = vector.broadcast %add3A_1672 : i32 to vector<16xi32>
      %add3A_1674 = arith.addi %add3A_62, %add3A_1673 : vector<16xi32>
      %gather3A_1675 = tpu.vector_load_idx %arg4[%add3A_1674] : memref<25600xi32, #tpu.memory_space<vmem>>[vector<16xi32>], vector<16xi32>,
      %shift_left3A_1676 = arith.constant 4 : i32
      %shift_left3A_1677 = vector.broadcast %shift_left3A_1676 : i32 to vector<16xi32>
      %shift_left3A_1678 = arith.shli %gather3A_1663, %shift_left3A_1677 : vector<16xi32>
      %add3A_1679 = arith.addi %shift_left3A_1678, %iota3A : vector<16xi32>
      %shift_left3A_1680 = arith.constant 4 : i32
      %shift_left3A_1681 = vector.broadcast %shift_left3A_1680 : i32 to vector<16xi32>
      %shift_left3A_1682 = arith.shli %gather3A_1667, %shift_left3A_1681 : vector<16xi32>
      %add3A_1683 = arith.addi %shift_left3A_1682, %iota3A : vector<16xi32>
      %shift_left3A_1684 = arith.constant 4 : i32
      %shift_left3A_1685 = vector.broadcast %shift_left3A_1684 : i32 to vector<16xi32>
      %shift_left3A_1686 = arith.shli %gather3A_1671, %shift_left3A_1685 : vector<16xi32>
      %add3A_1687 = arith.addi %shift_left3A_1686, %iota3A : vector<16xi32>
      %shift_left3A_1688 = arith.constant 4 : i32
      %shift_left3A_1689 = vector.broadcast %shift_left3A_1688 : i32 to vector<16xi32>
      %shift_left3A_1690 = arith.shli %gather3A_1675, %shift_left3A_1689 : vector<16xi32>
      %add3A_1691 = arith.addi %shift_left3A_1690, %iota3A : vector<16xi32>
      %gather3A_1692 = tpu.vector_load_idx %arg5[%add3A_1679] : memref<19456xi32, #tpu.memory_space<vmem>>[vector<16xi32>], vector<16xi32>,
      %gather3A_1693 = tpu.vector_load_idx %arg6[%add3A_1683] : memref<19456xi32, #tpu.memory_space<vmem>>[vector<16xi32>], vector<16xi32>,
      %gather3A_1694 = tpu.vector_load_idx %arg7[%add3A_1687] : memref<19456xi32, #tpu.memory_space<vmem>>[vector<16xi32>], vector<16xi32>,
      %gather3A_1695 = tpu.vector_load_idx %arg8[%add3A_1691] : memref<19456xi32, #tpu.memory_space<vmem>>[vector<16xi32>], vector<16xi32>,
      %ne3A_1696 = arith.cmpi ne, %gather3A_1692, %and3A_34 : vector<16xi32>
      %ne3A_1697 = arith.cmpi ne, %gather3A_1693, %and3A_34 : vector<16xi32>
      %ne3A_1698 = arith.cmpi ne, %gather3A_1694, %and3A_34 : vector<16xi32>
      %ne3A_1699 = arith.cmpi ne, %gather3A_1695, %and3A_34 : vector<16xi32>
      tpu.vector_store_idx %arg9[%gather3A_1663], %broadcast_in_dim3A_4 masked %ne3A_1696 {add = true} : memref<1280xi32, #tpu.memory_space<vmem>>[vector<16xi32>], vector<16xi32>, vector<16xi1>
      tpu.vector_store_idx %arg5[%add3A_1679], %and3A_34 : memref<19456xi32, #tpu.memory_space<vmem>>[vector<16xi32>], vector<16xi32>,
      tpu.vector_store_idx %arg9[%gather3A_1667], %broadcast_in_dim3A_4 masked %ne3A_1697 {add = true} : memref<1280xi32, #tpu.memory_space<vmem>>[vector<16xi32>], vector<16xi32>, vector<16xi1>
      tpu.vector_store_idx %arg6[%add3A_1683], %and3A_34 : memref<19456xi32, #tpu.memory_space<vmem>>[vector<16xi32>], vector<16xi32>,
      tpu.vector_store_idx %arg9[%gather3A_1671], %broadcast_in_dim3A_4 masked %ne3A_1698 {add = true} : memref<1280xi32, #tpu.memory_space<vmem>>[vector<16xi32>], vector<16xi32>, vector<16xi1>
      tpu.vector_store_idx %arg7[%add3A_1687], %and3A_34 : memref<19456xi32, #tpu.memory_space<vmem>>[vector<16xi32>], vector<16xi32>,
      tpu.vector_store_idx %arg9[%gather3A_1675], %broadcast_in_dim3A_4 masked %ne3A_1699 {add = true} : memref<1280xi32, #tpu.memory_space<vmem>>[vector<16xi32>], vector<16xi32>, vector<16xi1>
      tpu.vector_store_idx %arg8[%add3A_1691], %and3A_34 : memref<19456xi32, #tpu.memory_space<vmem>>[vector<16xi32>], vector<16xi32>,
      %add3A_1700 = arith.constant 41 : i32
      %add3A_1701 = vector.broadcast %add3A_1700 : i32 to vector<16xi32>
      %add3A_1702 = arith.addi %add3A_41, %add3A_1701 : vector<16xi32>
      %gather3A_1703 = tpu.vector_load_idx %arg4[%add3A_1702] : memref<25600xi32, #tpu.memory_space<vmem>>[vector<16xi32>], vector<16xi32>,
      %add3A_1704 = arith.constant 41 : i32
      %add3A_1705 = vector.broadcast %add3A_1704 : i32 to vector<16xi32>
      %add3A_1706 = arith.addi %add3A_48, %add3A_1705 : vector<16xi32>
      %gather3A_1707 = tpu.vector_load_idx %arg4[%add3A_1706] : memref<25600xi32, #tpu.memory_space<vmem>>[vector<16xi32>], vector<16xi32>,
      %add3A_1708 = arith.constant 41 : i32
      %add3A_1709 = vector.broadcast %add3A_1708 : i32 to vector<16xi32>
      %add3A_1710 = arith.addi %add3A_55, %add3A_1709 : vector<16xi32>
      %gather3A_1711 = tpu.vector_load_idx %arg4[%add3A_1710] : memref<25600xi32, #tpu.memory_space<vmem>>[vector<16xi32>], vector<16xi32>,
      %add3A_1712 = arith.constant 41 : i32
      %add3A_1713 = vector.broadcast %add3A_1712 : i32 to vector<16xi32>
      %add3A_1714 = arith.addi %add3A_62, %add3A_1713 : vector<16xi32>
      %gather3A_1715 = tpu.vector_load_idx %arg4[%add3A_1714] : memref<25600xi32, #tpu.memory_space<vmem>>[vector<16xi32>], vector<16xi32>,
      %shift_left3A_1716 = arith.constant 4 : i32
      %shift_left3A_1717 = vector.broadcast %shift_left3A_1716 : i32 to vector<16xi32>
      %shift_left3A_1718 = arith.shli %gather3A_1703, %shift_left3A_1717 : vector<16xi32>
      %add3A_1719 = arith.addi %shift_left3A_1718, %iota3A : vector<16xi32>
      %shift_left3A_1720 = arith.constant 4 : i32
      %shift_left3A_1721 = vector.broadcast %shift_left3A_1720 : i32 to vector<16xi32>
      %shift_left3A_1722 = arith.shli %gather3A_1707, %shift_left3A_1721 : vector<16xi32>
      %add3A_1723 = arith.addi %shift_left3A_1722, %iota3A : vector<16xi32>
      %shift_left3A_1724 = arith.constant 4 : i32
      %shift_left3A_1725 = vector.broadcast %shift_left3A_1724 : i32 to vector<16xi32>
      %shift_left3A_1726 = arith.shli %gather3A_1711, %shift_left3A_1725 : vector<16xi32>
      %add3A_1727 = arith.addi %shift_left3A_1726, %iota3A : vector<16xi32>
      %shift_left3A_1728 = arith.constant 4 : i32
      %shift_left3A_1729 = vector.broadcast %shift_left3A_1728 : i32 to vector<16xi32>
      %shift_left3A_1730 = arith.shli %gather3A_1715, %shift_left3A_1729 : vector<16xi32>
      %add3A_1731 = arith.addi %shift_left3A_1730, %iota3A : vector<16xi32>
      %gather3A_1732 = tpu.vector_load_idx %arg5[%add3A_1719] : memref<19456xi32, #tpu.memory_space<vmem>>[vector<16xi32>], vector<16xi32>,
      %gather3A_1733 = tpu.vector_load_idx %arg6[%add3A_1723] : memref<19456xi32, #tpu.memory_space<vmem>>[vector<16xi32>], vector<16xi32>,
      %gather3A_1734 = tpu.vector_load_idx %arg7[%add3A_1727] : memref<19456xi32, #tpu.memory_space<vmem>>[vector<16xi32>], vector<16xi32>,
      %gather3A_1735 = tpu.vector_load_idx %arg8[%add3A_1731] : memref<19456xi32, #tpu.memory_space<vmem>>[vector<16xi32>], vector<16xi32>,
      %ne3A_1736 = arith.cmpi ne, %gather3A_1732, %and3A_34 : vector<16xi32>
      %ne3A_1737 = arith.cmpi ne, %gather3A_1733, %and3A_34 : vector<16xi32>
      %ne3A_1738 = arith.cmpi ne, %gather3A_1734, %and3A_34 : vector<16xi32>
      %ne3A_1739 = arith.cmpi ne, %gather3A_1735, %and3A_34 : vector<16xi32>
      tpu.vector_store_idx %arg9[%gather3A_1703], %broadcast_in_dim3A_4 masked %ne3A_1736 {add = true} : memref<1280xi32, #tpu.memory_space<vmem>>[vector<16xi32>], vector<16xi32>, vector<16xi1>
      tpu.vector_store_idx %arg5[%add3A_1719], %and3A_34 : memref<19456xi32, #tpu.memory_space<vmem>>[vector<16xi32>], vector<16xi32>,
      tpu.vector_store_idx %arg9[%gather3A_1707], %broadcast_in_dim3A_4 masked %ne3A_1737 {add = true} : memref<1280xi32, #tpu.memory_space<vmem>>[vector<16xi32>], vector<16xi32>, vector<16xi1>
      tpu.vector_store_idx %arg6[%add3A_1723], %and3A_34 : memref<19456xi32, #tpu.memory_space<vmem>>[vector<16xi32>], vector<16xi32>,
      tpu.vector_store_idx %arg9[%gather3A_1711], %broadcast_in_dim3A_4 masked %ne3A_1738 {add = true} : memref<1280xi32, #tpu.memory_space<vmem>>[vector<16xi32>], vector<16xi32>, vector<16xi1>
      tpu.vector_store_idx %arg7[%add3A_1727], %and3A_34 : memref<19456xi32, #tpu.memory_space<vmem>>[vector<16xi32>], vector<16xi32>,
      tpu.vector_store_idx %arg9[%gather3A_1715], %broadcast_in_dim3A_4 masked %ne3A_1739 {add = true} : memref<1280xi32, #tpu.memory_space<vmem>>[vector<16xi32>], vector<16xi32>, vector<16xi1>
      tpu.vector_store_idx %arg8[%add3A_1731], %and3A_34 : memref<19456xi32, #tpu.memory_space<vmem>>[vector<16xi32>], vector<16xi32>,
      %add3A_1740 = arith.constant 42 : i32
      %add3A_1741 = vector.broadcast %add3A_1740 : i32 to vector<16xi32>
      %add3A_1742 = arith.addi %add3A_41, %add3A_1741 : vector<16xi32>
      %gather3A_1743 = tpu.vector_load_idx %arg4[%add3A_1742] : memref<25600xi32, #tpu.memory_space<vmem>>[vector<16xi32>], vector<16xi32>,
      %add3A_1744 = arith.constant 42 : i32
      %add3A_1745 = vector.broadcast %add3A_1744 : i32 to vector<16xi32>
      %add3A_1746 = arith.addi %add3A_48, %add3A_1745 : vector<16xi32>
      %gather3A_1747 = tpu.vector_load_idx %arg4[%add3A_1746] : memref<25600xi32, #tpu.memory_space<vmem>>[vector<16xi32>], vector<16xi32>,
      %add3A_1748 = arith.constant 42 : i32
      %add3A_1749 = vector.broadcast %add3A_1748 : i32 to vector<16xi32>
      %add3A_1750 = arith.addi %add3A_55, %add3A_1749 : vector<16xi32>
      %gather3A_1751 = tpu.vector_load_idx %arg4[%add3A_1750] : memref<25600xi32, #tpu.memory_space<vmem>>[vector<16xi32>], vector<16xi32>,
      %add3A_1752 = arith.constant 42 : i32
      %add3A_1753 = vector.broadcast %add3A_1752 : i32 to vector<16xi32>
      %add3A_1754 = arith.addi %add3A_62, %add3A_1753 : vector<16xi32>
      %gather3A_1755 = tpu.vector_load_idx %arg4[%add3A_1754] : memref<25600xi32, #tpu.memory_space<vmem>>[vector<16xi32>], vector<16xi32>,
      %shift_left3A_1756 = arith.constant 4 : i32
      %shift_left3A_1757 = vector.broadcast %shift_left3A_1756 : i32 to vector<16xi32>
      %shift_left3A_1758 = arith.shli %gather3A_1743, %shift_left3A_1757 : vector<16xi32>
      %add3A_1759 = arith.addi %shift_left3A_1758, %iota3A : vector<16xi32>
      %shift_left3A_1760 = arith.constant 4 : i32
      %shift_left3A_1761 = vector.broadcast %shift_left3A_1760 : i32 to vector<16xi32>
      %shift_left3A_1762 = arith.shli %gather3A_1747, %shift_left3A_1761 : vector<16xi32>
      %add3A_1763 = arith.addi %shift_left3A_1762, %iota3A : vector<16xi32>
      %shift_left3A_1764 = arith.constant 4 : i32
      %shift_left3A_1765 = vector.broadcast %shift_left3A_1764 : i32 to vector<16xi32>
      %shift_left3A_1766 = arith.shli %gather3A_1751, %shift_left3A_1765 : vector<16xi32>
      %add3A_1767 = arith.addi %shift_left3A_1766, %iota3A : vector<16xi32>
      %shift_left3A_1768 = arith.constant 4 : i32
      %shift_left3A_1769 = vector.broadcast %shift_left3A_1768 : i32 to vector<16xi32>
      %shift_left3A_1770 = arith.shli %gather3A_1755, %shift_left3A_1769 : vector<16xi32>
      %add3A_1771 = arith.addi %shift_left3A_1770, %iota3A : vector<16xi32>
      %gather3A_1772 = tpu.vector_load_idx %arg5[%add3A_1759] : memref<19456xi32, #tpu.memory_space<vmem>>[vector<16xi32>], vector<16xi32>,
      %gather3A_1773 = tpu.vector_load_idx %arg6[%add3A_1763] : memref<19456xi32, #tpu.memory_space<vmem>>[vector<16xi32>], vector<16xi32>,
      %gather3A_1774 = tpu.vector_load_idx %arg7[%add3A_1767] : memref<19456xi32, #tpu.memory_space<vmem>>[vector<16xi32>], vector<16xi32>,
      %gather3A_1775 = tpu.vector_load_idx %arg8[%add3A_1771] : memref<19456xi32, #tpu.memory_space<vmem>>[vector<16xi32>], vector<16xi32>,
      %ne3A_1776 = arith.cmpi ne, %gather3A_1772, %and3A_34 : vector<16xi32>
      %ne3A_1777 = arith.cmpi ne, %gather3A_1773, %and3A_34 : vector<16xi32>
      %ne3A_1778 = arith.cmpi ne, %gather3A_1774, %and3A_34 : vector<16xi32>
      %ne3A_1779 = arith.cmpi ne, %gather3A_1775, %and3A_34 : vector<16xi32>
      tpu.vector_store_idx %arg9[%gather3A_1743], %broadcast_in_dim3A_4 masked %ne3A_1776 {add = true} : memref<1280xi32, #tpu.memory_space<vmem>>[vector<16xi32>], vector<16xi32>, vector<16xi1>
      tpu.vector_store_idx %arg5[%add3A_1759], %and3A_34 : memref<19456xi32, #tpu.memory_space<vmem>>[vector<16xi32>], vector<16xi32>,
      tpu.vector_store_idx %arg9[%gather3A_1747], %broadcast_in_dim3A_4 masked %ne3A_1777 {add = true} : memref<1280xi32, #tpu.memory_space<vmem>>[vector<16xi32>], vector<16xi32>, vector<16xi1>
      tpu.vector_store_idx %arg6[%add3A_1763], %and3A_34 : memref<19456xi32, #tpu.memory_space<vmem>>[vector<16xi32>], vector<16xi32>,
      tpu.vector_store_idx %arg9[%gather3A_1751], %broadcast_in_dim3A_4 masked %ne3A_1778 {add = true} : memref<1280xi32, #tpu.memory_space<vmem>>[vector<16xi32>], vector<16xi32>, vector<16xi1>
      tpu.vector_store_idx %arg7[%add3A_1767], %and3A_34 : memref<19456xi32, #tpu.memory_space<vmem>>[vector<16xi32>], vector<16xi32>,
      tpu.vector_store_idx %arg9[%gather3A_1755], %broadcast_in_dim3A_4 masked %ne3A_1779 {add = true} : memref<1280xi32, #tpu.memory_space<vmem>>[vector<16xi32>], vector<16xi32>, vector<16xi1>
      tpu.vector_store_idx %arg8[%add3A_1771], %and3A_34 : memref<19456xi32, #tpu.memory_space<vmem>>[vector<16xi32>], vector<16xi32>,
      %add3A_1780 = arith.constant 43 : i32
      %add3A_1781 = vector.broadcast %add3A_1780 : i32 to vector<16xi32>
      %add3A_1782 = arith.addi %add3A_41, %add3A_1781 : vector<16xi32>
      %gather3A_1783 = tpu.vector_load_idx %arg4[%add3A_1782] : memref<25600xi32, #tpu.memory_space<vmem>>[vector<16xi32>], vector<16xi32>,
      %add3A_1784 = arith.constant 43 : i32
      %add3A_1785 = vector.broadcast %add3A_1784 : i32 to vector<16xi32>
      %add3A_1786 = arith.addi %add3A_48, %add3A_1785 : vector<16xi32>
      %gather3A_1787 = tpu.vector_load_idx %arg4[%add3A_1786] : memref<25600xi32, #tpu.memory_space<vmem>>[vector<16xi32>], vector<16xi32>,
      %add3A_1788 = arith.constant 43 : i32
      %add3A_1789 = vector.broadcast %add3A_1788 : i32 to vector<16xi32>
      %add3A_1790 = arith.addi %add3A_55, %add3A_1789 : vector<16xi32>
      %gather3A_1791 = tpu.vector_load_idx %arg4[%add3A_1790] : memref<25600xi32, #tpu.memory_space<vmem>>[vector<16xi32>], vector<16xi32>,
      %add3A_1792 = arith.constant 43 : i32
      %add3A_1793 = vector.broadcast %add3A_1792 : i32 to vector<16xi32>
      %add3A_1794 = arith.addi %add3A_62, %add3A_1793 : vector<16xi32>
      %gather3A_1795 = tpu.vector_load_idx %arg4[%add3A_1794] : memref<25600xi32, #tpu.memory_space<vmem>>[vector<16xi32>], vector<16xi32>,
      %shift_left3A_1796 = arith.constant 4 : i32
      %shift_left3A_1797 = vector.broadcast %shift_left3A_1796 : i32 to vector<16xi32>
      %shift_left3A_1798 = arith.shli %gather3A_1783, %shift_left3A_1797 : vector<16xi32>
      %add3A_1799 = arith.addi %shift_left3A_1798, %iota3A : vector<16xi32>
      %shift_left3A_1800 = arith.constant 4 : i32
      %shift_left3A_1801 = vector.broadcast %shift_left3A_1800 : i32 to vector<16xi32>
      %shift_left3A_1802 = arith.shli %gather3A_1787, %shift_left3A_1801 : vector<16xi32>
      %add3A_1803 = arith.addi %shift_left3A_1802, %iota3A : vector<16xi32>
      %shift_left3A_1804 = arith.constant 4 : i32
      %shift_left3A_1805 = vector.broadcast %shift_left3A_1804 : i32 to vector<16xi32>
      %shift_left3A_1806 = arith.shli %gather3A_1791, %shift_left3A_1805 : vector<16xi32>
      %add3A_1807 = arith.addi %shift_left3A_1806, %iota3A : vector<16xi32>
      %shift_left3A_1808 = arith.constant 4 : i32
      %shift_left3A_1809 = vector.broadcast %shift_left3A_1808 : i32 to vector<16xi32>
      %shift_left3A_1810 = arith.shli %gather3A_1795, %shift_left3A_1809 : vector<16xi32>
      %add3A_1811 = arith.addi %shift_left3A_1810, %iota3A : vector<16xi32>
      %gather3A_1812 = tpu.vector_load_idx %arg5[%add3A_1799] : memref<19456xi32, #tpu.memory_space<vmem>>[vector<16xi32>], vector<16xi32>,
      %gather3A_1813 = tpu.vector_load_idx %arg6[%add3A_1803] : memref<19456xi32, #tpu.memory_space<vmem>>[vector<16xi32>], vector<16xi32>,
      %gather3A_1814 = tpu.vector_load_idx %arg7[%add3A_1807] : memref<19456xi32, #tpu.memory_space<vmem>>[vector<16xi32>], vector<16xi32>,
      %gather3A_1815 = tpu.vector_load_idx %arg8[%add3A_1811] : memref<19456xi32, #tpu.memory_space<vmem>>[vector<16xi32>], vector<16xi32>,
      %ne3A_1816 = arith.cmpi ne, %gather3A_1812, %and3A_34 : vector<16xi32>
      %ne3A_1817 = arith.cmpi ne, %gather3A_1813, %and3A_34 : vector<16xi32>
      %ne3A_1818 = arith.cmpi ne, %gather3A_1814, %and3A_34 : vector<16xi32>
      %ne3A_1819 = arith.cmpi ne, %gather3A_1815, %and3A_34 : vector<16xi32>
      tpu.vector_store_idx %arg9[%gather3A_1783], %broadcast_in_dim3A_4 masked %ne3A_1816 {add = true} : memref<1280xi32, #tpu.memory_space<vmem>>[vector<16xi32>], vector<16xi32>, vector<16xi1>
      tpu.vector_store_idx %arg5[%add3A_1799], %and3A_34 : memref<19456xi32, #tpu.memory_space<vmem>>[vector<16xi32>], vector<16xi32>,
      tpu.vector_store_idx %arg9[%gather3A_1787], %broadcast_in_dim3A_4 masked %ne3A_1817 {add = true} : memref<1280xi32, #tpu.memory_space<vmem>>[vector<16xi32>], vector<16xi32>, vector<16xi1>
      tpu.vector_store_idx %arg6[%add3A_1803], %and3A_34 : memref<19456xi32, #tpu.memory_space<vmem>>[vector<16xi32>], vector<16xi32>,
      tpu.vector_store_idx %arg9[%gather3A_1791], %broadcast_in_dim3A_4 masked %ne3A_1818 {add = true} : memref<1280xi32, #tpu.memory_space<vmem>>[vector<16xi32>], vector<16xi32>, vector<16xi1>
      tpu.vector_store_idx %arg7[%add3A_1807], %and3A_34 : memref<19456xi32, #tpu.memory_space<vmem>>[vector<16xi32>], vector<16xi32>,
      tpu.vector_store_idx %arg9[%gather3A_1795], %broadcast_in_dim3A_4 masked %ne3A_1819 {add = true} : memref<1280xi32, #tpu.memory_space<vmem>>[vector<16xi32>], vector<16xi32>, vector<16xi1>
      tpu.vector_store_idx %arg8[%add3A_1811], %and3A_34 : memref<19456xi32, #tpu.memory_space<vmem>>[vector<16xi32>], vector<16xi32>,
      %add3A_1820 = arith.constant 44 : i32
      %add3A_1821 = vector.broadcast %add3A_1820 : i32 to vector<16xi32>
      %add3A_1822 = arith.addi %add3A_41, %add3A_1821 : vector<16xi32>
      %gather3A_1823 = tpu.vector_load_idx %arg4[%add3A_1822] : memref<25600xi32, #tpu.memory_space<vmem>>[vector<16xi32>], vector<16xi32>,
      %add3A_1824 = arith.constant 44 : i32
      %add3A_1825 = vector.broadcast %add3A_1824 : i32 to vector<16xi32>
      %add3A_1826 = arith.addi %add3A_48, %add3A_1825 : vector<16xi32>
      %gather3A_1827 = tpu.vector_load_idx %arg4[%add3A_1826] : memref<25600xi32, #tpu.memory_space<vmem>>[vector<16xi32>], vector<16xi32>,
      %add3A_1828 = arith.constant 44 : i32
      %add3A_1829 = vector.broadcast %add3A_1828 : i32 to vector<16xi32>
      %add3A_1830 = arith.addi %add3A_55, %add3A_1829 : vector<16xi32>
      %gather3A_1831 = tpu.vector_load_idx %arg4[%add3A_1830] : memref<25600xi32, #tpu.memory_space<vmem>>[vector<16xi32>], vector<16xi32>,
      %add3A_1832 = arith.constant 44 : i32
      %add3A_1833 = vector.broadcast %add3A_1832 : i32 to vector<16xi32>
      %add3A_1834 = arith.addi %add3A_62, %add3A_1833 : vector<16xi32>
      %gather3A_1835 = tpu.vector_load_idx %arg4[%add3A_1834] : memref<25600xi32, #tpu.memory_space<vmem>>[vector<16xi32>], vector<16xi32>,
      %shift_left3A_1836 = arith.constant 4 : i32
      %shift_left3A_1837 = vector.broadcast %shift_left3A_1836 : i32 to vector<16xi32>
      %shift_left3A_1838 = arith.shli %gather3A_1823, %shift_left3A_1837 : vector<16xi32>
      %add3A_1839 = arith.addi %shift_left3A_1838, %iota3A : vector<16xi32>
      %shift_left3A_1840 = arith.constant 4 : i32
      %shift_left3A_1841 = vector.broadcast %shift_left3A_1840 : i32 to vector<16xi32>
      %shift_left3A_1842 = arith.shli %gather3A_1827, %shift_left3A_1841 : vector<16xi32>
      %add3A_1843 = arith.addi %shift_left3A_1842, %iota3A : vector<16xi32>
      %shift_left3A_1844 = arith.constant 4 : i32
      %shift_left3A_1845 = vector.broadcast %shift_left3A_1844 : i32 to vector<16xi32>
      %shift_left3A_1846 = arith.shli %gather3A_1831, %shift_left3A_1845 : vector<16xi32>
      %add3A_1847 = arith.addi %shift_left3A_1846, %iota3A : vector<16xi32>
      %shift_left3A_1848 = arith.constant 4 : i32
      %shift_left3A_1849 = vector.broadcast %shift_left3A_1848 : i32 to vector<16xi32>
      %shift_left3A_1850 = arith.shli %gather3A_1835, %shift_left3A_1849 : vector<16xi32>
      %add3A_1851 = arith.addi %shift_left3A_1850, %iota3A : vector<16xi32>
      %gather3A_1852 = tpu.vector_load_idx %arg5[%add3A_1839] : memref<19456xi32, #tpu.memory_space<vmem>>[vector<16xi32>], vector<16xi32>,
      %gather3A_1853 = tpu.vector_load_idx %arg6[%add3A_1843] : memref<19456xi32, #tpu.memory_space<vmem>>[vector<16xi32>], vector<16xi32>,
      %gather3A_1854 = tpu.vector_load_idx %arg7[%add3A_1847] : memref<19456xi32, #tpu.memory_space<vmem>>[vector<16xi32>], vector<16xi32>,
      %gather3A_1855 = tpu.vector_load_idx %arg8[%add3A_1851] : memref<19456xi32, #tpu.memory_space<vmem>>[vector<16xi32>], vector<16xi32>,
      %ne3A_1856 = arith.cmpi ne, %gather3A_1852, %and3A_34 : vector<16xi32>
      %ne3A_1857 = arith.cmpi ne, %gather3A_1853, %and3A_34 : vector<16xi32>
      %ne3A_1858 = arith.cmpi ne, %gather3A_1854, %and3A_34 : vector<16xi32>
      %ne3A_1859 = arith.cmpi ne, %gather3A_1855, %and3A_34 : vector<16xi32>
      tpu.vector_store_idx %arg9[%gather3A_1823], %broadcast_in_dim3A_4 masked %ne3A_1856 {add = true} : memref<1280xi32, #tpu.memory_space<vmem>>[vector<16xi32>], vector<16xi32>, vector<16xi1>
      tpu.vector_store_idx %arg5[%add3A_1839], %and3A_34 : memref<19456xi32, #tpu.memory_space<vmem>>[vector<16xi32>], vector<16xi32>,
      tpu.vector_store_idx %arg9[%gather3A_1827], %broadcast_in_dim3A_4 masked %ne3A_1857 {add = true} : memref<1280xi32, #tpu.memory_space<vmem>>[vector<16xi32>], vector<16xi32>, vector<16xi1>
      tpu.vector_store_idx %arg6[%add3A_1843], %and3A_34 : memref<19456xi32, #tpu.memory_space<vmem>>[vector<16xi32>], vector<16xi32>,
      tpu.vector_store_idx %arg9[%gather3A_1831], %broadcast_in_dim3A_4 masked %ne3A_1858 {add = true} : memref<1280xi32, #tpu.memory_space<vmem>>[vector<16xi32>], vector<16xi32>, vector<16xi1>
      tpu.vector_store_idx %arg7[%add3A_1847], %and3A_34 : memref<19456xi32, #tpu.memory_space<vmem>>[vector<16xi32>], vector<16xi32>,
      tpu.vector_store_idx %arg9[%gather3A_1835], %broadcast_in_dim3A_4 masked %ne3A_1859 {add = true} : memref<1280xi32, #tpu.memory_space<vmem>>[vector<16xi32>], vector<16xi32>, vector<16xi1>
      tpu.vector_store_idx %arg8[%add3A_1851], %and3A_34 : memref<19456xi32, #tpu.memory_space<vmem>>[vector<16xi32>], vector<16xi32>,
      %add3A_1860 = arith.constant 45 : i32
      %add3A_1861 = vector.broadcast %add3A_1860 : i32 to vector<16xi32>
      %add3A_1862 = arith.addi %add3A_41, %add3A_1861 : vector<16xi32>
      %gather3A_1863 = tpu.vector_load_idx %arg4[%add3A_1862] : memref<25600xi32, #tpu.memory_space<vmem>>[vector<16xi32>], vector<16xi32>,
      %add3A_1864 = arith.constant 45 : i32
      %add3A_1865 = vector.broadcast %add3A_1864 : i32 to vector<16xi32>
      %add3A_1866 = arith.addi %add3A_48, %add3A_1865 : vector<16xi32>
      %gather3A_1867 = tpu.vector_load_idx %arg4[%add3A_1866] : memref<25600xi32, #tpu.memory_space<vmem>>[vector<16xi32>], vector<16xi32>,
      %add3A_1868 = arith.constant 45 : i32
      %add3A_1869 = vector.broadcast %add3A_1868 : i32 to vector<16xi32>
      %add3A_1870 = arith.addi %add3A_55, %add3A_1869 : vector<16xi32>
      %gather3A_1871 = tpu.vector_load_idx %arg4[%add3A_1870] : memref<25600xi32, #tpu.memory_space<vmem>>[vector<16xi32>], vector<16xi32>,
      %add3A_1872 = arith.constant 45 : i32
      %add3A_1873 = vector.broadcast %add3A_1872 : i32 to vector<16xi32>
      %add3A_1874 = arith.addi %add3A_62, %add3A_1873 : vector<16xi32>
      %gather3A_1875 = tpu.vector_load_idx %arg4[%add3A_1874] : memref<25600xi32, #tpu.memory_space<vmem>>[vector<16xi32>], vector<16xi32>,
      %shift_left3A_1876 = arith.constant 4 : i32
      %shift_left3A_1877 = vector.broadcast %shift_left3A_1876 : i32 to vector<16xi32>
      %shift_left3A_1878 = arith.shli %gather3A_1863, %shift_left3A_1877 : vector<16xi32>
      %add3A_1879 = arith.addi %shift_left3A_1878, %iota3A : vector<16xi32>
      %shift_left3A_1880 = arith.constant 4 : i32
      %shift_left3A_1881 = vector.broadcast %shift_left3A_1880 : i32 to vector<16xi32>
      %shift_left3A_1882 = arith.shli %gather3A_1867, %shift_left3A_1881 : vector<16xi32>
      %add3A_1883 = arith.addi %shift_left3A_1882, %iota3A : vector<16xi32>
      %shift_left3A_1884 = arith.constant 4 : i32
      %shift_left3A_1885 = vector.broadcast %shift_left3A_1884 : i32 to vector<16xi32>
      %shift_left3A_1886 = arith.shli %gather3A_1871, %shift_left3A_1885 : vector<16xi32>
      %add3A_1887 = arith.addi %shift_left3A_1886, %iota3A : vector<16xi32>
      %shift_left3A_1888 = arith.constant 4 : i32
      %shift_left3A_1889 = vector.broadcast %shift_left3A_1888 : i32 to vector<16xi32>
      %shift_left3A_1890 = arith.shli %gather3A_1875, %shift_left3A_1889 : vector<16xi32>
      %add3A_1891 = arith.addi %shift_left3A_1890, %iota3A : vector<16xi32>
      %gather3A_1892 = tpu.vector_load_idx %arg5[%add3A_1879] : memref<19456xi32, #tpu.memory_space<vmem>>[vector<16xi32>], vector<16xi32>,
      %gather3A_1893 = tpu.vector_load_idx %arg6[%add3A_1883] : memref<19456xi32, #tpu.memory_space<vmem>>[vector<16xi32>], vector<16xi32>,
      %gather3A_1894 = tpu.vector_load_idx %arg7[%add3A_1887] : memref<19456xi32, #tpu.memory_space<vmem>>[vector<16xi32>], vector<16xi32>,
      %gather3A_1895 = tpu.vector_load_idx %arg8[%add3A_1891] : memref<19456xi32, #tpu.memory_space<vmem>>[vector<16xi32>], vector<16xi32>,
      %ne3A_1896 = arith.cmpi ne, %gather3A_1892, %and3A_34 : vector<16xi32>
      %ne3A_1897 = arith.cmpi ne, %gather3A_1893, %and3A_34 : vector<16xi32>
      %ne3A_1898 = arith.cmpi ne, %gather3A_1894, %and3A_34 : vector<16xi32>
      %ne3A_1899 = arith.cmpi ne, %gather3A_1895, %and3A_34 : vector<16xi32>
      tpu.vector_store_idx %arg9[%gather3A_1863], %broadcast_in_dim3A_4 masked %ne3A_1896 {add = true} : memref<1280xi32, #tpu.memory_space<vmem>>[vector<16xi32>], vector<16xi32>, vector<16xi1>
      tpu.vector_store_idx %arg5[%add3A_1879], %and3A_34 : memref<19456xi32, #tpu.memory_space<vmem>>[vector<16xi32>], vector<16xi32>,
      tpu.vector_store_idx %arg9[%gather3A_1867], %broadcast_in_dim3A_4 masked %ne3A_1897 {add = true} : memref<1280xi32, #tpu.memory_space<vmem>>[vector<16xi32>], vector<16xi32>, vector<16xi1>
      tpu.vector_store_idx %arg6[%add3A_1883], %and3A_34 : memref<19456xi32, #tpu.memory_space<vmem>>[vector<16xi32>], vector<16xi32>,
      tpu.vector_store_idx %arg9[%gather3A_1871], %broadcast_in_dim3A_4 masked %ne3A_1898 {add = true} : memref<1280xi32, #tpu.memory_space<vmem>>[vector<16xi32>], vector<16xi32>, vector<16xi1>
      tpu.vector_store_idx %arg7[%add3A_1887], %and3A_34 : memref<19456xi32, #tpu.memory_space<vmem>>[vector<16xi32>], vector<16xi32>,
      tpu.vector_store_idx %arg9[%gather3A_1875], %broadcast_in_dim3A_4 masked %ne3A_1899 {add = true} : memref<1280xi32, #tpu.memory_space<vmem>>[vector<16xi32>], vector<16xi32>, vector<16xi1>
      tpu.vector_store_idx %arg8[%add3A_1891], %and3A_34 : memref<19456xi32, #tpu.memory_space<vmem>>[vector<16xi32>], vector<16xi32>,
      %add3A_1900 = arith.constant 46 : i32
      %add3A_1901 = vector.broadcast %add3A_1900 : i32 to vector<16xi32>
      %add3A_1902 = arith.addi %add3A_41, %add3A_1901 : vector<16xi32>
      %gather3A_1903 = tpu.vector_load_idx %arg4[%add3A_1902] : memref<25600xi32, #tpu.memory_space<vmem>>[vector<16xi32>], vector<16xi32>,
      %add3A_1904 = arith.constant 46 : i32
      %add3A_1905 = vector.broadcast %add3A_1904 : i32 to vector<16xi32>
      %add3A_1906 = arith.addi %add3A_48, %add3A_1905 : vector<16xi32>
      %gather3A_1907 = tpu.vector_load_idx %arg4[%add3A_1906] : memref<25600xi32, #tpu.memory_space<vmem>>[vector<16xi32>], vector<16xi32>,
      %add3A_1908 = arith.constant 46 : i32
      %add3A_1909 = vector.broadcast %add3A_1908 : i32 to vector<16xi32>
      %add3A_1910 = arith.addi %add3A_55, %add3A_1909 : vector<16xi32>
      %gather3A_1911 = tpu.vector_load_idx %arg4[%add3A_1910] : memref<25600xi32, #tpu.memory_space<vmem>>[vector<16xi32>], vector<16xi32>,
      %add3A_1912 = arith.constant 46 : i32
      %add3A_1913 = vector.broadcast %add3A_1912 : i32 to vector<16xi32>
      %add3A_1914 = arith.addi %add3A_62, %add3A_1913 : vector<16xi32>
      %gather3A_1915 = tpu.vector_load_idx %arg4[%add3A_1914] : memref<25600xi32, #tpu.memory_space<vmem>>[vector<16xi32>], vector<16xi32>,
      %shift_left3A_1916 = arith.constant 4 : i32
      %shift_left3A_1917 = vector.broadcast %shift_left3A_1916 : i32 to vector<16xi32>
      %shift_left3A_1918 = arith.shli %gather3A_1903, %shift_left3A_1917 : vector<16xi32>
      %add3A_1919 = arith.addi %shift_left3A_1918, %iota3A : vector<16xi32>
      %shift_left3A_1920 = arith.constant 4 : i32
      %shift_left3A_1921 = vector.broadcast %shift_left3A_1920 : i32 to vector<16xi32>
      %shift_left3A_1922 = arith.shli %gather3A_1907, %shift_left3A_1921 : vector<16xi32>
      %add3A_1923 = arith.addi %shift_left3A_1922, %iota3A : vector<16xi32>
      %shift_left3A_1924 = arith.constant 4 : i32
      %shift_left3A_1925 = vector.broadcast %shift_left3A_1924 : i32 to vector<16xi32>
      %shift_left3A_1926 = arith.shli %gather3A_1911, %shift_left3A_1925 : vector<16xi32>
      %add3A_1927 = arith.addi %shift_left3A_1926, %iota3A : vector<16xi32>
      %shift_left3A_1928 = arith.constant 4 : i32
      %shift_left3A_1929 = vector.broadcast %shift_left3A_1928 : i32 to vector<16xi32>
      %shift_left3A_1930 = arith.shli %gather3A_1915, %shift_left3A_1929 : vector<16xi32>
      %add3A_1931 = arith.addi %shift_left3A_1930, %iota3A : vector<16xi32>
      %gather3A_1932 = tpu.vector_load_idx %arg5[%add3A_1919] : memref<19456xi32, #tpu.memory_space<vmem>>[vector<16xi32>], vector<16xi32>,
      %gather3A_1933 = tpu.vector_load_idx %arg6[%add3A_1923] : memref<19456xi32, #tpu.memory_space<vmem>>[vector<16xi32>], vector<16xi32>,
      %gather3A_1934 = tpu.vector_load_idx %arg7[%add3A_1927] : memref<19456xi32, #tpu.memory_space<vmem>>[vector<16xi32>], vector<16xi32>,
      %gather3A_1935 = tpu.vector_load_idx %arg8[%add3A_1931] : memref<19456xi32, #tpu.memory_space<vmem>>[vector<16xi32>], vector<16xi32>,
      %ne3A_1936 = arith.cmpi ne, %gather3A_1932, %and3A_34 : vector<16xi32>
      %ne3A_1937 = arith.cmpi ne, %gather3A_1933, %and3A_34 : vector<16xi32>
      %ne3A_1938 = arith.cmpi ne, %gather3A_1934, %and3A_34 : vector<16xi32>
      %ne3A_1939 = arith.cmpi ne, %gather3A_1935, %and3A_34 : vector<16xi32>
      tpu.vector_store_idx %arg9[%gather3A_1903], %broadcast_in_dim3A_4 masked %ne3A_1936 {add = true} : memref<1280xi32, #tpu.memory_space<vmem>>[vector<16xi32>], vector<16xi32>, vector<16xi1>
      tpu.vector_store_idx %arg5[%add3A_1919], %and3A_34 : memref<19456xi32, #tpu.memory_space<vmem>>[vector<16xi32>], vector<16xi32>,
      tpu.vector_store_idx %arg9[%gather3A_1907], %broadcast_in_dim3A_4 masked %ne3A_1937 {add = true} : memref<1280xi32, #tpu.memory_space<vmem>>[vector<16xi32>], vector<16xi32>, vector<16xi1>
      tpu.vector_store_idx %arg6[%add3A_1923], %and3A_34 : memref<19456xi32, #tpu.memory_space<vmem>>[vector<16xi32>], vector<16xi32>,
      tpu.vector_store_idx %arg9[%gather3A_1911], %broadcast_in_dim3A_4 masked %ne3A_1938 {add = true} : memref<1280xi32, #tpu.memory_space<vmem>>[vector<16xi32>], vector<16xi32>, vector<16xi1>
      tpu.vector_store_idx %arg7[%add3A_1927], %and3A_34 : memref<19456xi32, #tpu.memory_space<vmem>>[vector<16xi32>], vector<16xi32>,
      tpu.vector_store_idx %arg9[%gather3A_1915], %broadcast_in_dim3A_4 masked %ne3A_1939 {add = true} : memref<1280xi32, #tpu.memory_space<vmem>>[vector<16xi32>], vector<16xi32>, vector<16xi1>
      tpu.vector_store_idx %arg8[%add3A_1931], %and3A_34 : memref<19456xi32, #tpu.memory_space<vmem>>[vector<16xi32>], vector<16xi32>,
      %add3A_1940 = arith.constant 47 : i32
      %add3A_1941 = vector.broadcast %add3A_1940 : i32 to vector<16xi32>
      %add3A_1942 = arith.addi %add3A_41, %add3A_1941 : vector<16xi32>
      %gather3A_1943 = tpu.vector_load_idx %arg4[%add3A_1942] : memref<25600xi32, #tpu.memory_space<vmem>>[vector<16xi32>], vector<16xi32>,
      %add3A_1944 = arith.constant 47 : i32
      %add3A_1945 = vector.broadcast %add3A_1944 : i32 to vector<16xi32>
      %add3A_1946 = arith.addi %add3A_48, %add3A_1945 : vector<16xi32>
      %gather3A_1947 = tpu.vector_load_idx %arg4[%add3A_1946] : memref<25600xi32, #tpu.memory_space<vmem>>[vector<16xi32>], vector<16xi32>,
      %add3A_1948 = arith.constant 47 : i32
      %add3A_1949 = vector.broadcast %add3A_1948 : i32 to vector<16xi32>
      %add3A_1950 = arith.addi %add3A_55, %add3A_1949 : vector<16xi32>
      %gather3A_1951 = tpu.vector_load_idx %arg4[%add3A_1950] : memref<25600xi32, #tpu.memory_space<vmem>>[vector<16xi32>], vector<16xi32>,
      %add3A_1952 = arith.constant 47 : i32
      %add3A_1953 = vector.broadcast %add3A_1952 : i32 to vector<16xi32>
      %add3A_1954 = arith.addi %add3A_62, %add3A_1953 : vector<16xi32>
      %gather3A_1955 = tpu.vector_load_idx %arg4[%add3A_1954] : memref<25600xi32, #tpu.memory_space<vmem>>[vector<16xi32>], vector<16xi32>,
      %shift_left3A_1956 = arith.constant 4 : i32
      %shift_left3A_1957 = vector.broadcast %shift_left3A_1956 : i32 to vector<16xi32>
      %shift_left3A_1958 = arith.shli %gather3A_1943, %shift_left3A_1957 : vector<16xi32>
      %add3A_1959 = arith.addi %shift_left3A_1958, %iota3A : vector<16xi32>
      %shift_left3A_1960 = arith.constant 4 : i32
      %shift_left3A_1961 = vector.broadcast %shift_left3A_1960 : i32 to vector<16xi32>
      %shift_left3A_1962 = arith.shli %gather3A_1947, %shift_left3A_1961 : vector<16xi32>
      %add3A_1963 = arith.addi %shift_left3A_1962, %iota3A : vector<16xi32>
      %shift_left3A_1964 = arith.constant 4 : i32
      %shift_left3A_1965 = vector.broadcast %shift_left3A_1964 : i32 to vector<16xi32>
      %shift_left3A_1966 = arith.shli %gather3A_1951, %shift_left3A_1965 : vector<16xi32>
      %add3A_1967 = arith.addi %shift_left3A_1966, %iota3A : vector<16xi32>
      %shift_left3A_1968 = arith.constant 4 : i32
      %shift_left3A_1969 = vector.broadcast %shift_left3A_1968 : i32 to vector<16xi32>
      %shift_left3A_1970 = arith.shli %gather3A_1955, %shift_left3A_1969 : vector<16xi32>
      %add3A_1971 = arith.addi %shift_left3A_1970, %iota3A : vector<16xi32>
      %gather3A_1972 = tpu.vector_load_idx %arg5[%add3A_1959] : memref<19456xi32, #tpu.memory_space<vmem>>[vector<16xi32>], vector<16xi32>,
      %gather3A_1973 = tpu.vector_load_idx %arg6[%add3A_1963] : memref<19456xi32, #tpu.memory_space<vmem>>[vector<16xi32>], vector<16xi32>,
      %gather3A_1974 = tpu.vector_load_idx %arg7[%add3A_1967] : memref<19456xi32, #tpu.memory_space<vmem>>[vector<16xi32>], vector<16xi32>,
      %gather3A_1975 = tpu.vector_load_idx %arg8[%add3A_1971] : memref<19456xi32, #tpu.memory_space<vmem>>[vector<16xi32>], vector<16xi32>,
      %ne3A_1976 = arith.cmpi ne, %gather3A_1972, %and3A_34 : vector<16xi32>
      %ne3A_1977 = arith.cmpi ne, %gather3A_1973, %and3A_34 : vector<16xi32>
      %ne3A_1978 = arith.cmpi ne, %gather3A_1974, %and3A_34 : vector<16xi32>
      %ne3A_1979 = arith.cmpi ne, %gather3A_1975, %and3A_34 : vector<16xi32>
      tpu.vector_store_idx %arg9[%gather3A_1943], %broadcast_in_dim3A_4 masked %ne3A_1976 {add = true} : memref<1280xi32, #tpu.memory_space<vmem>>[vector<16xi32>], vector<16xi32>, vector<16xi1>
      tpu.vector_store_idx %arg5[%add3A_1959], %and3A_34 : memref<19456xi32, #tpu.memory_space<vmem>>[vector<16xi32>], vector<16xi32>,
      tpu.vector_store_idx %arg9[%gather3A_1947], %broadcast_in_dim3A_4 masked %ne3A_1977 {add = true} : memref<1280xi32, #tpu.memory_space<vmem>>[vector<16xi32>], vector<16xi32>, vector<16xi1>
      tpu.vector_store_idx %arg6[%add3A_1963], %and3A_34 : memref<19456xi32, #tpu.memory_space<vmem>>[vector<16xi32>], vector<16xi32>,
      tpu.vector_store_idx %arg9[%gather3A_1951], %broadcast_in_dim3A_4 masked %ne3A_1978 {add = true} : memref<1280xi32, #tpu.memory_space<vmem>>[vector<16xi32>], vector<16xi32>, vector<16xi1>
      tpu.vector_store_idx %arg7[%add3A_1967], %and3A_34 : memref<19456xi32, #tpu.memory_space<vmem>>[vector<16xi32>], vector<16xi32>,
      tpu.vector_store_idx %arg9[%gather3A_1955], %broadcast_in_dim3A_4 masked %ne3A_1979 {add = true} : memref<1280xi32, #tpu.memory_space<vmem>>[vector<16xi32>], vector<16xi32>, vector<16xi1>
      tpu.vector_store_idx %arg8[%add3A_1971], %and3A_34 : memref<19456xi32, #tpu.memory_space<vmem>>[vector<16xi32>], vector<16xi32>,
      %add3A_1980 = arith.constant 48 : i32
      %add3A_1981 = vector.broadcast %add3A_1980 : i32 to vector<16xi32>
      %add3A_1982 = arith.addi %add3A_41, %add3A_1981 : vector<16xi32>
      %gather3A_1983 = tpu.vector_load_idx %arg4[%add3A_1982] : memref<25600xi32, #tpu.memory_space<vmem>>[vector<16xi32>], vector<16xi32>,
      %add3A_1984 = arith.constant 48 : i32
      %add3A_1985 = vector.broadcast %add3A_1984 : i32 to vector<16xi32>
      %add3A_1986 = arith.addi %add3A_48, %add3A_1985 : vector<16xi32>
      %gather3A_1987 = tpu.vector_load_idx %arg4[%add3A_1986] : memref<25600xi32, #tpu.memory_space<vmem>>[vector<16xi32>], vector<16xi32>,
      %add3A_1988 = arith.constant 48 : i32
      %add3A_1989 = vector.broadcast %add3A_1988 : i32 to vector<16xi32>
      %add3A_1990 = arith.addi %add3A_55, %add3A_1989 : vector<16xi32>
      %gather3A_1991 = tpu.vector_load_idx %arg4[%add3A_1990] : memref<25600xi32, #tpu.memory_space<vmem>>[vector<16xi32>], vector<16xi32>,
      %add3A_1992 = arith.constant 48 : i32
      %add3A_1993 = vector.broadcast %add3A_1992 : i32 to vector<16xi32>
      %add3A_1994 = arith.addi %add3A_62, %add3A_1993 : vector<16xi32>
      %gather3A_1995 = tpu.vector_load_idx %arg4[%add3A_1994] : memref<25600xi32, #tpu.memory_space<vmem>>[vector<16xi32>], vector<16xi32>,
      %shift_left3A_1996 = arith.constant 4 : i32
      %shift_left3A_1997 = vector.broadcast %shift_left3A_1996 : i32 to vector<16xi32>
      %shift_left3A_1998 = arith.shli %gather3A_1983, %shift_left3A_1997 : vector<16xi32>
      %add3A_1999 = arith.addi %shift_left3A_1998, %iota3A : vector<16xi32>
      %shift_left3A_2000 = arith.constant 4 : i32
      %shift_left3A_2001 = vector.broadcast %shift_left3A_2000 : i32 to vector<16xi32>
      %shift_left3A_2002 = arith.shli %gather3A_1987, %shift_left3A_2001 : vector<16xi32>
      %add3A_2003 = arith.addi %shift_left3A_2002, %iota3A : vector<16xi32>
      %shift_left3A_2004 = arith.constant 4 : i32
      %shift_left3A_2005 = vector.broadcast %shift_left3A_2004 : i32 to vector<16xi32>
      %shift_left3A_2006 = arith.shli %gather3A_1991, %shift_left3A_2005 : vector<16xi32>
      %add3A_2007 = arith.addi %shift_left3A_2006, %iota3A : vector<16xi32>
      %shift_left3A_2008 = arith.constant 4 : i32
      %shift_left3A_2009 = vector.broadcast %shift_left3A_2008 : i32 to vector<16xi32>
      %shift_left3A_2010 = arith.shli %gather3A_1995, %shift_left3A_2009 : vector<16xi32>
      %add3A_2011 = arith.addi %shift_left3A_2010, %iota3A : vector<16xi32>
      %gather3A_2012 = tpu.vector_load_idx %arg5[%add3A_1999] : memref<19456xi32, #tpu.memory_space<vmem>>[vector<16xi32>], vector<16xi32>,
      %gather3A_2013 = tpu.vector_load_idx %arg6[%add3A_2003] : memref<19456xi32, #tpu.memory_space<vmem>>[vector<16xi32>], vector<16xi32>,
      %gather3A_2014 = tpu.vector_load_idx %arg7[%add3A_2007] : memref<19456xi32, #tpu.memory_space<vmem>>[vector<16xi32>], vector<16xi32>,
      %gather3A_2015 = tpu.vector_load_idx %arg8[%add3A_2011] : memref<19456xi32, #tpu.memory_space<vmem>>[vector<16xi32>], vector<16xi32>,
      %ne3A_2016 = arith.cmpi ne, %gather3A_2012, %and3A_34 : vector<16xi32>
      %ne3A_2017 = arith.cmpi ne, %gather3A_2013, %and3A_34 : vector<16xi32>
      %ne3A_2018 = arith.cmpi ne, %gather3A_2014, %and3A_34 : vector<16xi32>
      %ne3A_2019 = arith.cmpi ne, %gather3A_2015, %and3A_34 : vector<16xi32>
      tpu.vector_store_idx %arg9[%gather3A_1983], %broadcast_in_dim3A_4 masked %ne3A_2016 {add = true} : memref<1280xi32, #tpu.memory_space<vmem>>[vector<16xi32>], vector<16xi32>, vector<16xi1>
      tpu.vector_store_idx %arg5[%add3A_1999], %and3A_34 : memref<19456xi32, #tpu.memory_space<vmem>>[vector<16xi32>], vector<16xi32>,
      tpu.vector_store_idx %arg9[%gather3A_1987], %broadcast_in_dim3A_4 masked %ne3A_2017 {add = true} : memref<1280xi32, #tpu.memory_space<vmem>>[vector<16xi32>], vector<16xi32>, vector<16xi1>
      tpu.vector_store_idx %arg6[%add3A_2003], %and3A_34 : memref<19456xi32, #tpu.memory_space<vmem>>[vector<16xi32>], vector<16xi32>,
      tpu.vector_store_idx %arg9[%gather3A_1991], %broadcast_in_dim3A_4 masked %ne3A_2018 {add = true} : memref<1280xi32, #tpu.memory_space<vmem>>[vector<16xi32>], vector<16xi32>, vector<16xi1>
      tpu.vector_store_idx %arg7[%add3A_2007], %and3A_34 : memref<19456xi32, #tpu.memory_space<vmem>>[vector<16xi32>], vector<16xi32>,
      tpu.vector_store_idx %arg9[%gather3A_1995], %broadcast_in_dim3A_4 masked %ne3A_2019 {add = true} : memref<1280xi32, #tpu.memory_space<vmem>>[vector<16xi32>], vector<16xi32>, vector<16xi1>
      tpu.vector_store_idx %arg8[%add3A_2011], %and3A_34 : memref<19456xi32, #tpu.memory_space<vmem>>[vector<16xi32>], vector<16xi32>,
      %add3A_2020 = arith.constant 49 : i32
      %add3A_2021 = vector.broadcast %add3A_2020 : i32 to vector<16xi32>
      %add3A_2022 = arith.addi %add3A_41, %add3A_2021 : vector<16xi32>
      %gather3A_2023 = tpu.vector_load_idx %arg4[%add3A_2022] : memref<25600xi32, #tpu.memory_space<vmem>>[vector<16xi32>], vector<16xi32>,
      %add3A_2024 = arith.constant 49 : i32
      %add3A_2025 = vector.broadcast %add3A_2024 : i32 to vector<16xi32>
      %add3A_2026 = arith.addi %add3A_48, %add3A_2025 : vector<16xi32>
      %gather3A_2027 = tpu.vector_load_idx %arg4[%add3A_2026] : memref<25600xi32, #tpu.memory_space<vmem>>[vector<16xi32>], vector<16xi32>,
      %add3A_2028 = arith.constant 49 : i32
      %add3A_2029 = vector.broadcast %add3A_2028 : i32 to vector<16xi32>
      %add3A_2030 = arith.addi %add3A_55, %add3A_2029 : vector<16xi32>
      %gather3A_2031 = tpu.vector_load_idx %arg4[%add3A_2030] : memref<25600xi32, #tpu.memory_space<vmem>>[vector<16xi32>], vector<16xi32>,
      %add3A_2032 = arith.constant 49 : i32
      %add3A_2033 = vector.broadcast %add3A_2032 : i32 to vector<16xi32>
      %add3A_2034 = arith.addi %add3A_62, %add3A_2033 : vector<16xi32>
      %gather3A_2035 = tpu.vector_load_idx %arg4[%add3A_2034] : memref<25600xi32, #tpu.memory_space<vmem>>[vector<16xi32>], vector<16xi32>,
      %shift_left3A_2036 = arith.constant 4 : i32
      %shift_left3A_2037 = vector.broadcast %shift_left3A_2036 : i32 to vector<16xi32>
      %shift_left3A_2038 = arith.shli %gather3A_2023, %shift_left3A_2037 : vector<16xi32>
      %add3A_2039 = arith.addi %shift_left3A_2038, %iota3A : vector<16xi32>
      %shift_left3A_2040 = arith.constant 4 : i32
      %shift_left3A_2041 = vector.broadcast %shift_left3A_2040 : i32 to vector<16xi32>
      %shift_left3A_2042 = arith.shli %gather3A_2027, %shift_left3A_2041 : vector<16xi32>
      %add3A_2043 = arith.addi %shift_left3A_2042, %iota3A : vector<16xi32>
      %shift_left3A_2044 = arith.constant 4 : i32
      %shift_left3A_2045 = vector.broadcast %shift_left3A_2044 : i32 to vector<16xi32>
      %shift_left3A_2046 = arith.shli %gather3A_2031, %shift_left3A_2045 : vector<16xi32>
      %add3A_2047 = arith.addi %shift_left3A_2046, %iota3A : vector<16xi32>
      %shift_left3A_2048 = arith.constant 4 : i32
      %shift_left3A_2049 = vector.broadcast %shift_left3A_2048 : i32 to vector<16xi32>
      %shift_left3A_2050 = arith.shli %gather3A_2035, %shift_left3A_2049 : vector<16xi32>
      %add3A_2051 = arith.addi %shift_left3A_2050, %iota3A : vector<16xi32>
      %gather3A_2052 = tpu.vector_load_idx %arg5[%add3A_2039] : memref<19456xi32, #tpu.memory_space<vmem>>[vector<16xi32>], vector<16xi32>,
      %gather3A_2053 = tpu.vector_load_idx %arg6[%add3A_2043] : memref<19456xi32, #tpu.memory_space<vmem>>[vector<16xi32>], vector<16xi32>,
      %gather3A_2054 = tpu.vector_load_idx %arg7[%add3A_2047] : memref<19456xi32, #tpu.memory_space<vmem>>[vector<16xi32>], vector<16xi32>,
      %gather3A_2055 = tpu.vector_load_idx %arg8[%add3A_2051] : memref<19456xi32, #tpu.memory_space<vmem>>[vector<16xi32>], vector<16xi32>,
      %ne3A_2056 = arith.cmpi ne, %gather3A_2052, %and3A_34 : vector<16xi32>
      %ne3A_2057 = arith.cmpi ne, %gather3A_2053, %and3A_34 : vector<16xi32>
      %ne3A_2058 = arith.cmpi ne, %gather3A_2054, %and3A_34 : vector<16xi32>
      %ne3A_2059 = arith.cmpi ne, %gather3A_2055, %and3A_34 : vector<16xi32>
      tpu.vector_store_idx %arg9[%gather3A_2023], %broadcast_in_dim3A_4 masked %ne3A_2056 {add = true} : memref<1280xi32, #tpu.memory_space<vmem>>[vector<16xi32>], vector<16xi32>, vector<16xi1>
      tpu.vector_store_idx %arg5[%add3A_2039], %and3A_34 : memref<19456xi32, #tpu.memory_space<vmem>>[vector<16xi32>], vector<16xi32>,
      tpu.vector_store_idx %arg9[%gather3A_2027], %broadcast_in_dim3A_4 masked %ne3A_2057 {add = true} : memref<1280xi32, #tpu.memory_space<vmem>>[vector<16xi32>], vector<16xi32>, vector<16xi1>
      tpu.vector_store_idx %arg6[%add3A_2043], %and3A_34 : memref<19456xi32, #tpu.memory_space<vmem>>[vector<16xi32>], vector<16xi32>,
      tpu.vector_store_idx %arg9[%gather3A_2031], %broadcast_in_dim3A_4 masked %ne3A_2058 {add = true} : memref<1280xi32, #tpu.memory_space<vmem>>[vector<16xi32>], vector<16xi32>, vector<16xi1>
      tpu.vector_store_idx %arg7[%add3A_2047], %and3A_34 : memref<19456xi32, #tpu.memory_space<vmem>>[vector<16xi32>], vector<16xi32>,
      tpu.vector_store_idx %arg9[%gather3A_2035], %broadcast_in_dim3A_4 masked %ne3A_2059 {add = true} : memref<1280xi32, #tpu.memory_space<vmem>>[vector<16xi32>], vector<16xi32>, vector<16xi1>
      tpu.vector_store_idx %arg8[%add3A_2051], %and3A_34 : memref<19456xi32, #tpu.memory_space<vmem>>[vector<16xi32>], vector<16xi32>,
    }
    %scan3A_29 = arith.constant 8 : i32
    "tpu.region"() ({
      %run_scoped3A = tpu.sem_alloc : memref<!tpu.dma_semaphore, #tpu.memory_space<semaphore_mem>>
      %dma_start3A_30 = arith.constant 0 : i32
      %dma_start3A_31 = tpu.memref_slice %arg3[%add3A, %dma_start3A_30] : memref<32x1280xi32, #tpu.memory_space<hbm>> -> memref<1x1280xi32, #tpu.memory_space<hbm>>
      %dma_start3A_32 = tpu.memref_squeeze %dma_start3A_31 : memref<1x1280xi32, #tpu.memory_space<hbm>> -> memref<1280xi32, #tpu.memory_space<hbm>>
      %dma_start3A_33 = arith.constant 0 : i32
      %dma_start3A_34 = tpu.memref_slice %arg3[%add3A, %dma_start3A_33] : memref<32x1280xi32, #tpu.memory_space<hbm>> -> memref<1x1280xi32, #tpu.memory_space<hbm>>
      %dma_start3A_35 = tpu.memref_squeeze %dma_start3A_34 : memref<1x1280xi32, #tpu.memory_space<hbm>> -> memref<1280xi32, #tpu.memory_space<hbm>>
      tpu.enqueue_dma source(%arg9 : memref<1280xi32, #tpu.memory_space<vmem>>) target(%dma_start3A_35 : memref<1280xi32, #tpu.memory_space<hbm>>) target_semaphore(%run_scoped3A : memref<!tpu.dma_semaphore, #tpu.memory_space<semaphore_mem>>)
      %dma_wait3A_36 = arith.constant 0 : i32
      %dma_wait3A_37 = tpu.memref_slice %arg3[%add3A, %dma_wait3A_36] : memref<32x1280xi32, #tpu.memory_space<hbm>> -> memref<1x1280xi32, #tpu.memory_space<hbm>>
      %dma_wait3A_38 = tpu.memref_squeeze %dma_wait3A_37 : memref<1x1280xi32, #tpu.memory_space<hbm>> -> memref<1280xi32, #tpu.memory_space<hbm>>
      %dma_wait3A_39 = arith.constant 0 : i32
      %dma_wait3A_40 = tpu.memref_slice %arg3[%add3A, %dma_wait3A_39] : memref<32x1280xi32, #tpu.memory_space<hbm>> -> memref<1x1280xi32, #tpu.memory_space<hbm>>
      %dma_wait3A_41 = tpu.memref_squeeze %dma_wait3A_40 : memref<1x1280xi32, #tpu.memory_space<hbm>> -> memref<1280xi32, #tpu.memory_space<hbm>>
      tpu.wait_dma2 semaphore(%run_scoped3A : memref<!tpu.dma_semaphore, #tpu.memory_space<semaphore_mem>>) src(%arg9 : memref<1280xi32, #tpu.memory_space<vmem>>) dst(%dma_wait3A_41 : memref<1280xi32, #tpu.memory_space<hbm>>)
      tpu.yield
    }) : () -> ()
    return
  }
}

module attributes {stable_mosaic.version = 14 : i64} {
  func.func @_tc_idf_body(%arg0: memref<32x1280xi32, #tpu.memory_space<vmem>>, %arg1: memref<1x1280xf32, #tpu.memory_space<vmem>>) attributes {dimension_semantics = [], scalar_prefetch = 0 : i64, scratch_operands = 0 : i64, tpu.core_type = #tpu.core_type<tc>} {
    %get3A = arith.constant 0 : index
    %get3A_0 = arith.constant 0 : index
    %get3A_1 = vector.load %arg0[%get3A, %get3A_0] : memref<32x1280xi32, #tpu.memory_space<vmem>>, vector<32x1280xi32>
    %reduce_sum3A = arith.constant dense<0> : vector<1280xi32>
    %reduce_sum3A_2 = vector.multi_reduction <add>, %get3A_1, %reduce_sum3A [0] : vector<32x1280xi32> to vector<1280xi32>
    %broadcast_in_dim3A = vector.shape_cast %reduce_sum3A_2 : vector<1280xi32> to vector<1x1280xi32>
    %convert_element_type3A = arith.sitofp %broadcast_in_dim3A : vector<1x1280xi32> to vector<1x1280xf32>
    %add3A = arith.constant 1.000000e+00 : f32
    %add3A_3 = vector.broadcast %add3A : f32 to vector<1x1280xf32>
    %add3A_4 = arith.addf %convert_element_type3A, %add3A_3 : vector<1x1280xf32>
    %div3A = arith.constant 1.638500e+04 : f32
    %div3A_5 = vector.broadcast %div3A : f32 to vector<1x1280xf32>
    %div3A_6 = arith.divf %div3A_5, %add3A_4 : vector<1x1280xf32>
    %log3A = math.log %div3A_6 : vector<1x1280xf32>
    %add3A_7 = arith.constant 1.000000e+00 : f32
    %add3A_8 = vector.broadcast %add3A_7 : f32 to vector<1x1280xf32>
    %add3A_9 = arith.addf %log3A, %add3A_8 : vector<1x1280xf32>
    %swap3A = arith.constant 0 : index
    %swap3A_10 = arith.constant 0 : index
    %swap3A_11 = vector.load %arg1[%swap3A, %swap3A_10] : memref<1x1280xf32, #tpu.memory_space<vmem>>, vector<1x1280xf32>
    tpu.vector_store %arg1[%swap3A, %swap3A_10], %add3A_9 {strides = array<i32>} : memref<1x1280xf32, #tpu.memory_space<vmem>>, vector<1x1280xf32>,
    return
  }
}

</mosaic_0001>

<sc_bundles>
// kernel: kernel.4.cloned.1.call-start
scs
__scs_entry_jumppad:
0x0: {  	(pc) =	sbr.rel $0x88, $3  }
0x1: {  	(tag) =	ssettag $0x0;
	lr =	simm.s32 $0x1  }
0x2: {  	[smem:$0x3FA0] =	sst lr;
	_ =	strace $0xD0000000  }
0x3: {  	_ = 	snop  }
0x4: {  	_ = 	snop  }
0x5: {  	_ = 	snop  }
0x6: {  	_ = 	snop  }
0x7: {  	_ = 	snop  }
__scs_overlays_trampoline_lowered:
0x8: {  	[smem:$0x3FAF] =	sst s0  }
0x9: {  	[smem:$0x3FB0] =	sst s1  }
0xa: {  	[smem:$0x3FB1] =	sst s2  }
0xb: {  	[smem:$0x3FB2] =	sst s3  }
0xc: {  	[smem:$0x3FB3] =	sst s4  }
0xd: {  	[smem:$0x3FB4] =	sst s5  }
0xe: {  	[smem:$0x3FB5] =	sst s6  }
0xf: {  	[smem:$0x3FB6] =	sst s7  }
0x10: {  	[smem:$0x3FB7] =	sst s8  }
0x11: {  	[smem:$0x3FB8] =	sst s9;
	s0 =	simm.s32 @!p0 $0x0  }
0x12: {  	s1 =	sld [smem:$0x3F9E];
	s0 =	simm.s32 @p0 $0x1  }
0x13: {  	[smem:$0x3FB9] =	sst s0;
	s0 =	simm.s32 @!p1 $0x0  }
0x14: {  	s2 =	sld [smem:$0x3F9D];
	s0 =	simm.s32 @p1 $0x1  }
0x15: {  	[smem:$0x3FBA] =	sst s0;
	s0 =	simm.s32 @!p2 $0x0  }
0x16: {  	s3 =	sld [smem:$0x3FDB];
	s0 =	simm.s32 @p2 $0x1  }
0x17: {  	s4 =	simm.s32 $0x1BF5;
	[smem:$0x3FBC] =	sst s0  }
0x18: {  	s0 =	sld [smem:$0x3F9F];
	_ =	swait.ge [sflag:s4], $0x0  }
0x19: {  	s7 =	sld [smem:$0x3FA0]  }
0x1a: {  	s8 =	sadd.s32 $0xFFFFE003, lr  }
0x1b: {  	s9 =	sadd.s32 $0xFFFFFEF7, lr;
	s5 =	simm.s32 $0xFFFFFFFF;
	p2 =	slt.u32 s8, $0xFFFFF086  }
0x1c: {  	p1 =	slt.u32 s9, $0xF7A;
	s5 =	simm.s32 @!p2 $0x0  }
0x1d: {  	s5 =	simm.s32 @p1 $0x1;
	p0 =	seq.s32 s7, s2  }
0x1e: {  	s7 =	smul.u32 @!p0 $0xF7A, s2;
	p2 =	seq.s32 @!p0 s5, $0x0  }
0x1f: {  	s9 =	smul.u32 $0xF7A, s1;
	s8 =	simm.s32 @!p0 $0x1BF5;
	p2 =	por !p2, p0  }
0x20: {  	[sflag:s8] =	ssyncset.s32 @!p0 $0xFFFFF086;
	s6 =	sadd.s32 @!p0 s3, s7;
	s7 =	simm.s32 @!p0 $0x108  }
0x21: {  	s3 =	sadd.s32 s3, s9;
	s6 =	sadd.s32 @!p0 $0x88, s6;
	s7 =	simm.s32 @p2 $0x1082  }
0x22: {  	[simem:s7], [sflag:s8] =	dma.local @!p0 [hbm:s6], $0xF7A  }
0x23: {  	s9 =	sor.u32 $0xD0000000, s2;
	s6 =	simm.s32 $0x108;
	_ =	swait.ge @!p0 [sflag:s8], $0x0  }
0x24: {  	s3 =	sadd.s32 $0x88, s3;
	s6 =	simm.s32 @!p1 $0x1082;
	[sflag:s4] =	ssyncset.s32 $0xFFFFF086  }
0x25: {  	[simem:s6], [sflag:s4] =	dma.local [hbm:s3], $0xF7A  }
0x26: {  	[smem:$0x3FA0] =	sst s1;
	(tag) =	ssettag s2;
	_ =	strace s9  }
0x27: {  	s1 =	sld [smem:$0x3FB0]  }
0x28: {  	s2 =	sld [smem:$0x3FB1]  }
0x29: {  	s4 =	sld [smem:$0x3FB3]  }
0x2a: {  	p0 =	seq.s32 s5, $0x0;
	s5 =	sld [smem:$0x3FB4]  }
0x2b: {  	s6 =	sld [smem:$0x3FB5]  }
0x2c: {  	s7 =	sld [smem:$0x3FB6]  }
0x2d: {  	s3 =	simm.s32 $0x108;
	s8 =	sld [smem:$0x3FB7]  }
0x2e: {  	s3 =	simm.s32 @!p0 $0x1082;
	s9 =	sld [smem:$0x3FB8]  }
0x2f: {  	lr =	sadd.s32 s0, s3;
	s0 =	sld [smem:$0x3FAF]  }
0x30: {  	s3 =	sld [smem:$0x3FB2]  }
0x31: {  	[smem:$0x3FBB] =	sst s10  }
0x32: {  	s10 =	sld [smem:$0x3FB9];
	_ =	sdelay $0x3  }
0x33: {  	p0 =	seq.s32 s10, $0x1;
	s10 =	sld [smem:$0x3FBB];
	_ =	sdelay $0x3  }
0x34: {  	[smem:$0x3FBB] =	sst s10  }
0x35: {  	s10 =	sld [smem:$0x3FBA];
	_ =	sdelay $0x3  }
0x36: {  	p1 =	seq.s32 s10, $0x1;
	s10 =	sld [smem:$0x3FBB];
	_ =	sdelay $0x3  }
0x37: {  	[smem:$0x3FBB] =	sst s10  }
0x38: {  	s10 =	sld [smem:$0x3FBC]  }
0x39: {  	_ = 	snop;
	(pc) =	sbr.ind lr, $3  }
0x3a: {  	_ = 	snop  }
0x3b: {  	_ = 	snop  }
0x3c: {  	p2 =	seq.s32 s10, $0x1;
	s10 =	sld [smem:$0x3FBB]  }
0x3d: {  	_ =	shalt  }
0x3e: {  	_ =	shalt  }
0x3f: {  	_ =	shalt  }
0x40: {  	_ =	shalt  }
0x41: {  	_ =	shalt  }
0x42: {  	_ =	shalt  }
0x43: {  	_ =	shalt  }
0x44: {  	_ =	shalt  }
0x45: {  	_ =	shalt  }
0x46: {  	_ =	shalt  }
0x47: {  	_ =	shalt  }
0x48: {  	_ =	shalt  }
0x49: {  	_ =	shalt  }
0x4a: {  	_ =	shalt  }
0x4b: {  	_ =	shalt  }
0x4c: {  	_ =	shalt  }
0x4d: {  	_ =	shalt  }
0x4e: {  	_ =	shalt  }
0x4f: {  	_ =	shalt  }
0x50: {  	_ =	shalt  }
0x51: {  	_ =	shalt  }
0x52: {  	_ =	shalt  }
0x53: {  	_ =	shalt  }
0x54: {  	_ =	shalt  }
0x55: {  	_ =	shalt  }
0x56: {  	_ =	shalt  }
0x57: {  	_ =	shalt  }
0x58: {  	_ =	shalt  }
0x59: {  	_ =	shalt  }
0x5a: {  	_ =	shalt  }
0x5b: {  	_ =	shalt  }
0x5c: {  	_ =	shalt  }
0x5d: {  	_ =	shalt  }
0x5e: {  	_ =	shalt  }
0x5f: {  	_ =	shalt  }
0x60: {  	_ =	shalt  }
0x61: {  	_ =	shalt  }
0x62: {  	_ =	shalt  }
0x63: {  	_ =	shalt  }
0x64: {  	_ =	shalt  }
0x65: {  	_ =	shalt  }
0x66: {  	_ =	shalt  }
0x67: {  	_ =	shalt  }
0x68: {  	_ =	shalt  }
0x69: {  	_ =	shalt  }
0x6a: {  	_ =	shalt  }
0x6b: {  	_ =	shalt  }
0x6c: {  	_ =	shalt  }
0x6d: {  	_ =	shalt  }
0x6e: {  	_ =	shalt  }
0x6f: {  	_ =	shalt  }
0x70: {  	_ =	shalt  }
0x71: {  	_ =	shalt  }
0x72: {  	_ =	shalt  }
0x73: {  	_ =	shalt  }
0x74: {  	_ =	shalt  }
0x75: {  	_ =	shalt  }
0x76: {  	_ =	shalt  }
0x77: {  	_ =	shalt  }
0x78: {  	_ =	shalt  }
0x79: {  	_ =	shalt  }
0x7a: {  	_ =	shalt  }
0x7b: {  	_ =	shalt  }
0x7c: {  	_ =	shalt  }
0x7d: {  	_ =	shalt  }
0x7e: {  	_ =	shalt  }
0x7f: {  	_ =	shalt  }
0x80: {  	_ =	shalt  }
0x81: {  	_ =	shalt  }
0x82: {  	_ =	shalt  }
0x83: {  	_ =	shalt  }
0x84: {  	_ =	shalt  }
0x85: {  	_ =	shalt  }
0x86: {  	_ =	shalt  }
0x87: {  	_ =	shalt  }
.Lfunc_end0:
.L_simem_size_0:
called_computation_lowered:
.L_overlay_start_0:
0x88: {  	s2 =	sld [smem:$0x3FD9]  }
0x89: {  	s3 =	sld [smem:$0x3FFE];
	_ =	sdelay $0x1  }
0x8a: {  	s1 =	srdreg.scid  }
0x8b: {  	s0 =	sand.u32 $0x1, s1  }
0x8c: {  	s16 =	sshll.u32 s0, $0xA;
	s2 =	sadd.s32 s3, s2  }
0x8d: {  	s2 =	sadd.s32 s2, s16  }
0x8e: {  	[smem:$0x3FC7] =	sst s2  }
0x8f: {  	_ = 	snop  }
0x90: {  	(tm) =	ssettm $0x1  }
0x91: {  	s17 =	sld [smem:$0x3FFB];
	_ =	sdelay $0x3  }
0x92: {  	_ =	strace s17  }
0x93: {  	s2 =	sld [smem:$0x3FFC];
	_ =	sdelay $0x3  }
0x94: {  	_ =	strace s2  }
0x95: {  	s2 =	sld [smem:$0x3FFD];
	_ =	sdelay $0x3  }
0x96: {  	_ =	strace s2  }
0x97: {  	_ =	strace $0x8FFFFFFF  }
0x98: {  	s18 =	sld [smem:$0x3FDB];
	_ =	sdelay $0x1  }
0x99: {  	s19 =	simm.s32 $_scs_section_size  }
0x9a: {  	s4 =	simm.s32 $_size__tile_overlayer_lowered;
	s5 =	simm.s32 $_tile_overlayer_lowered  }
0x9b: {  	s22 =	simm.s32 $0x1BFF;
	s21 =	sshll.u32 s5, $0x1;
	s2 =	sadd.s32 s19, s18  }
0x9c: {  	s6 =	simm.s32 $0x0;
	s20 =	sshll.u32 s4, $0x1;
	s4 =	sadd.s32 s21, s2  }
0x9d: {  	[timem:s6], [sflag:s22] =	dma.local [hbm:s4], s20  }
0x9e: {  	_ =	swait.ge [sflag:s22], s20  }
0x9f: {  	s3 =	ssub.s32 $0x0, s20;
	[sflag:s22] =	ssyncset.done $0x0  }
0xa0: {  	[sflag:s22] =	ssyncadd.s32 s3;
	_ =	sdelay $0x1  }
0xa1: {  	s23 =	simm.s32 $0x1B8B  }
0xa2: {  	_ =	swait.ge [sflag:s23], $0x1  }
0xa3: {  	[sflag:s23] =	ssyncset.done $0x0  }
0xa4: {  	s25 =	simm.s32 $0x1B8E;
	s24 =	sld [smem:$0x3FFE];
	[sflag:s23] =	ssyncadd.s32 $0xFFFFFFFF  }
0xa5: {  	s26 =	simm.s32 $execute0_lowered;
	[smem:$0x3FD2] =	sst s25  }
0xa6: {  	s4 =	sshll.u32 s26, $0x1;
	_ =	strace $0x80000046;
	[dreg:$0x1] =	wrdreg $0xFFFFFFFF  }
0xa7: {  	s28 =	simm.s32 $_size_execute0_lowered;
	s2 =	sadd.s32 s2, s4;
	[dreg:$0x0] =	wrdreg $0x0  }
0xa8: {  	s4 =	sshll.u32 s28, $0x1;
	[dreg:$0x2] =	wrdreg s2  }
0xa9: {  	[dreg:$0x3] =	wrdreg s4  }
0xaa: {  	[dreg:$0x4] =	wrdreg $0xC0  }
0xab: {  	_ =	task [dreg:s6], $0x5FFFF  }
0xac: {  	[dreg:$0x1] =	wrdreg $0xFFFFFFFF  }
0xad: {  	[dreg:$0x0] =	wrdreg $0x60  }
0xae: {  	[dreg:$0x2] =	wrdreg s24  }
0xaf: {  	[dreg:$0x3] =	wrdreg $0x9  }
0xb0: {  	_ =	task.clear_ibuf [dreg:s6], $0x4FFFF;
	_ =	strace $0x90000046  }
0xb1: {  	s29 =	simm.s32 $0x9;
	_ =	strace $0x80000048  }
0xb2: {  	_ =	swait.ge [sflag:s29], $0x1  }
0xb3: {  	[sflag:s29] =	ssyncadd.s32 $0xFFFFFFFF  }
0xb4: {  	_ =	strace $0x90000048  }
0xb5: {  	_ =	sfence  }
0xb6: {  	s30 =	sld [smem:$0x0];
	_ =	sdelay $0x2  }
0xb7: {  	s31 =	sshll.u32 s1, $0xD;
	s1 =	sshrl.u32 s1, $0x2  }
0xb8: {  	s3 =	sand.u32 $0x4000, s31;
	s1 =	sadd.s32 s1, s30  }
0xb9: {  	s0 =	sor.u32 s3, s0;
	s1 =	sshll.u32 s1, $0x11  }
0xba: {  	s0 =	sor.u32 s1, s0  }
0xbb: {  	s0 =	sadd.s32 $0x8F2B, s0  }
0xbc: {  	[sflag:s0] =	ssyncadd.remote.s32 $0x1  }
0xbd: {  	_ =	sfence.sel $0xFFFF  }
0xbe: {  	[dreg:$0x0] =	wrdreg $0xFFFFFFFF;
	(pc) =	sbr.abs _section_cstart, $3  }
0xbf: {  	[dreg:$0x1] =	wrdreg $0xFFFFFFFF  }
0xc0: {  	_ =	task.clear_ibuf [dreg:s6], $0x2FFFF;
	_ =	strace $0x9FFFFFFF  }
0xc1: {  	(tm) =	ssettm $0x7FFFFFFF  }
tec
execute0_lowered:
.L_overlay_start_1:
0x0: {  	(tag) =	ssettag $0x1  }
0x1: {  	v0 =	vlaneseq.u32  }
0x2: {  	v1 =	vmul.u32 $0x640, v0;
	_ =	sdelay $0x1  }
0x3: {  	v4 =	vor.u32 $0x1, v1  }
0x4: {  	[tilespmem:$0x1FC80] =	vst v4;
	v4 =	vadd.s32 $0x191, v1  }
0x5: {  	[tilespmem:$0x1FC90] =	vst v4;
	v4 =	vadd.s32 $0x321, v1  }
0x6: {  	[tilespmem:$0x1FCA0] =	vst v4;
	v4 =	vadd.s32 $0x4B1, v1  }
0x7: {  	[tilespmem:$0x1FCB0] =	vst v4;
	v4 =	vor.u32 $0x2, v1  }
0x8: {  	[tilespmem:$0x1FCC0] =	vst v4;
	v4 =	vadd.s32 $0x192, v1  }
0x9: {  	[tilespmem:$0x1FCD0] =	vst v4;
	v4 =	vadd.s32 $0x322, v1  }
0xa: {  	[tilespmem:$0x1FCE0] =	vst v4;
	v4 =	vadd.s32 $0x4B2, v1  }
0xb: {  	[tilespmem:$0x1FCF0] =	vst v4;
	v4 =	vor.u32 $0x3, v1  }
0xc: {  	[tilespmem:$0x1FD00] =	vst v4;
	v4 =	vadd.s32 $0x193, v1  }
0xd: {  	[tilespmem:$0x1FD10] =	vst v4;
	v4 =	vadd.s32 $0x323, v1  }
0xe: {  	[tilespmem:$0x1FD20] =	vst v4;
	v4 =	vadd.s32 $0x4B3, v1  }
0xf: {  	[tilespmem:$0x1FD30] =	vst v4;
	v4 =	vor.u32 $0x4, v1  }
0x10: {  	[tilespmem:$0x1FD40] =	vst v4;
	v4 =	vadd.s32 $0x194, v1  }
0x11: {  	[tilespmem:$0x1FD50] =	vst v4;
	v4 =	vadd.s32 $0x324, v1  }
0x12: {  	[tilespmem:$0x1FD60] =	vst v4;
	v4 =	vadd.s32 $0x4B4, v1  }
0x13: {  	[tilespmem:$0x1FD70] =	vst v4;
	v4 =	vor.u32 $0x5, v1  }
0x14: {  	[tilespmem:$0x1FD80] =	vst v4;
	v4 =	vadd.s32 $0x195, v1  }
0x15: {  	[tilespmem:$0x1FD90] =	vst v4;
	v4 =	vadd.s32 $0x325, v1  }
0x16: {  	[tilespmem:$0x1FDA0] =	vst v4;
	v4 =	vadd.s32 $0x4B5, v1  }
0x17: {  	[tilespmem:$0x1FDB0] =	vst v4;
	v4 =	vor.u32 $0x6, v1  }
0x18: {  	[tilespmem:$0x1FDC0] =	vst v4;
	v4 =	vadd.s32 $0x196, v1  }
0x19: {  	[tilespmem:$0x1FDD0] =	vst v4;
	v4 =	vadd.s32 $0x326, v1  }
0x1a: {  	[tilespmem:$0x1FDE0] =	vst v4;
	v4 =	vadd.s32 $0x4B6, v1  }
0x1b: {  	[tilespmem:$0x1FDF0] =	vst v4;
	v4 =	vor.u32 $0x7, v1  }
0x1c: {  	[tilespmem:$0x1FE00] =	vst v4;
	v4 =	vadd.s32 $0x197, v1  }
0x1d: {  	[tilespmem:$0x1FE10] =	vst v4;
	v4 =	vadd.s32 $0x327, v1  }
0x1e: {  	[tilespmem:$0x1FE20] =	vst v4;
	v4 =	vadd.s32 $0x4B7, v1  }
0x1f: {  	[tilespmem:$0x1FE30] =	vst v4;
	v4 =	vor.u32 $0x8, v1  }
0x20: {  	[tilespmem:$0x1FE40] =	vst v4;
	v4 =	vadd.s32 $0x198, v1  }
0x21: {  	[tilespmem:$0x1FE50] =	vst v4;
	v4 =	vadd.s32 $0x328, v1  }
0x22: {  	[tilespmem:$0x1FE60] =	vst v4;
	v4 =	vadd.s32 $0x4B8, v1  }
0x23: {  	s1 =	srdreg.scid;
	s0 =	stileid.u32;
	[tilespmem:$0x1FE70] =	vst v4;
	v4 =	vor.u32 $0x9, v1  }
0x24: {  	s4 =	sand.u32 $0x1, s1;
	s2 =	sshll.u32 s0, $0x1;
	[tilespmem:$0x1FE80] =	vst v4;
	v4 =	vadd.s32 $0x199, v1  }
0x25: {  	s3 =	rddreg [dreg:$0x0];
	s5 =	sor.u32 s4, s2;
	s2 =	simm.s32 $0x0;
	[tilespmem:$0x1FE90] =	vst v4;
	v4 =	vadd.s32 $0x329, v1  }
0x26: {  	[smem:$0x7FF] =	sst s2;
	[tilespmem:$0x1FEA0] =	vst v4;
	v4 =	vadd.s32 $0x4B9, v1  }
0x27: {  	s1 =	rddreg [dreg:$0x1];
	_ =	strace $0x80000047;
	[tilespmem:$0x1FEB0] =	vst v4;
	v4 =	vor.u32 $0xA, v1  }
0x28: {  	[tilespmem:$0x1FEC0] =	vst v4;
	v4 =	vadd.s32 $0x19A, v1  }
0x29: {  	[tilespmem:$0x1FED0] =	vst v4;
	v4 =	vadd.s32 $0x32A, v1  }
0x2a: {  	[tilespmem:$0x1FEE0] =	vst v4;
	v4 =	vadd.s32 $0x4BA, v1  }
0x2b: {  	[tilespmem:$0x1FEF0] =	vst v4;
	v4 =	vor.u32 $0xB, v1  }
0x2c: {  	[tilespmem:$0x1FF00] =	vst v4;
	v4 =	vadd.s32 $0x19B, v1  }
0x2d: {  	[tilespmem:$0x1FF10] =	vst v4;
	v4 =	vadd.s32 $0x32B, v1  }
0x2e: {  	[tilespmem:$0x1FF20] =	vst v4;
	v4 =	vadd.s32 $0x4BB, v1  }
0x2f: {  	[tilespmem:$0x1FF30] =	vst v4;
	v4 =	vor.u32 $0xC, v1  }
0x30: {  	[tilespmem:$0x1FF40] =	vst v4;
	v4 =	vadd.s32 $0x19C, v1  }
0x31: {  	[tilespmem:$0x1FF50] =	vst v4;
	v4 =	vadd.s32 $0x32C, v1  }
0x32: {  	[tilespmem:$0x1FF60] =	vst v4;
	v4 =	vadd.s32 $0x4BC, v1  }
0x33: {  	s8 =	simm.s32 $0xB000;
	[tilespmem:$0x1FF70] =	vst v4;
	v4 =	vor.u32 $0xD, v1  }
0x34: {  	s9 =	simm.s32 $0xFC00;
	s10 =	simm.s32 $0x14800;
	s11 =	simm.s32 $0x19400;
	[tilespmem:$0x1FF80] =	vst v4;
	v4 =	vadd.s32 $0x19D, v1  }
0x35: {  	s12 =	simm.s32 $0x80;
	s13 =	simm.s32 $0x400;
	s6 =	sshrl.u32 s0, $0x2;
	[tilespmem:$0x1FF90] =	vst v4;
	v4 =	vadd.s32 $0x32D, v1  }
0x36: {  	s14 =	simm.s32 $0x2;
	s6 =	smul.u32 $0x2800, s6;
	s7 =	sshll.u32 s5, $0x7;
	[tilespmem:$0x1FFA0] =	vst v4;
	v4 =	vadd.s32 $0x4BD, v1  }
0x37: {  	s4 =	ssub.s32 $0x2, s4;
	s5 =	smul.u32 $0xC80, s5;
	s7 =	sand.u32 $0x380, s7;
	[tilespmem:$0x1FFB0] =	vst v4;
	v4 =	vor.u32 $0xE, v1  }
0x38: {  	s15 =	simm.s32 $0x0;
	s31 =	sshrl.u32 s4, $0x1;
	s6 =	sor.u32 s6, s7;
	[tilespmem:$0x1FFC0] =	vst v4;
	v4 =	vadd.s32 $0x19E, v1  }
0x39: {  	v2 =	vimm.s32 $0xFFFFFFFF;
	s5 =	sadd.s32 s5, s3;
	s7 =	ssub.s32 s4, s31;
	s6 =	sshrl.u32 s6, $0x3;
	[tilespmem:$0x1FFD0] =	vst v4;
	v4 =	vadd.s32 $0x32E, v1  }
0x3a: {  	v3 =	vimm.s32 $0x0;
	v7 =	vimm.s32 $0x1;
	s6 =	sadd.s32 s6, s3;
	s3 =	sadd.s32 $0x200, s5;
	s5 =	smax.u32 s7, $0x1;
	[tilespmem:$0x1FFE0] =	vst v4;
	v4 =	vadd.s32 $0x4BE, v1  }
0x3b: {  	v18 =	vadd.s32 $0x190, v1;
	v19 =	vadd.s32 $0x320, v1;
	v20 =	vadd.s32 $0x4B0, v1;
	s7 =	simm.s32 $0x6400;
	s4 =	sadd.s32 $0x19200, s6;
	s6 =	simm.s32 $0x1;
	[tilespmem:$0x1FFF0] =	vst v4  }
.LBB2_1:
0x3c: {  	[tilespmem:s2], [sflag:$0x1] =	stream.linear.gather [hbm4b:s3+s2], $0x6400, $0x38;
	[tilespmem:$0x19900] =	vst v63  }
0x3d: {  	s16 =	simm.s32 $0x0;
	s17 =	simm.s32 $0x200  }
.LBB2_2:
0x3e: {  	p0 =	sne.s32 s17, $0x12E00;
	[tilespmem:s16+$0x14870] =	vst v2  }
0x3f: {  	[tilespmem:s16+$0x6400] =	vst v2  }
0x40: {  	[tilespmem:s16+$0xB000] =	vst v2  }
0x41: {  	[tilespmem:s16+$0xFC00] =	vst v2  }
0x42: {  	[tilespmem:s16+$0x14800] =	vst v2  }
0x43: {  	[tilespmem:s16+$0x6410] =	vst v2  }
0x44: {  	[tilespmem:s16+$0xB010] =	vst v2  }
0x45: {  	[tilespmem:s16+$0xFC10] =	vst v2  }
0x46: {  	[tilespmem:s16+$0x14810] =	vst v2  }
0x47: {  	[tilespmem:s16+$0x6420] =	vst v2  }
0x48: {  	[tilespmem:s16+$0xB020] =	vst v2  }
0x49: {  	[tilespmem:s16+$0xFC20] =	vst v2  }
0x4a: {  	[tilespmem:s16+$0x14820] =	vst v2  }
0x4b: {  	[tilespmem:s16+$0x6430] =	vst v2  }
0x4c: {  	[tilespmem:s16+$0xB030] =	vst v2  }
0x4d: {  	[tilespmem:s16+$0xFC30] =	vst v2  }
0x4e: {  	[tilespmem:s16+$0x14830] =	vst v2  }
0x4f: {  	[tilespmem:s16+$0x6440] =	vst v2  }
0x50: {  	[tilespmem:s16+$0xB040] =	vst v2  }
0x51: {  	[tilespmem:s16+$0xFC40] =	vst v2  }
0x52: {  	[tilespmem:s16+$0x14840] =	vst v2  }
0x53: {  	[tilespmem:s16+$0x6450] =	vst v2  }
0x54: {  	[tilespmem:s16+$0xB050] =	vst v2  }
0x55: {  	[tilespmem:s16+$0xFC50] =	vst v2  }
0x56: {  	[tilespmem:s16+$0x14850] =	vst v2  }
0x57: {  	[tilespmem:s16+$0x6460] =	vst v2  }
0x58: {  	[tilespmem:s16+$0xB060] =	vst v2  }
.Ltmp0:
0x59: {  	[tilespmem:s16+$0xFC60] =	vst v2;
	(pc) =	sbr.rel @p0 .LBB2_2-.Ltmp0, $4  }
0x5a: {  	[tilespmem:s16+$0x14860] =	vst v2  }
0x5b: {  	[tilespmem:s16+$0x6470] =	vst v2  }
0x5c: {  	[tilespmem:s16+$0xB070] =	vst v2  }
0x5d: {  	[tilespmem:s16+$0xFC70] =	vst v2;
	s16 =	sshra.s32 s17, $0x2;
	s17 =	sadd.s32 $0x200, s17  }
0x5e: {  	[tilespmem:s16+$0x14870] =	vst v2  }
0x5f: {  	[tilespmem:s16+$0x6400] =	vst v2  }
0x60: {  	[tilespmem:s16+$0xB000] =	vst v2  }
0x61: {  	[tilespmem:s16+$0xFC00] =	vst v2  }
0x62: {  	[tilespmem:s16+$0x14800] =	vst v2  }
0x63: {  	[tilespmem:s16+$0x6410] =	vst v2  }
0x64: {  	[tilespmem:s16+$0xB010] =	vst v2  }
0x65: {  	[tilespmem:s16+$0xFC10] =	vst v2  }
0x66: {  	[tilespmem:s16+$0x14810] =	vst v2  }
0x67: {  	[tilespmem:s16+$0x6420] =	vst v2  }
0x68: {  	[tilespmem:s16+$0xB020] =	vst v2  }
0x69: {  	[tilespmem:s16+$0xFC20] =	vst v2  }
0x6a: {  	[tilespmem:s16+$0x14820] =	vst v2  }
0x6b: {  	[tilespmem:s16+$0x6430] =	vst v2  }
0x6c: {  	[tilespmem:s16+$0xB030] =	vst v2  }
0x6d: {  	[tilespmem:s16+$0xFC30] =	vst v2  }
0x6e: {  	[tilespmem:s16+$0x14830] =	vst v2  }
0x6f: {  	[tilespmem:s16+$0x6440] =	vst v2  }
0x70: {  	[tilespmem:s16+$0xB040] =	vst v2  }
0x71: {  	[tilespmem:s16+$0xFC40] =	vst v2  }
0x72: {  	[tilespmem:s16+$0x14840] =	vst v2  }
0x73: {  	[tilespmem:s16+$0x6450] =	vst v2  }
0x74: {  	[tilespmem:s16+$0xB050] =	vst v2  }
0x75: {  	[tilespmem:s16+$0xFC50] =	vst v2  }
0x76: {  	[tilespmem:s16+$0x14850] =	vst v2  }
0x77: {  	[tilespmem:s16+$0x6460] =	vst v2  }
0x78: {  	[tilespmem:s16+$0xB060] =	vst v2  }
0x79: {  	[tilespmem:s16+$0xFC60] =	vst v2  }
0x7a: {  	[tilespmem:s16+$0x14860] =	vst v2  }
0x7b: {  	[tilespmem:s16+$0x6470] =	vst v2  }
0x7c: {  	[tilespmem:s16+$0xB070] =	vst v2  }
0x7d: {  	[tilespmem:s16+$0xFC70] =	vst v2  }
0x7e: {  	[tilespmem:$0x19400] =	vst v3  }
0x7f: {  	[tilespmem:$0x19410] =	vst v3  }
0x80: {  	[tilespmem:$0x19420] =	vst v3  }
0x81: {  	[tilespmem:$0x19430] =	vst v3  }
0x82: {  	[tilespmem:$0x19440] =	vst v3  }
0x83: {  	[tilespmem:$0x19450] =	vst v3  }
0x84: {  	[tilespmem:$0x19460] =	vst v3  }
0x85: {  	[tilespmem:$0x19470] =	vst v3  }
0x86: {  	[tilespmem:$0x19480] =	vst v3  }
0x87: {  	[tilespmem:$0x19490] =	vst v3  }
0x88: {  	[tilespmem:$0x194A0] =	vst v3  }
0x89: {  	[tilespmem:$0x194B0] =	vst v3  }
0x8a: {  	[tilespmem:$0x194C0] =	vst v3  }
0x8b: {  	[tilespmem:$0x194D0] =	vst v3  }
0x8c: {  	[tilespmem:$0x194E0] =	vst v3  }
0x8d: {  	[tilespmem:$0x194F0] =	vst v3  }
0x8e: {  	[tilespmem:$0x19500] =	vst v3  }
0x8f: {  	[tilespmem:$0x19510] =	vst v3  }
0x90: {  	[tilespmem:$0x19520] =	vst v3  }
0x91: {  	[tilespmem:$0x19530] =	vst v3  }
0x92: {  	[tilespmem:$0x19540] =	vst v3  }
0x93: {  	[tilespmem:$0x19550] =	vst v3  }
0x94: {  	[tilespmem:$0x19560] =	vst v3  }
0x95: {  	[tilespmem:$0x19570] =	vst v3  }
0x96: {  	[tilespmem:$0x19580] =	vst v3  }
0x97: {  	[tilespmem:$0x19590] =	vst v3  }
0x98: {  	[tilespmem:$0x195A0] =	vst v3  }
0x99: {  	[tilespmem:$0x195B0] =	vst v3  }
0x9a: {  	[tilespmem:$0x195C0] =	vst v3  }
0x9b: {  	[tilespmem:$0x195D0] =	vst v3  }
0x9c: {  	[tilespmem:$0x195E0] =	vst v3  }
0x9d: {  	[tilespmem:$0x195F0] =	vst v3  }
0x9e: {  	[tilespmem:$0x19600] =	vst v3  }
0x9f: {  	[tilespmem:$0x19610] =	vst v3  }
0xa0: {  	[tilespmem:$0x19620] =	vst v3  }
0xa1: {  	[tilespmem:$0x19630] =	vst v3  }
0xa2: {  	[tilespmem:$0x19640] =	vst v3  }
0xa3: {  	[tilespmem:$0x19650] =	vst v3  }
0xa4: {  	[tilespmem:$0x19660] =	vst v3  }
0xa5: {  	[tilespmem:$0x19670] =	vst v3  }
0xa6: {  	[tilespmem:$0x19680] =	vst v3  }
0xa7: {  	[tilespmem:$0x19690] =	vst v3  }
0xa8: {  	[tilespmem:$0x196A0] =	vst v3  }
0xa9: {  	[tilespmem:$0x196B0] =	vst v3  }
0xaa: {  	[tilespmem:$0x196C0] =	vst v3  }
0xab: {  	[tilespmem:$0x196D0] =	vst v3  }
0xac: {  	[tilespmem:$0x196E0] =	vst v3  }
0xad: {  	[tilespmem:$0x196F0] =	vst v3  }
0xae: {  	[tilespmem:$0x19700] =	vst v3  }
0xaf: {  	[tilespmem:$0x19710] =	vst v3  }
0xb0: {  	[tilespmem:$0x19720] =	vst v3  }
0xb1: {  	[tilespmem:$0x19730] =	vst v3  }
0xb2: {  	[tilespmem:$0x19740] =	vst v3  }
0xb3: {  	[tilespmem:$0x19750] =	vst v3  }
0xb4: {  	[tilespmem:$0x19760] =	vst v3  }
0xb5: {  	[tilespmem:$0x19770] =	vst v3  }
0xb6: {  	[tilespmem:$0x19780] =	vst v3  }
0xb7: {  	[tilespmem:$0x19790] =	vst v3  }
0xb8: {  	[tilespmem:$0x197A0] =	vst v3  }
0xb9: {  	[tilespmem:$0x197B0] =	vst v3  }
0xba: {  	[tilespmem:$0x197C0] =	vst v3  }
0xbb: {  	[tilespmem:$0x197D0] =	vst v3  }
0xbc: {  	[tilespmem:$0x197E0] =	vst v3  }
0xbd: {  	[tilespmem:$0x197F0] =	vst v3  }
0xbe: {  	[tilespmem:$0x19800] =	vst v3  }
0xbf: {  	[tilespmem:$0x19810] =	vst v3  }
0xc0: {  	[tilespmem:$0x19820] =	vst v3  }
0xc1: {  	[tilespmem:$0x19830] =	vst v3  }
0xc2: {  	[tilespmem:$0x19840] =	vst v3  }
0xc3: {  	[tilespmem:$0x19850] =	vst v3  }
0xc4: {  	[tilespmem:$0x19860] =	vst v3  }
0xc5: {  	[tilespmem:$0x19870] =	vst v3  }
0xc6: {  	[tilespmem:$0x19880] =	vst v3  }
0xc7: {  	[tilespmem:$0x19890] =	vst v3  }
0xc8: {  	[tilespmem:$0x198A0] =	vst v3  }
0xc9: {  	[tilespmem:$0x198B0] =	vst v3  }
0xca: {  	[tilespmem:$0x198C0] =	vst v3  }
0xcb: {  	[tilespmem:$0x198D0] =	vst v3  }
0xcc: {  	[tilespmem:$0x198E0] =	vst v3  }
0xcd: {  	[tilespmem:$0x198F0] =	vst v3  }
0xce: {  	_ =	swait.ge [sflag:s6], $0x6400  }
0xcf: {  	v34 =	vld [tilespmem:$0x1FD50]  }
0xd0: {  	v35 =	vld [tilespmem:$0x1FD60]  }
0xd1: {  	v36 =	vld [tilespmem:$0x1FD70]  }
0xd2: {  	v37 =	vld [tilespmem:$0x1FD80]  }
0xd3: {  	v38 =	vld [tilespmem:$0x1FD90]  }
0xd4: {  	v39 =	vld [tilespmem:$0x1FDA0]  }
0xd5: {  	v40 =	vld [tilespmem:$0x1FDB0]  }
0xd6: {  	v41 =	vld [tilespmem:$0x1FDC0]  }
0xd7: {  	v42 =	vld [tilespmem:$0x1FDD0]  }
0xd8: {  	v43 =	vld [tilespmem:$0x1FDE0]  }
0xd9: {  	v44 =	vld [tilespmem:$0x1FDF0]  }
0xda: {  	v45 =	vld [tilespmem:$0x1FE00]  }
0xdb: {  	v46 =	vld [tilespmem:$0x1FE10]  }
0xdc: {  	v47 =	vld [tilespmem:$0x1FE20]  }
0xdd: {  	v48 =	vld [tilespmem:$0x1FE30]  }
0xde: {  	v49 =	vld [tilespmem:$0x1FE40]  }
0xdf: {  	v50 =	vld [tilespmem:$0x1FE50]  }
0xe0: {  	v51 =	vld [tilespmem:$0x1FE60]  }
0xe1: {  	v52 =	vld [tilespmem:$0x1FE70]  }
0xe2: {  	v53 =	vld [tilespmem:$0x1FE80]  }
0xe3: {  	v54 =	vld [tilespmem:$0x1FE90]  }
0xe4: {  	v55 =	vld [tilespmem:$0x1FEA0]  }
0xe5: {  	v56 =	vld [tilespmem:$0x1FEB0]  }
0xe6: {  	v57 =	vld [tilespmem:$0x1FEC0]  }
0xe7: {  	v58 =	vld [tilespmem:$0x1FED0]  }
0xe8: {  	v59 =	vld [tilespmem:$0x1FEE0]  }
0xe9: {  	v60 =	vld [tilespmem:$0x1FEF0]  }
0xea: {  	v61 =	vld [tilespmem:$0x1FF00]  }
0xeb: {  	v62 =	vld [tilespmem:$0x1FF10]  }
0xec: {  	v63 =	vld [tilespmem:$0x1FF20]  }
0xed: {  	v21 =	vld [tilespmem:$0x1FF30]  }
0xee: {  	v22 =	vld [tilespmem:$0x1FF40]  }
0xef: {  	v23 =	vld [tilespmem:$0x1FF50]  }
0xf0: {  	v24 =	vld [tilespmem:$0x1FF60]  }
0xf1: {  	v25 =	vld [tilespmem:$0x1FF70]  }
0xf2: {  	v26 =	vld [tilespmem:$0x1FF80]  }
0xf3: {  	v27 =	vld [tilespmem:$0x1FF90]  }
0xf4: {  	v28 =	vld [tilespmem:$0x1FFA0]  }
0xf5: {  	v29 =	vld [tilespmem:$0x1FFB0]  }
0xf6: {  	v30 =	vld [tilespmem:$0x1FFC0]  }
0xf7: {  	v31 =	vld [tilespmem:$0x1FFD0]  }
0xf8: {  	[sflag:s6] =	ssyncset.done $0x0;
	v32 =	vld [tilespmem:$0x1FFE0]  }
0xf9: {  	s16 =	simm.s32 $0x0;
	v33 =	vld [tilespmem:$0x1FFF0];
	[sflag:s6] =	ssyncadd.s32 $0xFFFF9C00  }
.LBB2_4:
0xfa: {  	v4 =	vadd.s32 s16, v0  }
0xfb: {  	v4 =	vand.u32 $0x7, v4  }
0xfc: {  	v5 =	vmul.u32 $0x32, v4;
	_ =	sdelay $0x1  }
0xfd: {  	v6 =	vadd.s32 v1, v5;
	_ =	sdelay $0x2  }
0xfe: {  	v8 =	vadd.s32 v18, v5;
	_ =	sdelay $0x1  }
0xff: {  	v6 =	vld.idx.msk [tilespmem:v6+s2+$0x0], $0xffff;
	_ =	sdelay $0x1  }
0x100: {  	v9 =	vadd.s32 v19, v5  }
0x101: {  	v8 =	vld.idx.msk [tilespmem:v8+s2+$0x0], $0xffff  }
0x102: {  	v10 =	vadd.s32 v20, v5  }
0x103: {  	v11 =	vshll.u32 v6, $0x4  }
0x104: {  	v11 =	vor.u32 v0, v11  }
0x105: {  	v9 =	vld.idx.msk [tilespmem:v9+s2+$0x0], $0xffff  }
0x106: {  	v12 =	vshll.u32 v8, $0x4  }
0x107: {  	v10 =	vld.idx.msk [tilespmem:v10+s2+$0x0], $0xffff;
	v12 =	vor.u32 v0, v12;
	_ =	sdelay $0x1  }
0x108: {  	v15 =	vld.idx.msk [tilespmem:v11+s7+$0x0], $0xffff  }
0x109: {  	v13 =	vshll.u32 v9, $0x4  }
0x10a: {  	v13 =	vor.u32 v0, v13  }
0x10b: {  	v14 =	vshll.u32 v10, $0x4;
	v16 =	vld.idx.msk [tilespmem:v12+s8+$0x0], $0xffff  }
0x10c: {  	v14 =	vor.u32 v0, v14  }
0x10d: {  	vm0 =	vne.s32 v15, v4;
	_ =	sdelay $0x1  }
0x10e: {  	v17 =	vld.idx.msk [tilespmem:v13+s9+$0x0], $0xffff  }
0x10f: {  	vm1 =	vne.s32 v16, v4  }
0x110: {  	v15 =	vld.idx.msk [tilespmem:v14+s10+$0x0], $0xffff;
	_ =	sdelay $0x1  }
0x111: {  	[tilespmem:v6+s11+$0x0] =	vst.idx.add.s32.msk vm0, v7  }
0x112: {  	vm2 =	vne.s32 v17, v4;
	v6 =	vld [tilespmem:$0x1FC80]  }
0x113: {  	[tilespmem:v11+s7+$0x0] =	vst.idx.msk $0xffff, v4  }
0x114: {  	vm3 =	vne.s32 v15, v4;
	[tilespmem:v8+s11+$0x0] =	vst.idx.add.s32.msk vm1, v7  }
0x115: {  	v8 =	vld [tilespmem:$0x1FC90];
	_ =	sdelay $0x1  }
0x116: {  	v15 =	vld [tilespmem:$0x1FCA0];
	[tilespmem:v12+s8+$0x0] =	vst.idx.msk $0xffff, v4;
	v6 =	vadd.s32 v6, v5  }
0x117: {  	[tilespmem:v9+s11+$0x0] =	vst.idx.add.s32.msk vm2, v7  }
0x118: {  	v12 =	vld [tilespmem:$0x1FCB0];
	[tilespmem:v13+s9+$0x0] =	vst.idx.msk $0xffff, v4  }
0x119: {  	[tilespmem:v10+s11+$0x0] =	vst.idx.add.s32.msk vm3, v7;
	v8 =	vadd.s32 v8, v5  }
0x11a: {  	[tilespmem:v14+s10+$0x0] =	vst.idx.msk $0xffff, v4  }
0x11b: {  	v9 =	vadd.s32 v15, v5;
	v6 =	vld.idx.msk [tilespmem:v6+s2+$0x0], $0xffff;
	_ =	sdelay $0x1  }
0x11c: {  	v10 =	vadd.s32 v12, v5  }
0x11d: {  	v8 =	vld.idx.msk [tilespmem:v8+s2+$0x0], $0xffff;
	_ =	sdelay $0x1  }
0x11e: {  	v9 =	vld.idx.msk [tilespmem:v9+s2+$0x0], $0xffff;
	v13 =	vshll.u32 v6, $0x4  }
0x11f: {  	v11 =	vor.u32 v0, v13  }
0x120: {  	v10 =	vld.idx.msk [tilespmem:v10+s2+$0x0], $0xffff  }
0x121: {  	v12 =	vshll.u32 v8, $0x4  }
0x122: {  	v12 =	vor.u32 v0, v12  }
0x123: {  	v13 =	vshll.u32 v9, $0x4  }
0x124: {  	v13 =	vor.u32 v0, v13;
	v15 =	vld.idx.msk [tilespmem:v11+s7+$0x0], $0xffff  }
0x125: {  	v14 =	vshll.u32 v10, $0x4  }
0x126: {  	v14 =	vor.u32 v0, v14  }
0x127: {  	v16 =	vld.idx.msk [tilespmem:v12+s8+$0x0], $0xffff;
	_ =	sdelay $0x1  }
0x128: {  	v17 =	vld.idx.msk [tilespmem:v13+s9+$0x0], $0xffff;
	vm10 =	vne.s32 v15, v4;
	_ =	sdelay $0x1  }
0x129: {  	v15 =	vld.idx.msk [tilespmem:v14+s10+$0x0], $0xffff  }
0x12a: {  	vm11 =	vne.s32 v16, v4;
	_ =	sdelay $0x1  }
0x12b: {  	vm12 =	vne.s32 v17, v4  }
0x12c: {  	[tilespmem:v6+s11+$0x0] =	vst.idx.add.s32.msk vm10, v7  }
0x12d: {  	vm13 =	vne.s32 v15, v4;
	v6 =	vld [tilespmem:$0x1FCC0]  }
0x12e: {  	[tilespmem:v11+s7+$0x0] =	vst.idx.msk $0xffff, v4  }
0x12f: {  	[tilespmem:v8+s11+$0x0] =	vst.idx.add.s32.msk vm11, v7  }
0x130: {  	[tilespmem:v12+s8+$0x0] =	vst.idx.msk $0xffff, v4  }
0x131: {  	[tilespmem:v9+s11+$0x0] =	vst.idx.add.s32.msk vm12, v7  }
0x132: {  	v8 =	vld [tilespmem:$0x1FCD0];
	v6 =	vadd.s32 v6, v5;
	[tilespmem:v13+s9+$0x0] =	vst.idx.msk $0xffff, v4  }
0x133: {  	[tilespmem:v10+s11+$0x0] =	vst.idx.add.s32.msk vm13, v7  }
0x134: {  	[tilespmem:v14+s10+$0x0] =	vst.idx.msk $0xffff, v4;
	v14 =	vld [tilespmem:$0x1FCE0];
	_ =	sdelay $0x1  }
0x135: {  	v15 =	vld [tilespmem:$0x1FCF0]  }
0x136: {  	v8 =	vadd.s32 v8, v5;
	v6 =	vld.idx.msk [tilespmem:v6+s2+$0x0], $0xffff;
	_ =	sdelay $0x1  }
0x137: {  	v9 =	vadd.s32 v14, v5;
	_ =	sdelay $0x1  }
0x138: {  	v10 =	vadd.s32 v15, v5  }
0x139: {  	v8 =	vld.idx.msk [tilespmem:v8+s2+$0x0], $0xffff;
	v12 =	vshll.u32 v6, $0x4  }
0x13a: {  	v11 =	vor.u32 v0, v12  }
0x13b: {  	v9 =	vld.idx.msk [tilespmem:v9+s2+$0x0], $0xffff;
	_ =	sdelay $0x1  }
0x13c: {  	v10 =	vld.idx.msk [tilespmem:v10+s2+$0x0], $0xffff  }
0x13d: {  	v12 =	vshll.u32 v8, $0x4  }
0x13e: {  	v12 =	vor.u32 v0, v12;
	v15 =	vld.idx.msk [tilespmem:v11+s7+$0x0], $0xffff  }
0x13f: {  	v13 =	vshll.u32 v9, $0x4  }
0x140: {  	v13 =	vor.u32 v0, v13  }
0x141: {  	v14 =	vshll.u32 v10, $0x4  }
0x142: {  	v14 =	vor.u32 v0, v14  }
0x143: {  	v16 =	vld.idx.msk [tilespmem:v12+s8+$0x0], $0xffff;
	vm14 =	vne.s32 v15, v4;
	_ =	sdelay $0x1  }
0x144: {  	v17 =	vld.idx.msk [tilespmem:v13+s9+$0x0], $0xffff;
	_ =	sdelay $0x1  }
0x145: {  	v15 =	vld.idx.msk [tilespmem:v14+s10+$0x0], $0xffff  }
0x146: {  	vm15 =	vne.s32 v16, v4  }
0x147: {  	[tilespmem:v6+s11+$0x0] =	vst.idx.add.s32.msk vm14, v7  }
0x148: {  	v6 =	vld [tilespmem:$0x1FD00];
	vm6 =	vne.s32 v17, v4;
	_ =	sdelay $0x1  }
0x149: {  	vm7 =	vne.s32 v15, v4  }
0x14a: {  	[tilespmem:v11+s7+$0x0] =	vst.idx.msk $0xffff, v4  }
0x14b: {  	[tilespmem:v8+s11+$0x0] =	vst.idx.add.s32.msk vm15, v7  }
0x14c: {  	v8 =	vld [tilespmem:$0x1FD10];
	[tilespmem:v12+s8+$0x0] =	vst.idx.msk $0xffff, v4;
	v6 =	vadd.s32 v6, v5  }
0x14d: {  	[tilespmem:v9+s11+$0x0] =	vst.idx.add.s32.msk vm6, v7  }
0x14e: {  	[tilespmem:v13+s9+$0x0] =	vst.idx.msk $0xffff, v4;
	v13 =	vld [tilespmem:$0x1FD20]  }
0x14f: {  	[tilespmem:v10+s11+$0x0] =	vst.idx.add.s32.msk vm7, v7  }
0x150: {  	[tilespmem:v14+s10+$0x0] =	vst.idx.msk $0xffff, v4;
	v14 =	vld [tilespmem:$0x1FD30]  }
0x151: {  	v8 =	vadd.s32 v8, v5;
	v6 =	vld.idx.msk [tilespmem:v6+s2+$0x0], $0xffff;
	_ =	sdelay $0x1  }
0x152: {  	v9 =	vadd.s32 v13, v5;
	_ =	sdelay $0x1  }
0x153: {  	v10 =	vadd.s32 v14, v5  }
0x154: {  	v8 =	vld.idx.msk [tilespmem:v8+s2+$0x0], $0xffff;
	v15 =	vshll.u32 v6, $0x4  }
0x155: {  	v11 =	vor.u32 v0, v15  }
0x156: {  	v9 =	vld.idx.msk [tilespmem:v9+s2+$0x0], $0xffff;
	_ =	sdelay $0x1  }
0x157: {  	v10 =	vld.idx.msk [tilespmem:v10+s2+$0x0], $0xffff  }
0x158: {  	v12 =	vshll.u32 v8, $0x4  }
0x159: {  	v12 =	vor.u32 v0, v12;
	v15 =	vld.idx.msk [tilespmem:v11+s7+$0x0], $0xffff  }
0x15a: {  	v13 =	vshll.u32 v9, $0x4  }
0x15b: {  	v13 =	vor.u32 v0, v13  }
0x15c: {  	v14 =	vshll.u32 v10, $0x4  }
0x15d: {  	v14 =	vor.u32 v0, v14  }
0x15e: {  	v16 =	vld.idx.msk [tilespmem:v12+s8+$0x0], $0xffff;
	vm8 =	vne.s32 v15, v4;
	_ =	sdelay $0x1  }
0x15f: {  	v17 =	vld.idx.msk [tilespmem:v13+s9+$0x0], $0xffff;
	_ =	sdelay $0x1  }
0x160: {  	v15 =	vld.idx.msk [tilespmem:v14+s10+$0x0], $0xffff  }
0x161: {  	vm9 =	vne.s32 v16, v4  }
0x162: {  	[tilespmem:v6+s11+$0x0] =	vst.idx.add.s32.msk vm8, v7  }
0x163: {  	v6 =	vld [tilespmem:$0x1FD40];
	vm10 =	vne.s32 v17, v4;
	_ =	sdelay $0x1  }
0x164: {  	vm11 =	vne.s32 v15, v4  }
0x165: {  	[tilespmem:v11+s7+$0x0] =	vst.idx.msk $0xffff, v4  }
0x166: {  	[tilespmem:v8+s11+$0x0] =	vst.idx.add.s32.msk vm9, v7  }
0x167: {  	[tilespmem:v12+s8+$0x0] =	vst.idx.msk $0xffff, v4;
	v6 =	vadd.s32 v6, v5  }
0x168: {  	[tilespmem:v9+s11+$0x0] =	vst.idx.add.s32.msk vm10, v7  }
0x169: {  	v8 =	vadd.s32 v34, v5;
	[tilespmem:v13+s9+$0x0] =	vst.idx.msk $0xffff, v4  }
0x16a: {  	[tilespmem:v10+s11+$0x0] =	vst.idx.add.s32.msk vm11, v7  }
0x16b: {  	v12 =	vadd.s32 v35, v5;
	[tilespmem:v14+s10+$0x0] =	vst.idx.msk $0xffff, v4  }
0x16c: {  	v6 =	vld.idx.msk [tilespmem:v6+s2+$0x0], $0xffff  }
0x16d: {  	v13 =	vadd.s32 v36, v5  }
0x16e: {  	v8 =	vld.idx.msk [tilespmem:v8+s2+$0x0], $0xffff;
	_ =	sdelay $0x1  }
0x16f: {  	v9 =	vld.idx.msk [tilespmem:v12+s2+$0x0], $0xffff  }
0x170: {  	v14 =	vshll.u32 v6, $0x4  }
0x171: {  	v10 =	vld.idx.msk [tilespmem:v13+s2+$0x0], $0xffff;
	v11 =	vor.u32 v0, v14  }
0x172: {  	v12 =	vshll.u32 v8, $0x4  }
0x173: {  	v12 =	vor.u32 v0, v12  }
0x174: {  	v13 =	vshll.u32 v9, $0x4  }
0x175: {  	v13 =	vor.u32 v0, v13  }
0x176: {  	v14 =	vshll.u32 v10, $0x4;
	v15 =	vld.idx.msk [tilespmem:v11+s7+$0x0], $0xffff  }
0x177: {  	v14 =	vor.u32 v0, v14  }
0x178: {  	v16 =	vld.idx.msk [tilespmem:v12+s8+$0x0], $0xffff;
	_ =	sdelay $0x1  }
0x179: {  	v17 =	vld.idx.msk [tilespmem:v13+s9+$0x0], $0xffff  }
0x17a: {  	vm12 =	vne.s32 v15, v4  }
0x17b: {  	v15 =	vld.idx.msk [tilespmem:v14+s10+$0x0], $0xffff  }
0x17c: {  	vm13 =	vne.s32 v16, v4;
	_ =	sdelay $0x1  }
0x17d: {  	vm14 =	vne.s32 v17, v4;
	_ =	sdelay $0x1  }
0x17e: {  	vm15 =	vne.s32 v15, v4;
	[tilespmem:v6+s11+$0x0] =	vst.idx.add.s32.msk vm12, v7  }
0x17f: {  	[tilespmem:v11+s7+$0x0] =	vst.idx.msk $0xffff, v4  }
0x180: {  	[tilespmem:v8+s11+$0x0] =	vst.idx.add.s32.msk vm13, v7  }
0x181: {  	v6 =	vadd.s32 v37, v5;
	[tilespmem:v12+s8+$0x0] =	vst.idx.msk $0xffff, v4  }
0x182: {  	[tilespmem:v9+s11+$0x0] =	vst.idx.add.s32.msk vm14, v7  }
0x183: {  	v8 =	vadd.s32 v38, v5;
	[tilespmem:v13+s9+$0x0] =	vst.idx.msk $0xffff, v4  }
0x184: {  	[tilespmem:v10+s11+$0x0] =	vst.idx.add.s32.msk vm15, v7  }
0x185: {  	v15 =	vadd.s32 v39, v5;
	[tilespmem:v14+s10+$0x0] =	vst.idx.msk $0xffff, v4  }
0x186: {  	v6 =	vld.idx.msk [tilespmem:v6+s2+$0x0], $0xffff  }
0x187: {  	v12 =	vadd.s32 v40, v5  }
0x188: {  	v8 =	vld.idx.msk [tilespmem:v8+s2+$0x0], $0xffff;
	_ =	sdelay $0x1  }
0x189: {  	v9 =	vld.idx.msk [tilespmem:v15+s2+$0x0], $0xffff  }
0x18a: {  	v13 =	vshll.u32 v6, $0x4  }
0x18b: {  	v10 =	vld.idx.msk [tilespmem:v12+s2+$0x0], $0xffff;
	v11 =	vor.u32 v0, v13  }
0x18c: {  	v12 =	vshll.u32 v8, $0x4  }
0x18d: {  	v12 =	vor.u32 v0, v12  }
0x18e: {  	v13 =	vshll.u32 v9, $0x4  }
0x18f: {  	v13 =	vor.u32 v0, v13  }
0x190: {  	v14 =	vshll.u32 v10, $0x4;
	v15 =	vld.idx.msk [tilespmem:v11+s7+$0x0], $0xffff  }
0x191: {  	v14 =	vor.u32 v0, v14  }
0x192: {  	v16 =	vld.idx.msk [tilespmem:v12+s8+$0x0], $0xffff;
	_ =	sdelay $0x1  }
0x193: {  	v17 =	vld.idx.msk [tilespmem:v13+s9+$0x0], $0xffff  }
0x194: {  	vm6 =	vne.s32 v15, v4  }
0x195: {  	v15 =	vld.idx.msk [tilespmem:v14+s10+$0x0], $0xffff  }
0x196: {  	vm7 =	vne.s32 v16, v4;
	_ =	sdelay $0x1  }
0x197: {  	vm8 =	vne.s32 v17, v4;
	_ =	sdelay $0x1  }
0x198: {  	vm9 =	vne.s32 v15, v4;
	[tilespmem:v6+s11+$0x0] =	vst.idx.add.s32.msk vm6, v7  }
0x199: {  	[tilespmem:v11+s7+$0x0] =	vst.idx.msk $0xffff, v4  }
0x19a: {  	[tilespmem:v8+s11+$0x0] =	vst.idx.add.s32.msk vm7, v7  }
0x19b: {  	v6 =	vadd.s32 v41, v5;
	[tilespmem:v12+s8+$0x0] =	vst.idx.msk $0xffff, v4  }
0x19c: {  	[tilespmem:v9+s11+$0x0] =	vst.idx.add.s32.msk vm8, v7  }
0x19d: {  	v8 =	vadd.s32 v42, v5;
	[tilespmem:v13+s9+$0x0] =	vst.idx.msk $0xffff, v4  }
0x19e: {  	[tilespmem:v10+s11+$0x0] =	vst.idx.add.s32.msk vm9, v7  }
0x19f: {  	[tilespmem:v14+s10+$0x0] =	vst.idx.msk $0xffff, v4;
	v14 =	vadd.s32 v43, v5  }
0x1a0: {  	v6 =	vld.idx.msk [tilespmem:v6+s2+$0x0], $0xffff  }
0x1a1: {  	v15 =	vadd.s32 v44, v5  }
0x1a2: {  	v8 =	vld.idx.msk [tilespmem:v8+s2+$0x0], $0xffff;
	_ =	sdelay $0x1  }
0x1a3: {  	v9 =	vld.idx.msk [tilespmem:v14+s2+$0x0], $0xffff  }
0x1a4: {  	v12 =	vshll.u32 v6, $0x4  }
0x1a5: {  	v10 =	vld.idx.msk [tilespmem:v15+s2+$0x0], $0xffff;
	v11 =	vor.u32 v0, v12  }
0x1a6: {  	v12 =	vshll.u32 v8, $0x4  }
0x1a7: {  	v12 =	vor.u32 v0, v12  }
0x1a8: {  	v13 =	vshll.u32 v9, $0x4  }
0x1a9: {  	v13 =	vor.u32 v0, v13  }
0x1aa: {  	v14 =	vshll.u32 v10, $0x4;
	v15 =	vld.idx.msk [tilespmem:v11+s7+$0x0], $0xffff  }
0x1ab: {  	v14 =	vor.u32 v0, v14  }
0x1ac: {  	v16 =	vld.idx.msk [tilespmem:v12+s8+$0x0], $0xffff;
	_ =	sdelay $0x1  }
0x1ad: {  	v17 =	vld.idx.msk [tilespmem:v13+s9+$0x0], $0xffff  }
0x1ae: {  	vm10 =	vne.s32 v15, v4  }
0x1af: {  	v15 =	vld.idx.msk [tilespmem:v14+s10+$0x0], $0xffff  }
0x1b0: {  	vm11 =	vne.s32 v16, v4;
	_ =	sdelay $0x1  }
0x1b1: {  	vm12 =	vne.s32 v17, v4;
	_ =	sdelay $0x1  }
0x1b2: {  	vm13 =	vne.s32 v15, v4;
	[tilespmem:v6+s11+$0x0] =	vst.idx.add.s32.msk vm10, v7  }
0x1b3: {  	[tilespmem:v11+s7+$0x0] =	vst.idx.msk $0xffff, v4  }
0x1b4: {  	[tilespmem:v8+s11+$0x0] =	vst.idx.add.s32.msk vm11, v7  }
0x1b5: {  	v6 =	vadd.s32 v45, v5;
	[tilespmem:v12+s8+$0x0] =	vst.idx.msk $0xffff, v4  }
0x1b6: {  	[tilespmem:v9+s11+$0x0] =	vst.idx.add.s32.msk vm12, v7  }
0x1b7: {  	v8 =	vadd.s32 v46, v5;
	[tilespmem:v13+s9+$0x0] =	vst.idx.msk $0xffff, v4  }
0x1b8: {  	[tilespmem:v10+s11+$0x0] =	vst.idx.add.s32.msk vm13, v7  }
0x1b9: {  	v13 =	vadd.s32 v47, v5;
	[tilespmem:v14+s10+$0x0] =	vst.idx.msk $0xffff, v4  }
0x1ba: {  	v6 =	vld.idx.msk [tilespmem:v6+s2+$0x0], $0xffff  }
0x1bb: {  	v14 =	vadd.s32 v48, v5  }
0x1bc: {  	v8 =	vld.idx.msk [tilespmem:v8+s2+$0x0], $0xffff;
	_ =	sdelay $0x1  }
0x1bd: {  	v9 =	vld.idx.msk [tilespmem:v13+s2+$0x0], $0xffff  }
0x1be: {  	v15 =	vshll.u32 v6, $0x4  }
0x1bf: {  	v10 =	vld.idx.msk [tilespmem:v14+s2+$0x0], $0xffff;
	v11 =	vor.u32 v0, v15  }
0x1c0: {  	v12 =	vshll.u32 v8, $0x4  }
0x1c1: {  	v12 =	vor.u32 v0, v12  }
0x1c2: {  	v13 =	vshll.u32 v9, $0x4  }
0x1c3: {  	v13 =	vor.u32 v0, v13  }
0x1c4: {  	v14 =	vshll.u32 v10, $0x4;
	v15 =	vld.idx.msk [tilespmem:v11+s7+$0x0], $0xffff  }
0x1c5: {  	v14 =	vor.u32 v0, v14  }
0x1c6: {  	v16 =	vld.idx.msk [tilespmem:v12+s8+$0x0], $0xffff;
	_ =	sdelay $0x1  }
0x1c7: {  	v17 =	vld.idx.msk [tilespmem:v13+s9+$0x0], $0xffff  }
0x1c8: {  	vm14 =	vne.s32 v15, v4  }
0x1c9: {  	v15 =	vld.idx.msk [tilespmem:v14+s10+$0x0], $0xffff  }
0x1ca: {  	vm15 =	vne.s32 v16, v4;
	_ =	sdelay $0x1  }
0x1cb: {  	vm6 =	vne.s32 v17, v4;
	_ =	sdelay $0x1  }
0x1cc: {  	vm7 =	vne.s32 v15, v4;
	[tilespmem:v6+s11+$0x0] =	vst.idx.add.s32.msk vm14, v7  }
0x1cd: {  	[tilespmem:v11+s7+$0x0] =	vst.idx.msk $0xffff, v4  }
0x1ce: {  	[tilespmem:v8+s11+$0x0] =	vst.idx.add.s32.msk vm15, v7  }
0x1cf: {  	v6 =	vadd.s32 v49, v5;
	[tilespmem:v12+s8+$0x0] =	vst.idx.msk $0xffff, v4  }
0x1d0: {  	[tilespmem:v9+s11+$0x0] =	vst.idx.add.s32.msk vm6, v7  }
0x1d1: {  	v8 =	vadd.s32 v50, v5;
	[tilespmem:v13+s9+$0x0] =	vst.idx.msk $0xffff, v4  }
0x1d2: {  	[tilespmem:v10+s11+$0x0] =	vst.idx.add.s32.msk vm7, v7  }
0x1d3: {  	v12 =	vadd.s32 v51, v5;
	[tilespmem:v14+s10+$0x0] =	vst.idx.msk $0xffff, v4  }
0x1d4: {  	v6 =	vld.idx.msk [tilespmem:v6+s2+$0x0], $0xffff  }
0x1d5: {  	v13 =	vadd.s32 v52, v5  }
0x1d6: {  	v8 =	vld.idx.msk [tilespmem:v8+s2+$0x0], $0xffff;
	_ =	sdelay $0x1  }
0x1d7: {  	v9 =	vld.idx.msk [tilespmem:v12+s2+$0x0], $0xffff  }
0x1d8: {  	v14 =	vshll.u32 v6, $0x4  }
0x1d9: {  	v10 =	vld.idx.msk [tilespmem:v13+s2+$0x0], $0xffff;
	v11 =	vor.u32 v0, v14  }
0x1da: {  	v12 =	vshll.u32 v8, $0x4  }
0x1db: {  	v12 =	vor.u32 v0, v12  }
0x1dc: {  	v13 =	vshll.u32 v9, $0x4  }
0x1dd: {  	v13 =	vor.u32 v0, v13  }
0x1de: {  	v14 =	vshll.u32 v10, $0x4;
	v15 =	vld.idx.msk [tilespmem:v11+s7+$0x0], $0xffff  }
0x1df: {  	v14 =	vor.u32 v0, v14  }
0x1e0: {  	v16 =	vld.idx.msk [tilespmem:v12+s8+$0x0], $0xffff;
	_ =	sdelay $0x1  }
0x1e1: {  	v17 =	vld.idx.msk [tilespmem:v13+s9+$0x0], $0xffff  }
0x1e2: {  	vm8 =	vne.s32 v15, v4  }
0x1e3: {  	v15 =	vld.idx.msk [tilespmem:v14+s10+$0x0], $0xffff  }
0x1e4: {  	vm9 =	vne.s32 v16, v4;
	_ =	sdelay $0x1  }
0x1e5: {  	vm10 =	vne.s32 v17, v4;
	_ =	sdelay $0x1  }
0x1e6: {  	vm11 =	vne.s32 v15, v4;
	[tilespmem:v6+s11+$0x0] =	vst.idx.add.s32.msk vm8, v7  }
0x1e7: {  	[tilespmem:v11+s7+$0x0] =	vst.idx.msk $0xffff, v4  }
0x1e8: {  	[tilespmem:v8+s11+$0x0] =	vst.idx.add.s32.msk vm9, v7  }
0x1e9: {  	v6 =	vadd.s32 v53, v5;
	[tilespmem:v12+s8+$0x0] =	vst.idx.msk $0xffff, v4  }
0x1ea: {  	[tilespmem:v9+s11+$0x0] =	vst.idx.add.s32.msk vm10, v7  }
0x1eb: {  	v8 =	vadd.s32 v54, v5;
	[tilespmem:v13+s9+$0x0] =	vst.idx.msk $0xffff, v4  }
0x1ec: {  	[tilespmem:v10+s11+$0x0] =	vst.idx.add.s32.msk vm11, v7  }
0x1ed: {  	v15 =	vadd.s32 v55, v5;
	[tilespmem:v14+s10+$0x0] =	vst.idx.msk $0xffff, v4  }
0x1ee: {  	v6 =	vld.idx.msk [tilespmem:v6+s2+$0x0], $0xffff  }
0x1ef: {  	v12 =	vadd.s32 v56, v5  }
0x1f0: {  	v8 =	vld.idx.msk [tilespmem:v8+s2+$0x0], $0xffff;
	_ =	sdelay $0x1  }
0x1f1: {  	v9 =	vld.idx.msk [tilespmem:v15+s2+$0x0], $0xffff  }
0x1f2: {  	v13 =	vshll.u32 v6, $0x4  }
0x1f3: {  	v10 =	vld.idx.msk [tilespmem:v12+s2+$0x0], $0xffff;
	v11 =	vor.u32 v0, v13  }
0x1f4: {  	v12 =	vshll.u32 v8, $0x4  }
0x1f5: {  	v12 =	vor.u32 v0, v12  }
0x1f6: {  	v13 =	vshll.u32 v9, $0x4  }
0x1f7: {  	v13 =	vor.u32 v0, v13  }
0x1f8: {  	v14 =	vshll.u32 v10, $0x4;
	v15 =	vld.idx.msk [tilespmem:v11+s7+$0x0], $0xffff  }
0x1f9: {  	v14 =	vor.u32 v0, v14  }
0x1fa: {  	v16 =	vld.idx.msk [tilespmem:v12+s8+$0x0], $0xffff;
	_ =	sdelay $0x1  }
0x1fb: {  	v17 =	vld.idx.msk [tilespmem:v13+s9+$0x0], $0xffff  }
0x1fc: {  	vm12 =	vne.s32 v15, v4  }
0x1fd: {  	v15 =	vld.idx.msk [tilespmem:v14+s10+$0x0], $0xffff  }
0x1fe: {  	vm13 =	vne.s32 v16, v4;
	_ =	sdelay $0x1  }
0x1ff: {  	vm14 =	vne.s32 v17, v4;
	_ =	sdelay $0x1  }
0x200: {  	vm15 =	vne.s32 v15, v4;
	[tilespmem:v6+s11+$0x0] =	vst.idx.add.s32.msk vm12, v7  }
0x201: {  	[tilespmem:v11+s7+$0x0] =	vst.idx.msk $0xffff, v4  }
0x202: {  	[tilespmem:v8+s11+$0x0] =	vst.idx.add.s32.msk vm13, v7  }
0x203: {  	v6 =	vadd.s32 v57, v5;
	[tilespmem:v12+s8+$0x0] =	vst.idx.msk $0xffff, v4  }
0x204: {  	[tilespmem:v9+s11+$0x0] =	vst.idx.add.s32.msk vm14, v7  }
0x205: {  	v8 =	vadd.s32 v58, v5;
	[tilespmem:v13+s9+$0x0] =	vst.idx.msk $0xffff, v4  }
0x206: {  	[tilespmem:v10+s11+$0x0] =	vst.idx.add.s32.msk vm15, v7  }
0x207: {  	[tilespmem:v14+s10+$0x0] =	vst.idx.msk $0xffff, v4;
	v14 =	vadd.s32 v59, v5  }
0x208: {  	v6 =	vld.idx.msk [tilespmem:v6+s2+$0x0], $0xffff  }
0x209: {  	v15 =	vadd.s32 v60, v5  }
0x20a: {  	v8 =	vld.idx.msk [tilespmem:v8+s2+$0x0], $0xffff;
	_ =	sdelay $0x1  }
0x20b: {  	v9 =	vld.idx.msk [tilespmem:v14+s2+$0x0], $0xffff  }
0x20c: {  	v12 =	vshll.u32 v6, $0x4  }
0x20d: {  	v10 =	vld.idx.msk [tilespmem:v15+s2+$0x0], $0xffff;
	v11 =	vor.u32 v0, v12  }
0x20e: {  	v12 =	vshll.u32 v8, $0x4  }
0x20f: {  	v12 =	vor.u32 v0, v12  }
0x210: {  	v13 =	vshll.u32 v9, $0x4  }
0x211: {  	v13 =	vor.u32 v0, v13  }
0x212: {  	v14 =	vshll.u32 v10, $0x4;
	v15 =	vld.idx.msk [tilespmem:v11+s7+$0x0], $0xffff  }
0x213: {  	v14 =	vor.u32 v0, v14  }
0x214: {  	v16 =	vld.idx.msk [tilespmem:v12+s8+$0x0], $0xffff;
	_ =	sdelay $0x1  }
0x215: {  	v17 =	vld.idx.msk [tilespmem:v13+s9+$0x0], $0xffff  }
0x216: {  	vm6 =	vne.s32 v15, v4  }
0x217: {  	v15 =	vld.idx.msk [tilespmem:v14+s10+$0x0], $0xffff  }
0x218: {  	vm7 =	vne.s32 v16, v4;
	_ =	sdelay $0x1  }
0x219: {  	vm8 =	vne.s32 v17, v4;
	_ =	sdelay $0x1  }
0x21a: {  	vm9 =	vne.s32 v15, v4;
	[tilespmem:v6+s11+$0x0] =	vst.idx.add.s32.msk vm6, v7  }
0x21b: {  	[tilespmem:v11+s7+$0x0] =	vst.idx.msk $0xffff, v4  }
0x21c: {  	[tilespmem:v8+s11+$0x0] =	vst.idx.add.s32.msk vm7, v7  }
0x21d: {  	v6 =	vadd.s32 v61, v5;
	[tilespmem:v12+s8+$0x0] =	vst.idx.msk $0xffff, v4  }
0x21e: {  	[tilespmem:v9+s11+$0x0] =	vst.idx.add.s32.msk vm8, v7  }
0x21f: {  	v8 =	vadd.s32 v62, v5;
	[tilespmem:v13+s9+$0x0] =	vst.idx.msk $0xffff, v4  }
0x220: {  	[tilespmem:v10+s11+$0x0] =	vst.idx.add.s32.msk vm9, v7  }
0x221: {  	v13 =	vadd.s32 v63, v5;
	[tilespmem:v14+s10+$0x0] =	vst.idx.msk $0xffff, v4  }
0x222: {  	v6 =	vld.idx.msk [tilespmem:v6+s2+$0x0], $0xffff  }
0x223: {  	v14 =	vadd.s32 v21, v5  }
0x224: {  	v8 =	vld.idx.msk [tilespmem:v8+s2+$0x0], $0xffff;
	_ =	sdelay $0x1  }
0x225: {  	v9 =	vld.idx.msk [tilespmem:v13+s2+$0x0], $0xffff  }
0x226: {  	v15 =	vshll.u32 v6, $0x4  }
0x227: {  	v10 =	vld.idx.msk [tilespmem:v14+s2+$0x0], $0xffff;
	v11 =	vor.u32 v0, v15  }
0x228: {  	v12 =	vshll.u32 v8, $0x4  }
0x229: {  	v12 =	vor.u32 v0, v12  }
0x22a: {  	v13 =	vshll.u32 v9, $0x4  }
0x22b: {  	v13 =	vor.u32 v0, v13  }
0x22c: {  	v14 =	vshll.u32 v10, $0x4;
	v15 =	vld.idx.msk [tilespmem:v11+s7+$0x0], $0xffff  }
0x22d: {  	v14 =	vor.u32 v0, v14  }
0x22e: {  	v16 =	vld.idx.msk [tilespmem:v12+s8+$0x0], $0xffff;
	_ =	sdelay $0x1  }
0x22f: {  	v17 =	vld.idx.msk [tilespmem:v13+s9+$0x0], $0xffff  }
0x230: {  	vm10 =	vne.s32 v15, v4  }
0x231: {  	v15 =	vld.idx.msk [tilespmem:v14+s10+$0x0], $0xffff  }
0x232: {  	vm11 =	vne.s32 v16, v4;
	_ =	sdelay $0x1  }
0x233: {  	vm12 =	vne.s32 v17, v4;
	_ =	sdelay $0x1  }
0x234: {  	vm13 =	vne.s32 v15, v4;
	[tilespmem:v6+s11+$0x0] =	vst.idx.add.s32.msk vm10, v7  }
0x235: {  	[tilespmem:v11+s7+$0x0] =	vst.idx.msk $0xffff, v4  }
0x236: {  	[tilespmem:v8+s11+$0x0] =	vst.idx.add.s32.msk vm11, v7  }
0x237: {  	v6 =	vadd.s32 v22, v5;
	[tilespmem:v12+s8+$0x0] =	vst.idx.msk $0xffff, v4  }
0x238: {  	[tilespmem:v9+s11+$0x0] =	vst.idx.add.s32.msk vm12, v7  }
0x239: {  	v8 =	vadd.s32 v23, v5;
	[tilespmem:v13+s9+$0x0] =	vst.idx.msk $0xffff, v4  }
0x23a: {  	[tilespmem:v10+s11+$0x0] =	vst.idx.add.s32.msk vm13, v7  }
0x23b: {  	v12 =	vadd.s32 v24, v5;
	[tilespmem:v14+s10+$0x0] =	vst.idx.msk $0xffff, v4  }
0x23c: {  	v6 =	vld.idx.msk [tilespmem:v6+s2+$0x0], $0xffff  }
0x23d: {  	v13 =	vadd.s32 v25, v5  }
0x23e: {  	v8 =	vld.idx.msk [tilespmem:v8+s2+$0x0], $0xffff;
	_ =	sdelay $0x1  }
0x23f: {  	v9 =	vld.idx.msk [tilespmem:v12+s2+$0x0], $0xffff  }
0x240: {  	v14 =	vshll.u32 v6, $0x4  }
0x241: {  	v10 =	vld.idx.msk [tilespmem:v13+s2+$0x0], $0xffff;
	v11 =	vor.u32 v0, v14  }
0x242: {  	v12 =	vshll.u32 v8, $0x4  }
0x243: {  	v12 =	vor.u32 v0, v12  }
0x244: {  	v13 =	vshll.u32 v9, $0x4  }
0x245: {  	v13 =	vor.u32 v0, v13  }
0x246: {  	v14 =	vshll.u32 v10, $0x4;
	v15 =	vld.idx.msk [tilespmem:v11+s7+$0x0], $0xffff  }
0x247: {  	v14 =	vor.u32 v0, v14  }
0x248: {  	v16 =	vld.idx.msk [tilespmem:v12+s8+$0x0], $0xffff;
	_ =	sdelay $0x1  }
0x249: {  	v17 =	vld.idx.msk [tilespmem:v13+s9+$0x0], $0xffff  }
0x24a: {  	vm14 =	vne.s32 v15, v4  }
0x24b: {  	v15 =	vld.idx.msk [tilespmem:v14+s10+$0x0], $0xffff  }
0x24c: {  	vm15 =	vne.s32 v16, v4;
	_ =	sdelay $0x1  }
0x24d: {  	vm6 =	vne.s32 v17, v4;
	_ =	sdelay $0x1  }
0x24e: {  	vm7 =	vne.s32 v15, v4;
	[tilespmem:v6+s11+$0x0] =	vst.idx.add.s32.msk vm14, v7  }
0x24f: {  	[tilespmem:v11+s7+$0x0] =	vst.idx.msk $0xffff, v4  }
0x250: {  	[tilespmem:v8+s11+$0x0] =	vst.idx.add.s32.msk vm15, v7  }
0x251: {  	v6 =	vadd.s32 v26, v5;
	[tilespmem:v12+s8+$0x0] =	vst.idx.msk $0xffff, v4  }
0x252: {  	[tilespmem:v9+s11+$0x0] =	vst.idx.add.s32.msk vm6, v7  }
0x253: {  	v8 =	vadd.s32 v27, v5;
	[tilespmem:v13+s9+$0x0] =	vst.idx.msk $0xffff, v4  }
0x254: {  	[tilespmem:v10+s11+$0x0] =	vst.idx.add.s32.msk vm7, v7  }
0x255: {  	v15 =	vadd.s32 v28, v5;
	[tilespmem:v14+s10+$0x0] =	vst.idx.msk $0xffff, v4  }
0x256: {  	v6 =	vld.idx.msk [tilespmem:v6+s2+$0x0], $0xffff  }
0x257: {  	v12 =	vadd.s32 v29, v5  }
0x258: {  	v8 =	vld.idx.msk [tilespmem:v8+s2+$0x0], $0xffff;
	_ =	sdelay $0x1  }
0x259: {  	v9 =	vld.idx.msk [tilespmem:v15+s2+$0x0], $0xffff  }
0x25a: {  	v13 =	vshll.u32 v6, $0x4  }
0x25b: {  	v10 =	vld.idx.msk [tilespmem:v12+s2+$0x0], $0xffff;
	v11 =	vor.u32 v0, v13  }
0x25c: {  	v12 =	vshll.u32 v8, $0x4  }
0x25d: {  	v12 =	vor.u32 v0, v12  }
0x25e: {  	v13 =	vshll.u32 v9, $0x4  }
0x25f: {  	v13 =	vor.u32 v0, v13  }
0x260: {  	v14 =	vshll.u32 v10, $0x4;
	v15 =	vld.idx.msk [tilespmem:v11+s7+$0x0], $0xffff  }
0x261: {  	v14 =	vor.u32 v0, v14  }
0x262: {  	v16 =	vld.idx.msk [tilespmem:v12+s8+$0x0], $0xffff;
	_ =	sdelay $0x1  }
0x263: {  	v17 =	vld.idx.msk [tilespmem:v13+s9+$0x0], $0xffff  }
0x264: {  	vm8 =	vne.s32 v15, v4  }
0x265: {  	v15 =	vld.idx.msk [tilespmem:v14+s10+$0x0], $0xffff  }
0x266: {  	vm9 =	vne.s32 v16, v4;
	_ =	sdelay $0x1  }
0x267: {  	vm10 =	vne.s32 v17, v4;
	_ =	sdelay $0x1  }
0x268: {  	vm11 =	vne.s32 v15, v4;
	[tilespmem:v6+s11+$0x0] =	vst.idx.add.s32.msk vm8, v7  }
0x269: {  	[tilespmem:v11+s7+$0x0] =	vst.idx.msk $0xffff, v4  }
0x26a: {  	[tilespmem:v8+s11+$0x0] =	vst.idx.add.s32.msk vm9, v7  }
0x26b: {  	v6 =	vadd.s32 v30, v5;
	[tilespmem:v12+s8+$0x0] =	vst.idx.msk $0xffff, v4  }
0x26c: {  	[tilespmem:v9+s11+$0x0] =	vst.idx.add.s32.msk vm10, v7  }
0x26d: {  	v8 =	vadd.s32 v31, v5;
	[tilespmem:v13+s9+$0x0] =	vst.idx.msk $0xffff, v4  }
0x26e: {  	[tilespmem:v10+s11+$0x0] =	vst.idx.add.s32.msk vm11, v7  }
0x26f: {  	[tilespmem:v14+s10+$0x0] =	vst.idx.msk $0xffff, v4;
	v14 =	vadd.s32 v32, v5  }
0x270: {  	v6 =	vld.idx.msk [tilespmem:v6+s2+$0x0], $0xffff  }
0x271: {  	v15 =	vadd.s32 v33, v5  }
0x272: {  	v8 =	vld.idx.msk [tilespmem:v8+s2+$0x0], $0xffff;
	_ =	sdelay $0x1  }
0x273: {  	v9 =	vld.idx.msk [tilespmem:v14+s2+$0x0], $0xffff  }
0x274: {  	v12 =	vshll.u32 v6, $0x4  }
0x275: {  	v10 =	vld.idx.msk [tilespmem:v15+s2+$0x0], $0xffff;
	v11 =	vor.u32 v0, v12  }
0x276: {  	v12 =	vshll.u32 v8, $0x4  }
0x277: {  	v12 =	vor.u32 v0, v12  }
0x278: {  	v13 =	vshll.u32 v9, $0x4  }
0x279: {  	v13 =	vor.u32 v0, v13  }
0x27a: {  	v14 =	vshll.u32 v10, $0x4;
	v15 =	vld.idx.msk [tilespmem:v11+s7+$0x0], $0xffff  }
0x27b: {  	v14 =	vor.u32 v0, v14  }
0x27c: {  	v16 =	vld.idx.msk [tilespmem:v12+s8+$0x0], $0xffff;
	_ =	sdelay $0x1  }
0x27d: {  	v17 =	vld.idx.msk [tilespmem:v13+s9+$0x0], $0xffff  }
0x27e: {  	vm12 =	vne.s32 v15, v4  }
0x27f: {  	v15 =	vld.idx.msk [tilespmem:v14+s10+$0x0], $0xffff  }
0x280: {  	vm13 =	vne.s32 v16, v4;
	_ =	sdelay $0x1  }
0x281: {  	vm14 =	vne.s32 v17, v4;
	_ =	sdelay $0x1  }
0x282: {  	vm15 =	vne.s32 v15, v4;
	[tilespmem:v6+s11+$0x0] =	vst.idx.add.s32.msk vm12, v7  }
0x283: {  	[tilespmem:v11+s7+$0x0] =	vst.idx.msk $0xffff, v4  }
0x284: {  	v6 =	vor.u32 $0xF, v1;
	[tilespmem:v8+s11+$0x0] =	vst.idx.add.s32.msk vm13, v7  }
0x285: {  	v6 =	vadd.s32 v6, v5;
	[tilespmem:v12+s8+$0x0] =	vst.idx.msk $0xffff, v4  }
0x286: {  	v8 =	vadd.s32 $0x19F, v1;
	[tilespmem:v9+s11+$0x0] =	vst.idx.add.s32.msk vm14, v7  }
0x287: {  	v8 =	vadd.s32 v8, v5;
	[tilespmem:v13+s9+$0x0] =	vst.idx.msk $0xffff, v4  }
0x288: {  	v13 =	vadd.s32 $0x32F, v1;
	[tilespmem:v10+s11+$0x0] =	vst.idx.add.s32.msk vm15, v7  }
0x289: {  	v9 =	vadd.s32 v13, v5;
	[tilespmem:v14+s10+$0x0] =	vst.idx.msk $0xffff, v4  }
0x28a: {  	v15 =	vadd.s32 $0x4BF, v1;
	v6 =	vld.idx.msk [tilespmem:v6+s2+$0x0], $0xffff  }
0x28b: {  	v10 =	vadd.s32 v15, v5  }
0x28c: {  	v8 =	vld.idx.msk [tilespmem:v8+s2+$0x0], $0xffff;
	_ =	sdelay $0x1  }
0x28d: {  	v9 =	vld.idx.msk [tilespmem:v9+s2+$0x0], $0xffff  }
0x28e: {  	v12 =	vshll.u32 v6, $0x4  }
0x28f: {  	v10 =	vld.idx.msk [tilespmem:v10+s2+$0x0], $0xffff;
	v11 =	vor.u32 v0, v12  }
0x290: {  	v12 =	vshll.u32 v8, $0x4  }
0x291: {  	v12 =	vor.u32 v0, v12  }
0x292: {  	v13 =	vshll.u32 v9, $0x4  }
0x293: {  	v13 =	vor.u32 v0, v13  }
0x294: {  	v14 =	vshll.u32 v10, $0x4;
	v15 =	vld.idx.msk [tilespmem:v11+s7+$0x0], $0xffff  }
0x295: {  	v14 =	vor.u32 v0, v14  }
0x296: {  	v16 =	vld.idx.msk [tilespmem:v12+s8+$0x0], $0xffff;
	_ =	sdelay $0x1  }
0x297: {  	v17 =	vld.idx.msk [tilespmem:v13+s9+$0x0], $0xffff  }
0x298: {  	vm6 =	vne.s32 v15, v4  }
0x299: {  	v15 =	vld.idx.msk [tilespmem:v14+s10+$0x0], $0xffff  }
0x29a: {  	vm7 =	vne.s32 v16, v4;
	_ =	sdelay $0x1  }
0x29b: {  	vm8 =	vne.s32 v17, v4;
	_ =	sdelay $0x1  }
0x29c: {  	vm9 =	vne.s32 v15, v4;
	[tilespmem:v6+s11+$0x0] =	vst.idx.add.s32.msk vm6, v7  }
0x29d: {  	[tilespmem:v11+s7+$0x0] =	vst.idx.msk $0xffff, v4  }
0x29e: {  	v6 =	vor.u32 $0x10, v1;
	[tilespmem:v8+s11+$0x0] =	vst.idx.add.s32.msk vm7, v7  }
0x29f: {  	v6 =	vadd.s32 v6, v5;
	[tilespmem:v12+s8+$0x0] =	vst.idx.msk $0xffff, v4  }
0x2a0: {  	v8 =	vadd.s32 $0x1A0, v1;
	[tilespmem:v9+s11+$0x0] =	vst.idx.add.s32.msk vm8, v7  }
0x2a1: {  	v8 =	vadd.s32 v8, v5;
	[tilespmem:v13+s9+$0x0] =	vst.idx.msk $0xffff, v4  }
0x2a2: {  	v13 =	vadd.s32 $0x330, v1;
	[tilespmem:v10+s11+$0x0] =	vst.idx.add.s32.msk vm9, v7  }
0x2a3: {  	v9 =	vadd.s32 v13, v5;
	[tilespmem:v14+s10+$0x0] =	vst.idx.msk $0xffff, v4  }
0x2a4: {  	v15 =	vadd.s32 $0x4C0, v1;
	v6 =	vld.idx.msk [tilespmem:v6+s2+$0x0], $0xffff  }
0x2a5: {  	v10 =	vadd.s32 v15, v5  }
0x2a6: {  	v8 =	vld.idx.msk [tilespmem:v8+s2+$0x0], $0xffff;
	_ =	sdelay $0x1  }
0x2a7: {  	v9 =	vld.idx.msk [tilespmem:v9+s2+$0x0], $0xffff  }
0x2a8: {  	v12 =	vshll.u32 v6, $0x4  }
0x2a9: {  	v10 =	vld.idx.msk [tilespmem:v10+s2+$0x0], $0xffff;
	v11 =	vor.u32 v0, v12  }
0x2aa: {  	v12 =	vshll.u32 v8, $0x4  }
0x2ab: {  	v12 =	vor.u32 v0, v12  }
0x2ac: {  	v13 =	vshll.u32 v9, $0x4  }
0x2ad: {  	v13 =	vor.u32 v0, v13  }
0x2ae: {  	v14 =	vshll.u32 v10, $0x4;
	v15 =	vld.idx.msk [tilespmem:v11+s7+$0x0], $0xffff  }
0x2af: {  	v14 =	vor.u32 v0, v14  }
0x2b0: {  	v16 =	vld.idx.msk [tilespmem:v12+s8+$0x0], $0xffff;
	_ =	sdelay $0x1  }
0x2b1: {  	v17 =	vld.idx.msk [tilespmem:v13+s9+$0x0], $0xffff  }
0x2b2: {  	vm10 =	vne.s32 v15, v4  }
0x2b3: {  	v15 =	vld.idx.msk [tilespmem:v14+s10+$0x0], $0xffff  }
0x2b4: {  	vm11 =	vne.s32 v16, v4;
	_ =	sdelay $0x1  }
0x2b5: {  	vm12 =	vne.s32 v17, v4;
	_ =	sdelay $0x1  }
0x2b6: {  	vm13 =	vne.s32 v15, v4;
	[tilespmem:v6+s11+$0x0] =	vst.idx.add.s32.msk vm10, v7  }
0x2b7: {  	[tilespmem:v11+s7+$0x0] =	vst.idx.msk $0xffff, v4  }
0x2b8: {  	v6 =	vor.u32 $0x11, v1;
	[tilespmem:v8+s11+$0x0] =	vst.idx.add.s32.msk vm11, v7  }
0x2b9: {  	v6 =	vadd.s32 v6, v5;
	[tilespmem:v12+s8+$0x0] =	vst.idx.msk $0xffff, v4  }
0x2ba: {  	v8 =	vadd.s32 $0x1A1, v1;
	[tilespmem:v9+s11+$0x0] =	vst.idx.add.s32.msk vm12, v7  }
0x2bb: {  	v8 =	vadd.s32 v8, v5;
	[tilespmem:v13+s9+$0x0] =	vst.idx.msk $0xffff, v4  }
0x2bc: {  	v13 =	vadd.s32 $0x331, v1;
	[tilespmem:v10+s11+$0x0] =	vst.idx.add.s32.msk vm13, v7  }
0x2bd: {  	v9 =	vadd.s32 v13, v5;
	[tilespmem:v14+s10+$0x0] =	vst.idx.msk $0xffff, v4  }
0x2be: {  	v15 =	vadd.s32 $0x4C1, v1;
	v6 =	vld.idx.msk [tilespmem:v6+s2+$0x0], $0xffff  }
0x2bf: {  	v10 =	vadd.s32 v15, v5  }
0x2c0: {  	v8 =	vld.idx.msk [tilespmem:v8+s2+$0x0], $0xffff;
	_ =	sdelay $0x1  }
0x2c1: {  	v9 =	vld.idx.msk [tilespmem:v9+s2+$0x0], $0xffff  }
0x2c2: {  	v12 =	vshll.u32 v6, $0x4  }
0x2c3: {  	v10 =	vld.idx.msk [tilespmem:v10+s2+$0x0], $0xffff;
	v11 =	vor.u32 v0, v12  }
0x2c4: {  	v12 =	vshll.u32 v8, $0x4  }
0x2c5: {  	v12 =	vor.u32 v0, v12  }
0x2c6: {  	v13 =	vshll.u32 v9, $0x4  }
0x2c7: {  	v13 =	vor.u32 v0, v13  }
0x2c8: {  	v14 =	vshll.u32 v10, $0x4;
	v15 =	vld.idx.msk [tilespmem:v11+s7+$0x0], $0xffff  }
0x2c9: {  	v14 =	vor.u32 v0, v14  }
0x2ca: {  	v16 =	vld.idx.msk [tilespmem:v12+s8+$0x0], $0xffff;
	_ =	sdelay $0x1  }
0x2cb: {  	v17 =	vld.idx.msk [tilespmem:v13+s9+$0x0], $0xffff  }
0x2cc: {  	vm14 =	vne.s32 v15, v4  }
0x2cd: {  	v15 =	vld.idx.msk [tilespmem:v14+s10+$0x0], $0xffff  }
0x2ce: {  	vm15 =	vne.s32 v16, v4;
	_ =	sdelay $0x1  }
0x2cf: {  	vm6 =	vne.s32 v17, v4;
	_ =	sdelay $0x1  }
0x2d0: {  	vm7 =	vne.s32 v15, v4;
	[tilespmem:v6+s11+$0x0] =	vst.idx.add.s32.msk vm14, v7  }
0x2d1: {  	[tilespmem:v11+s7+$0x0] =	vst.idx.msk $0xffff, v4  }
0x2d2: {  	v6 =	vor.u32 $0x12, v1;
	[tilespmem:v8+s11+$0x0] =	vst.idx.add.s32.msk vm15, v7  }
0x2d3: {  	v6 =	vadd.s32 v6, v5;
	[tilespmem:v12+s8+$0x0] =	vst.idx.msk $0xffff, v4  }
0x2d4: {  	v8 =	vadd.s32 $0x1A2, v1;
	[tilespmem:v9+s11+$0x0] =	vst.idx.add.s32.msk vm6, v7  }
0x2d5: {  	v8 =	vadd.s32 v8, v5;
	[tilespmem:v13+s9+$0x0] =	vst.idx.msk $0xffff, v4  }
0x2d6: {  	v13 =	vadd.s32 $0x332, v1;
	[tilespmem:v10+s11+$0x0] =	vst.idx.add.s32.msk vm7, v7  }
0x2d7: {  	v9 =	vadd.s32 v13, v5;
	[tilespmem:v14+s10+$0x0] =	vst.idx.msk $0xffff, v4  }
0x2d8: {  	v15 =	vadd.s32 $0x4C2, v1;
	v6 =	vld.idx.msk [tilespmem:v6+s2+$0x0], $0xffff  }
0x2d9: {  	v10 =	vadd.s32 v15, v5  }
0x2da: {  	v8 =	vld.idx.msk [tilespmem:v8+s2+$0x0], $0xffff;
	_ =	sdelay $0x1  }
0x2db: {  	v9 =	vld.idx.msk [tilespmem:v9+s2+$0x0], $0xffff  }
0x2dc: {  	v12 =	vshll.u32 v6, $0x4  }
0x2dd: {  	v10 =	vld.idx.msk [tilespmem:v10+s2+$0x0], $0xffff;
	v11 =	vor.u32 v0, v12  }
0x2de: {  	v12 =	vshll.u32 v8, $0x4  }
0x2df: {  	v12 =	vor.u32 v0, v12  }
0x2e0: {  	v13 =	vshll.u32 v9, $0x4  }
0x2e1: {  	v13 =	vor.u32 v0, v13  }
0x2e2: {  	v14 =	vshll.u32 v10, $0x4;
	v15 =	vld.idx.msk [tilespmem:v11+s7+$0x0], $0xffff  }
0x2e3: {  	v14 =	vor.u32 v0, v14  }
0x2e4: {  	v16 =	vld.idx.msk [tilespmem:v12+s8+$0x0], $0xffff;
	_ =	sdelay $0x1  }
0x2e5: {  	v17 =	vld.idx.msk [tilespmem:v13+s9+$0x0], $0xffff  }
0x2e6: {  	vm8 =	vne.s32 v15, v4  }
0x2e7: {  	v15 =	vld.idx.msk [tilespmem:v14+s10+$0x0], $0xffff  }
0x2e8: {  	vm9 =	vne.s32 v16, v4;
	_ =	sdelay $0x1  }
0x2e9: {  	vm10 =	vne.s32 v17, v4;
	_ =	sdelay $0x1  }
0x2ea: {  	vm11 =	vne.s32 v15, v4;
	[tilespmem:v6+s11+$0x0] =	vst.idx.add.s32.msk vm8, v7  }
0x2eb: {  	[tilespmem:v11+s7+$0x0] =	vst.idx.msk $0xffff, v4  }
0x2ec: {  	v6 =	vor.u32 $0x13, v1;
	[tilespmem:v8+s11+$0x0] =	vst.idx.add.s32.msk vm9, v7  }
0x2ed: {  	v6 =	vadd.s32 v6, v5;
	[tilespmem:v12+s8+$0x0] =	vst.idx.msk $0xffff, v4  }
0x2ee: {  	v8 =	vadd.s32 $0x1A3, v1;
	[tilespmem:v9+s11+$0x0] =	vst.idx.add.s32.msk vm10, v7  }
0x2ef: {  	v8 =	vadd.s32 v8, v5;
	[tilespmem:v13+s9+$0x0] =	vst.idx.msk $0xffff, v4  }
0x2f0: {  	v13 =	vadd.s32 $0x333, v1;
	[tilespmem:v10+s11+$0x0] =	vst.idx.add.s32.msk vm11, v7  }
0x2f1: {  	v9 =	vadd.s32 v13, v5;
	[tilespmem:v14+s10+$0x0] =	vst.idx.msk $0xffff, v4  }
0x2f2: {  	v15 =	vadd.s32 $0x4C3, v1;
	v6 =	vld.idx.msk [tilespmem:v6+s2+$0x0], $0xffff  }
0x2f3: {  	v10 =	vadd.s32 v15, v5  }
0x2f4: {  	v8 =	vld.idx.msk [tilespmem:v8+s2+$0x0], $0xffff;
	_ =	sdelay $0x1  }
0x2f5: {  	v9 =	vld.idx.msk [tilespmem:v9+s2+$0x0], $0xffff  }
0x2f6: {  	v12 =	vshll.u32 v6, $0x4  }
0x2f7: {  	v10 =	vld.idx.msk [tilespmem:v10+s2+$0x0], $0xffff;
	v11 =	vor.u32 v0, v12  }
0x2f8: {  	v12 =	vshll.u32 v8, $0x4  }
0x2f9: {  	v12 =	vor.u32 v0, v12  }
0x2fa: {  	v13 =	vshll.u32 v9, $0x4  }
0x2fb: {  	v13 =	vor.u32 v0, v13  }
0x2fc: {  	v14 =	vshll.u32 v10, $0x4;
	v15 =	vld.idx.msk [tilespmem:v11+s7+$0x0], $0xffff  }
0x2fd: {  	v14 =	vor.u32 v0, v14  }
0x2fe: {  	v16 =	vld.idx.msk [tilespmem:v12+s8+$0x0], $0xffff;
	_ =	sdelay $0x1  }
0x2ff: {  	v17 =	vld.idx.msk [tilespmem:v13+s9+$0x0], $0xffff  }
0x300: {  	vm12 =	vne.s32 v15, v4  }
0x301: {  	v15 =	vld.idx.msk [tilespmem:v14+s10+$0x0], $0xffff  }
0x302: {  	vm13 =	vne.s32 v16, v4;
	_ =	sdelay $0x1  }
0x303: {  	vm14 =	vne.s32 v17, v4;
	_ =	sdelay $0x1  }
0x304: {  	vm15 =	vne.s32 v15, v4;
	[tilespmem:v6+s11+$0x0] =	vst.idx.add.s32.msk vm12, v7  }
0x305: {  	[tilespmem:v11+s7+$0x0] =	vst.idx.msk $0xffff, v4  }
0x306: {  	v6 =	vor.u32 $0x14, v1;
	[tilespmem:v8+s11+$0x0] =	vst.idx.add.s32.msk vm13, v7  }
0x307: {  	v6 =	vadd.s32 v6, v5;
	[tilespmem:v12+s8+$0x0] =	vst.idx.msk $0xffff, v4  }
0x308: {  	v8 =	vadd.s32 $0x1A4, v1;
	[tilespmem:v9+s11+$0x0] =	vst.idx.add.s32.msk vm14, v7  }
0x309: {  	v8 =	vadd.s32 v8, v5;
	[tilespmem:v13+s9+$0x0] =	vst.idx.msk $0xffff, v4  }
0x30a: {  	v13 =	vadd.s32 $0x334, v1;
	[tilespmem:v10+s11+$0x0] =	vst.idx.add.s32.msk vm15, v7  }
0x30b: {  	v9 =	vadd.s32 v13, v5;
	[tilespmem:v14+s10+$0x0] =	vst.idx.msk $0xffff, v4  }
0x30c: {  	v15 =	vadd.s32 $0x4C4, v1;
	v6 =	vld.idx.msk [tilespmem:v6+s2+$0x0], $0xffff  }
0x30d: {  	v10 =	vadd.s32 v15, v5  }
0x30e: {  	v8 =	vld.idx.msk [tilespmem:v8+s2+$0x0], $0xffff;
	_ =	sdelay $0x1  }
0x30f: {  	v9 =	vld.idx.msk [tilespmem:v9+s2+$0x0], $0xffff  }
0x310: {  	v12 =	vshll.u32 v6, $0x4  }
0x311: {  	v10 =	vld.idx.msk [tilespmem:v10+s2+$0x0], $0xffff;
	v11 =	vor.u32 v0, v12  }
0x312: {  	v12 =	vshll.u32 v8, $0x4  }
0x313: {  	v12 =	vor.u32 v0, v12  }
0x314: {  	v13 =	vshll.u32 v9, $0x4  }
0x315: {  	v13 =	vor.u32 v0, v13  }
0x316: {  	v14 =	vshll.u32 v10, $0x4;
	v15 =	vld.idx.msk [tilespmem:v11+s7+$0x0], $0xffff  }
0x317: {  	v14 =	vor.u32 v0, v14  }
0x318: {  	v16 =	vld.idx.msk [tilespmem:v12+s8+$0x0], $0xffff;
	_ =	sdelay $0x1  }
0x319: {  	v17 =	vld.idx.msk [tilespmem:v13+s9+$0x0], $0xffff  }
0x31a: {  	vm6 =	vne.s32 v15, v4  }
0x31b: {  	v15 =	vld.idx.msk [tilespmem:v14+s10+$0x0], $0xffff  }
0x31c: {  	vm7 =	vne.s32 v16, v4;
	_ =	sdelay $0x1  }
0x31d: {  	vm8 =	vne.s32 v17, v4;
	_ =	sdelay $0x1  }
0x31e: {  	vm9 =	vne.s32 v15, v4;
	[tilespmem:v6+s11+$0x0] =	vst.idx.add.s32.msk vm6, v7  }
0x31f: {  	[tilespmem:v11+s7+$0x0] =	vst.idx.msk $0xffff, v4  }
0x320: {  	v6 =	vor.u32 $0x15, v1;
	[tilespmem:v8+s11+$0x0] =	vst.idx.add.s32.msk vm7, v7  }
0x321: {  	v6 =	vadd.s32 v6, v5;
	[tilespmem:v12+s8+$0x0] =	vst.idx.msk $0xffff, v4  }
0x322: {  	v8 =	vadd.s32 $0x1A5, v1;
	[tilespmem:v9+s11+$0x0] =	vst.idx.add.s32.msk vm8, v7  }
0x323: {  	v8 =	vadd.s32 v8, v5;
	[tilespmem:v13+s9+$0x0] =	vst.idx.msk $0xffff, v4  }
0x324: {  	v13 =	vadd.s32 $0x335, v1;
	[tilespmem:v10+s11+$0x0] =	vst.idx.add.s32.msk vm9, v7  }
0x325: {  	v9 =	vadd.s32 v13, v5;
	[tilespmem:v14+s10+$0x0] =	vst.idx.msk $0xffff, v4  }
0x326: {  	v15 =	vadd.s32 $0x4C5, v1;
	v6 =	vld.idx.msk [tilespmem:v6+s2+$0x0], $0xffff  }
0x327: {  	v10 =	vadd.s32 v15, v5  }
0x328: {  	v8 =	vld.idx.msk [tilespmem:v8+s2+$0x0], $0xffff;
	_ =	sdelay $0x1  }
0x329: {  	v9 =	vld.idx.msk [tilespmem:v9+s2+$0x0], $0xffff  }
0x32a: {  	v12 =	vshll.u32 v6, $0x4  }
0x32b: {  	v10 =	vld.idx.msk [tilespmem:v10+s2+$0x0], $0xffff;
	v11 =	vor.u32 v0, v12  }
0x32c: {  	v12 =	vshll.u32 v8, $0x4  }
0x32d: {  	v12 =	vor.u32 v0, v12  }
0x32e: {  	v13 =	vshll.u32 v9, $0x4  }
0x32f: {  	v13 =	vor.u32 v0, v13  }
0x330: {  	v14 =	vshll.u32 v10, $0x4;
	v15 =	vld.idx.msk [tilespmem:v11+s7+$0x0], $0xffff  }
0x331: {  	v14 =	vor.u32 v0, v14  }
0x332: {  	v16 =	vld.idx.msk [tilespmem:v12+s8+$0x0], $0xffff;
	_ =	sdelay $0x1  }
0x333: {  	v17 =	vld.idx.msk [tilespmem:v13+s9+$0x0], $0xffff  }
0x334: {  	vm10 =	vne.s32 v15, v4  }
0x335: {  	v15 =	vld.idx.msk [tilespmem:v14+s10+$0x0], $0xffff  }
0x336: {  	vm11 =	vne.s32 v16, v4;
	_ =	sdelay $0x1  }
0x337: {  	vm12 =	vne.s32 v17, v4;
	_ =	sdelay $0x1  }
0x338: {  	vm13 =	vne.s32 v15, v4;
	[tilespmem:v6+s11+$0x0] =	vst.idx.add.s32.msk vm10, v7  }
0x339: {  	[tilespmem:v11+s7+$0x0] =	vst.idx.msk $0xffff, v4  }
0x33a: {  	v6 =	vor.u32 $0x16, v1;
	[tilespmem:v8+s11+$0x0] =	vst.idx.add.s32.msk vm11, v7  }
0x33b: {  	v6 =	vadd.s32 v6, v5;
	[tilespmem:v12+s8+$0x0] =	vst.idx.msk $0xffff, v4  }
0x33c: {  	v8 =	vadd.s32 $0x1A6, v1;
	[tilespmem:v9+s11+$0x0] =	vst.idx.add.s32.msk vm12, v7  }
0x33d: {  	v8 =	vadd.s32 v8, v5;
	[tilespmem:v13+s9+$0x0] =	vst.idx.msk $0xffff, v4  }
0x33e: {  	v13 =	vadd.s32 $0x336, v1;
	[tilespmem:v10+s11+$0x0] =	vst.idx.add.s32.msk vm13, v7  }
0x33f: {  	v9 =	vadd.s32 v13, v5;
	[tilespmem:v14+s10+$0x0] =	vst.idx.msk $0xffff, v4  }
0x340: {  	v15 =	vadd.s32 $0x4C6, v1;
	v6 =	vld.idx.msk [tilespmem:v6+s2+$0x0], $0xffff  }
0x341: {  	v10 =	vadd.s32 v15, v5  }
0x342: {  	v8 =	vld.idx.msk [tilespmem:v8+s2+$0x0], $0xffff;
	_ =	sdelay $0x1  }
0x343: {  	v9 =	vld.idx.msk [tilespmem:v9+s2+$0x0], $0xffff  }
0x344: {  	v12 =	vshll.u32 v6, $0x4  }
0x345: {  	v10 =	vld.idx.msk [tilespmem:v10+s2+$0x0], $0xffff;
	v11 =	vor.u32 v0, v12  }
0x346: {  	v12 =	vshll.u32 v8, $0x4  }
0x347: {  	v12 =	vor.u32 v0, v12  }
0x348: {  	v13 =	vshll.u32 v9, $0x4  }
0x349: {  	v13 =	vor.u32 v0, v13  }
0x34a: {  	v14 =	vshll.u32 v10, $0x4;
	v15 =	vld.idx.msk [tilespmem:v11+s7+$0x0], $0xffff  }
0x34b: {  	v14 =	vor.u32 v0, v14  }
0x34c: {  	v16 =	vld.idx.msk [tilespmem:v12+s8+$0x0], $0xffff;
	_ =	sdelay $0x1  }
0x34d: {  	v17 =	vld.idx.msk [tilespmem:v13+s9+$0x0], $0xffff  }
0x34e: {  	vm14 =	vne.s32 v15, v4  }
0x34f: {  	v15 =	vld.idx.msk [tilespmem:v14+s10+$0x0], $0xffff  }
0x350: {  	vm15 =	vne.s32 v16, v4;
	_ =	sdelay $0x1  }
0x351: {  	vm6 =	vne.s32 v17, v4;
	_ =	sdelay $0x1  }
0x352: {  	vm7 =	vne.s32 v15, v4;
	[tilespmem:v6+s11+$0x0] =	vst.idx.add.s32.msk vm14, v7  }
0x353: {  	[tilespmem:v11+s7+$0x0] =	vst.idx.msk $0xffff, v4  }
0x354: {  	v6 =	vor.u32 $0x17, v1;
	[tilespmem:v8+s11+$0x0] =	vst.idx.add.s32.msk vm15, v7  }
0x355: {  	v6 =	vadd.s32 v6, v5;
	[tilespmem:v12+s8+$0x0] =	vst.idx.msk $0xffff, v4  }
0x356: {  	v8 =	vadd.s32 $0x1A7, v1;
	[tilespmem:v9+s11+$0x0] =	vst.idx.add.s32.msk vm6, v7  }
0x357: {  	v8 =	vadd.s32 v8, v5;
	[tilespmem:v13+s9+$0x0] =	vst.idx.msk $0xffff, v4  }
0x358: {  	v13 =	vadd.s32 $0x337, v1;
	[tilespmem:v10+s11+$0x0] =	vst.idx.add.s32.msk vm7, v7  }
0x359: {  	v9 =	vadd.s32 v13, v5;
	[tilespmem:v14+s10+$0x0] =	vst.idx.msk $0xffff, v4  }
0x35a: {  	v15 =	vadd.s32 $0x4C7, v1;
	v6 =	vld.idx.msk [tilespmem:v6+s2+$0x0], $0xffff  }
0x35b: {  	v10 =	vadd.s32 v15, v5  }
0x35c: {  	v8 =	vld.idx.msk [tilespmem:v8+s2+$0x0], $0xffff;
	_ =	sdelay $0x1  }
0x35d: {  	v9 =	vld.idx.msk [tilespmem:v9+s2+$0x0], $0xffff  }
0x35e: {  	v12 =	vshll.u32 v6, $0x4  }
0x35f: {  	v10 =	vld.idx.msk [tilespmem:v10+s2+$0x0], $0xffff;
	v11 =	vor.u32 v0, v12  }
0x360: {  	v12 =	vshll.u32 v8, $0x4  }
0x361: {  	v12 =	vor.u32 v0, v12  }
0x362: {  	v13 =	vshll.u32 v9, $0x4  }
0x363: {  	v13 =	vor.u32 v0, v13  }
0x364: {  	v14 =	vshll.u32 v10, $0x4;
	v15 =	vld.idx.msk [tilespmem:v11+s7+$0x0], $0xffff  }
0x365: {  	v14 =	vor.u32 v0, v14  }
0x366: {  	v16 =	vld.idx.msk [tilespmem:v12+s8+$0x0], $0xffff;
	_ =	sdelay $0x1  }
0x367: {  	v17 =	vld.idx.msk [tilespmem:v13+s9+$0x0], $0xffff  }
0x368: {  	vm8 =	vne.s32 v15, v4  }
0x369: {  	v15 =	vld.idx.msk [tilespmem:v14+s10+$0x0], $0xffff  }
0x36a: {  	vm9 =	vne.s32 v16, v4;
	_ =	sdelay $0x1  }
0x36b: {  	vm10 =	vne.s32 v17, v4;
	_ =	sdelay $0x1  }
0x36c: {  	vm11 =	vne.s32 v15, v4;
	[tilespmem:v6+s11+$0x0] =	vst.idx.add.s32.msk vm8, v7  }
0x36d: {  	[tilespmem:v11+s7+$0x0] =	vst.idx.msk $0xffff, v4  }
0x36e: {  	v6 =	vor.u32 $0x18, v1;
	[tilespmem:v8+s11+$0x0] =	vst.idx.add.s32.msk vm9, v7  }
0x36f: {  	v6 =	vadd.s32 v6, v5;
	[tilespmem:v12+s8+$0x0] =	vst.idx.msk $0xffff, v4  }
0x370: {  	v8 =	vadd.s32 $0x1A8, v1;
	[tilespmem:v9+s11+$0x0] =	vst.idx.add.s32.msk vm10, v7  }
0x371: {  	v8 =	vadd.s32 v8, v5;
	[tilespmem:v13+s9+$0x0] =	vst.idx.msk $0xffff, v4  }
0x372: {  	v13 =	vadd.s32 $0x338, v1;
	[tilespmem:v10+s11+$0x0] =	vst.idx.add.s32.msk vm11, v7  }
0x373: {  	v9 =	vadd.s32 v13, v5;
	[tilespmem:v14+s10+$0x0] =	vst.idx.msk $0xffff, v4  }
0x374: {  	v15 =	vadd.s32 $0x4C8, v1;
	v6 =	vld.idx.msk [tilespmem:v6+s2+$0x0], $0xffff  }
0x375: {  	v10 =	vadd.s32 v15, v5  }
0x376: {  	v8 =	vld.idx.msk [tilespmem:v8+s2+$0x0], $0xffff;
	_ =	sdelay $0x1  }
0x377: {  	v9 =	vld.idx.msk [tilespmem:v9+s2+$0x0], $0xffff  }
0x378: {  	v12 =	vshll.u32 v6, $0x4  }
0x379: {  	v10 =	vld.idx.msk [tilespmem:v10+s2+$0x0], $0xffff;
	v11 =	vor.u32 v0, v12  }
0x37a: {  	v12 =	vshll.u32 v8, $0x4  }
0x37b: {  	v12 =	vor.u32 v0, v12  }
0x37c: {  	v13 =	vshll.u32 v9, $0x4  }
0x37d: {  	v13 =	vor.u32 v0, v13  }
0x37e: {  	v14 =	vshll.u32 v10, $0x4;
	v15 =	vld.idx.msk [tilespmem:v11+s7+$0x0], $0xffff  }
0x37f: {  	v14 =	vor.u32 v0, v14  }
0x380: {  	v16 =	vld.idx.msk [tilespmem:v12+s8+$0x0], $0xffff;
	_ =	sdelay $0x1  }
0x381: {  	v17 =	vld.idx.msk [tilespmem:v13+s9+$0x0], $0xffff  }
0x382: {  	vm12 =	vne.s32 v15, v4  }
0x383: {  	v15 =	vld.idx.msk [tilespmem:v14+s10+$0x0], $0xffff  }
0x384: {  	vm13 =	vne.s32 v16, v4;
	_ =	sdelay $0x1  }
0x385: {  	vm14 =	vne.s32 v17, v4;
	_ =	sdelay $0x1  }
0x386: {  	vm15 =	vne.s32 v15, v4;
	[tilespmem:v6+s11+$0x0] =	vst.idx.add.s32.msk vm12, v7  }
0x387: {  	[tilespmem:v11+s7+$0x0] =	vst.idx.msk $0xffff, v4  }
0x388: {  	v6 =	vor.u32 $0x19, v1;
	[tilespmem:v8+s11+$0x0] =	vst.idx.add.s32.msk vm13, v7  }
0x389: {  	v6 =	vadd.s32 v6, v5;
	[tilespmem:v12+s8+$0x0] =	vst.idx.msk $0xffff, v4  }
0x38a: {  	v8 =	vadd.s32 $0x1A9, v1;
	[tilespmem:v9+s11+$0x0] =	vst.idx.add.s32.msk vm14, v7  }
0x38b: {  	v8 =	vadd.s32 v8, v5;
	[tilespmem:v13+s9+$0x0] =	vst.idx.msk $0xffff, v4  }
0x38c: {  	v13 =	vadd.s32 $0x339, v1;
	[tilespmem:v10+s11+$0x0] =	vst.idx.add.s32.msk vm15, v7  }
0x38d: {  	v9 =	vadd.s32 v13, v5;
	[tilespmem:v14+s10+$0x0] =	vst.idx.msk $0xffff, v4  }
0x38e: {  	v15 =	vadd.s32 $0x4C9, v1;
	v6 =	vld.idx.msk [tilespmem:v6+s2+$0x0], $0xffff  }
0x38f: {  	v10 =	vadd.s32 v15, v5  }
0x390: {  	v8 =	vld.idx.msk [tilespmem:v8+s2+$0x0], $0xffff;
	_ =	sdelay $0x1  }
0x391: {  	v9 =	vld.idx.msk [tilespmem:v9+s2+$0x0], $0xffff  }
0x392: {  	v12 =	vshll.u32 v6, $0x4  }
0x393: {  	v10 =	vld.idx.msk [tilespmem:v10+s2+$0x0], $0xffff;
	v11 =	vor.u32 v0, v12  }
0x394: {  	v12 =	vshll.u32 v8, $0x4  }
0x395: {  	v12 =	vor.u32 v0, v12  }
0x396: {  	v13 =	vshll.u32 v9, $0x4  }
0x397: {  	v13 =	vor.u32 v0, v13  }
0x398: {  	v14 =	vshll.u32 v10, $0x4;
	v15 =	vld.idx.msk [tilespmem:v11+s7+$0x0], $0xffff  }
0x399: {  	v14 =	vor.u32 v0, v14  }
0x39a: {  	v16 =	vld.idx.msk [tilespmem:v12+s8+$0x0], $0xffff;
	_ =	sdelay $0x1  }
0x39b: {  	v17 =	vld.idx.msk [tilespmem:v13+s9+$0x0], $0xffff  }
0x39c: {  	vm6 =	vne.s32 v15, v4  }
0x39d: {  	v15 =	vld.idx.msk [tilespmem:v14+s10+$0x0], $0xffff  }
0x39e: {  	vm7 =	vne.s32 v16, v4;
	_ =	sdelay $0x1  }
0x39f: {  	vm8 =	vne.s32 v17, v4;
	_ =	sdelay $0x1  }
0x3a0: {  	vm9 =	vne.s32 v15, v4;
	[tilespmem:v6+s11+$0x0] =	vst.idx.add.s32.msk vm6, v7  }
0x3a1: {  	[tilespmem:v11+s7+$0x0] =	vst.idx.msk $0xffff, v4  }
0x3a2: {  	v6 =	vor.u32 $0x1A, v1;
	[tilespmem:v8+s11+$0x0] =	vst.idx.add.s32.msk vm7, v7  }
0x3a3: {  	v6 =	vadd.s32 v6, v5;
	[tilespmem:v12+s8+$0x0] =	vst.idx.msk $0xffff, v4  }
0x3a4: {  	v8 =	vadd.s32 $0x1AA, v1;
	[tilespmem:v9+s11+$0x0] =	vst.idx.add.s32.msk vm8, v7  }
0x3a5: {  	v8 =	vadd.s32 v8, v5;
	[tilespmem:v13+s9+$0x0] =	vst.idx.msk $0xffff, v4  }
0x3a6: {  	v13 =	vadd.s32 $0x33A, v1;
	[tilespmem:v10+s11+$0x0] =	vst.idx.add.s32.msk vm9, v7  }
0x3a7: {  	v9 =	vadd.s32 v13, v5;
	[tilespmem:v14+s10+$0x0] =	vst.idx.msk $0xffff, v4  }
0x3a8: {  	v15 =	vadd.s32 $0x4CA, v1;
	v6 =	vld.idx.msk [tilespmem:v6+s2+$0x0], $0xffff  }
0x3a9: {  	v10 =	vadd.s32 v15, v5  }
0x3aa: {  	v8 =	vld.idx.msk [tilespmem:v8+s2+$0x0], $0xffff;
	_ =	sdelay $0x1  }
0x3ab: {  	v9 =	vld.idx.msk [tilespmem:v9+s2+$0x0], $0xffff  }
0x3ac: {  	v12 =	vshll.u32 v6, $0x4  }
0x3ad: {  	v10 =	vld.idx.msk [tilespmem:v10+s2+$0x0], $0xffff;
	v11 =	vor.u32 v0, v12  }
0x3ae: {  	v12 =	vshll.u32 v8, $0x4  }
0x3af: {  	v12 =	vor.u32 v0, v12  }
0x3b0: {  	v13 =	vshll.u32 v9, $0x4  }
0x3b1: {  	v13 =	vor.u32 v0, v13  }
0x3b2: {  	v14 =	vshll.u32 v10, $0x4;
	v15 =	vld.idx.msk [tilespmem:v11+s7+$0x0], $0xffff  }
0x3b3: {  	v14 =	vor.u32 v0, v14  }
0x3b4: {  	v16 =	vld.idx.msk [tilespmem:v12+s8+$0x0], $0xffff;
	_ =	sdelay $0x1  }
0x3b5: {  	v17 =	vld.idx.msk [tilespmem:v13+s9+$0x0], $0xffff  }
0x3b6: {  	vm10 =	vne.s32 v15, v4  }
0x3b7: {  	v15 =	vld.idx.msk [tilespmem:v14+s10+$0x0], $0xffff  }
0x3b8: {  	vm11 =	vne.s32 v16, v4;
	_ =	sdelay $0x1  }
0x3b9: {  	vm12 =	vne.s32 v17, v4;
	_ =	sdelay $0x1  }
0x3ba: {  	vm13 =	vne.s32 v15, v4;
	[tilespmem:v6+s11+$0x0] =	vst.idx.add.s32.msk vm10, v7  }
0x3bb: {  	[tilespmem:v11+s7+$0x0] =	vst.idx.msk $0xffff, v4  }
0x3bc: {  	v6 =	vor.u32 $0x1B, v1;
	[tilespmem:v8+s11+$0x0] =	vst.idx.add.s32.msk vm11, v7  }
0x3bd: {  	v6 =	vadd.s32 v6, v5;
	[tilespmem:v12+s8+$0x0] =	vst.idx.msk $0xffff, v4  }
0x3be: {  	v8 =	vadd.s32 $0x1AB, v1;
	[tilespmem:v9+s11+$0x0] =	vst.idx.add.s32.msk vm12, v7  }
0x3bf: {  	v8 =	vadd.s32 v8, v5;
	[tilespmem:v13+s9+$0x0] =	vst.idx.msk $0xffff, v4  }
0x3c0: {  	v13 =	vadd.s32 $0x33B, v1;
	[tilespmem:v10+s11+$0x0] =	vst.idx.add.s32.msk vm13, v7  }
0x3c1: {  	v9 =	vadd.s32 v13, v5;
	[tilespmem:v14+s10+$0x0] =	vst.idx.msk $0xffff, v4  }
0x3c2: {  	v15 =	vadd.s32 $0x4CB, v1;
	v6 =	vld.idx.msk [tilespmem:v6+s2+$0x0], $0xffff  }
0x3c3: {  	v10 =	vadd.s32 v15, v5  }
0x3c4: {  	v8 =	vld.idx.msk [tilespmem:v8+s2+$0x0], $0xffff;
	_ =	sdelay $0x1  }
0x3c5: {  	v9 =	vld.idx.msk [tilespmem:v9+s2+$0x0], $0xffff  }
0x3c6: {  	v12 =	vshll.u32 v6, $0x4  }
0x3c7: {  	v10 =	vld.idx.msk [tilespmem:v10+s2+$0x0], $0xffff;
	v11 =	vor.u32 v0, v12  }
0x3c8: {  	v12 =	vshll.u32 v8, $0x4  }
0x3c9: {  	v12 =	vor.u32 v0, v12  }
0x3ca: {  	v13 =	vshll.u32 v9, $0x4  }
0x3cb: {  	v13 =	vor.u32 v0, v13  }
0x3cc: {  	v14 =	vshll.u32 v10, $0x4;
	v15 =	vld.idx.msk [tilespmem:v11+s7+$0x0], $0xffff  }
0x3cd: {  	v14 =	vor.u32 v0, v14  }
0x3ce: {  	v16 =	vld.idx.msk [tilespmem:v12+s8+$0x0], $0xffff;
	_ =	sdelay $0x1  }
0x3cf: {  	v17 =	vld.idx.msk [tilespmem:v13+s9+$0x0], $0xffff  }
0x3d0: {  	vm14 =	vne.s32 v15, v4  }
0x3d1: {  	v15 =	vld.idx.msk [tilespmem:v14+s10+$0x0], $0xffff  }
0x3d2: {  	vm15 =	vne.s32 v16, v4;
	_ =	sdelay $0x1  }
0x3d3: {  	vm6 =	vne.s32 v17, v4;
	_ =	sdelay $0x1  }
0x3d4: {  	vm7 =	vne.s32 v15, v4;
	[tilespmem:v6+s11+$0x0] =	vst.idx.add.s32.msk vm14, v7  }
0x3d5: {  	[tilespmem:v11+s7+$0x0] =	vst.idx.msk $0xffff, v4  }
0x3d6: {  	v6 =	vor.u32 $0x1C, v1;
	[tilespmem:v8+s11+$0x0] =	vst.idx.add.s32.msk vm15, v7  }
0x3d7: {  	v6 =	vadd.s32 v6, v5;
	[tilespmem:v12+s8+$0x0] =	vst.idx.msk $0xffff, v4  }
0x3d8: {  	v8 =	vadd.s32 $0x1AC, v1;
	[tilespmem:v9+s11+$0x0] =	vst.idx.add.s32.msk vm6, v7  }
0x3d9: {  	v8 =	vadd.s32 v8, v5;
	[tilespmem:v13+s9+$0x0] =	vst.idx.msk $0xffff, v4  }
0x3da: {  	v13 =	vadd.s32 $0x33C, v1;
	[tilespmem:v10+s11+$0x0] =	vst.idx.add.s32.msk vm7, v7  }
0x3db: {  	v9 =	vadd.s32 v13, v5;
	[tilespmem:v14+s10+$0x0] =	vst.idx.msk $0xffff, v4  }
0x3dc: {  	v15 =	vadd.s32 $0x4CC, v1;
	v6 =	vld.idx.msk [tilespmem:v6+s2+$0x0], $0xffff  }
0x3dd: {  	v10 =	vadd.s32 v15, v5  }
0x3de: {  	v8 =	vld.idx.msk [tilespmem:v8+s2+$0x0], $0xffff;
	_ =	sdelay $0x1  }
0x3df: {  	v9 =	vld.idx.msk [tilespmem:v9+s2+$0x0], $0xffff  }
0x3e0: {  	v12 =	vshll.u32 v6, $0x4  }
0x3e1: {  	v10 =	vld.idx.msk [tilespmem:v10+s2+$0x0], $0xffff;
	v11 =	vor.u32 v0, v12  }
0x3e2: {  	v12 =	vshll.u32 v8, $0x4  }
0x3e3: {  	v12 =	vor.u32 v0, v12  }
0x3e4: {  	v13 =	vshll.u32 v9, $0x4  }
0x3e5: {  	v13 =	vor.u32 v0, v13  }
0x3e6: {  	v14 =	vshll.u32 v10, $0x4;
	v15 =	vld.idx.msk [tilespmem:v11+s7+$0x0], $0xffff  }
0x3e7: {  	v14 =	vor.u32 v0, v14  }
0x3e8: {  	v16 =	vld.idx.msk [tilespmem:v12+s8+$0x0], $0xffff;
	_ =	sdelay $0x1  }
0x3e9: {  	v17 =	vld.idx.msk [tilespmem:v13+s9+$0x0], $0xffff  }
0x3ea: {  	vm8 =	vne.s32 v15, v4  }
0x3eb: {  	v15 =	vld.idx.msk [tilespmem:v14+s10+$0x0], $0xffff  }
0x3ec: {  	vm9 =	vne.s32 v16, v4;
	_ =	sdelay $0x1  }
0x3ed: {  	vm10 =	vne.s32 v17, v4;
	_ =	sdelay $0x1  }
0x3ee: {  	vm11 =	vne.s32 v15, v4;
	[tilespmem:v6+s11+$0x0] =	vst.idx.add.s32.msk vm8, v7  }
0x3ef: {  	[tilespmem:v11+s7+$0x0] =	vst.idx.msk $0xffff, v4  }
0x3f0: {  	v6 =	vor.u32 $0x1D, v1;
	[tilespmem:v8+s11+$0x0] =	vst.idx.add.s32.msk vm9, v7  }
0x3f1: {  	v6 =	vadd.s32 v6, v5;
	[tilespmem:v12+s8+$0x0] =	vst.idx.msk $0xffff, v4  }
0x3f2: {  	v8 =	vadd.s32 $0x1AD, v1;
	[tilespmem:v9+s11+$0x0] =	vst.idx.add.s32.msk vm10, v7  }
0x3f3: {  	v8 =	vadd.s32 v8, v5;
	[tilespmem:v13+s9+$0x0] =	vst.idx.msk $0xffff, v4  }
0x3f4: {  	v13 =	vadd.s32 $0x33D, v1;
	[tilespmem:v10+s11+$0x0] =	vst.idx.add.s32.msk vm11, v7  }
0x3f5: {  	v9 =	vadd.s32 v13, v5;
	[tilespmem:v14+s10+$0x0] =	vst.idx.msk $0xffff, v4  }
0x3f6: {  	v15 =	vadd.s32 $0x4CD, v1;
	v6 =	vld.idx.msk [tilespmem:v6+s2+$0x0], $0xffff  }
0x3f7: {  	v10 =	vadd.s32 v15, v5  }
0x3f8: {  	v8 =	vld.idx.msk [tilespmem:v8+s2+$0x0], $0xffff;
	_ =	sdelay $0x1  }
0x3f9: {  	v9 =	vld.idx.msk [tilespmem:v9+s2+$0x0], $0xffff  }
0x3fa: {  	v12 =	vshll.u32 v6, $0x4  }
0x3fb: {  	v10 =	vld.idx.msk [tilespmem:v10+s2+$0x0], $0xffff;
	v11 =	vor.u32 v0, v12  }
0x3fc: {  	v12 =	vshll.u32 v8, $0x4  }
0x3fd: {  	v12 =	vor.u32 v0, v12  }
0x3fe: {  	v13 =	vshll.u32 v9, $0x4  }
0x3ff: {  	v13 =	vor.u32 v0, v13  }
0x400: {  	v14 =	vshll.u32 v10, $0x4;
	v15 =	vld.idx.msk [tilespmem:v11+s7+$0x0], $0xffff  }
0x401: {  	v14 =	vor.u32 v0, v14  }
0x402: {  	v16 =	vld.idx.msk [tilespmem:v12+s8+$0x0], $0xffff;
	_ =	sdelay $0x1  }
0x403: {  	v17 =	vld.idx.msk [tilespmem:v13+s9+$0x0], $0xffff  }
0x404: {  	vm12 =	vne.s32 v15, v4  }
0x405: {  	v15 =	vld.idx.msk [tilespmem:v14+s10+$0x0], $0xffff  }
0x406: {  	vm13 =	vne.s32 v16, v4;
	_ =	sdelay $0x1  }
0x407: {  	vm14 =	vne.s32 v17, v4;
	_ =	sdelay $0x1  }
0x408: {  	vm15 =	vne.s32 v15, v4;
	[tilespmem:v6+s11+$0x0] =	vst.idx.add.s32.msk vm12, v7  }
0x409: {  	[tilespmem:v11+s7+$0x0] =	vst.idx.msk $0xffff, v4  }
0x40a: {  	v6 =	vor.u32 $0x1E, v1;
	[tilespmem:v8+s11+$0x0] =	vst.idx.add.s32.msk vm13, v7  }
0x40b: {  	v6 =	vadd.s32 v6, v5;
	[tilespmem:v12+s8+$0x0] =	vst.idx.msk $0xffff, v4  }
0x40c: {  	v8 =	vadd.s32 $0x1AE, v1;
	[tilespmem:v9+s11+$0x0] =	vst.idx.add.s32.msk vm14, v7  }
0x40d: {  	v8 =	vadd.s32 v8, v5;
	[tilespmem:v13+s9+$0x0] =	vst.idx.msk $0xffff, v4  }
0x40e: {  	v13 =	vadd.s32 $0x33E, v1;
	[tilespmem:v10+s11+$0x0] =	vst.idx.add.s32.msk vm15, v7  }
0x40f: {  	v9 =	vadd.s32 v13, v5;
	[tilespmem:v14+s10+$0x0] =	vst.idx.msk $0xffff, v4  }
0x410: {  	v15 =	vadd.s32 $0x4CE, v1;
	v6 =	vld.idx.msk [tilespmem:v6+s2+$0x0], $0xffff  }
0x411: {  	v10 =	vadd.s32 v15, v5  }
0x412: {  	v8 =	vld.idx.msk [tilespmem:v8+s2+$0x0], $0xffff;
	_ =	sdelay $0x1  }
0x413: {  	v9 =	vld.idx.msk [tilespmem:v9+s2+$0x0], $0xffff  }
0x414: {  	v12 =	vshll.u32 v6, $0x4  }
0x415: {  	v10 =	vld.idx.msk [tilespmem:v10+s2+$0x0], $0xffff;
	v11 =	vor.u32 v0, v12  }
0x416: {  	v12 =	vshll.u32 v8, $0x4  }
0x417: {  	v12 =	vor.u32 v0, v12  }
0x418: {  	v13 =	vshll.u32 v9, $0x4  }
0x419: {  	v13 =	vor.u32 v0, v13  }
0x41a: {  	v14 =	vshll.u32 v10, $0x4;
	v15 =	vld.idx.msk [tilespmem:v11+s7+$0x0], $0xffff  }
0x41b: {  	v14 =	vor.u32 v0, v14  }
0x41c: {  	v16 =	vld.idx.msk [tilespmem:v12+s8+$0x0], $0xffff;
	_ =	sdelay $0x1  }
0x41d: {  	v17 =	vld.idx.msk [tilespmem:v13+s9+$0x0], $0xffff  }
0x41e: {  	vm6 =	vne.s32 v15, v4  }
0x41f: {  	v15 =	vld.idx.msk [tilespmem:v14+s10+$0x0], $0xffff  }
0x420: {  	vm7 =	vne.s32 v16, v4;
	_ =	sdelay $0x1  }
0x421: {  	vm8 =	vne.s32 v17, v4;
	_ =	sdelay $0x1  }
0x422: {  	vm9 =	vne.s32 v15, v4;
	[tilespmem:v6+s11+$0x0] =	vst.idx.add.s32.msk vm6, v7  }
0x423: {  	[tilespmem:v11+s7+$0x0] =	vst.idx.msk $0xffff, v4  }
0x424: {  	v6 =	vor.u32 $0x1F, v1;
	[tilespmem:v8+s11+$0x0] =	vst.idx.add.s32.msk vm7, v7  }
0x425: {  	v6 =	vadd.s32 v6, v5;
	[tilespmem:v12+s8+$0x0] =	vst.idx.msk $0xffff, v4  }
0x426: {  	v8 =	vadd.s32 $0x1AF, v1;
	[tilespmem:v9+s11+$0x0] =	vst.idx.add.s32.msk vm8, v7  }
0x427: {  	v8 =	vadd.s32 v8, v5;
	[tilespmem:v13+s9+$0x0] =	vst.idx.msk $0xffff, v4  }
0x428: {  	v13 =	vadd.s32 $0x33F, v1;
	[tilespmem:v10+s11+$0x0] =	vst.idx.add.s32.msk vm9, v7  }
0x429: {  	v9 =	vadd.s32 v13, v5;
	[tilespmem:v14+s10+$0x0] =	vst.idx.msk $0xffff, v4  }
0x42a: {  	v15 =	vadd.s32 $0x4CF, v1;
	v6 =	vld.idx.msk [tilespmem:v6+s2+$0x0], $0xffff  }
0x42b: {  	v10 =	vadd.s32 v15, v5  }
0x42c: {  	v8 =	vld.idx.msk [tilespmem:v8+s2+$0x0], $0xffff;
	_ =	sdelay $0x1  }
0x42d: {  	v9 =	vld.idx.msk [tilespmem:v9+s2+$0x0], $0xffff  }
0x42e: {  	v12 =	vshll.u32 v6, $0x4  }
0x42f: {  	v10 =	vld.idx.msk [tilespmem:v10+s2+$0x0], $0xffff;
	v11 =	vor.u32 v0, v12  }
0x430: {  	v12 =	vshll.u32 v8, $0x4  }
0x431: {  	v12 =	vor.u32 v0, v12  }
0x432: {  	v13 =	vshll.u32 v9, $0x4  }
0x433: {  	v13 =	vor.u32 v0, v13  }
0x434: {  	v14 =	vshll.u32 v10, $0x4;
	v15 =	vld.idx.msk [tilespmem:v11+s7+$0x0], $0xffff  }
0x435: {  	v14 =	vor.u32 v0, v14  }
0x436: {  	v16 =	vld.idx.msk [tilespmem:v12+s8+$0x0], $0xffff;
	_ =	sdelay $0x1  }
0x437: {  	v17 =	vld.idx.msk [tilespmem:v13+s9+$0x0], $0xffff  }
0x438: {  	vm10 =	vne.s32 v15, v4  }
0x439: {  	v15 =	vld.idx.msk [tilespmem:v14+s10+$0x0], $0xffff  }
0x43a: {  	vm11 =	vne.s32 v16, v4;
	_ =	sdelay $0x1  }
0x43b: {  	vm12 =	vne.s32 v17, v4;
	_ =	sdelay $0x1  }
0x43c: {  	vm13 =	vne.s32 v15, v4;
	[tilespmem:v6+s11+$0x0] =	vst.idx.add.s32.msk vm10, v7  }
0x43d: {  	[tilespmem:v11+s7+$0x0] =	vst.idx.msk $0xffff, v4  }
0x43e: {  	v6 =	vor.u32 $0x20, v1;
	[tilespmem:v8+s11+$0x0] =	vst.idx.add.s32.msk vm11, v7  }
0x43f: {  	v6 =	vadd.s32 v6, v5;
	[tilespmem:v12+s8+$0x0] =	vst.idx.msk $0xffff, v4  }
0x440: {  	v8 =	vadd.s32 $0x1B0, v1;
	[tilespmem:v9+s11+$0x0] =	vst.idx.add.s32.msk vm12, v7  }
0x441: {  	v8 =	vadd.s32 v8, v5;
	[tilespmem:v13+s9+$0x0] =	vst.idx.msk $0xffff, v4  }
0x442: {  	v13 =	vadd.s32 $0x340, v1;
	[tilespmem:v10+s11+$0x0] =	vst.idx.add.s32.msk vm13, v7  }
0x443: {  	v9 =	vadd.s32 v13, v5;
	[tilespmem:v14+s10+$0x0] =	vst.idx.msk $0xffff, v4  }
0x444: {  	v15 =	vadd.s32 $0x4D0, v1;
	v6 =	vld.idx.msk [tilespmem:v6+s2+$0x0], $0xffff  }
0x445: {  	v10 =	vadd.s32 v15, v5  }
0x446: {  	v8 =	vld.idx.msk [tilespmem:v8+s2+$0x0], $0xffff;
	_ =	sdelay $0x1  }
0x447: {  	v9 =	vld.idx.msk [tilespmem:v9+s2+$0x0], $0xffff  }
0x448: {  	v12 =	vshll.u32 v6, $0x4  }
0x449: {  	v10 =	vld.idx.msk [tilespmem:v10+s2+$0x0], $0xffff;
	v11 =	vor.u32 v0, v12  }
0x44a: {  	v12 =	vshll.u32 v8, $0x4  }
0x44b: {  	v12 =	vor.u32 v0, v12  }
0x44c: {  	v13 =	vshll.u32 v9, $0x4  }
0x44d: {  	v13 =	vor.u32 v0, v13  }
0x44e: {  	v14 =	vshll.u32 v10, $0x4;
	v15 =	vld.idx.msk [tilespmem:v11+s7+$0x0], $0xffff  }
0x44f: {  	v14 =	vor.u32 v0, v14  }
0x450: {  	v16 =	vld.idx.msk [tilespmem:v12+s8+$0x0], $0xffff;
	_ =	sdelay $0x1  }
0x451: {  	v17 =	vld.idx.msk [tilespmem:v13+s9+$0x0], $0xffff  }
0x452: {  	vm14 =	vne.s32 v15, v4  }
0x453: {  	v15 =	vld.idx.msk [tilespmem:v14+s10+$0x0], $0xffff  }
0x454: {  	vm15 =	vne.s32 v16, v4;
	_ =	sdelay $0x1  }
0x455: {  	vm6 =	vne.s32 v17, v4;
	_ =	sdelay $0x1  }
0x456: {  	vm7 =	vne.s32 v15, v4;
	[tilespmem:v6+s11+$0x0] =	vst.idx.add.s32.msk vm14, v7  }
0x457: {  	[tilespmem:v11+s7+$0x0] =	vst.idx.msk $0xffff, v4  }
0x458: {  	v6 =	vor.u32 $0x21, v1;
	[tilespmem:v8+s11+$0x0] =	vst.idx.add.s32.msk vm15, v7  }
0x459: {  	v6 =	vadd.s32 v6, v5;
	[tilespmem:v12+s8+$0x0] =	vst.idx.msk $0xffff, v4  }
0x45a: {  	v8 =	vadd.s32 $0x1B1, v1;
	[tilespmem:v9+s11+$0x0] =	vst.idx.add.s32.msk vm6, v7  }
0x45b: {  	v8 =	vadd.s32 v8, v5;
	[tilespmem:v13+s9+$0x0] =	vst.idx.msk $0xffff, v4  }
0x45c: {  	v13 =	vadd.s32 $0x341, v1;
	[tilespmem:v10+s11+$0x0] =	vst.idx.add.s32.msk vm7, v7  }
0x45d: {  	v9 =	vadd.s32 v13, v5;
	[tilespmem:v14+s10+$0x0] =	vst.idx.msk $0xffff, v4  }
0x45e: {  	v15 =	vadd.s32 $0x4D1, v1;
	v6 =	vld.idx.msk [tilespmem:v6+s2+$0x0], $0xffff  }
0x45f: {  	v10 =	vadd.s32 v15, v5  }
0x460: {  	v8 =	vld.idx.msk [tilespmem:v8+s2+$0x0], $0xffff;
	_ =	sdelay $0x1  }
0x461: {  	v9 =	vld.idx.msk [tilespmem:v9+s2+$0x0], $0xffff  }
0x462: {  	v12 =	vshll.u32 v6, $0x4  }
0x463: {  	v10 =	vld.idx.msk [tilespmem:v10+s2+$0x0], $0xffff;
	v11 =	vor.u32 v0, v12  }
0x464: {  	v12 =	vshll.u32 v8, $0x4  }
0x465: {  	v12 =	vor.u32 v0, v12  }
0x466: {  	v13 =	vshll.u32 v9, $0x4  }
0x467: {  	v13 =	vor.u32 v0, v13  }
0x468: {  	v14 =	vshll.u32 v10, $0x4;
	v15 =	vld.idx.msk [tilespmem:v11+s7+$0x0], $0xffff  }
0x469: {  	v14 =	vor.u32 v0, v14  }
0x46a: {  	v16 =	vld.idx.msk [tilespmem:v12+s8+$0x0], $0xffff;
	_ =	sdelay $0x1  }
0x46b: {  	v17 =	vld.idx.msk [tilespmem:v13+s9+$0x0], $0xffff  }
0x46c: {  	vm8 =	vne.s32 v15, v4  }
0x46d: {  	v15 =	vld.idx.msk [tilespmem:v14+s10+$0x0], $0xffff  }
0x46e: {  	vm9 =	vne.s32 v16, v4;
	_ =	sdelay $0x1  }
0x46f: {  	vm10 =	vne.s32 v17, v4;
	_ =	sdelay $0x1  }
0x470: {  	vm11 =	vne.s32 v15, v4;
	[tilespmem:v6+s11+$0x0] =	vst.idx.add.s32.msk vm8, v7  }
0x471: {  	[tilespmem:v11+s7+$0x0] =	vst.idx.msk $0xffff, v4  }
0x472: {  	v6 =	vor.u32 $0x22, v1;
	[tilespmem:v8+s11+$0x0] =	vst.idx.add.s32.msk vm9, v7  }
0x473: {  	v6 =	vadd.s32 v6, v5;
	[tilespmem:v12+s8+$0x0] =	vst.idx.msk $0xffff, v4  }
0x474: {  	v8 =	vadd.s32 $0x1B2, v1;
	[tilespmem:v9+s11+$0x0] =	vst.idx.add.s32.msk vm10, v7  }
0x475: {  	v8 =	vadd.s32 v8, v5;
	[tilespmem:v13+s9+$0x0] =	vst.idx.msk $0xffff, v4  }
0x476: {  	v13 =	vadd.s32 $0x342, v1;
	[tilespmem:v10+s11+$0x0] =	vst.idx.add.s32.msk vm11, v7  }
0x477: {  	v9 =	vadd.s32 v13, v5;
	[tilespmem:v14+s10+$0x0] =	vst.idx.msk $0xffff, v4  }
0x478: {  	v15 =	vadd.s32 $0x4D2, v1;
	v6 =	vld.idx.msk [tilespmem:v6+s2+$0x0], $0xffff  }
0x479: {  	v10 =	vadd.s32 v15, v5  }
0x47a: {  	v8 =	vld.idx.msk [tilespmem:v8+s2+$0x0], $0xffff;
	_ =	sdelay $0x1  }
0x47b: {  	v9 =	vld.idx.msk [tilespmem:v9+s2+$0x0], $0xffff  }
0x47c: {  	v12 =	vshll.u32 v6, $0x4  }
0x47d: {  	v10 =	vld.idx.msk [tilespmem:v10+s2+$0x0], $0xffff;
	v11 =	vor.u32 v0, v12  }
0x47e: {  	v12 =	vshll.u32 v8, $0x4  }
0x47f: {  	v12 =	vor.u32 v0, v12  }
0x480: {  	v13 =	vshll.u32 v9, $0x4  }
0x481: {  	v13 =	vor.u32 v0, v13  }
0x482: {  	v14 =	vshll.u32 v10, $0x4;
	v15 =	vld.idx.msk [tilespmem:v11+s7+$0x0], $0xffff  }
0x483: {  	v14 =	vor.u32 v0, v14  }
0x484: {  	v16 =	vld.idx.msk [tilespmem:v12+s8+$0x0], $0xffff;
	_ =	sdelay $0x1  }
0x485: {  	v17 =	vld.idx.msk [tilespmem:v13+s9+$0x0], $0xffff  }
0x486: {  	vm12 =	vne.s32 v15, v4  }
0x487: {  	v15 =	vld.idx.msk [tilespmem:v14+s10+$0x0], $0xffff  }
0x488: {  	vm13 =	vne.s32 v16, v4;
	_ =	sdelay $0x1  }
0x489: {  	vm14 =	vne.s32 v17, v4;
	_ =	sdelay $0x1  }
0x48a: {  	vm15 =	vne.s32 v15, v4;
	[tilespmem:v6+s11+$0x0] =	vst.idx.add.s32.msk vm12, v7  }
0x48b: {  	[tilespmem:v11+s7+$0x0] =	vst.idx.msk $0xffff, v4  }
0x48c: {  	v6 =	vor.u32 $0x23, v1;
	[tilespmem:v8+s11+$0x0] =	vst.idx.add.s32.msk vm13, v7  }
0x48d: {  	v6 =	vadd.s32 v6, v5;
	[tilespmem:v12+s8+$0x0] =	vst.idx.msk $0xffff, v4  }
0x48e: {  	v8 =	vadd.s32 $0x1B3, v1;
	[tilespmem:v9+s11+$0x0] =	vst.idx.add.s32.msk vm14, v7  }
0x48f: {  	v8 =	vadd.s32 v8, v5;
	[tilespmem:v13+s9+$0x0] =	vst.idx.msk $0xffff, v4  }
0x490: {  	v13 =	vadd.s32 $0x343, v1;
	[tilespmem:v10+s11+$0x0] =	vst.idx.add.s32.msk vm15, v7  }
0x491: {  	v9 =	vadd.s32 v13, v5;
	[tilespmem:v14+s10+$0x0] =	vst.idx.msk $0xffff, v4  }
0x492: {  	v15 =	vadd.s32 $0x4D3, v1;
	v6 =	vld.idx.msk [tilespmem:v6+s2+$0x0], $0xffff  }
0x493: {  	v10 =	vadd.s32 v15, v5  }
0x494: {  	v8 =	vld.idx.msk [tilespmem:v8+s2+$0x0], $0xffff;
	_ =	sdelay $0x1  }
0x495: {  	v9 =	vld.idx.msk [tilespmem:v9+s2+$0x0], $0xffff  }
0x496: {  	v12 =	vshll.u32 v6, $0x4  }
0x497: {  	v10 =	vld.idx.msk [tilespmem:v10+s2+$0x0], $0xffff;
	v11 =	vor.u32 v0, v12  }
0x498: {  	v12 =	vshll.u32 v8, $0x4  }
0x499: {  	v12 =	vor.u32 v0, v12  }
0x49a: {  	v13 =	vshll.u32 v9, $0x4  }
0x49b: {  	v13 =	vor.u32 v0, v13  }
0x49c: {  	v14 =	vshll.u32 v10, $0x4;
	v15 =	vld.idx.msk [tilespmem:v11+s7+$0x0], $0xffff  }
0x49d: {  	v14 =	vor.u32 v0, v14  }
0x49e: {  	v16 =	vld.idx.msk [tilespmem:v12+s8+$0x0], $0xffff;
	_ =	sdelay $0x1  }
0x49f: {  	v17 =	vld.idx.msk [tilespmem:v13+s9+$0x0], $0xffff  }
0x4a0: {  	vm6 =	vne.s32 v15, v4  }
0x4a1: {  	v15 =	vld.idx.msk [tilespmem:v14+s10+$0x0], $0xffff  }
0x4a2: {  	vm7 =	vne.s32 v16, v4;
	_ =	sdelay $0x1  }
0x4a3: {  	vm8 =	vne.s32 v17, v4;
	_ =	sdelay $0x1  }
0x4a4: {  	vm9 =	vne.s32 v15, v4;
	[tilespmem:v6+s11+$0x0] =	vst.idx.add.s32.msk vm6, v7  }
0x4a5: {  	[tilespmem:v11+s7+$0x0] =	vst.idx.msk $0xffff, v4  }
0x4a6: {  	v6 =	vor.u32 $0x24, v1;
	[tilespmem:v8+s11+$0x0] =	vst.idx.add.s32.msk vm7, v7  }
0x4a7: {  	v6 =	vadd.s32 v6, v5;
	[tilespmem:v12+s8+$0x0] =	vst.idx.msk $0xffff, v4  }
0x4a8: {  	v8 =	vadd.s32 $0x1B4, v1;
	[tilespmem:v9+s11+$0x0] =	vst.idx.add.s32.msk vm8, v7  }
0x4a9: {  	v8 =	vadd.s32 v8, v5;
	[tilespmem:v13+s9+$0x0] =	vst.idx.msk $0xffff, v4  }
0x4aa: {  	v13 =	vadd.s32 $0x344, v1;
	[tilespmem:v10+s11+$0x0] =	vst.idx.add.s32.msk vm9, v7  }
0x4ab: {  	v9 =	vadd.s32 v13, v5;
	[tilespmem:v14+s10+$0x0] =	vst.idx.msk $0xffff, v4  }
0x4ac: {  	v15 =	vadd.s32 $0x4D4, v1;
	v6 =	vld.idx.msk [tilespmem:v6+s2+$0x0], $0xffff  }
0x4ad: {  	v10 =	vadd.s32 v15, v5  }
0x4ae: {  	v8 =	vld.idx.msk [tilespmem:v8+s2+$0x0], $0xffff;
	_ =	sdelay $0x1  }
0x4af: {  	v9 =	vld.idx.msk [tilespmem:v9+s2+$0x0], $0xffff  }
0x4b0: {  	v12 =	vshll.u32 v6, $0x4  }
0x4b1: {  	v10 =	vld.idx.msk [tilespmem:v10+s2+$0x0], $0xffff;
	v11 =	vor.u32 v0, v12  }
0x4b2: {  	v12 =	vshll.u32 v8, $0x4  }
0x4b3: {  	v12 =	vor.u32 v0, v12  }
0x4b4: {  	v13 =	vshll.u32 v9, $0x4  }
0x4b5: {  	v13 =	vor.u32 v0, v13  }
0x4b6: {  	v14 =	vshll.u32 v10, $0x4;
	v15 =	vld.idx.msk [tilespmem:v11+s7+$0x0], $0xffff  }
0x4b7: {  	v14 =	vor.u32 v0, v14  }
0x4b8: {  	v16 =	vld.idx.msk [tilespmem:v12+s8+$0x0], $0xffff;
	_ =	sdelay $0x1  }
0x4b9: {  	v17 =	vld.idx.msk [tilespmem:v13+s9+$0x0], $0xffff  }
0x4ba: {  	vm10 =	vne.s32 v15, v4  }
0x4bb: {  	v15 =	vld.idx.msk [tilespmem:v14+s10+$0x0], $0xffff  }
0x4bc: {  	vm11 =	vne.s32 v16, v4;
	_ =	sdelay $0x1  }
0x4bd: {  	vm12 =	vne.s32 v17, v4;
	_ =	sdelay $0x1  }
0x4be: {  	vm13 =	vne.s32 v15, v4;
	[tilespmem:v6+s11+$0x0] =	vst.idx.add.s32.msk vm10, v7  }
0x4bf: {  	[tilespmem:v11+s7+$0x0] =	vst.idx.msk $0xffff, v4  }
0x4c0: {  	v6 =	vor.u32 $0x25, v1;
	[tilespmem:v8+s11+$0x0] =	vst.idx.add.s32.msk vm11, v7  }
0x4c1: {  	v6 =	vadd.s32 v6, v5;
	[tilespmem:v12+s8+$0x0] =	vst.idx.msk $0xffff, v4  }
0x4c2: {  	v8 =	vadd.s32 $0x1B5, v1;
	[tilespmem:v9+s11+$0x0] =	vst.idx.add.s32.msk vm12, v7  }
0x4c3: {  	v8 =	vadd.s32 v8, v5;
	[tilespmem:v13+s9+$0x0] =	vst.idx.msk $0xffff, v4  }
0x4c4: {  	v13 =	vadd.s32 $0x345, v1;
	[tilespmem:v10+s11+$0x0] =	vst.idx.add.s32.msk vm13, v7  }
0x4c5: {  	v9 =	vadd.s32 v13, v5;
	[tilespmem:v14+s10+$0x0] =	vst.idx.msk $0xffff, v4  }
0x4c6: {  	v15 =	vadd.s32 $0x4D5, v1;
	v6 =	vld.idx.msk [tilespmem:v6+s2+$0x0], $0xffff  }
0x4c7: {  	v10 =	vadd.s32 v15, v5  }
0x4c8: {  	v8 =	vld.idx.msk [tilespmem:v8+s2+$0x0], $0xffff;
	_ =	sdelay $0x1  }
0x4c9: {  	v9 =	vld.idx.msk [tilespmem:v9+s2+$0x0], $0xffff  }
0x4ca: {  	v12 =	vshll.u32 v6, $0x4  }
0x4cb: {  	v10 =	vld.idx.msk [tilespmem:v10+s2+$0x0], $0xffff;
	v11 =	vor.u32 v0, v12  }
0x4cc: {  	v12 =	vshll.u32 v8, $0x4  }
0x4cd: {  	v12 =	vor.u32 v0, v12  }
0x4ce: {  	v13 =	vshll.u32 v9, $0x4  }
0x4cf: {  	v13 =	vor.u32 v0, v13  }
0x4d0: {  	v14 =	vshll.u32 v10, $0x4;
	v15 =	vld.idx.msk [tilespmem:v11+s7+$0x0], $0xffff  }
0x4d1: {  	v14 =	vor.u32 v0, v14  }
0x4d2: {  	v16 =	vld.idx.msk [tilespmem:v12+s8+$0x0], $0xffff;
	_ =	sdelay $0x1  }
0x4d3: {  	v17 =	vld.idx.msk [tilespmem:v13+s9+$0x0], $0xffff  }
0x4d4: {  	vm14 =	vne.s32 v15, v4  }
0x4d5: {  	v15 =	vld.idx.msk [tilespmem:v14+s10+$0x0], $0xffff  }
0x4d6: {  	vm15 =	vne.s32 v16, v4;
	_ =	sdelay $0x1  }
0x4d7: {  	vm6 =	vne.s32 v17, v4;
	_ =	sdelay $0x1  }
0x4d8: {  	vm7 =	vne.s32 v15, v4;
	[tilespmem:v6+s11+$0x0] =	vst.idx.add.s32.msk vm14, v7  }
0x4d9: {  	[tilespmem:v11+s7+$0x0] =	vst.idx.msk $0xffff, v4  }
0x4da: {  	v6 =	vor.u32 $0x26, v1;
	[tilespmem:v8+s11+$0x0] =	vst.idx.add.s32.msk vm15, v7  }
0x4db: {  	v6 =	vadd.s32 v6, v5;
	[tilespmem:v12+s8+$0x0] =	vst.idx.msk $0xffff, v4  }
0x4dc: {  	v8 =	vadd.s32 $0x1B6, v1;
	[tilespmem:v9+s11+$0x0] =	vst.idx.add.s32.msk vm6, v7  }
0x4dd: {  	v8 =	vadd.s32 v8, v5;
	[tilespmem:v13+s9+$0x0] =	vst.idx.msk $0xffff, v4  }
0x4de: {  	v13 =	vadd.s32 $0x346, v1;
	[tilespmem:v10+s11+$0x0] =	vst.idx.add.s32.msk vm7, v7  }
0x4df: {  	v9 =	vadd.s32 v13, v5;
	[tilespmem:v14+s10+$0x0] =	vst.idx.msk $0xffff, v4  }
0x4e0: {  	v15 =	vadd.s32 $0x4D6, v1;
	v6 =	vld.idx.msk [tilespmem:v6+s2+$0x0], $0xffff  }
0x4e1: {  	v10 =	vadd.s32 v15, v5  }
0x4e2: {  	v8 =	vld.idx.msk [tilespmem:v8+s2+$0x0], $0xffff;
	_ =	sdelay $0x1  }
0x4e3: {  	v9 =	vld.idx.msk [tilespmem:v9+s2+$0x0], $0xffff  }
0x4e4: {  	v12 =	vshll.u32 v6, $0x4  }
0x4e5: {  	v10 =	vld.idx.msk [tilespmem:v10+s2+$0x0], $0xffff;
	v11 =	vor.u32 v0, v12  }
0x4e6: {  	v12 =	vshll.u32 v8, $0x4  }
0x4e7: {  	v12 =	vor.u32 v0, v12  }
0x4e8: {  	v13 =	vshll.u32 v9, $0x4  }
0x4e9: {  	v13 =	vor.u32 v0, v13  }
0x4ea: {  	v14 =	vshll.u32 v10, $0x4;
	v15 =	vld.idx.msk [tilespmem:v11+s7+$0x0], $0xffff  }
0x4eb: {  	v14 =	vor.u32 v0, v14  }
0x4ec: {  	v16 =	vld.idx.msk [tilespmem:v12+s8+$0x0], $0xffff;
	_ =	sdelay $0x1  }
0x4ed: {  	v17 =	vld.idx.msk [tilespmem:v13+s9+$0x0], $0xffff  }
0x4ee: {  	vm8 =	vne.s32 v15, v4  }
0x4ef: {  	v15 =	vld.idx.msk [tilespmem:v14+s10+$0x0], $0xffff  }
0x4f0: {  	vm9 =	vne.s32 v16, v4;
	_ =	sdelay $0x1  }
0x4f1: {  	vm10 =	vne.s32 v17, v4;
	_ =	sdelay $0x1  }
0x4f2: {  	vm11 =	vne.s32 v15, v4;
	[tilespmem:v6+s11+$0x0] =	vst.idx.add.s32.msk vm8, v7  }
0x4f3: {  	[tilespmem:v11+s7+$0x0] =	vst.idx.msk $0xffff, v4  }
0x4f4: {  	v6 =	vor.u32 $0x27, v1;
	[tilespmem:v8+s11+$0x0] =	vst.idx.add.s32.msk vm9, v7  }
0x4f5: {  	v6 =	vadd.s32 v6, v5;
	[tilespmem:v12+s8+$0x0] =	vst.idx.msk $0xffff, v4  }
0x4f6: {  	v8 =	vadd.s32 $0x1B7, v1;
	[tilespmem:v9+s11+$0x0] =	vst.idx.add.s32.msk vm10, v7  }
0x4f7: {  	v8 =	vadd.s32 v8, v5;
	[tilespmem:v13+s9+$0x0] =	vst.idx.msk $0xffff, v4  }
0x4f8: {  	v13 =	vadd.s32 $0x347, v1;
	[tilespmem:v10+s11+$0x0] =	vst.idx.add.s32.msk vm11, v7  }
0x4f9: {  	v9 =	vadd.s32 v13, v5;
	[tilespmem:v14+s10+$0x0] =	vst.idx.msk $0xffff, v4  }
0x4fa: {  	v15 =	vadd.s32 $0x4D7, v1;
	v6 =	vld.idx.msk [tilespmem:v6+s2+$0x0], $0xffff  }
0x4fb: {  	v10 =	vadd.s32 v15, v5  }
0x4fc: {  	v8 =	vld.idx.msk [tilespmem:v8+s2+$0x0], $0xffff;
	_ =	sdelay $0x1  }
0x4fd: {  	v9 =	vld.idx.msk [tilespmem:v9+s2+$0x0], $0xffff  }
0x4fe: {  	v12 =	vshll.u32 v6, $0x4  }
0x4ff: {  	v10 =	vld.idx.msk [tilespmem:v10+s2+$0x0], $0xffff;
	v11 =	vor.u32 v0, v12  }
0x500: {  	v12 =	vshll.u32 v8, $0x4  }
0x501: {  	v12 =	vor.u32 v0, v12  }
0x502: {  	v13 =	vshll.u32 v9, $0x4  }
0x503: {  	v13 =	vor.u32 v0, v13  }
0x504: {  	v14 =	vshll.u32 v10, $0x4;
	v15 =	vld.idx.msk [tilespmem:v11+s7+$0x0], $0xffff  }
0x505: {  	v14 =	vor.u32 v0, v14  }
0x506: {  	v16 =	vld.idx.msk [tilespmem:v12+s8+$0x0], $0xffff;
	_ =	sdelay $0x1  }
0x507: {  	v17 =	vld.idx.msk [tilespmem:v13+s9+$0x0], $0xffff  }
0x508: {  	vm12 =	vne.s32 v15, v4  }
0x509: {  	v15 =	vld.idx.msk [tilespmem:v14+s10+$0x0], $0xffff  }
0x50a: {  	vm13 =	vne.s32 v16, v4;
	_ =	sdelay $0x1  }
0x50b: {  	vm14 =	vne.s32 v17, v4;
	_ =	sdelay $0x1  }
0x50c: {  	vm15 =	vne.s32 v15, v4;
	[tilespmem:v6+s11+$0x0] =	vst.idx.add.s32.msk vm12, v7  }
0x50d: {  	[tilespmem:v11+s7+$0x0] =	vst.idx.msk $0xffff, v4  }
0x50e: {  	v6 =	vor.u32 $0x28, v1;
	[tilespmem:v8+s11+$0x0] =	vst.idx.add.s32.msk vm13, v7  }
0x50f: {  	v6 =	vadd.s32 v6, v5;
	[tilespmem:v12+s8+$0x0] =	vst.idx.msk $0xffff, v4  }
0x510: {  	v8 =	vadd.s32 $0x1B8, v1;
	[tilespmem:v9+s11+$0x0] =	vst.idx.add.s32.msk vm14, v7  }
0x511: {  	v8 =	vadd.s32 v8, v5;
	[tilespmem:v13+s9+$0x0] =	vst.idx.msk $0xffff, v4  }
0x512: {  	v13 =	vadd.s32 $0x348, v1;
	[tilespmem:v10+s11+$0x0] =	vst.idx.add.s32.msk vm15, v7  }
0x513: {  	v9 =	vadd.s32 v13, v5;
	[tilespmem:v14+s10+$0x0] =	vst.idx.msk $0xffff, v4  }
0x514: {  	v15 =	vadd.s32 $0x4D8, v1;
	v6 =	vld.idx.msk [tilespmem:v6+s2+$0x0], $0xffff  }
0x515: {  	v10 =	vadd.s32 v15, v5  }
0x516: {  	v8 =	vld.idx.msk [tilespmem:v8+s2+$0x0], $0xffff;
	_ =	sdelay $0x1  }
0x517: {  	v9 =	vld.idx.msk [tilespmem:v9+s2+$0x0], $0xffff  }
0x518: {  	v12 =	vshll.u32 v6, $0x4  }
0x519: {  	v10 =	vld.idx.msk [tilespmem:v10+s2+$0x0], $0xffff;
	v11 =	vor.u32 v0, v12  }
0x51a: {  	v12 =	vshll.u32 v8, $0x4  }
0x51b: {  	v12 =	vor.u32 v0, v12  }
0x51c: {  	v13 =	vshll.u32 v9, $0x4  }
0x51d: {  	v13 =	vor.u32 v0, v13  }
0x51e: {  	v14 =	vshll.u32 v10, $0x4;
	v15 =	vld.idx.msk [tilespmem:v11+s7+$0x0], $0xffff  }
0x51f: {  	v14 =	vor.u32 v0, v14  }
0x520: {  	v16 =	vld.idx.msk [tilespmem:v12+s8+$0x0], $0xffff;
	_ =	sdelay $0x1  }
0x521: {  	v17 =	vld.idx.msk [tilespmem:v13+s9+$0x0], $0xffff  }
0x522: {  	vm6 =	vne.s32 v15, v4  }
0x523: {  	v15 =	vld.idx.msk [tilespmem:v14+s10+$0x0], $0xffff  }
0x524: {  	vm7 =	vne.s32 v16, v4;
	_ =	sdelay $0x1  }
0x525: {  	vm8 =	vne.s32 v17, v4;
	_ =	sdelay $0x1  }
0x526: {  	vm9 =	vne.s32 v15, v4;
	[tilespmem:v6+s11+$0x0] =	vst.idx.add.s32.msk vm6, v7  }
0x527: {  	[tilespmem:v11+s7+$0x0] =	vst.idx.msk $0xffff, v4  }
0x528: {  	v6 =	vor.u32 $0x29, v1;
	[tilespmem:v8+s11+$0x0] =	vst.idx.add.s32.msk vm7, v7  }
0x529: {  	v6 =	vadd.s32 v6, v5;
	[tilespmem:v12+s8+$0x0] =	vst.idx.msk $0xffff, v4  }
0x52a: {  	v8 =	vadd.s32 $0x1B9, v1;
	[tilespmem:v9+s11+$0x0] =	vst.idx.add.s32.msk vm8, v7  }
0x52b: {  	v8 =	vadd.s32 v8, v5;
	[tilespmem:v13+s9+$0x0] =	vst.idx.msk $0xffff, v4  }
0x52c: {  	v13 =	vadd.s32 $0x349, v1;
	[tilespmem:v10+s11+$0x0] =	vst.idx.add.s32.msk vm9, v7  }
0x52d: {  	v9 =	vadd.s32 v13, v5;
	[tilespmem:v14+s10+$0x0] =	vst.idx.msk $0xffff, v4  }
0x52e: {  	v15 =	vadd.s32 $0x4D9, v1;
	v6 =	vld.idx.msk [tilespmem:v6+s2+$0x0], $0xffff  }
0x52f: {  	v10 =	vadd.s32 v15, v5  }
0x530: {  	v8 =	vld.idx.msk [tilespmem:v8+s2+$0x0], $0xffff;
	_ =	sdelay $0x1  }
0x531: {  	v9 =	vld.idx.msk [tilespmem:v9+s2+$0x0], $0xffff  }
0x532: {  	v12 =	vshll.u32 v6, $0x4  }
0x533: {  	v10 =	vld.idx.msk [tilespmem:v10+s2+$0x0], $0xffff;
	v11 =	vor.u32 v0, v12  }
0x534: {  	v12 =	vshll.u32 v8, $0x4  }
0x535: {  	v12 =	vor.u32 v0, v12  }
0x536: {  	v13 =	vshll.u32 v9, $0x4  }
0x537: {  	v13 =	vor.u32 v0, v13  }
0x538: {  	v14 =	vshll.u32 v10, $0x4;
	v15 =	vld.idx.msk [tilespmem:v11+s7+$0x0], $0xffff  }
0x539: {  	v14 =	vor.u32 v0, v14  }
0x53a: {  	v16 =	vld.idx.msk [tilespmem:v12+s8+$0x0], $0xffff;
	_ =	sdelay $0x1  }
0x53b: {  	v17 =	vld.idx.msk [tilespmem:v13+s9+$0x0], $0xffff  }
0x53c: {  	vm10 =	vne.s32 v15, v4  }
0x53d: {  	v15 =	vld.idx.msk [tilespmem:v14+s10+$0x0], $0xffff  }
0x53e: {  	vm11 =	vne.s32 v16, v4;
	_ =	sdelay $0x1  }
0x53f: {  	vm12 =	vne.s32 v17, v4;
	_ =	sdelay $0x1  }
0x540: {  	vm13 =	vne.s32 v15, v4;
	[tilespmem:v6+s11+$0x0] =	vst.idx.add.s32.msk vm10, v7  }
0x541: {  	[tilespmem:v11+s7+$0x0] =	vst.idx.msk $0xffff, v4  }
0x542: {  	v6 =	vor.u32 $0x2A, v1;
	[tilespmem:v8+s11+$0x0] =	vst.idx.add.s32.msk vm11, v7  }
0x543: {  	v6 =	vadd.s32 v6, v5;
	[tilespmem:v12+s8+$0x0] =	vst.idx.msk $0xffff, v4  }
0x544: {  	v8 =	vadd.s32 $0x1BA, v1;
	[tilespmem:v9+s11+$0x0] =	vst.idx.add.s32.msk vm12, v7  }
0x545: {  	v8 =	vadd.s32 v8, v5;
	[tilespmem:v13+s9+$0x0] =	vst.idx.msk $0xffff, v4  }
0x546: {  	v13 =	vadd.s32 $0x34A, v1;
	[tilespmem:v10+s11+$0x0] =	vst.idx.add.s32.msk vm13, v7  }
0x547: {  	v9 =	vadd.s32 v13, v5;
	[tilespmem:v14+s10+$0x0] =	vst.idx.msk $0xffff, v4  }
0x548: {  	v15 =	vadd.s32 $0x4DA, v1;
	v6 =	vld.idx.msk [tilespmem:v6+s2+$0x0], $0xffff  }
0x549: {  	v10 =	vadd.s32 v15, v5  }
0x54a: {  	v8 =	vld.idx.msk [tilespmem:v8+s2+$0x0], $0xffff;
	_ =	sdelay $0x1  }
0x54b: {  	v9 =	vld.idx.msk [tilespmem:v9+s2+$0x0], $0xffff  }
0x54c: {  	v12 =	vshll.u32 v6, $0x4  }
0x54d: {  	v10 =	vld.idx.msk [tilespmem:v10+s2+$0x0], $0xffff;
	v11 =	vor.u32 v0, v12  }
0x54e: {  	v12 =	vshll.u32 v8, $0x4  }
0x54f: {  	v12 =	vor.u32 v0, v12  }
0x550: {  	v13 =	vshll.u32 v9, $0x4  }
0x551: {  	v13 =	vor.u32 v0, v13  }
0x552: {  	v14 =	vshll.u32 v10, $0x4;
	v15 =	vld.idx.msk [tilespmem:v11+s7+$0x0], $0xffff  }
0x553: {  	v14 =	vor.u32 v0, v14  }
0x554: {  	v16 =	vld.idx.msk [tilespmem:v12+s8+$0x0], $0xffff;
	_ =	sdelay $0x1  }
0x555: {  	v17 =	vld.idx.msk [tilespmem:v13+s9+$0x0], $0xffff  }
0x556: {  	vm14 =	vne.s32 v15, v4  }
0x557: {  	v15 =	vld.idx.msk [tilespmem:v14+s10+$0x0], $0xffff  }
0x558: {  	vm15 =	vne.s32 v16, v4;
	_ =	sdelay $0x1  }
0x559: {  	vm6 =	vne.s32 v17, v4;
	_ =	sdelay $0x1  }
0x55a: {  	vm7 =	vne.s32 v15, v4;
	[tilespmem:v6+s11+$0x0] =	vst.idx.add.s32.msk vm14, v7  }
0x55b: {  	[tilespmem:v11+s7+$0x0] =	vst.idx.msk $0xffff, v4  }
0x55c: {  	v6 =	vor.u32 $0x2B, v1;
	[tilespmem:v8+s11+$0x0] =	vst.idx.add.s32.msk vm15, v7  }
0x55d: {  	v6 =	vadd.s32 v6, v5;
	[tilespmem:v12+s8+$0x0] =	vst.idx.msk $0xffff, v4  }
0x55e: {  	v8 =	vadd.s32 $0x1BB, v1;
	[tilespmem:v9+s11+$0x0] =	vst.idx.add.s32.msk vm6, v7  }
0x55f: {  	v8 =	vadd.s32 v8, v5;
	[tilespmem:v13+s9+$0x0] =	vst.idx.msk $0xffff, v4  }
0x560: {  	v13 =	vadd.s32 $0x34B, v1;
	[tilespmem:v10+s11+$0x0] =	vst.idx.add.s32.msk vm7, v7  }
0x561: {  	v9 =	vadd.s32 v13, v5;
	[tilespmem:v14+s10+$0x0] =	vst.idx.msk $0xffff, v4  }
0x562: {  	v15 =	vadd.s32 $0x4DB, v1;
	v6 =	vld.idx.msk [tilespmem:v6+s2+$0x0], $0xffff  }
0x563: {  	v10 =	vadd.s32 v15, v5  }
0x564: {  	v8 =	vld.idx.msk [tilespmem:v8+s2+$0x0], $0xffff;
	_ =	sdelay $0x1  }
0x565: {  	v9 =	vld.idx.msk [tilespmem:v9+s2+$0x0], $0xffff  }
0x566: {  	v12 =	vshll.u32 v6, $0x4  }
0x567: {  	v10 =	vld.idx.msk [tilespmem:v10+s2+$0x0], $0xffff;
	v11 =	vor.u32 v0, v12  }
0x568: {  	v12 =	vshll.u32 v8, $0x4  }
0x569: {  	v12 =	vor.u32 v0, v12  }
0x56a: {  	v13 =	vshll.u32 v9, $0x4  }
0x56b: {  	v13 =	vor.u32 v0, v13  }
0x56c: {  	v14 =	vshll.u32 v10, $0x4;
	v15 =	vld.idx.msk [tilespmem:v11+s7+$0x0], $0xffff  }
0x56d: {  	v14 =	vor.u32 v0, v14  }
0x56e: {  	v16 =	vld.idx.msk [tilespmem:v12+s8+$0x0], $0xffff;
	_ =	sdelay $0x1  }
0x56f: {  	v17 =	vld.idx.msk [tilespmem:v13+s9+$0x0], $0xffff  }
0x570: {  	vm8 =	vne.s32 v15, v4  }
0x571: {  	v15 =	vld.idx.msk [tilespmem:v14+s10+$0x0], $0xffff  }
0x572: {  	vm9 =	vne.s32 v16, v4;
	_ =	sdelay $0x1  }
0x573: {  	vm10 =	vne.s32 v17, v4;
	_ =	sdelay $0x1  }
0x574: {  	vm11 =	vne.s32 v15, v4;
	[tilespmem:v6+s11+$0x0] =	vst.idx.add.s32.msk vm8, v7  }
0x575: {  	[tilespmem:v11+s7+$0x0] =	vst.idx.msk $0xffff, v4  }
0x576: {  	v6 =	vor.u32 $0x2C, v1;
	[tilespmem:v8+s11+$0x0] =	vst.idx.add.s32.msk vm9, v7  }
0x577: {  	v6 =	vadd.s32 v6, v5;
	[tilespmem:v12+s8+$0x0] =	vst.idx.msk $0xffff, v4  }
0x578: {  	v8 =	vadd.s32 $0x1BC, v1;
	[tilespmem:v9+s11+$0x0] =	vst.idx.add.s32.msk vm10, v7  }
0x579: {  	v8 =	vadd.s32 v8, v5;
	[tilespmem:v13+s9+$0x0] =	vst.idx.msk $0xffff, v4  }
0x57a: {  	v13 =	vadd.s32 $0x34C, v1;
	[tilespmem:v10+s11+$0x0] =	vst.idx.add.s32.msk vm11, v7  }
0x57b: {  	v9 =	vadd.s32 v13, v5;
	[tilespmem:v14+s10+$0x0] =	vst.idx.msk $0xffff, v4  }
0x57c: {  	v15 =	vadd.s32 $0x4DC, v1;
	v6 =	vld.idx.msk [tilespmem:v6+s2+$0x0], $0xffff  }
0x57d: {  	v10 =	vadd.s32 v15, v5  }
0x57e: {  	v8 =	vld.idx.msk [tilespmem:v8+s2+$0x0], $0xffff;
	_ =	sdelay $0x1  }
0x57f: {  	v9 =	vld.idx.msk [tilespmem:v9+s2+$0x0], $0xffff  }
0x580: {  	v12 =	vshll.u32 v6, $0x4  }
0x581: {  	v10 =	vld.idx.msk [tilespmem:v10+s2+$0x0], $0xffff;
	v11 =	vor.u32 v0, v12  }
0x582: {  	v12 =	vshll.u32 v8, $0x4  }
0x583: {  	v12 =	vor.u32 v0, v12  }
0x584: {  	v13 =	vshll.u32 v9, $0x4  }
0x585: {  	v13 =	vor.u32 v0, v13  }
0x586: {  	v14 =	vshll.u32 v10, $0x4;
	v15 =	vld.idx.msk [tilespmem:v11+s7+$0x0], $0xffff  }
0x587: {  	v14 =	vor.u32 v0, v14  }
0x588: {  	v16 =	vld.idx.msk [tilespmem:v12+s8+$0x0], $0xffff;
	_ =	sdelay $0x1  }
0x589: {  	v17 =	vld.idx.msk [tilespmem:v13+s9+$0x0], $0xffff  }
0x58a: {  	vm12 =	vne.s32 v15, v4  }
0x58b: {  	v15 =	vld.idx.msk [tilespmem:v14+s10+$0x0], $0xffff  }
0x58c: {  	vm13 =	vne.s32 v16, v4;
	_ =	sdelay $0x1  }
0x58d: {  	vm14 =	vne.s32 v17, v4;
	_ =	sdelay $0x1  }
0x58e: {  	vm15 =	vne.s32 v15, v4;
	[tilespmem:v6+s11+$0x0] =	vst.idx.add.s32.msk vm12, v7  }
0x58f: {  	[tilespmem:v11+s7+$0x0] =	vst.idx.msk $0xffff, v4  }
0x590: {  	v6 =	vor.u32 $0x2D, v1;
	[tilespmem:v8+s11+$0x0] =	vst.idx.add.s32.msk vm13, v7  }
0x591: {  	v6 =	vadd.s32 v6, v5;
	[tilespmem:v12+s8+$0x0] =	vst.idx.msk $0xffff, v4  }
0x592: {  	v8 =	vadd.s32 $0x1BD, v1;
	[tilespmem:v9+s11+$0x0] =	vst.idx.add.s32.msk vm14, v7  }
0x593: {  	v8 =	vadd.s32 v8, v5;
	[tilespmem:v13+s9+$0x0] =	vst.idx.msk $0xffff, v4  }
0x594: {  	v13 =	vadd.s32 $0x34D, v1;
	[tilespmem:v10+s11+$0x0] =	vst.idx.add.s32.msk vm15, v7  }
0x595: {  	v9 =	vadd.s32 v13, v5;
	[tilespmem:v14+s10+$0x0] =	vst.idx.msk $0xffff, v4  }
0x596: {  	v15 =	vadd.s32 $0x4DD, v1;
	v6 =	vld.idx.msk [tilespmem:v6+s2+$0x0], $0xffff  }
0x597: {  	v10 =	vadd.s32 v15, v5  }
0x598: {  	v8 =	vld.idx.msk [tilespmem:v8+s2+$0x0], $0xffff;
	_ =	sdelay $0x1  }
0x599: {  	v9 =	vld.idx.msk [tilespmem:v9+s2+$0x0], $0xffff  }
0x59a: {  	v12 =	vshll.u32 v6, $0x4  }
0x59b: {  	v10 =	vld.idx.msk [tilespmem:v10+s2+$0x0], $0xffff;
	v11 =	vor.u32 v0, v12  }
0x59c: {  	v12 =	vshll.u32 v8, $0x4  }
0x59d: {  	v12 =	vor.u32 v0, v12  }
0x59e: {  	v13 =	vshll.u32 v9, $0x4  }
0x59f: {  	v13 =	vor.u32 v0, v13  }
0x5a0: {  	v14 =	vshll.u32 v10, $0x4;
	v15 =	vld.idx.msk [tilespmem:v11+s7+$0x0], $0xffff  }
0x5a1: {  	v14 =	vor.u32 v0, v14  }
0x5a2: {  	v16 =	vld.idx.msk [tilespmem:v12+s8+$0x0], $0xffff;
	_ =	sdelay $0x1  }
0x5a3: {  	v17 =	vld.idx.msk [tilespmem:v13+s9+$0x0], $0xffff  }
0x5a4: {  	vm6 =	vne.s32 v15, v4  }
0x5a5: {  	v15 =	vld.idx.msk [tilespmem:v14+s10+$0x0], $0xffff  }
0x5a6: {  	vm7 =	vne.s32 v16, v4;
	_ =	sdelay $0x1  }
0x5a7: {  	vm8 =	vne.s32 v17, v4;
	_ =	sdelay $0x1  }
0x5a8: {  	vm9 =	vne.s32 v15, v4;
	[tilespmem:v6+s11+$0x0] =	vst.idx.add.s32.msk vm6, v7  }
0x5a9: {  	[tilespmem:v11+s7+$0x0] =	vst.idx.msk $0xffff, v4  }
0x5aa: {  	v6 =	vor.u32 $0x2E, v1;
	[tilespmem:v8+s11+$0x0] =	vst.idx.add.s32.msk vm7, v7  }
0x5ab: {  	v6 =	vadd.s32 v6, v5;
	[tilespmem:v12+s8+$0x0] =	vst.idx.msk $0xffff, v4  }
0x5ac: {  	v8 =	vadd.s32 $0x1BE, v1;
	[tilespmem:v9+s11+$0x0] =	vst.idx.add.s32.msk vm8, v7  }
0x5ad: {  	v8 =	vadd.s32 v8, v5;
	[tilespmem:v13+s9+$0x0] =	vst.idx.msk $0xffff, v4  }
0x5ae: {  	v13 =	vadd.s32 $0x34E, v1;
	[tilespmem:v10+s11+$0x0] =	vst.idx.add.s32.msk vm9, v7  }
0x5af: {  	v9 =	vadd.s32 v13, v5;
	[tilespmem:v14+s10+$0x0] =	vst.idx.msk $0xffff, v4  }
0x5b0: {  	v15 =	vadd.s32 $0x4DE, v1;
	v6 =	vld.idx.msk [tilespmem:v6+s2+$0x0], $0xffff  }
0x5b1: {  	v10 =	vadd.s32 v15, v5  }
0x5b2: {  	v8 =	vld.idx.msk [tilespmem:v8+s2+$0x0], $0xffff;
	_ =	sdelay $0x1  }
0x5b3: {  	v9 =	vld.idx.msk [tilespmem:v9+s2+$0x0], $0xffff  }
0x5b4: {  	v12 =	vshll.u32 v6, $0x4  }
0x5b5: {  	v10 =	vld.idx.msk [tilespmem:v10+s2+$0x0], $0xffff;
	v11 =	vor.u32 v0, v12  }
0x5b6: {  	v12 =	vshll.u32 v8, $0x4  }
0x5b7: {  	v12 =	vor.u32 v0, v12  }
0x5b8: {  	v13 =	vshll.u32 v9, $0x4  }
0x5b9: {  	v13 =	vor.u32 v0, v13  }
0x5ba: {  	v14 =	vshll.u32 v10, $0x4;
	v15 =	vld.idx.msk [tilespmem:v11+s7+$0x0], $0xffff  }
0x5bb: {  	v14 =	vor.u32 v0, v14  }
0x5bc: {  	v16 =	vld.idx.msk [tilespmem:v12+s8+$0x0], $0xffff;
	_ =	sdelay $0x1  }
0x5bd: {  	v17 =	vld.idx.msk [tilespmem:v13+s9+$0x0], $0xffff  }
0x5be: {  	vm10 =	vne.s32 v15, v4  }
0x5bf: {  	v15 =	vld.idx.msk [tilespmem:v14+s10+$0x0], $0xffff  }
0x5c0: {  	vm11 =	vne.s32 v16, v4;
	_ =	sdelay $0x1  }
0x5c1: {  	vm12 =	vne.s32 v17, v4;
	_ =	sdelay $0x1  }
0x5c2: {  	vm13 =	vne.s32 v15, v4;
	[tilespmem:v6+s11+$0x0] =	vst.idx.add.s32.msk vm10, v7  }
0x5c3: {  	[tilespmem:v11+s7+$0x0] =	vst.idx.msk $0xffff, v4  }
0x5c4: {  	v6 =	vor.u32 $0x2F, v1;
	[tilespmem:v8+s11+$0x0] =	vst.idx.add.s32.msk vm11, v7  }
0x5c5: {  	v6 =	vadd.s32 v6, v5;
	[tilespmem:v12+s8+$0x0] =	vst.idx.msk $0xffff, v4  }
0x5c6: {  	v8 =	vadd.s32 $0x1BF, v1;
	[tilespmem:v9+s11+$0x0] =	vst.idx.add.s32.msk vm12, v7  }
0x5c7: {  	v8 =	vadd.s32 v8, v5;
	[tilespmem:v13+s9+$0x0] =	vst.idx.msk $0xffff, v4  }
0x5c8: {  	v13 =	vadd.s32 $0x34F, v1;
	[tilespmem:v10+s11+$0x0] =	vst.idx.add.s32.msk vm13, v7  }
0x5c9: {  	v9 =	vadd.s32 v13, v5;
	[tilespmem:v14+s10+$0x0] =	vst.idx.msk $0xffff, v4  }
0x5ca: {  	v15 =	vadd.s32 $0x4DF, v1;
	v6 =	vld.idx.msk [tilespmem:v6+s2+$0x0], $0xffff  }
0x5cb: {  	v10 =	vadd.s32 v15, v5  }
0x5cc: {  	v8 =	vld.idx.msk [tilespmem:v8+s2+$0x0], $0xffff;
	_ =	sdelay $0x1  }
0x5cd: {  	v9 =	vld.idx.msk [tilespmem:v9+s2+$0x0], $0xffff  }
0x5ce: {  	v12 =	vshll.u32 v6, $0x4  }
0x5cf: {  	v10 =	vld.idx.msk [tilespmem:v10+s2+$0x0], $0xffff;
	v11 =	vor.u32 v0, v12  }
0x5d0: {  	v12 =	vshll.u32 v8, $0x4  }
0x5d1: {  	v12 =	vor.u32 v0, v12  }
0x5d2: {  	v13 =	vshll.u32 v9, $0x4  }
0x5d3: {  	v13 =	vor.u32 v0, v13  }
0x5d4: {  	v14 =	vshll.u32 v10, $0x4;
	v15 =	vld.idx.msk [tilespmem:v11+s7+$0x0], $0xffff  }
0x5d5: {  	v14 =	vor.u32 v0, v14  }
0x5d6: {  	v16 =	vld.idx.msk [tilespmem:v12+s8+$0x0], $0xffff;
	_ =	sdelay $0x1  }
0x5d7: {  	v17 =	vld.idx.msk [tilespmem:v13+s9+$0x0], $0xffff  }
0x5d8: {  	vm14 =	vne.s32 v15, v4  }
0x5d9: {  	v15 =	vld.idx.msk [tilespmem:v14+s10+$0x0], $0xffff  }
0x5da: {  	vm15 =	vne.s32 v16, v4;
	_ =	sdelay $0x1  }
0x5db: {  	vm6 =	vne.s32 v17, v4;
	_ =	sdelay $0x1  }
0x5dc: {  	vm7 =	vne.s32 v15, v4;
	[tilespmem:v6+s11+$0x0] =	vst.idx.add.s32.msk vm14, v7  }
0x5dd: {  	[tilespmem:v11+s7+$0x0] =	vst.idx.msk $0xffff, v4  }
0x5de: {  	v6 =	vor.u32 $0x30, v1;
	[tilespmem:v8+s11+$0x0] =	vst.idx.add.s32.msk vm15, v7  }
0x5df: {  	v6 =	vadd.s32 v6, v5;
	[tilespmem:v12+s8+$0x0] =	vst.idx.msk $0xffff, v4  }
0x5e0: {  	v8 =	vadd.s32 $0x1C0, v1;
	[tilespmem:v9+s11+$0x0] =	vst.idx.add.s32.msk vm6, v7  }
0x5e1: {  	v8 =	vadd.s32 v8, v5;
	[tilespmem:v13+s9+$0x0] =	vst.idx.msk $0xffff, v4  }
0x5e2: {  	v13 =	vadd.s32 $0x350, v1;
	[tilespmem:v10+s11+$0x0] =	vst.idx.add.s32.msk vm7, v7  }
0x5e3: {  	v9 =	vadd.s32 v13, v5;
	[tilespmem:v14+s10+$0x0] =	vst.idx.msk $0xffff, v4  }
0x5e4: {  	v14 =	vadd.s32 $0x4E0, v1;
	v6 =	vld.idx.msk [tilespmem:v6+s2+$0x0], $0xffff  }
0x5e5: {  	v10 =	vadd.s32 v14, v5  }
0x5e6: {  	v8 =	vld.idx.msk [tilespmem:v8+s2+$0x0], $0xffff;
	_ =	sdelay $0x1  }
0x5e7: {  	v9 =	vld.idx.msk [tilespmem:v9+s2+$0x0], $0xffff  }
0x5e8: {  	v15 =	vshll.u32 v6, $0x4  }
0x5e9: {  	v10 =	vld.idx.msk [tilespmem:v10+s2+$0x0], $0xffff;
	v11 =	vor.u32 v0, v15  }
0x5ea: {  	v12 =	vshll.u32 v8, $0x4  }
0x5eb: {  	v12 =	vor.u32 v0, v12  }
0x5ec: {  	v13 =	vshll.u32 v9, $0x4  }
0x5ed: {  	v13 =	vor.u32 v0, v13  }
0x5ee: {  	v14 =	vshll.u32 v10, $0x4;
	v15 =	vld.idx.msk [tilespmem:v11+s7+$0x0], $0xffff  }
0x5ef: {  	v14 =	vor.u32 v0, v14  }
0x5f0: {  	v16 =	vld.idx.msk [tilespmem:v12+s8+$0x0], $0xffff;
	_ =	sdelay $0x1  }
0x5f1: {  	v17 =	vld.idx.msk [tilespmem:v13+s9+$0x0], $0xffff  }
0x5f2: {  	vm8 =	vne.s32 v15, v4  }
0x5f3: {  	v15 =	vld.idx.msk [tilespmem:v14+s10+$0x0], $0xffff  }
0x5f4: {  	vm9 =	vne.s32 v16, v4;
	_ =	sdelay $0x1  }
0x5f5: {  	vm10 =	vne.s32 v17, v4;
	_ =	sdelay $0x1  }
0x5f6: {  	vm11 =	vne.s32 v15, v4;
	[tilespmem:v6+s11+$0x0] =	vst.idx.add.s32.msk vm8, v7  }
0x5f7: {  	[tilespmem:v11+s7+$0x0] =	vst.idx.msk $0xffff, v4  }
0x5f8: {  	v6 =	vor.u32 $0x31, v1;
	[tilespmem:v8+s11+$0x0] =	vst.idx.add.s32.msk vm9, v7  }
0x5f9: {  	v6 =	vadd.s32 v6, v5;
	[tilespmem:v12+s8+$0x0] =	vst.idx.msk $0xffff, v4  }
0x5fa: {  	v8 =	vadd.s32 $0x1C1, v1;
	[tilespmem:v9+s11+$0x0] =	vst.idx.add.s32.msk vm10, v7  }
0x5fb: {  	v8 =	vadd.s32 v8, v5;
	[tilespmem:v13+s9+$0x0] =	vst.idx.msk $0xffff, v4  }
0x5fc: {  	v12 =	vadd.s32 $0x351, v1;
	[tilespmem:v10+s11+$0x0] =	vst.idx.add.s32.msk vm11, v7  }
0x5fd: {  	v9 =	vadd.s32 v12, v5;
	[tilespmem:v14+s10+$0x0] =	vst.idx.msk $0xffff, v4  }
0x5fe: {  	v13 =	vadd.s32 $0x4E1, v1;
	v6 =	vld.idx.msk [tilespmem:v6+s2+$0x0], $0xffff  }
0x5ff: {  	v5 =	vadd.s32 v13, v5  }
0x600: {  	v8 =	vld.idx.msk [tilespmem:v8+s2+$0x0], $0xffff;
	_ =	sdelay $0x1  }
0x601: {  	v9 =	vld.idx.msk [tilespmem:v9+s2+$0x0], $0xffff  }
0x602: {  	v14 =	vshll.u32 v6, $0x4  }
0x603: {  	v5 =	vld.idx.msk [tilespmem:v5+s2+$0x0], $0xffff;
	v10 =	vor.u32 v0, v14  }
0x604: {  	v15 =	vshll.u32 v8, $0x4  }
0x605: {  	v11 =	vor.u32 v0, v15  }
0x606: {  	v12 =	vshll.u32 v9, $0x4  }
0x607: {  	v12 =	vor.u32 v0, v12  }
0x608: {  	v13 =	vshll.u32 v5, $0x4;
	v14 =	vld.idx.msk [tilespmem:v10+s7+$0x0], $0xffff  }
0x609: {  	v13 =	vor.u32 v0, v13  }
0x60a: {  	v15 =	vld.idx.msk [tilespmem:v11+s8+$0x0], $0xffff;
	_ =	sdelay $0x1  }
0x60b: {  	v16 =	vld.idx.msk [tilespmem:v12+s9+$0x0], $0xffff  }
0x60c: {  	vm12 =	vne.s32 v14, v4  }
0x60d: {  	v14 =	vld.idx.msk [tilespmem:v13+s10+$0x0], $0xffff  }
0x60e: {  	vm13 =	vne.s32 v15, v4;
	_ =	sdelay $0x1  }
0x60f: {  	vm14 =	vne.s32 v16, v4;
	_ =	sdelay $0x1  }
0x610: {  	vm15 =	vne.s32 v14, v4;
	[tilespmem:v6+s11+$0x0] =	vst.idx.add.s32.msk vm12, v7  }
0x611: {  	[tilespmem:v10+s7+$0x0] =	vst.idx.msk $0xffff, v4  }
0x612: {  	p0 =	sne.s32 s16, $0x7;
	[tilespmem:v8+s11+$0x0] =	vst.idx.add.s32.msk vm13, v7  }
.Ltmp1:
0x613: {  	[tilespmem:v11+s8+$0x0] =	vst.idx.msk $0xffff, v4;
	(pc) =	sbr.rel @p0 .LBB2_4-.Ltmp1, $4  }
0x614: {  	[tilespmem:v9+s11+$0x0] =	vst.idx.add.s32.msk vm14, v7  }
0x615: {  	[tilespmem:v12+s9+$0x0] =	vst.idx.msk $0xffff, v4  }
0x616: {  	[tilespmem:v5+s11+$0x0] =	vst.idx.add.s32.msk vm15, v7  }
0x617: {  	s16 =	sadd.s32 $0x1, s16;
	[tilespmem:v13+s10+$0x0] =	vst.idx.msk $0xffff, v4  }
0x618: {  	s15 =	sadd.s32 $0x1, s15  }
0x619: {  	p0 =	sne.s32 s15, s5  }
.Ltmp2:
0x61a: {  	_ = 	snop;
	(pc) =	sbr.rel @p0 .LBB2_1-.Ltmp2, $4  }
0x61b: {  	[hbm4b:s4+s12] =	stream.strided.scatter [tilespmem:s11], [sflag:$0x2], $0x500, s13, s12, $0x38;
	[tilespmem:$0x19900] =	vst v63  }
0x61c: {  	_ =	swait.ge [sflag:s14], $0x500  }
0x61d: {  	[sflag:s14] =	ssyncset.done $0x0  }
0x61e: {  	[sflag:s14] =	ssyncadd.s32 $0xFFFFFB00  }
0x61f: {  	_ =	sfence.sel $0x180000  }
0x620: {  	[bflag:$0x0] =	sbarrier.arrive $0xFFFF  }
0x621: {  	p0 =	sne.s32 s0, $0x0;
	_ =	strace $0x90000047  }
0x622: {  	s0 =	sadd.s32 @!p0 $0x100000, s1;
	[bflag:$0x2] =	sbarrier.arrive $0xFFFF  }
0x623: {  	[sflag:s0] =	ssyncadd.tile.s32 @!p0 $0x1;
	_ =	shalt  }
.Lfunc_end2:
_tile_overlayer_lowered:
.L_overlay_start_2:
0x624: {  	(tag) =	ssettag $0x2  }
0x625: {  	s0 =	rddreg [dreg:$0x0];
	s2 =	stileid.u32  }
0x626: {  	s1 =	rddreg [dreg:$0x1];
	p0 =	sne.s32 s2, $0x0  }
0x627: {  	s3 =	rddreg [dreg:$0x2];
	[bflag:$0x3] =	sbarrier.arrive $0xFFFF;
	s2 =	simm.s32 @!p0 $0x1C02  }
0x628: {  	[timem:s3], [sflag:s2] =	dma.local @!p0 [hbm:s0], s1  }
0x629: {  	s0 =	simm.s32 @!p0 $0x2  }
0x62a: {  	_ =	swait.ge @!p0 [sflag:s0], s1  }
0x62b: {  	s1 =	ssub.s32 @!p0 $0x0, s1;
	[sflag:s0] =	ssyncset.done @!p0 $0x0  }
0x62c: {  	[sflag:s0] =	ssyncadd.s32 @!p0 s1  }
0x62d: {  	[bflag:$0x3] =	sbarrier.arrive $0xFFFF  }
0x62e: {  	_ =	shalt  }

</sc_bundles>
